<compile_context>
chip_gen: v7x
topology: tpu7x:2x2x1
jax: 0.10.2.dev20260603
libtpu: 0.0.44.dev20260713+nightly
codegen_flags: <defaults>
</compile_context>

<pallas_src>
import functools

import jax
import jax.numpy as jnp
from jax import lax
from jax.experimental import pallas as pl
from jax.experimental.pallas import tpu as pltpu, tpu_sc as plsc

F_PAD = 16
PACK = 8
NBUF = 8


def _sc_segment_sum(p, edge2d):
  n = p.shape[0]
  e = edge2d.shape[1]
  k = 80
  nc, ns = 2, 16
  ept = e // (nc * ns)
  cpt = ept // k
  rows_a = 632
  rows_b = n - 15 * rows_a

  mesh = plsc.VectorSubcoreMesh(core_axis_name="c", subcore_axis_name="s")

  @functools.partial(
      pl.kernel,
      out_type=jax.ShapeDtypeStruct((nc, n, F_PAD), jnp.float32),
      mesh=mesh,
      compiler_params=pltpu.CompilerParams(use_tc_tiling_on_sc=False),
      scratch_types=[
          pltpu.VMEM((ept,), jnp.int32),
          pltpu.VMEM((ept,), jnp.int32),
          pltpu.VMEM((cpt, k), jnp.int32),
          pltpu.VMEM((rows_a, F_PAD), jnp.float32),
          pltpu.VMEM_SHARED((n, F_PAD), jnp.float32),
      ] + [pltpu.VMEM((k, F_PAD), jnp.float32) for _ in range(NBUF)]
        + [pltpu.SemaphoreType.DMA for _ in range(2 * NBUF)],
  )
  def k_fn(p_hbm, edge_hbm, out_hbm, sidx, didxf, didx, zbuf, acc, *bufsem):
    rows = bufsem[:NBUF]
    gsem = bufsem[NBUF:2 * NBUF]
    ssem = bufsem[2 * NBUF:]
    c = lax.axis_index("c")
    s = lax.axis_index("s")
    tile = c * ns + s

    pltpu.async_copy(edge_hbm.at[0, pl.ds(tile * ept, ept)], sidx, gsem[0])
    pltpu.async_copy(edge_hbm.at[1, pl.ds(tile * ept, ept)], didxf, gsem[1])

    @pl.when(c == 0)
    def _():
      @pl.when(s < ns - 1)
      def _():
        pltpu.sync_copy(p_hbm.at[pl.ds(s * rows_a, rows_a)],
                        acc.at[pl.ds(s * rows_a, rows_a)])

      @pl.when(s == ns - 1)
      def _():
        pltpu.sync_copy(p_hbm.at[pl.ds((ns - 1) * rows_a, rows_b)],
                        acc.at[pl.ds((ns - 1) * rows_a, rows_b)])

    @pl.when(c == 1)
    def _():
      def zrow(i, carry):
        for u in range(8):
          zbuf[8 * i + u, :] = jnp.zeros((F_PAD,), jnp.float32)
        return carry

      lax.fori_loop(0, rows_a // 8, zrow, 0)

      @pl.when(s < ns - 1)
      def _():
        pltpu.sync_copy(zbuf.at[pl.ds(0, rows_a)],
                        acc.at[pl.ds(s * rows_a, rows_a)])

      @pl.when(s == ns - 1)
      def _():
        pltpu.sync_copy(zbuf.at[pl.ds(0, rows_b)],
                        acc.at[pl.ds((ns - 1) * rows_a, rows_b)])

    pltpu.make_async_copy(edge_hbm.at[0, pl.ds(tile * ept, ept)], sidx,
                          gsem[0]).wait()
    pltpu.make_async_copy(edge_hbm.at[1, pl.ds(tile * ept, ept)], didxf,
                          gsem[1]).wait()

    def drow(i, carry):
      for u in range(k // 16):
        didx[i, pl.ds(u * 16, 16)] = didxf[pl.ds(i * k + u * 16, 16)]
      return carry

    lax.fori_loop(0, cpt, drow, 0)
    plsc.subcore_barrier()

    for b in range(NBUF):
      pltpu.async_copy(p_hbm.at[sidx.at[pl.ds(b * k, k)]], rows[b], gsem[b])

    def chunk(i, carry):
      j = NBUF * i
      for b in range(NBUF):
        pltpu.make_async_copy(p_hbm.at[sidx.at[pl.ds((j + b) * k, k)]],
                              rows[b], gsem[b]).wait()
        pltpu.async_copy(rows[b], acc.at[didx.at[j + b]], ssem[b], add=True)
      for b in range(NBUF):
        @pl.when(j + b + NBUF < cpt)
        def _(b=b):
          pltpu.make_async_copy(rows[b], acc.at[didx.at[j + b]],
                                ssem[b]).wait()
          pltpu.async_copy(p_hbm.at[sidx.at[pl.ds((j + b + NBUF) * k, k)]],
                           rows[b], gsem[b])

      return carry

    nfull = cpt // NBUF
    lax.fori_loop(0, nfull, chunk, 0)
    for b in range(cpt - nfull * NBUF):
      jb = nfull * NBUF + b
      pltpu.make_async_copy(p_hbm.at[sidx.at[pl.ds(jb * k, k)]],
                            rows[b], gsem[b]).wait()
      pltpu.async_copy(rows[b], acc.at[didx.at[jb]], ssem[b], add=True)
    for b in range(min(NBUF, cpt)):
      pltpu.make_async_copy(rows[b], acc.at[didx.at[0]], ssem[b]).wait()
    plsc.subcore_barrier()

    @pl.when(s < ns - 1)
    def _():
      pltpu.sync_copy(acc.at[pl.ds(s * rows_a, rows_a)],
                      out_hbm.at[c, pl.ds(s * rows_a, rows_a)])

    @pl.when(s == ns - 1)
    def _():
      pltpu.sync_copy(acc.at[pl.ds((ns - 1) * rows_a, rows_b)],
                      out_hbm.at[c, pl.ds((ns - 1) * rows_a, rows_b)])

  return k_fn(p, edge2d)


def _proj_body(x_ref, w_ref, o_ref):
  v = x_ref[...]
  v = v.reshape(v.shape[0] // PACK, PACK, 128)
  p = lax.dot_general(v, w_ref[...], (((2,), (0,)), ((), ())),
                      preferred_element_type=jnp.float32)
  o_ref[...] = p.reshape(p.shape[0], 128)


def _proj(x, w1a):
  n = x.shape[0]
  return pl.pallas_call(
      _proj_body,
      grid=(1,),
      in_specs=[
          pl.BlockSpec((n, 128), lambda i: (i, 0)),
          pl.BlockSpec(w1a.shape, lambda i: (0, 0)),
      ],
      out_specs=pl.BlockSpec((n // PACK, 128), lambda i: (i, 0)),
      out_shape=jax.ShapeDtypeStruct((n // PACK, 128), jnp.float32),
  )(x, w1a)


def _bdiag(w):
  row = jnp.concatenate([w] * PACK, axis=1)
  full = jnp.concatenate([row] * PACK, axis=0)
  si = lax.broadcasted_iota(jnp.int32, (128, 128), 0) // F_PAD
  li = lax.broadcasted_iota(jnp.int32, (128, 128), 1) // F_PAD
  return jnp.where(si == li, full, 0.0)


def _btile(b):
  return jnp.concatenate([b] * PACK, axis=1)


def _mid_body(parts_ref, b1a_ref, w1b_ref, b1b_ref, w2a_ref, o_ref):
  z = parts_ref[0] + parts_ref[1] + _btile(b1a_ref[...])
  z = jnp.maximum(z, 0.0)
  w1b = _bdiag(w1b_ref[...])
  h = jnp.dot(z, w1b, preferred_element_type=jnp.float32)
  h = jnp.maximum(h + _btile(b1b_ref[...]), 0.0)
  w2a = _bdiag(jnp.concatenate(
      [w2a_ref[...], jnp.zeros((F_PAD, 8), jnp.float32)], axis=1))
  o_ref[...] = jnp.dot(h, w2a, preferred_element_type=jnp.float32)


def _mid(partsv, b1a2, w1b, b1b2, w2a):
  r = partsv.shape[1]
  rep = lambda i: (0, 0)
  return pl.pallas_call(
      _mid_body,
      grid=(1,),
      in_specs=[
          pl.BlockSpec((2, r, 128), lambda i: (0, 0, 0)),
          pl.BlockSpec((1, F_PAD), rep),
          pl.BlockSpec((F_PAD, F_PAD), rep),
          pl.BlockSpec((1, F_PAD), rep),
          pl.BlockSpec((F_PAD, 8), rep),
      ],
      out_specs=pl.BlockSpec((r, 128), lambda i: (i, 0)),
      out_shape=jax.ShapeDtypeStruct((r, 128), jnp.float32),
  )(partsv, b1a2, w1b, b1b2, w2a)


def _tail_body(parts_ref, batch_ref, b2a_ref, w2b_ref, b2b_ref,
               wfc_ref, bfc_ref, o_ref):
  zeros18 = jnp.zeros((1, 8), jnp.float32)
  b2a16 = jnp.concatenate([b2a_ref[...], zeros18], axis=1)
  b2b16 = jnp.concatenate([b2b_ref[...], zeros18], axis=1)
  w2b16 = jnp.concatenate([
      jnp.concatenate([w2b_ref[...], jnp.zeros((8, 8), jnp.float32)], axis=1),
      jnp.zeros((8, F_PAD), jnp.float32)], axis=0)

  z = parts_ref[0] + parts_ref[1] + _btile(b2a16)
  z = jnp.maximum(z, 0.0)
  h = jnp.dot(z, _bdiag(w2b16), preferred_element_type=jnp.float32)
  h = jnp.maximum(h + _btile(b2b16), 0.0)

  r = h.shape[0]
  giota = lax.broadcasted_iota(jnp.int32, (1, 64), 1)
  oh = jnp.concatenate(
      [(batch_ref[:, s:s + 1] == giota).astype(jnp.float32)
       for s in range(PACK)], axis=0)
  hs = jnp.concatenate(
      [h[:, s * F_PAD:(s + 1) * F_PAD] for s in range(PACK)], axis=0)
  sums = lax.dot_general(oh, hs, (((0,), (0,)), ((), ())),
                         preferred_element_type=jnp.float32)
  cnts = lax.dot_general(oh, jnp.ones((PACK * r, 1), jnp.float32),
                         (((0,), (0,)), ((), ())),
                         preferred_element_type=jnp.float32)

  pooled = sums / jnp.maximum(cnts, 1.0)
  wfc16 = jnp.concatenate(
      [wfc_ref[...], jnp.zeros((8, wfc_ref.shape[1]), jnp.float32)], axis=0)
  logits = jnp.dot(pooled, wfc16,
                   preferred_element_type=jnp.float32) + bfc_ref[...]
  m = jnp.max(logits, axis=1, keepdims=True)
  lse = jnp.log(jnp.sum(jnp.exp(logits - m), axis=1, keepdims=True)) + m
  o_ref[...] = logits - lse


def _tail(partsv, batchv, b2a2, w2b, b2b2, wfc, bfc2):
  r = partsv.shape[1]
  c = wfc.shape[1]
  full = lambda i: (0, 0)
  return pl.pallas_call(
      _tail_body,
      grid=(1,),
      in_specs=[
          pl.BlockSpec((2, r, 128), lambda i: (0, 0, 0)),
          pl.BlockSpec((r, PACK), full),
          pl.BlockSpec((1, 8), full),
          pl.BlockSpec((8, 8), full),
          pl.BlockSpec((1, 8), full),
          pl.BlockSpec((8, c), full),
          pl.BlockSpec((1, c), full),
      ],
      out_specs=pl.BlockSpec((64, c), full),
      out_shape=jax.ShapeDtypeStruct((64, c), jnp.float32),
  )(partsv, batchv, b2a2, w2b, b2b2, wfc, bfc2)


def kernel(x, edge_index, batch, W1a, b1a, W1b, b1b, W2a, b2a, W2b, b2b,
           Wfc, bfc):
  n = x.shape[0]
  r = n // PACK
  batchv = batch.reshape(r, PACK)

  p1v = _proj(x, W1a)
  parts1 = _sc_segment_sum(p1v.reshape(n, F_PAD), edge_index)
  p2v = _mid(parts1.reshape(2, r, 128), b1a.reshape(1, -1), W1b,
             b1b.reshape(1, -1), W2a)
  parts2 = _sc_segment_sum(p2v.reshape(n, F_PAD), edge_index)
  return _tail(parts2.reshape(2, r, 128), batchv, b2a.reshape(1, -1), W2b,
               b2b.reshape(1, -1), Wfc, bfc.reshape(1, -1))

# --- scband reference (transcript-rebuilt; emitter-appended) ---
"""Pipeline reference for scband-gingraph-net-enzymes-34832184770976 (READ-ONLY COPY).

The authoritative reference and input builder live on the scoring server;
editing this copy changes nothing except your own understanding.
"""

import jax, jax.numpy as jnp
import numpy as np

N = 10000
E = 320000
F_IN = 128
H1 = 16
H2 = 8
C = 6
G = 64

def setup_inputs(seed: int = 0) -> dict:
    key = jax.random.key(seed)
    ks = jax.random.split(key, 12)
    x = jax.random.normal(ks[0], (N, F_IN), dtype=jnp.float32)
    edge_index = jax.random.randint(ks[1], (2, E), 0, N, dtype=jnp.int32)
    batch = jnp.sort(jax.random.randint(ks[2], (N,), 0, G, dtype=jnp.int32))
    W1a = jax.random.normal(ks[3], (F_IN, H1), dtype=jnp.float32) * (1.0 / np.sqrt(F_IN))
    b1a = jnp.zeros((H1,), dtype=jnp.float32)
    W1b = jax.random.normal(ks[4], (H1, H1), dtype=jnp.float32) * (1.0 / np.sqrt(H1))
    b1b = jnp.zeros((H1,), dtype=jnp.float32)
    W2a = jax.random.normal(ks[5], (H1, H2), dtype=jnp.float32) * (1.0 / np.sqrt(H1))
    b2a = jnp.zeros((H2,), dtype=jnp.float32)
    W2b = jax.random.normal(ks[6], (H2, H2), dtype=jnp.float32) * (1.0 / np.sqrt(H2))
    b2b = jnp.zeros((H2,), dtype=jnp.float32)
    Wfc = jax.random.normal(ks[7], (H2, C), dtype=jnp.float32) * (1.0 / np.sqrt(H2))
    bfc = jnp.zeros((C,), dtype=jnp.float32)
    return {"x": x, "edge_index": edge_index, "batch": batch,
            "W1a": W1a, "b1a": b1a, "W1b": W1b, "b1b": b1b,
            "W2a": W2a, "b2a": b2a, "W2b": W2b, "b2b": b2b,
            "Wfc": Wfc, "bfc": bfc}

def reference(x, edge_index, batch, W1a, b1a, W1b, b1b, W2a, b2a, W2b, b2b, Wfc, bfc):
    src = edge_index[0]
    dst = edge_index[1]

    def gin_conv(h, Wa, ba, Wb, bb):
        # GINConv with eps=0: nn((1+eps)*x + sum_{j in N(i)} x_j)
        agg = jax.ops.segment_sum(h[src], dst, num_segments=N)
        z = h + agg
        z = jnp.maximum(z @ Wa + ba, 0.0)
        return z @ Wb + bb

    h = gin_conv(x, W1a, b1a, W1b, b1b)
    h = jnp.maximum(h, 0.0)
    # dropout is identity in eval mode
    h = gin_conv(h, W2a, b2a, W2b, b2b)
    h = jnp.maximum(h, 0.0)
    sums = jax.ops.segment_sum(h, batch, num_segments=G)
    counts = jax.ops.segment_sum(jnp.ones((N, 1), dtype=jnp.float32), batch, num_segments=G)
    pooled = sums / jnp.maximum(counts, 1.0)
    logits = pooled @ Wfc + bfc
    return jax.nn.log_softmax(logits, axis=1)

if __name__ == "__main__":
    import jax
    _d = setup_inputs()
    print(jax.jit(kernel)(*tuple(_d.values())))

</pallas_src>

<mosaic_0001>
#map = affine_map<(d0, d1) -> (0, 0)>
#map1 = affine_map<(d0, d1) -> (0, 0, 0)>
module attributes {stable_mosaic.version = 14 : i64} {
  func.func @k_fn(%arg0: i32, %arg1: i32, %arg2: memref<10000x16xf32, #tpu.memory_space<hbm>>, %arg3: memref<2x320000xi32, #tpu.memory_space<hbm>>, %arg4: memref<2x10000x16xf32, #tpu.memory_space<hbm>>, %arg5: memref<10000xi32, #tpu.memory_space<vmem>>, %arg6: memref<10000xi32, #tpu.memory_space<vmem>>, %arg7: memref<125x80xi32, #tpu.memory_space<vmem>>, %arg8: memref<632x16xf32, #tpu.memory_space<vmem>>, %arg9: memref<10000x16xf32, #tpu.memory_space<vmem_shared>>, %arg10: memref<80x16xf32, #tpu.memory_space<vmem>>, %arg11: memref<80x16xf32, #tpu.memory_space<vmem>>, %arg12: memref<80x16xf32, #tpu.memory_space<vmem>>, %arg13: memref<80x16xf32, #tpu.memory_space<vmem>>, %arg14: memref<80x16xf32, #tpu.memory_space<vmem>>, %arg15: memref<80x16xf32, #tpu.memory_space<vmem>>, %arg16: memref<80x16xf32, #tpu.memory_space<vmem>>, %arg17: memref<80x16xf32, #tpu.memory_space<vmem>>, %arg18: memref<!tpu.dma_semaphore, #tpu.memory_space<semaphore_mem>>, %arg19: memref<!tpu.dma_semaphore, #tpu.memory_space<semaphore_mem>>, %arg20: memref<!tpu.dma_semaphore, #tpu.memory_space<semaphore_mem>>, %arg21: memref<!tpu.dma_semaphore, #tpu.memory_space<semaphore_mem>>, %arg22: memref<!tpu.dma_semaphore, #tpu.memory_space<semaphore_mem>>, %arg23: memref<!tpu.dma_semaphore, #tpu.memory_space<semaphore_mem>>, %arg24: memref<!tpu.dma_semaphore, #tpu.memory_space<semaphore_mem>>, %arg25: memref<!tpu.dma_semaphore, #tpu.memory_space<semaphore_mem>>, %arg26: memref<!tpu.dma_semaphore, #tpu.memory_space<semaphore_mem>>, %arg27: memref<!tpu.dma_semaphore, #tpu.memory_space<semaphore_mem>>, %arg28: memref<!tpu.dma_semaphore, #tpu.memory_space<semaphore_mem>>, %arg29: memref<!tpu.dma_semaphore, #tpu.memory_space<semaphore_mem>>, %arg30: memref<!tpu.dma_semaphore, #tpu.memory_space<semaphore_mem>>, %arg31: memref<!tpu.dma_semaphore, #tpu.memory_space<semaphore_mem>>, %arg32: memref<!tpu.dma_semaphore, #tpu.memory_space<semaphore_mem>>, %arg33: memref<!tpu.dma_semaphore, #tpu.memory_space<semaphore_mem>>) attributes {dimension_semantics = [#tpu.dimension_semantics<core_parallel>, #tpu.dimension_semantics<subcore_parallel>], iteration_bounds = array<i64: 2, 16>, scalar_prefetch = 0 : i64, scratch_operands = 29 : i64, tpu.core_type = #tpu.core_type<sc_vector_subcore>, window_params = [{transform_indices = #map}, {transform_indices = #map}, {transform_indices = #map1}]} {
    %mul3A = arith.constant 16 : i32
    %mul3A_0 = arith.muli %arg0, %mul3A : i32
    %add3A = arith.addi %mul3A_0, %arg1 : i32
    %mul3A_1 = arith.constant 10000 : i32
    %mul3A_2 = arith.muli %add3A, %mul3A_1 : i32
    %dma_start3A = arith.constant 0 : i32
    %dma_start3A_3 = tpu.memref_slice %arg3[%dma_start3A, %mul3A_2] : memref<2x320000xi32, #tpu.memory_space<hbm>> -> memref<1x10000xi32, #tpu.memory_space<hbm>>
    %dma_start3A_4 = tpu.memref_squeeze %dma_start3A_3 : memref<1x10000xi32, #tpu.memory_space<hbm>> -> memref<10000xi32, #tpu.memory_space<hbm>>
    %dma_start3A_5 = tpu.memref_slice %arg3[%dma_start3A, %mul3A_2] : memref<2x320000xi32, #tpu.memory_space<hbm>> -> memref<1x10000xi32, #tpu.memory_space<hbm>>
    %dma_start3A_6 = tpu.memref_squeeze %dma_start3A_5 : memref<1x10000xi32, #tpu.memory_space<hbm>> -> memref<10000xi32, #tpu.memory_space<hbm>>
    tpu.enqueue_dma source(%dma_start3A_6 : memref<10000xi32, #tpu.memory_space<hbm>>) target(%arg5 : memref<10000xi32, #tpu.memory_space<vmem>>) target_semaphore(%arg18 : memref<!tpu.dma_semaphore, #tpu.memory_space<semaphore_mem>>)
    %mul3A_7 = arith.constant 10000 : i32
    %mul3A_8 = arith.muli %add3A, %mul3A_7 : i32
    %dma_start3A_9 = arith.constant 1 : i32
    %dma_start3A_10 = tpu.memref_slice %arg3[%dma_start3A_9, %mul3A_8] : memref<2x320000xi32, #tpu.memory_space<hbm>> -> memref<1x10000xi32, #tpu.memory_space<hbm>>
    %dma_start3A_11 = tpu.memref_squeeze %dma_start3A_10 : memref<1x10000xi32, #tpu.memory_space<hbm>> -> memref<10000xi32, #tpu.memory_space<hbm>>
    %dma_start3A_12 = tpu.memref_slice %arg3[%dma_start3A_9, %mul3A_8] : memref<2x320000xi32, #tpu.memory_space<hbm>> -> memref<1x10000xi32, #tpu.memory_space<hbm>>
    %dma_start3A_13 = tpu.memref_squeeze %dma_start3A_12 : memref<1x10000xi32, #tpu.memory_space<hbm>> -> memref<10000xi32, #tpu.memory_space<hbm>>
    tpu.enqueue_dma source(%dma_start3A_13 : memref<10000xi32, #tpu.memory_space<hbm>>) target(%arg6 : memref<10000xi32, #tpu.memory_space<vmem>>) target_semaphore(%arg19 : memref<!tpu.dma_semaphore, #tpu.memory_space<semaphore_mem>>)
    %eq3A = arith.constant 0 : i32
    %eq3A_14 = arith.cmpi eq, %arg0, %eq3A : i32
    %convert_element_type3A = arith.extui %eq3A_14 : i1 to i32
    %cond3A = arith.constant 0 : i32
    %cond3A_15 = arith.cmpi ne, %convert_element_type3A, %cond3A : i32
    scf.if %cond3A_15 {
      %lt3A_211 = arith.constant 15 : i32
      %lt3A_212 = arith.cmpi slt, %arg1, %lt3A_211 : i32
      %convert_element_type3A_213 = arith.extui %lt3A_212 : i1 to i32
      %cond3A_214 = arith.constant 0 : i32
      %cond3A_215 = arith.cmpi ne, %convert_element_type3A_213, %cond3A_214 : i32
      scf.if %cond3A_215 {
        %mul3A_221 = arith.constant 632 : i32
        %mul3A_222 = arith.muli %arg1, %mul3A_221 : i32
        %mul3A_223 = arith.constant 632 : i32
        %mul3A_224 = arith.muli %arg1, %mul3A_223 : i32
        "tpu.region"() ({
          %run_scoped3A = tpu.sem_alloc : memref<!tpu.dma_semaphore, #tpu.memory_space<semaphore_mem>>
          %dma_start3A_225 = arith.constant 0 : i32
          %dma_start3A_226 = tpu.memref_slice %arg9[%mul3A_224, %dma_start3A_225] : memref<10000x16xf32, #tpu.memory_space<vmem_shared>> -> memref<632x16xf32, #tpu.memory_space<vmem_shared>>
          %dma_start3A_227 = arith.constant 0 : i32
          %dma_start3A_228 = tpu.memref_slice %arg2[%mul3A_222, %dma_start3A_227] : memref<10000x16xf32, #tpu.memory_space<hbm>> -> memref<632x16xf32, #tpu.memory_space<hbm>>
          tpu.enqueue_dma source(%dma_start3A_228 : memref<632x16xf32, #tpu.memory_space<hbm>>) target(%dma_start3A_226 : memref<632x16xf32, #tpu.memory_space<vmem_shared>>) target_semaphore(%run_scoped3A : memref<!tpu.dma_semaphore, #tpu.memory_space<semaphore_mem>>)
          %dma_wait3A_229 = arith.constant 0 : i32
          %dma_wait3A_230 = tpu.memref_slice %arg9[%mul3A_224, %dma_wait3A_229] : memref<10000x16xf32, #tpu.memory_space<vmem_shared>> -> memref<632x16xf32, #tpu.memory_space<vmem_shared>>
          %dma_wait3A_231 = arith.constant 0 : i32
          %dma_wait3A_232 = tpu.memref_slice %arg2[%mul3A_222, %dma_wait3A_231] : memref<10000x16xf32, #tpu.memory_space<hbm>> -> memref<632x16xf32, #tpu.memory_space<hbm>>
          tpu.wait_dma2 semaphore(%run_scoped3A : memref<!tpu.dma_semaphore, #tpu.memory_space<semaphore_mem>>) src(%dma_wait3A_232 : memref<632x16xf32, #tpu.memory_space<hbm>>) dst(%dma_wait3A_230 : memref<632x16xf32, #tpu.memory_space<vmem_shared>>)
          tpu.yield
        }) : () -> ()
      } else {
      }
      %eq3A_216 = arith.constant 15 : i32
      %eq3A_217 = arith.cmpi eq, %arg1, %eq3A_216 : i32
      %convert_element_type3A_218 = arith.extui %eq3A_217 : i1 to i32
      %cond3A_219 = arith.constant 0 : i32
      %cond3A_220 = arith.cmpi ne, %convert_element_type3A_218, %cond3A_219 : i32
      scf.if %cond3A_220 {
        "tpu.region"() ({
          %run_scoped3A = tpu.sem_alloc : memref<!tpu.dma_semaphore, #tpu.memory_space<semaphore_mem>>
          %dma_start3A_221 = arith.constant 9480 : i32
          %dma_start3A_222 = arith.constant 0 : i32
          %dma_start3A_223 = tpu.memref_slice %arg9[%dma_start3A_221, %dma_start3A_222] : memref<10000x16xf32, #tpu.memory_space<vmem_shared>> -> memref<520x16xf32, #tpu.memory_space<vmem_shared>>
          %dma_start3A_224 = arith.constant 9480 : i32
          %dma_start3A_225 = arith.constant 0 : i32
          %dma_start3A_226 = tpu.memref_slice %arg2[%dma_start3A_224, %dma_start3A_225] : memref<10000x16xf32, #tpu.memory_space<hbm>> -> memref<520x16xf32, #tpu.memory_space<hbm>>
          tpu.enqueue_dma source(%dma_start3A_226 : memref<520x16xf32, #tpu.memory_space<hbm>>) target(%dma_start3A_223 : memref<520x16xf32, #tpu.memory_space<vmem_shared>>) target_semaphore(%run_scoped3A : memref<!tpu.dma_semaphore, #tpu.memory_space<semaphore_mem>>)
          %dma_wait3A_227 = arith.constant 9480 : i32
          %dma_wait3A_228 = arith.constant 0 : i32
          %dma_wait3A_229 = tpu.memref_slice %arg9[%dma_wait3A_227, %dma_wait3A_228] : memref<10000x16xf32, #tpu.memory_space<vmem_shared>> -> memref<520x16xf32, #tpu.memory_space<vmem_shared>>
          %dma_wait3A_230 = arith.constant 9480 : i32
          %dma_wait3A_231 = arith.constant 0 : i32
          %dma_wait3A_232 = tpu.memref_slice %arg2[%dma_wait3A_230, %dma_wait3A_231] : memref<10000x16xf32, #tpu.memory_space<hbm>> -> memref<520x16xf32, #tpu.memory_space<hbm>>
          tpu.wait_dma2 semaphore(%run_scoped3A : memref<!tpu.dma_semaphore, #tpu.memory_space<semaphore_mem>>) src(%dma_wait3A_232 : memref<520x16xf32, #tpu.memory_space<hbm>>) dst(%dma_wait3A_229 : memref<520x16xf32, #tpu.memory_space<vmem_shared>>)
          tpu.yield
        }) : () -> ()
      } else {
      }
    } else {
    }
    %eq3A_16 = arith.constant 1 : i32
    %eq3A_17 = arith.cmpi eq, %arg0, %eq3A_16 : i32
    %convert_element_type3A_18 = arith.extui %eq3A_17 : i1 to i32
    %cond3A_19 = arith.constant 0 : i32
    %cond3A_20 = arith.cmpi ne, %convert_element_type3A_18, %cond3A_19 : i32
    scf.if %cond3A_20 {
      %scan3A_211 = arith.constant 0 : i32
      %scan3A_212 = arith.constant 0 : i32
      %scan3A_213 = arith.constant 79 : i32
      %scan3A_214 = arith.addi %scan3A_212, %scan3A_213 : i32
      %scan3A_215 = arith.constant 1 : i32
      scf.for %scan3A_227 = %scan3A_212 to %scan3A_214 step %scan3A_215  : i32 {
        %broadcast_in_dim3A = arith.constant 0.000000e+00 : f32
        %broadcast_in_dim3A_228 = vector.broadcast %broadcast_in_dim3A : f32 to vector<16xf32>
        %mul3A_229 = arith.constant 8 : i32
        %mul3A_230 = arith.muli %mul3A_229, %scan3A_227 : i32
        %add3A_231 = arith.constant 0 : i32
        %add3A_232 = arith.addi %mul3A_230, %add3A_231 : i32
        %swap3A = arith.index_cast %add3A_232 : i32 to index
        %swap3A_233 = arith.constant 0 : index
        %swap3A_234 = tpu.vector_load %arg8[%swap3A, %swap3A_233] {strides = array<i32>} : memref<632x16xf32, #tpu.memory_space<vmem>>, vector<1x16xf32>,
        %swap3A_235 = vector.shape_cast %swap3A_234 : vector<1x16xf32> to vector<16xf32>
        %swap3A_236 = vector.shape_cast %broadcast_in_dim3A_228 : vector<16xf32> to vector<1x16xf32>
        tpu.vector_store %arg8[%swap3A, %swap3A_233], %swap3A_236 {strides = array<i32>} : memref<632x16xf32, #tpu.memory_space<vmem>>, vector<1x16xf32>,
        %broadcast_in_dim3A_237 = arith.constant 0.000000e+00 : f32
        %broadcast_in_dim3A_238 = vector.broadcast %broadcast_in_dim3A_237 : f32 to vector<16xf32>
        %mul3A_239 = arith.constant 8 : i32
        %mul3A_240 = arith.muli %mul3A_239, %scan3A_227 : i32
        %add3A_241 = arith.constant 1 : i32
        %add3A_242 = arith.addi %mul3A_240, %add3A_241 : i32
        %swap3A_243 = arith.index_cast %add3A_242 : i32 to index
        %swap3A_244 = arith.constant 0 : index
        %swap3A_245 = tpu.vector_load %arg8[%swap3A_243, %swap3A_244] {strides = array<i32>} : memref<632x16xf32, #tpu.memory_space<vmem>>, vector<1x16xf32>,
        %swap3A_246 = vector.shape_cast %swap3A_245 : vector<1x16xf32> to vector<16xf32>
        %swap3A_247 = vector.shape_cast %broadcast_in_dim3A_238 : vector<16xf32> to vector<1x16xf32>
        tpu.vector_store %arg8[%swap3A_243, %swap3A_244], %swap3A_247 {strides = array<i32>} : memref<632x16xf32, #tpu.memory_space<vmem>>, vector<1x16xf32>,
        %broadcast_in_dim3A_248 = arith.constant 0.000000e+00 : f32
        %broadcast_in_dim3A_249 = vector.broadcast %broadcast_in_dim3A_248 : f32 to vector<16xf32>
        %mul3A_250 = arith.constant 8 : i32
        %mul3A_251 = arith.muli %mul3A_250, %scan3A_227 : i32
        %add3A_252 = arith.constant 2 : i32
        %add3A_253 = arith.addi %mul3A_251, %add3A_252 : i32
        %swap3A_254 = arith.index_cast %add3A_253 : i32 to index
        %swap3A_255 = arith.constant 0 : index
        %swap3A_256 = tpu.vector_load %arg8[%swap3A_254, %swap3A_255] {strides = array<i32>} : memref<632x16xf32, #tpu.memory_space<vmem>>, vector<1x16xf32>,
        %swap3A_257 = vector.shape_cast %swap3A_256 : vector<1x16xf32> to vector<16xf32>
        %swap3A_258 = vector.shape_cast %broadcast_in_dim3A_249 : vector<16xf32> to vector<1x16xf32>
        tpu.vector_store %arg8[%swap3A_254, %swap3A_255], %swap3A_258 {strides = array<i32>} : memref<632x16xf32, #tpu.memory_space<vmem>>, vector<1x16xf32>,
        %broadcast_in_dim3A_259 = arith.constant 0.000000e+00 : f32
        %broadcast_in_dim3A_260 = vector.broadcast %broadcast_in_dim3A_259 : f32 to vector<16xf32>
        %mul3A_261 = arith.constant 8 : i32
        %mul3A_262 = arith.muli %mul3A_261, %scan3A_227 : i32
        %add3A_263 = arith.constant 3 : i32
        %add3A_264 = arith.addi %mul3A_262, %add3A_263 : i32
        %swap3A_265 = arith.index_cast %add3A_264 : i32 to index
        %swap3A_266 = arith.constant 0 : index
        %swap3A_267 = tpu.vector_load %arg8[%swap3A_265, %swap3A_266] {strides = array<i32>} : memref<632x16xf32, #tpu.memory_space<vmem>>, vector<1x16xf32>,
        %swap3A_268 = vector.shape_cast %swap3A_267 : vector<1x16xf32> to vector<16xf32>
        %swap3A_269 = vector.shape_cast %broadcast_in_dim3A_260 : vector<16xf32> to vector<1x16xf32>
        tpu.vector_store %arg8[%swap3A_265, %swap3A_266], %swap3A_269 {strides = array<i32>} : memref<632x16xf32, #tpu.memory_space<vmem>>, vector<1x16xf32>,
        %broadcast_in_dim3A_270 = arith.constant 0.000000e+00 : f32
        %broadcast_in_dim3A_271 = vector.broadcast %broadcast_in_dim3A_270 : f32 to vector<16xf32>
        %mul3A_272 = arith.constant 8 : i32
        %mul3A_273 = arith.muli %mul3A_272, %scan3A_227 : i32
        %add3A_274 = arith.constant 4 : i32
        %add3A_275 = arith.addi %mul3A_273, %add3A_274 : i32
        %swap3A_276 = arith.index_cast %add3A_275 : i32 to index
        %swap3A_277 = arith.constant 0 : index
        %swap3A_278 = tpu.vector_load %arg8[%swap3A_276, %swap3A_277] {strides = array<i32>} : memref<632x16xf32, #tpu.memory_space<vmem>>, vector<1x16xf32>,
        %swap3A_279 = vector.shape_cast %swap3A_278 : vector<1x16xf32> to vector<16xf32>
        %swap3A_280 = vector.shape_cast %broadcast_in_dim3A_271 : vector<16xf32> to vector<1x16xf32>
        tpu.vector_store %arg8[%swap3A_276, %swap3A_277], %swap3A_280 {strides = array<i32>} : memref<632x16xf32, #tpu.memory_space<vmem>>, vector<1x16xf32>,
        %broadcast_in_dim3A_281 = arith.constant 0.000000e+00 : f32
        %broadcast_in_dim3A_282 = vector.broadcast %broadcast_in_dim3A_281 : f32 to vector<16xf32>
        %mul3A_283 = arith.constant 8 : i32
        %mul3A_284 = arith.muli %mul3A_283, %scan3A_227 : i32
        %add3A_285 = arith.constant 5 : i32
        %add3A_286 = arith.addi %mul3A_284, %add3A_285 : i32
        %swap3A_287 = arith.index_cast %add3A_286 : i32 to index
        %swap3A_288 = arith.constant 0 : index
        %swap3A_289 = tpu.vector_load %arg8[%swap3A_287, %swap3A_288] {strides = array<i32>} : memref<632x16xf32, #tpu.memory_space<vmem>>, vector<1x16xf32>,
        %swap3A_290 = vector.shape_cast %swap3A_289 : vector<1x16xf32> to vector<16xf32>
        %swap3A_291 = vector.shape_cast %broadcast_in_dim3A_282 : vector<16xf32> to vector<1x16xf32>
        tpu.vector_store %arg8[%swap3A_287, %swap3A_288], %swap3A_291 {strides = array<i32>} : memref<632x16xf32, #tpu.memory_space<vmem>>, vector<1x16xf32>,
        %broadcast_in_dim3A_292 = arith.constant 0.000000e+00 : f32
        %broadcast_in_dim3A_293 = vector.broadcast %broadcast_in_dim3A_292 : f32 to vector<16xf32>
        %mul3A_294 = arith.constant 8 : i32
        %mul3A_295 = arith.muli %mul3A_294, %scan3A_227 : i32
        %add3A_296 = arith.constant 6 : i32
        %add3A_297 = arith.addi %mul3A_295, %add3A_296 : i32
        %swap3A_298 = arith.index_cast %add3A_297 : i32 to index
        %swap3A_299 = arith.constant 0 : index
        %swap3A_300 = tpu.vector_load %arg8[%swap3A_298, %swap3A_299] {strides = array<i32>} : memref<632x16xf32, #tpu.memory_space<vmem>>, vector<1x16xf32>,
        %swap3A_301 = vector.shape_cast %swap3A_300 : vector<1x16xf32> to vector<16xf32>
        %swap3A_302 = vector.shape_cast %broadcast_in_dim3A_293 : vector<16xf32> to vector<1x16xf32>
        tpu.vector_store %arg8[%swap3A_298, %swap3A_299], %swap3A_302 {strides = array<i32>} : memref<632x16xf32, #tpu.memory_space<vmem>>, vector<1x16xf32>,
        %broadcast_in_dim3A_303 = arith.constant 0.000000e+00 : f32
        %broadcast_in_dim3A_304 = vector.broadcast %broadcast_in_dim3A_303 : f32 to vector<16xf32>
        %mul3A_305 = arith.constant 8 : i32
        %mul3A_306 = arith.muli %mul3A_305, %scan3A_227 : i32
        %add3A_307 = arith.constant 7 : i32
        %add3A_308 = arith.addi %mul3A_306, %add3A_307 : i32
        %swap3A_309 = arith.index_cast %add3A_308 : i32 to index
        %swap3A_310 = arith.constant 0 : index
        %swap3A_311 = tpu.vector_load %arg8[%swap3A_309, %swap3A_310] {strides = array<i32>} : memref<632x16xf32, #tpu.memory_space<vmem>>, vector<1x16xf32>,
        %swap3A_312 = vector.shape_cast %swap3A_311 : vector<1x16xf32> to vector<16xf32>
        %swap3A_313 = vector.shape_cast %broadcast_in_dim3A_304 : vector<16xf32> to vector<1x16xf32>
        tpu.vector_store %arg8[%swap3A_309, %swap3A_310], %swap3A_313 {strides = array<i32>} : memref<632x16xf32, #tpu.memory_space<vmem>>, vector<1x16xf32>,
      }
      %scan3A_216 = arith.constant 79 : i32
      %lt3A_217 = arith.constant 15 : i32
      %lt3A_218 = arith.cmpi slt, %arg1, %lt3A_217 : i32
      %convert_element_type3A_219 = arith.extui %lt3A_218 : i1 to i32
      %cond3A_220 = arith.constant 0 : i32
      %cond3A_221 = arith.cmpi ne, %convert_element_type3A_219, %cond3A_220 : i32
      scf.if %cond3A_221 {
        %mul3A_227 = arith.constant 632 : i32
        %mul3A_228 = arith.muli %arg1, %mul3A_227 : i32
        "tpu.region"() ({
          %run_scoped3A = tpu.sem_alloc : memref<!tpu.dma_semaphore, #tpu.memory_space<semaphore_mem>>
          %dma_start3A_229 = arith.constant 0 : i32
          %dma_start3A_230 = arith.constant 0 : i32
          %dma_start3A_231 = tpu.memref_slice %arg8[%dma_start3A_229, %dma_start3A_230] : memref<632x16xf32, #tpu.memory_space<vmem>> -> memref<632x16xf32, #tpu.memory_space<vmem>>
          %dma_start3A_232 = arith.constant 0 : i32
          %dma_start3A_233 = tpu.memref_slice %arg9[%mul3A_228, %dma_start3A_232] : memref<10000x16xf32, #tpu.memory_space<vmem_shared>> -> memref<632x16xf32, #tpu.memory_space<vmem_shared>>
          %dma_start3A_234 = arith.constant 0 : i32
          %dma_start3A_235 = tpu.memref_slice %arg9[%mul3A_228, %dma_start3A_234] : memref<10000x16xf32, #tpu.memory_space<vmem_shared>> -> memref<632x16xf32, #tpu.memory_space<vmem_shared>>
          %dma_start3A_236 = arith.constant 0 : i32
          %dma_start3A_237 = arith.constant 0 : i32
          %dma_start3A_238 = tpu.memref_slice %arg8[%dma_start3A_236, %dma_start3A_237] : memref<632x16xf32, #tpu.memory_space<vmem>> -> memref<632x16xf32, #tpu.memory_space<vmem>>
          tpu.enqueue_dma source(%dma_start3A_238 : memref<632x16xf32, #tpu.memory_space<vmem>>) target(%dma_start3A_235 : memref<632x16xf32, #tpu.memory_space<vmem_shared>>) target_semaphore(%run_scoped3A : memref<!tpu.dma_semaphore, #tpu.memory_space<semaphore_mem>>)
          %dma_wait3A_239 = arith.constant 0 : i32
          %dma_wait3A_240 = arith.constant 0 : i32
          %dma_wait3A_241 = tpu.memref_slice %arg8[%dma_wait3A_239, %dma_wait3A_240] : memref<632x16xf32, #tpu.memory_space<vmem>> -> memref<632x16xf32, #tpu.memory_space<vmem>>
          %dma_wait3A_242 = arith.constant 0 : i32
          %dma_wait3A_243 = tpu.memref_slice %arg9[%mul3A_228, %dma_wait3A_242] : memref<10000x16xf32, #tpu.memory_space<vmem_shared>> -> memref<632x16xf32, #tpu.memory_space<vmem_shared>>
          %dma_wait3A_244 = arith.constant 0 : i32
          %dma_wait3A_245 = tpu.memref_slice %arg9[%mul3A_228, %dma_wait3A_244] : memref<10000x16xf32, #tpu.memory_space<vmem_shared>> -> memref<632x16xf32, #tpu.memory_space<vmem_shared>>
          %dma_wait3A_246 = arith.constant 0 : i32
          %dma_wait3A_247 = arith.constant 0 : i32
          %dma_wait3A_248 = tpu.memref_slice %arg8[%dma_wait3A_246, %dma_wait3A_247] : memref<632x16xf32, #tpu.memory_space<vmem>> -> memref<632x16xf32, #tpu.memory_space<vmem>>
          tpu.wait_dma2 semaphore(%run_scoped3A : memref<!tpu.dma_semaphore, #tpu.memory_space<semaphore_mem>>) src(%dma_wait3A_248 : memref<632x16xf32, #tpu.memory_space<vmem>>) dst(%dma_wait3A_245 : memref<632x16xf32, #tpu.memory_space<vmem_shared>>)
          tpu.yield
        }) : () -> ()
      } else {
      }
      %eq3A_222 = arith.constant 15 : i32
      %eq3A_223 = arith.cmpi eq, %arg1, %eq3A_222 : i32
      %convert_element_type3A_224 = arith.extui %eq3A_223 : i1 to i32
      %cond3A_225 = arith.constant 0 : i32
      %cond3A_226 = arith.cmpi ne, %convert_element_type3A_224, %cond3A_225 : i32
      scf.if %cond3A_226 {
        "tpu.region"() ({
          %run_scoped3A = tpu.sem_alloc : memref<!tpu.dma_semaphore, #tpu.memory_space<semaphore_mem>>
          %dma_start3A_227 = arith.constant 0 : i32
          %dma_start3A_228 = arith.constant 0 : i32
          %dma_start3A_229 = tpu.memref_slice %arg8[%dma_start3A_227, %dma_start3A_228] : memref<632x16xf32, #tpu.memory_space<vmem>> -> memref<520x16xf32, #tpu.memory_space<vmem>>
          %dma_start3A_230 = arith.constant 9480 : i32
          %dma_start3A_231 = arith.constant 0 : i32
          %dma_start3A_232 = tpu.memref_slice %arg9[%dma_start3A_230, %dma_start3A_231] : memref<10000x16xf32, #tpu.memory_space<vmem_shared>> -> memref<520x16xf32, #tpu.memory_space<vmem_shared>>
          %dma_start3A_233 = arith.constant 9480 : i32
          %dma_start3A_234 = arith.constant 0 : i32
          %dma_start3A_235 = tpu.memref_slice %arg9[%dma_start3A_233, %dma_start3A_234] : memref<10000x16xf32, #tpu.memory_space<vmem_shared>> -> memref<520x16xf32, #tpu.memory_space<vmem_shared>>
          %dma_start3A_236 = arith.constant 0 : i32
          %dma_start3A_237 = arith.constant 0 : i32
          %dma_start3A_238 = tpu.memref_slice %arg8[%dma_start3A_236, %dma_start3A_237] : memref<632x16xf32, #tpu.memory_space<vmem>> -> memref<520x16xf32, #tpu.memory_space<vmem>>
          tpu.enqueue_dma source(%dma_start3A_238 : memref<520x16xf32, #tpu.memory_space<vmem>>) target(%dma_start3A_235 : memref<520x16xf32, #tpu.memory_space<vmem_shared>>) target_semaphore(%run_scoped3A : memref<!tpu.dma_semaphore, #tpu.memory_space<semaphore_mem>>)
          %dma_wait3A_239 = arith.constant 0 : i32
          %dma_wait3A_240 = arith.constant 0 : i32
          %dma_wait3A_241 = tpu.memref_slice %arg8[%dma_wait3A_239, %dma_wait3A_240] : memref<632x16xf32, #tpu.memory_space<vmem>> -> memref<520x16xf32, #tpu.memory_space<vmem>>
          %dma_wait3A_242 = arith.constant 9480 : i32
          %dma_wait3A_243 = arith.constant 0 : i32
          %dma_wait3A_244 = tpu.memref_slice %arg9[%dma_wait3A_242, %dma_wait3A_243] : memref<10000x16xf32, #tpu.memory_space<vmem_shared>> -> memref<520x16xf32, #tpu.memory_space<vmem_shared>>
          %dma_wait3A_245 = arith.constant 9480 : i32
          %dma_wait3A_246 = arith.constant 0 : i32
          %dma_wait3A_247 = tpu.memref_slice %arg9[%dma_wait3A_245, %dma_wait3A_246] : memref<10000x16xf32, #tpu.memory_space<vmem_shared>> -> memref<520x16xf32, #tpu.memory_space<vmem_shared>>
          %dma_wait3A_248 = arith.constant 0 : i32
          %dma_wait3A_249 = arith.constant 0 : i32
          %dma_wait3A_250 = tpu.memref_slice %arg8[%dma_wait3A_248, %dma_wait3A_249] : memref<632x16xf32, #tpu.memory_space<vmem>> -> memref<520x16xf32, #tpu.memory_space<vmem>>
          tpu.wait_dma2 semaphore(%run_scoped3A : memref<!tpu.dma_semaphore, #tpu.memory_space<semaphore_mem>>) src(%dma_wait3A_250 : memref<520x16xf32, #tpu.memory_space<vmem>>) dst(%dma_wait3A_247 : memref<520x16xf32, #tpu.memory_space<vmem_shared>>)
          tpu.yield
        }) : () -> ()
      } else {
      }
    } else {
    }
    %mul3A_21 = arith.constant 10000 : i32
    %mul3A_22 = arith.muli %add3A, %mul3A_21 : i32
    %dma_wait3A = arith.constant 0 : i32
    %dma_wait3A_23 = tpu.memref_slice %arg3[%dma_wait3A, %mul3A_22] : memref<2x320000xi32, #tpu.memory_space<hbm>> -> memref<1x10000xi32, #tpu.memory_space<hbm>>
    %dma_wait3A_24 = tpu.memref_squeeze %dma_wait3A_23 : memref<1x10000xi32, #tpu.memory_space<hbm>> -> memref<10000xi32, #tpu.memory_space<hbm>>
    %dma_wait3A_25 = tpu.memref_slice %arg3[%dma_wait3A, %mul3A_22] : memref<2x320000xi32, #tpu.memory_space<hbm>> -> memref<1x10000xi32, #tpu.memory_space<hbm>>
    %dma_wait3A_26 = tpu.memref_squeeze %dma_wait3A_25 : memref<1x10000xi32, #tpu.memory_space<hbm>> -> memref<10000xi32, #tpu.memory_space<hbm>>
    tpu.wait_dma2 semaphore(%arg18 : memref<!tpu.dma_semaphore, #tpu.memory_space<semaphore_mem>>) src(%dma_wait3A_26 : memref<10000xi32, #tpu.memory_space<hbm>>) dst(%arg5 : memref<10000xi32, #tpu.memory_space<vmem>>)
    %mul3A_27 = arith.constant 10000 : i32
    %mul3A_28 = arith.muli %add3A, %mul3A_27 : i32
    %dma_wait3A_29 = arith.constant 1 : i32
    %dma_wait3A_30 = tpu.memref_slice %arg3[%dma_wait3A_29, %mul3A_28] : memref<2x320000xi32, #tpu.memory_space<hbm>> -> memref<1x10000xi32, #tpu.memory_space<hbm>>
    %dma_wait3A_31 = tpu.memref_squeeze %dma_wait3A_30 : memref<1x10000xi32, #tpu.memory_space<hbm>> -> memref<10000xi32, #tpu.memory_space<hbm>>
    %dma_wait3A_32 = tpu.memref_slice %arg3[%dma_wait3A_29, %mul3A_28] : memref<2x320000xi32, #tpu.memory_space<hbm>> -> memref<1x10000xi32, #tpu.memory_space<hbm>>
    %dma_wait3A_33 = tpu.memref_squeeze %dma_wait3A_32 : memref<1x10000xi32, #tpu.memory_space<hbm>> -> memref<10000xi32, #tpu.memory_space<hbm>>
    tpu.wait_dma2 semaphore(%arg19 : memref<!tpu.dma_semaphore, #tpu.memory_space<semaphore_mem>>) src(%dma_wait3A_33 : memref<10000xi32, #tpu.memory_space<hbm>>) dst(%arg6 : memref<10000xi32, #tpu.memory_space<vmem>>)
    %scan3A = arith.constant 0 : i32
    %scan3A_34 = arith.constant 0 : i32
    %scan3A_35 = arith.constant 125 : i32
    %scan3A_36 = arith.addi %scan3A_34, %scan3A_35 : i32
    %scan3A_37 = arith.constant 1 : i32
    scf.for %scan3A_211 = %scan3A_34 to %scan3A_36 step %scan3A_37  : i32 {
      %mul3A_212 = arith.constant 80 : i32
      %mul3A_213 = arith.muli %scan3A_211, %mul3A_212 : i32
      %add3A_214 = arith.constant 0 : i32
      %add3A_215 = arith.addi %mul3A_213, %add3A_214 : i32
      %get3A = arith.index_cast %add3A_215 : i32 to index
      %get3A_216 = tpu.vector_load %arg6[%get3A] {strides = array<i32>} : memref<10000xi32, #tpu.memory_space<vmem>>, vector<16xi32>,
      %get3A_217 = vector.shape_cast %get3A_216 : vector<16xi32> to vector<16xi32>
      %swap3A = arith.index_cast %scan3A_211 : i32 to index
      %swap3A_218 = arith.constant 0 : index
      %swap3A_219 = tpu.vector_load %arg7[%swap3A, %swap3A_218] {strides = array<i32>} : memref<125x80xi32, #tpu.memory_space<vmem>>, vector<1x16xi32>,
      %swap3A_220 = vector.shape_cast %swap3A_219 : vector<1x16xi32> to vector<16xi32>
      %swap3A_221 = vector.shape_cast %get3A_217 : vector<16xi32> to vector<1x16xi32>
      tpu.vector_store %arg7[%swap3A, %swap3A_218], %swap3A_221 {strides = array<i32>} : memref<125x80xi32, #tpu.memory_space<vmem>>, vector<1x16xi32>,
      %mul3A_222 = arith.constant 80 : i32
      %mul3A_223 = arith.muli %scan3A_211, %mul3A_222 : i32
      %add3A_224 = arith.constant 16 : i32
      %add3A_225 = arith.addi %mul3A_223, %add3A_224 : i32
      %get3A_226 = arith.index_cast %add3A_225 : i32 to index
      %get3A_227 = tpu.vector_load %arg6[%get3A_226] {strides = array<i32>} : memref<10000xi32, #tpu.memory_space<vmem>>, vector<16xi32>,
      %get3A_228 = vector.shape_cast %get3A_227 : vector<16xi32> to vector<16xi32>
      %swap3A_229 = arith.index_cast %scan3A_211 : i32 to index
      %swap3A_230 = arith.constant 16 : index
      %swap3A_231 = tpu.vector_load %arg7[%swap3A_229, %swap3A_230] {strides = array<i32>} : memref<125x80xi32, #tpu.memory_space<vmem>>, vector<1x16xi32>,
      %swap3A_232 = vector.shape_cast %swap3A_231 : vector<1x16xi32> to vector<16xi32>
      %swap3A_233 = vector.shape_cast %get3A_228 : vector<16xi32> to vector<1x16xi32>
      tpu.vector_store %arg7[%swap3A_229, %swap3A_230], %swap3A_233 {strides = array<i32>} : memref<125x80xi32, #tpu.memory_space<vmem>>, vector<1x16xi32>,
      %mul3A_234 = arith.constant 80 : i32
      %mul3A_235 = arith.muli %scan3A_211, %mul3A_234 : i32
      %add3A_236 = arith.constant 32 : i32
      %add3A_237 = arith.addi %mul3A_235, %add3A_236 : i32
      %get3A_238 = arith.index_cast %add3A_237 : i32 to index
      %get3A_239 = tpu.vector_load %arg6[%get3A_238] {strides = array<i32>} : memref<10000xi32, #tpu.memory_space<vmem>>, vector<16xi32>,
      %get3A_240 = vector.shape_cast %get3A_239 : vector<16xi32> to vector<16xi32>
      %swap3A_241 = arith.index_cast %scan3A_211 : i32 to index
      %swap3A_242 = arith.constant 32 : index
      %swap3A_243 = tpu.vector_load %arg7[%swap3A_241, %swap3A_242] {strides = array<i32>} : memref<125x80xi32, #tpu.memory_space<vmem>>, vector<1x16xi32>,
      %swap3A_244 = vector.shape_cast %swap3A_243 : vector<1x16xi32> to vector<16xi32>
      %swap3A_245 = vector.shape_cast %get3A_240 : vector<16xi32> to vector<1x16xi32>
      tpu.vector_store %arg7[%swap3A_241, %swap3A_242], %swap3A_245 {strides = array<i32>} : memref<125x80xi32, #tpu.memory_space<vmem>>, vector<1x16xi32>,
      %mul3A_246 = arith.constant 80 : i32
      %mul3A_247 = arith.muli %scan3A_211, %mul3A_246 : i32
      %add3A_248 = arith.constant 48 : i32
      %add3A_249 = arith.addi %mul3A_247, %add3A_248 : i32
      %get3A_250 = arith.index_cast %add3A_249 : i32 to index
      %get3A_251 = tpu.vector_load %arg6[%get3A_250] {strides = array<i32>} : memref<10000xi32, #tpu.memory_space<vmem>>, vector<16xi32>,
      %get3A_252 = vector.shape_cast %get3A_251 : vector<16xi32> to vector<16xi32>
      %swap3A_253 = arith.index_cast %scan3A_211 : i32 to index
      %swap3A_254 = arith.constant 48 : index
      %swap3A_255 = tpu.vector_load %arg7[%swap3A_253, %swap3A_254] {strides = array<i32>} : memref<125x80xi32, #tpu.memory_space<vmem>>, vector<1x16xi32>,
      %swap3A_256 = vector.shape_cast %swap3A_255 : vector<1x16xi32> to vector<16xi32>
      %swap3A_257 = vector.shape_cast %get3A_252 : vector<16xi32> to vector<1x16xi32>
      tpu.vector_store %arg7[%swap3A_253, %swap3A_254], %swap3A_257 {strides = array<i32>} : memref<125x80xi32, #tpu.memory_space<vmem>>, vector<1x16xi32>,
      %mul3A_258 = arith.constant 80 : i32
      %mul3A_259 = arith.muli %scan3A_211, %mul3A_258 : i32
      %add3A_260 = arith.constant 64 : i32
      %add3A_261 = arith.addi %mul3A_259, %add3A_260 : i32
      %get3A_262 = arith.index_cast %add3A_261 : i32 to index
      %get3A_263 = tpu.vector_load %arg6[%get3A_262] {strides = array<i32>} : memref<10000xi32, #tpu.memory_space<vmem>>, vector<16xi32>,
      %get3A_264 = vector.shape_cast %get3A_263 : vector<16xi32> to vector<16xi32>
      %swap3A_265 = arith.index_cast %scan3A_211 : i32 to index
      %swap3A_266 = arith.constant 64 : index
      %swap3A_267 = tpu.vector_load %arg7[%swap3A_265, %swap3A_266] {strides = array<i32>} : memref<125x80xi32, #tpu.memory_space<vmem>>, vector<1x16xi32>,
      %swap3A_268 = vector.shape_cast %swap3A_267 : vector<1x16xi32> to vector<16xi32>
      %swap3A_269 = vector.shape_cast %get3A_264 : vector<16xi32> to vector<1x16xi32>
      tpu.vector_store %arg7[%swap3A_265, %swap3A_266], %swap3A_269 {strides = array<i32>} : memref<125x80xi32, #tpu.memory_space<vmem>>, vector<1x16xi32>,
    }
    %scan3A_38 = arith.constant 125 : i32
    %barrier3A = arith.constant 0 : index
    tpu.barrier barrier_id(%barrier3A)
    %dma_start3A_39 = arith.constant 0 : i32
    %dma_start3A_40 = tpu.memref_slice %arg5[%dma_start3A_39] : memref<10000xi32, #tpu.memory_space<vmem>> -> memref<80xi32, #tpu.memory_space<vmem>>
    %dma_start3A_41 = arith.constant 0 : i32
    %dma_start3A_42 = arith.constant 0 : i32
    %dma_start3A_43 = tpu.memref_slice %arg2[%dma_start3A_41, %dma_start3A_42] : memref<10000x16xf32, #tpu.memory_space<hbm>> -> memref<10000x16xf32, #tpu.memory_space<hbm>>
    tpu.enqueue_indirect_dma source(%dma_start3A_43 : memref<10000x16xf32, #tpu.memory_space<hbm>>) target(%arg10 : memref<80x16xf32, #tpu.memory_space<vmem>>) offsets(%dma_start3A_40 : memref<80xi32, #tpu.memory_space<vmem>>) semaphore(%arg18 : memref<!tpu.dma_semaphore, #tpu.memory_space<semaphore_mem>>)
    %dma_start3A_44 = arith.constant 80 : i32
    %dma_start3A_45 = tpu.memref_slice %arg5[%dma_start3A_44] : memref<10000xi32, #tpu.memory_space<vmem>> -> memref<80xi32, #tpu.memory_space<vmem>>
    %dma_start3A_46 = arith.constant 0 : i32
    %dma_start3A_47 = arith.constant 0 : i32
    %dma_start3A_48 = tpu.memref_slice %arg2[%dma_start3A_46, %dma_start3A_47] : memref<10000x16xf32, #tpu.memory_space<hbm>> -> memref<10000x16xf32, #tpu.memory_space<hbm>>
    tpu.enqueue_indirect_dma source(%dma_start3A_48 : memref<10000x16xf32, #tpu.memory_space<hbm>>) target(%arg11 : memref<80x16xf32, #tpu.memory_space<vmem>>) offsets(%dma_start3A_45 : memref<80xi32, #tpu.memory_space<vmem>>) semaphore(%arg19 : memref<!tpu.dma_semaphore, #tpu.memory_space<semaphore_mem>>)
    %dma_start3A_49 = arith.constant 160 : i32
    %dma_start3A_50 = tpu.memref_slice %arg5[%dma_start3A_49] : memref<10000xi32, #tpu.memory_space<vmem>> -> memref<80xi32, #tpu.memory_space<vmem>>
    %dma_start3A_51 = arith.constant 0 : i32
    %dma_start3A_52 = arith.constant 0 : i32
    %dma_start3A_53 = tpu.memref_slice %arg2[%dma_start3A_51, %dma_start3A_52] : memref<10000x16xf32, #tpu.memory_space<hbm>> -> memref<10000x16xf32, #tpu.memory_space<hbm>>
    tpu.enqueue_indirect_dma source(%dma_start3A_53 : memref<10000x16xf32, #tpu.memory_space<hbm>>) target(%arg12 : memref<80x16xf32, #tpu.memory_space<vmem>>) offsets(%dma_start3A_50 : memref<80xi32, #tpu.memory_space<vmem>>) semaphore(%arg20 : memref<!tpu.dma_semaphore, #tpu.memory_space<semaphore_mem>>)
    %dma_start3A_54 = arith.constant 240 : i32
    %dma_start3A_55 = tpu.memref_slice %arg5[%dma_start3A_54] : memref<10000xi32, #tpu.memory_space<vmem>> -> memref<80xi32, #tpu.memory_space<vmem>>
    %dma_start3A_56 = arith.constant 0 : i32
    %dma_start3A_57 = arith.constant 0 : i32
    %dma_start3A_58 = tpu.memref_slice %arg2[%dma_start3A_56, %dma_start3A_57] : memref<10000x16xf32, #tpu.memory_space<hbm>> -> memref<10000x16xf32, #tpu.memory_space<hbm>>
    tpu.enqueue_indirect_dma source(%dma_start3A_58 : memref<10000x16xf32, #tpu.memory_space<hbm>>) target(%arg13 : memref<80x16xf32, #tpu.memory_space<vmem>>) offsets(%dma_start3A_55 : memref<80xi32, #tpu.memory_space<vmem>>) semaphore(%arg21 : memref<!tpu.dma_semaphore, #tpu.memory_space<semaphore_mem>>)
    %dma_start3A_59 = arith.constant 320 : i32
    %dma_start3A_60 = tpu.memref_slice %arg5[%dma_start3A_59] : memref<10000xi32, #tpu.memory_space<vmem>> -> memref<80xi32, #tpu.memory_space<vmem>>
    %dma_start3A_61 = arith.constant 0 : i32
    %dma_start3A_62 = arith.constant 0 : i32
    %dma_start3A_63 = tpu.memref_slice %arg2[%dma_start3A_61, %dma_start3A_62] : memref<10000x16xf32, #tpu.memory_space<hbm>> -> memref<10000x16xf32, #tpu.memory_space<hbm>>
    tpu.enqueue_indirect_dma source(%dma_start3A_63 : memref<10000x16xf32, #tpu.memory_space<hbm>>) target(%arg14 : memref<80x16xf32, #tpu.memory_space<vmem>>) offsets(%dma_start3A_60 : memref<80xi32, #tpu.memory_space<vmem>>) semaphore(%arg22 : memref<!tpu.dma_semaphore, #tpu.memory_space<semaphore_mem>>)
    %dma_start3A_64 = arith.constant 400 : i32
    %dma_start3A_65 = tpu.memref_slice %arg5[%dma_start3A_64] : memref<10000xi32, #tpu.memory_space<vmem>> -> memref<80xi32, #tpu.memory_space<vmem>>
    %dma_start3A_66 = arith.constant 0 : i32
    %dma_start3A_67 = arith.constant 0 : i32
    %dma_start3A_68 = tpu.memref_slice %arg2[%dma_start3A_66, %dma_start3A_67] : memref<10000x16xf32, #tpu.memory_space<hbm>> -> memref<10000x16xf32, #tpu.memory_space<hbm>>
    tpu.enqueue_indirect_dma source(%dma_start3A_68 : memref<10000x16xf32, #tpu.memory_space<hbm>>) target(%arg15 : memref<80x16xf32, #tpu.memory_space<vmem>>) offsets(%dma_start3A_65 : memref<80xi32, #tpu.memory_space<vmem>>) semaphore(%arg23 : memref<!tpu.dma_semaphore, #tpu.memory_space<semaphore_mem>>)
    %dma_start3A_69 = arith.constant 480 : i32
    %dma_start3A_70 = tpu.memref_slice %arg5[%dma_start3A_69] : memref<10000xi32, #tpu.memory_space<vmem>> -> memref<80xi32, #tpu.memory_space<vmem>>
    %dma_start3A_71 = arith.constant 0 : i32
    %dma_start3A_72 = arith.constant 0 : i32
    %dma_start3A_73 = tpu.memref_slice %arg2[%dma_start3A_71, %dma_start3A_72] : memref<10000x16xf32, #tpu.memory_space<hbm>> -> memref<10000x16xf32, #tpu.memory_space<hbm>>
    tpu.enqueue_indirect_dma source(%dma_start3A_73 : memref<10000x16xf32, #tpu.memory_space<hbm>>) target(%arg16 : memref<80x16xf32, #tpu.memory_space<vmem>>) offsets(%dma_start3A_70 : memref<80xi32, #tpu.memory_space<vmem>>) semaphore(%arg24 : memref<!tpu.dma_semaphore, #tpu.memory_space<semaphore_mem>>)
    %dma_start3A_74 = arith.constant 560 : i32
    %dma_start3A_75 = tpu.memref_slice %arg5[%dma_start3A_74] : memref<10000xi32, #tpu.memory_space<vmem>> -> memref<80xi32, #tpu.memory_space<vmem>>
    %dma_start3A_76 = arith.constant 0 : i32
    %dma_start3A_77 = arith.constant 0 : i32
    %dma_start3A_78 = tpu.memref_slice %arg2[%dma_start3A_76, %dma_start3A_77] : memref<10000x16xf32, #tpu.memory_space<hbm>> -> memref<10000x16xf32, #tpu.memory_space<hbm>>
    tpu.enqueue_indirect_dma source(%dma_start3A_78 : memref<10000x16xf32, #tpu.memory_space<hbm>>) target(%arg17 : memref<80x16xf32, #tpu.memory_space<vmem>>) offsets(%dma_start3A_75 : memref<80xi32, #tpu.memory_space<vmem>>) semaphore(%arg25 : memref<!tpu.dma_semaphore, #tpu.memory_space<semaphore_mem>>)
    %scan3A_79 = arith.constant 0 : i32
    %scan3A_80 = arith.constant 0 : i32
    %scan3A_81 = arith.constant 15 : i32
    %scan3A_82 = arith.addi %scan3A_80, %scan3A_81 : i32
    %scan3A_83 = arith.constant 1 : i32
    scf.for %scan3A_211 = %scan3A_80 to %scan3A_82 step %scan3A_83  : i32 {
      %mul3A_212 = arith.constant 8 : i32
      %mul3A_213 = arith.muli %mul3A_212, %scan3A_211 : i32
      %add3A_214 = arith.constant 0 : i32
      %add3A_215 = arith.addi %mul3A_213, %add3A_214 : i32
      %mul3A_216 = arith.constant 80 : i32
      %mul3A_217 = arith.muli %add3A_215, %mul3A_216 : i32
      %dma_wait3A_218 = tpu.memref_slice %arg5[%mul3A_217] : memref<10000xi32, #tpu.memory_space<vmem>> -> memref<80xi32, #tpu.memory_space<vmem>>
      %dma_wait3A_219 = arith.constant 0 : i32
      %dma_wait3A_220 = arith.constant 0 : i32
      %dma_wait3A_221 = tpu.memref_slice %arg2[%dma_wait3A_219, %dma_wait3A_220] : memref<10000x16xf32, #tpu.memory_space<hbm>> -> memref<10000x16xf32, #tpu.memory_space<hbm>>
      tpu.wait_indirect_dma semaphore(%arg18 : memref<!tpu.dma_semaphore, #tpu.memory_space<semaphore_mem>>) src(%dma_wait3A_221 : memref<10000x16xf32, #tpu.memory_space<hbm>>) dst(%arg10 : memref<80x16xf32, #tpu.memory_space<vmem>>)
      %add3A_222 = arith.constant 0 : i32
      %add3A_223 = arith.addi %mul3A_213, %add3A_222 : i32
      %dma_start3A_224 = arith.constant 0 : i32
      %dma_start3A_225 = tpu.memref_slice %arg7[%add3A_223, %dma_start3A_224] : memref<125x80xi32, #tpu.memory_space<vmem>> -> memref<1x80xi32, #tpu.memory_space<vmem>>
      %dma_start3A_226 = tpu.memref_squeeze %dma_start3A_225 : memref<1x80xi32, #tpu.memory_space<vmem>> -> memref<80xi32, #tpu.memory_space<vmem>>
      %dma_start3A_227 = arith.constant 0 : i32
      %dma_start3A_228 = arith.constant 0 : i32
      %dma_start3A_229 = tpu.memref_slice %arg9[%dma_start3A_227, %dma_start3A_228] : memref<10000x16xf32, #tpu.memory_space<vmem_shared>> -> memref<10000x16xf32, #tpu.memory_space<vmem_shared>>
      tpu.enqueue_indirect_dma source(%arg10 : memref<80x16xf32, #tpu.memory_space<vmem>>) target(%dma_start3A_229 : memref<10000x16xf32, #tpu.memory_space<vmem_shared>>) offsets(%dma_start3A_226 : memref<80xi32, #tpu.memory_space<vmem>>) semaphore(%arg26 : memref<!tpu.dma_semaphore, #tpu.memory_space<semaphore_mem>>) {add = true}
      %add3A_230 = arith.constant 1 : i32
      %add3A_231 = arith.addi %mul3A_213, %add3A_230 : i32
      %mul3A_232 = arith.constant 80 : i32
      %mul3A_233 = arith.muli %add3A_231, %mul3A_232 : i32
      %dma_wait3A_234 = tpu.memref_slice %arg5[%mul3A_233] : memref<10000xi32, #tpu.memory_space<vmem>> -> memref<80xi32, #tpu.memory_space<vmem>>
      %dma_wait3A_235 = arith.constant 0 : i32
      %dma_wait3A_236 = arith.constant 0 : i32
      %dma_wait3A_237 = tpu.memref_slice %arg2[%dma_wait3A_235, %dma_wait3A_236] : memref<10000x16xf32, #tpu.memory_space<hbm>> -> memref<10000x16xf32, #tpu.memory_space<hbm>>
      tpu.wait_indirect_dma semaphore(%arg19 : memref<!tpu.dma_semaphore, #tpu.memory_space<semaphore_mem>>) src(%dma_wait3A_237 : memref<10000x16xf32, #tpu.memory_space<hbm>>) dst(%arg11 : memref<80x16xf32, #tpu.memory_space<vmem>>)
      %add3A_238 = arith.constant 1 : i32
      %add3A_239 = arith.addi %mul3A_213, %add3A_238 : i32
      %dma_start3A_240 = arith.constant 0 : i32
      %dma_start3A_241 = tpu.memref_slice %arg7[%add3A_239, %dma_start3A_240] : memref<125x80xi32, #tpu.memory_space<vmem>> -> memref<1x80xi32, #tpu.memory_space<vmem>>
      %dma_start3A_242 = tpu.memref_squeeze %dma_start3A_241 : memref<1x80xi32, #tpu.memory_space<vmem>> -> memref<80xi32, #tpu.memory_space<vmem>>
      %dma_start3A_243 = arith.constant 0 : i32
      %dma_start3A_244 = arith.constant 0 : i32
      %dma_start3A_245 = tpu.memref_slice %arg9[%dma_start3A_243, %dma_start3A_244] : memref<10000x16xf32, #tpu.memory_space<vmem_shared>> -> memref<10000x16xf32, #tpu.memory_space<vmem_shared>>
      tpu.enqueue_indirect_dma source(%arg11 : memref<80x16xf32, #tpu.memory_space<vmem>>) target(%dma_start3A_245 : memref<10000x16xf32, #tpu.memory_space<vmem_shared>>) offsets(%dma_start3A_242 : memref<80xi32, #tpu.memory_space<vmem>>) semaphore(%arg27 : memref<!tpu.dma_semaphore, #tpu.memory_space<semaphore_mem>>) {add = true}
      %add3A_246 = arith.constant 2 : i32
      %add3A_247 = arith.addi %mul3A_213, %add3A_246 : i32
      %mul3A_248 = arith.constant 80 : i32
      %mul3A_249 = arith.muli %add3A_247, %mul3A_248 : i32
      %dma_wait3A_250 = tpu.memref_slice %arg5[%mul3A_249] : memref<10000xi32, #tpu.memory_space<vmem>> -> memref<80xi32, #tpu.memory_space<vmem>>
      %dma_wait3A_251 = arith.constant 0 : i32
      %dma_wait3A_252 = arith.constant 0 : i32
      %dma_wait3A_253 = tpu.memref_slice %arg2[%dma_wait3A_251, %dma_wait3A_252] : memref<10000x16xf32, #tpu.memory_space<hbm>> -> memref<10000x16xf32, #tpu.memory_space<hbm>>
      tpu.wait_indirect_dma semaphore(%arg20 : memref<!tpu.dma_semaphore, #tpu.memory_space<semaphore_mem>>) src(%dma_wait3A_253 : memref<10000x16xf32, #tpu.memory_space<hbm>>) dst(%arg12 : memref<80x16xf32, #tpu.memory_space<vmem>>)
      %add3A_254 = arith.constant 2 : i32
      %add3A_255 = arith.addi %mul3A_213, %add3A_254 : i32
      %dma_start3A_256 = arith.constant 0 : i32
      %dma_start3A_257 = tpu.memref_slice %arg7[%add3A_255, %dma_start3A_256] : memref<125x80xi32, #tpu.memory_space<vmem>> -> memref<1x80xi32, #tpu.memory_space<vmem>>
      %dma_start3A_258 = tpu.memref_squeeze %dma_start3A_257 : memref<1x80xi32, #tpu.memory_space<vmem>> -> memref<80xi32, #tpu.memory_space<vmem>>
      %dma_start3A_259 = arith.constant 0 : i32
      %dma_start3A_260 = arith.constant 0 : i32
      %dma_start3A_261 = tpu.memref_slice %arg9[%dma_start3A_259, %dma_start3A_260] : memref<10000x16xf32, #tpu.memory_space<vmem_shared>> -> memref<10000x16xf32, #tpu.memory_space<vmem_shared>>
      tpu.enqueue_indirect_dma source(%arg12 : memref<80x16xf32, #tpu.memory_space<vmem>>) target(%dma_start3A_261 : memref<10000x16xf32, #tpu.memory_space<vmem_shared>>) offsets(%dma_start3A_258 : memref<80xi32, #tpu.memory_space<vmem>>) semaphore(%arg28 : memref<!tpu.dma_semaphore, #tpu.memory_space<semaphore_mem>>) {add = true}
      %add3A_262 = arith.constant 3 : i32
      %add3A_263 = arith.addi %mul3A_213, %add3A_262 : i32
      %mul3A_264 = arith.constant 80 : i32
      %mul3A_265 = arith.muli %add3A_263, %mul3A_264 : i32
      %dma_wait3A_266 = tpu.memref_slice %arg5[%mul3A_265] : memref<10000xi32, #tpu.memory_space<vmem>> -> memref<80xi32, #tpu.memory_space<vmem>>
      %dma_wait3A_267 = arith.constant 0 : i32
      %dma_wait3A_268 = arith.constant 0 : i32
      %dma_wait3A_269 = tpu.memref_slice %arg2[%dma_wait3A_267, %dma_wait3A_268] : memref<10000x16xf32, #tpu.memory_space<hbm>> -> memref<10000x16xf32, #tpu.memory_space<hbm>>
      tpu.wait_indirect_dma semaphore(%arg21 : memref<!tpu.dma_semaphore, #tpu.memory_space<semaphore_mem>>) src(%dma_wait3A_269 : memref<10000x16xf32, #tpu.memory_space<hbm>>) dst(%arg13 : memref<80x16xf32, #tpu.memory_space<vmem>>)
      %add3A_270 = arith.constant 3 : i32
      %add3A_271 = arith.addi %mul3A_213, %add3A_270 : i32
      %dma_start3A_272 = arith.constant 0 : i32
      %dma_start3A_273 = tpu.memref_slice %arg7[%add3A_271, %dma_start3A_272] : memref<125x80xi32, #tpu.memory_space<vmem>> -> memref<1x80xi32, #tpu.memory_space<vmem>>
      %dma_start3A_274 = tpu.memref_squeeze %dma_start3A_273 : memref<1x80xi32, #tpu.memory_space<vmem>> -> memref<80xi32, #tpu.memory_space<vmem>>
      %dma_start3A_275 = arith.constant 0 : i32
      %dma_start3A_276 = arith.constant 0 : i32
      %dma_start3A_277 = tpu.memref_slice %arg9[%dma_start3A_275, %dma_start3A_276] : memref<10000x16xf32, #tpu.memory_space<vmem_shared>> -> memref<10000x16xf32, #tpu.memory_space<vmem_shared>>
      tpu.enqueue_indirect_dma source(%arg13 : memref<80x16xf32, #tpu.memory_space<vmem>>) target(%dma_start3A_277 : memref<10000x16xf32, #tpu.memory_space<vmem_shared>>) offsets(%dma_start3A_274 : memref<80xi32, #tpu.memory_space<vmem>>) semaphore(%arg29 : memref<!tpu.dma_semaphore, #tpu.memory_space<semaphore_mem>>) {add = true}
      %add3A_278 = arith.constant 4 : i32
      %add3A_279 = arith.addi %mul3A_213, %add3A_278 : i32
      %mul3A_280 = arith.constant 80 : i32
      %mul3A_281 = arith.muli %add3A_279, %mul3A_280 : i32
      %dma_wait3A_282 = tpu.memref_slice %arg5[%mul3A_281] : memref<10000xi32, #tpu.memory_space<vmem>> -> memref<80xi32, #tpu.memory_space<vmem>>
      %dma_wait3A_283 = arith.constant 0 : i32
      %dma_wait3A_284 = arith.constant 0 : i32
      %dma_wait3A_285 = tpu.memref_slice %arg2[%dma_wait3A_283, %dma_wait3A_284] : memref<10000x16xf32, #tpu.memory_space<hbm>> -> memref<10000x16xf32, #tpu.memory_space<hbm>>
      tpu.wait_indirect_dma semaphore(%arg22 : memref<!tpu.dma_semaphore, #tpu.memory_space<semaphore_mem>>) src(%dma_wait3A_285 : memref<10000x16xf32, #tpu.memory_space<hbm>>) dst(%arg14 : memref<80x16xf32, #tpu.memory_space<vmem>>)
      %add3A_286 = arith.constant 4 : i32
      %add3A_287 = arith.addi %mul3A_213, %add3A_286 : i32
      %dma_start3A_288 = arith.constant 0 : i32
      %dma_start3A_289 = tpu.memref_slice %arg7[%add3A_287, %dma_start3A_288] : memref<125x80xi32, #tpu.memory_space<vmem>> -> memref<1x80xi32, #tpu.memory_space<vmem>>
      %dma_start3A_290 = tpu.memref_squeeze %dma_start3A_289 : memref<1x80xi32, #tpu.memory_space<vmem>> -> memref<80xi32, #tpu.memory_space<vmem>>
      %dma_start3A_291 = arith.constant 0 : i32
      %dma_start3A_292 = arith.constant 0 : i32
      %dma_start3A_293 = tpu.memref_slice %arg9[%dma_start3A_291, %dma_start3A_292] : memref<10000x16xf32, #tpu.memory_space<vmem_shared>> -> memref<10000x16xf32, #tpu.memory_space<vmem_shared>>
      tpu.enqueue_indirect_dma source(%arg14 : memref<80x16xf32, #tpu.memory_space<vmem>>) target(%dma_start3A_293 : memref<10000x16xf32, #tpu.memory_space<vmem_shared>>) offsets(%dma_start3A_290 : memref<80xi32, #tpu.memory_space<vmem>>) semaphore(%arg30 : memref<!tpu.dma_semaphore, #tpu.memory_space<semaphore_mem>>) {add = true}
      %add3A_294 = arith.constant 5 : i32
      %add3A_295 = arith.addi %mul3A_213, %add3A_294 : i32
      %mul3A_296 = arith.constant 80 : i32
      %mul3A_297 = arith.muli %add3A_295, %mul3A_296 : i32
      %dma_wait3A_298 = tpu.memref_slice %arg5[%mul3A_297] : memref<10000xi32, #tpu.memory_space<vmem>> -> memref<80xi32, #tpu.memory_space<vmem>>
      %dma_wait3A_299 = arith.constant 0 : i32
      %dma_wait3A_300 = arith.constant 0 : i32
      %dma_wait3A_301 = tpu.memref_slice %arg2[%dma_wait3A_299, %dma_wait3A_300] : memref<10000x16xf32, #tpu.memory_space<hbm>> -> memref<10000x16xf32, #tpu.memory_space<hbm>>
      tpu.wait_indirect_dma semaphore(%arg23 : memref<!tpu.dma_semaphore, #tpu.memory_space<semaphore_mem>>) src(%dma_wait3A_301 : memref<10000x16xf32, #tpu.memory_space<hbm>>) dst(%arg15 : memref<80x16xf32, #tpu.memory_space<vmem>>)
      %add3A_302 = arith.constant 5 : i32
      %add3A_303 = arith.addi %mul3A_213, %add3A_302 : i32
      %dma_start3A_304 = arith.constant 0 : i32
      %dma_start3A_305 = tpu.memref_slice %arg7[%add3A_303, %dma_start3A_304] : memref<125x80xi32, #tpu.memory_space<vmem>> -> memref<1x80xi32, #tpu.memory_space<vmem>>
      %dma_start3A_306 = tpu.memref_squeeze %dma_start3A_305 : memref<1x80xi32, #tpu.memory_space<vmem>> -> memref<80xi32, #tpu.memory_space<vmem>>
      %dma_start3A_307 = arith.constant 0 : i32
      %dma_start3A_308 = arith.constant 0 : i32
      %dma_start3A_309 = tpu.memref_slice %arg9[%dma_start3A_307, %dma_start3A_308] : memref<10000x16xf32, #tpu.memory_space<vmem_shared>> -> memref<10000x16xf32, #tpu.memory_space<vmem_shared>>
      tpu.enqueue_indirect_dma source(%arg15 : memref<80x16xf32, #tpu.memory_space<vmem>>) target(%dma_start3A_309 : memref<10000x16xf32, #tpu.memory_space<vmem_shared>>) offsets(%dma_start3A_306 : memref<80xi32, #tpu.memory_space<vmem>>) semaphore(%arg31 : memref<!tpu.dma_semaphore, #tpu.memory_space<semaphore_mem>>) {add = true}
      %add3A_310 = arith.constant 6 : i32
      %add3A_311 = arith.addi %mul3A_213, %add3A_310 : i32
      %mul3A_312 = arith.constant 80 : i32
      %mul3A_313 = arith.muli %add3A_311, %mul3A_312 : i32
      %dma_wait3A_314 = tpu.memref_slice %arg5[%mul3A_313] : memref<10000xi32, #tpu.memory_space<vmem>> -> memref<80xi32, #tpu.memory_space<vmem>>
      %dma_wait3A_315 = arith.constant 0 : i32
      %dma_wait3A_316 = arith.constant 0 : i32
      %dma_wait3A_317 = tpu.memref_slice %arg2[%dma_wait3A_315, %dma_wait3A_316] : memref<10000x16xf32, #tpu.memory_space<hbm>> -> memref<10000x16xf32, #tpu.memory_space<hbm>>
      tpu.wait_indirect_dma semaphore(%arg24 : memref<!tpu.dma_semaphore, #tpu.memory_space<semaphore_mem>>) src(%dma_wait3A_317 : memref<10000x16xf32, #tpu.memory_space<hbm>>) dst(%arg16 : memref<80x16xf32, #tpu.memory_space<vmem>>)
      %add3A_318 = arith.constant 6 : i32
      %add3A_319 = arith.addi %mul3A_213, %add3A_318 : i32
      %dma_start3A_320 = arith.constant 0 : i32
      %dma_start3A_321 = tpu.memref_slice %arg7[%add3A_319, %dma_start3A_320] : memref<125x80xi32, #tpu.memory_space<vmem>> -> memref<1x80xi32, #tpu.memory_space<vmem>>
      %dma_start3A_322 = tpu.memref_squeeze %dma_start3A_321 : memref<1x80xi32, #tpu.memory_space<vmem>> -> memref<80xi32, #tpu.memory_space<vmem>>
      %dma_start3A_323 = arith.constant 0 : i32
      %dma_start3A_324 = arith.constant 0 : i32
      %dma_start3A_325 = tpu.memref_slice %arg9[%dma_start3A_323, %dma_start3A_324] : memref<10000x16xf32, #tpu.memory_space<vmem_shared>> -> memref<10000x16xf32, #tpu.memory_space<vmem_shared>>
      tpu.enqueue_indirect_dma source(%arg16 : memref<80x16xf32, #tpu.memory_space<vmem>>) target(%dma_start3A_325 : memref<10000x16xf32, #tpu.memory_space<vmem_shared>>) offsets(%dma_start3A_322 : memref<80xi32, #tpu.memory_space<vmem>>) semaphore(%arg32 : memref<!tpu.dma_semaphore, #tpu.memory_space<semaphore_mem>>) {add = true}
      %add3A_326 = arith.constant 7 : i32
      %add3A_327 = arith.addi %mul3A_213, %add3A_326 : i32
      %mul3A_328 = arith.constant 80 : i32
      %mul3A_329 = arith.muli %add3A_327, %mul3A_328 : i32
      %dma_wait3A_330 = tpu.memref_slice %arg5[%mul3A_329] : memref<10000xi32, #tpu.memory_space<vmem>> -> memref<80xi32, #tpu.memory_space<vmem>>
      %dma_wait3A_331 = arith.constant 0 : i32
      %dma_wait3A_332 = arith.constant 0 : i32
      %dma_wait3A_333 = tpu.memref_slice %arg2[%dma_wait3A_331, %dma_wait3A_332] : memref<10000x16xf32, #tpu.memory_space<hbm>> -> memref<10000x16xf32, #tpu.memory_space<hbm>>
      tpu.wait_indirect_dma semaphore(%arg25 : memref<!tpu.dma_semaphore, #tpu.memory_space<semaphore_mem>>) src(%dma_wait3A_333 : memref<10000x16xf32, #tpu.memory_space<hbm>>) dst(%arg17 : memref<80x16xf32, #tpu.memory_space<vmem>>)
      %add3A_334 = arith.constant 7 : i32
      %add3A_335 = arith.addi %mul3A_213, %add3A_334 : i32
      %dma_start3A_336 = arith.constant 0 : i32
      %dma_start3A_337 = tpu.memref_slice %arg7[%add3A_335, %dma_start3A_336] : memref<125x80xi32, #tpu.memory_space<vmem>> -> memref<1x80xi32, #tpu.memory_space<vmem>>
      %dma_start3A_338 = tpu.memref_squeeze %dma_start3A_337 : memref<1x80xi32, #tpu.memory_space<vmem>> -> memref<80xi32, #tpu.memory_space<vmem>>
      %dma_start3A_339 = arith.constant 0 : i32
      %dma_start3A_340 = arith.constant 0 : i32
      %dma_start3A_341 = tpu.memref_slice %arg9[%dma_start3A_339, %dma_start3A_340] : memref<10000x16xf32, #tpu.memory_space<vmem_shared>> -> memref<10000x16xf32, #tpu.memory_space<vmem_shared>>
      tpu.enqueue_indirect_dma source(%arg17 : memref<80x16xf32, #tpu.memory_space<vmem>>) target(%dma_start3A_341 : memref<10000x16xf32, #tpu.memory_space<vmem_shared>>) offsets(%dma_start3A_338 : memref<80xi32, #tpu.memory_space<vmem>>) semaphore(%arg33 : memref<!tpu.dma_semaphore, #tpu.memory_space<semaphore_mem>>) {add = true}
      %add3A_342 = arith.constant 0 : i32
      %add3A_343 = arith.addi %mul3A_213, %add3A_342 : i32
      %add3A_344 = arith.constant 8 : i32
      %add3A_345 = arith.addi %add3A_343, %add3A_344 : i32
      %lt3A_346 = arith.constant 125 : i32
      %lt3A_347 = arith.cmpi slt, %add3A_345, %lt3A_346 : i32
      %convert_element_type3A_348 = arith.extui %lt3A_347 : i1 to i32
      %cond3A_349 = arith.constant 0 : i32
      %cond3A_350 = arith.cmpi ne, %convert_element_type3A_348, %cond3A_349 : i32
      scf.if %cond3A_350 {
        %add3A_414 = arith.constant 0 : i32
        %add3A_415 = arith.addi %mul3A_213, %add3A_414 : i32
        %dma_wait3A_416 = arith.constant 0 : i32
        %dma_wait3A_417 = tpu.memref_slice %arg7[%add3A_415, %dma_wait3A_416] : memref<125x80xi32, #tpu.memory_space<vmem>> -> memref<1x80xi32, #tpu.memory_space<vmem>>
        %dma_wait3A_418 = tpu.memref_squeeze %dma_wait3A_417 : memref<1x80xi32, #tpu.memory_space<vmem>> -> memref<80xi32, #tpu.memory_space<vmem>>
        %dma_wait3A_419 = arith.constant 0 : i32
        %dma_wait3A_420 = arith.constant 0 : i32
        %dma_wait3A_421 = tpu.memref_slice %arg9[%dma_wait3A_419, %dma_wait3A_420] : memref<10000x16xf32, #tpu.memory_space<vmem_shared>> -> memref<10000x16xf32, #tpu.memory_space<vmem_shared>>
        tpu.wait_indirect_dma semaphore(%arg26 : memref<!tpu.dma_semaphore, #tpu.memory_space<semaphore_mem>>) src(%arg10 : memref<80x16xf32, #tpu.memory_space<vmem>>) dst(%dma_wait3A_421 : memref<10000x16xf32, #tpu.memory_space<vmem_shared>>)
        %add3A_422 = arith.constant 0 : i32
        %add3A_423 = arith.addi %mul3A_213, %add3A_422 : i32
        %add3A_424 = arith.constant 8 : i32
        %add3A_425 = arith.addi %add3A_423, %add3A_424 : i32
        %mul3A_426 = arith.constant 80 : i32
        %mul3A_427 = arith.muli %add3A_425, %mul3A_426 : i32
        %dma_start3A_428 = tpu.memref_slice %arg5[%mul3A_427] : memref<10000xi32, #tpu.memory_space<vmem>> -> memref<80xi32, #tpu.memory_space<vmem>>
        %dma_start3A_429 = arith.constant 0 : i32
        %dma_start3A_430 = arith.constant 0 : i32
        %dma_start3A_431 = tpu.memref_slice %arg2[%dma_start3A_429, %dma_start3A_430] : memref<10000x16xf32, #tpu.memory_space<hbm>> -> memref<10000x16xf32, #tpu.memory_space<hbm>>
        tpu.enqueue_indirect_dma source(%dma_start3A_431 : memref<10000x16xf32, #tpu.memory_space<hbm>>) target(%arg10 : memref<80x16xf32, #tpu.memory_space<vmem>>) offsets(%dma_start3A_428 : memref<80xi32, #tpu.memory_space<vmem>>) semaphore(%arg18 : memref<!tpu.dma_semaphore, #tpu.memory_space<semaphore_mem>>)
      } else {
      }
      %add3A_351 = arith.constant 1 : i32
      %add3A_352 = arith.addi %mul3A_213, %add3A_351 : i32
      %add3A_353 = arith.constant 8 : i32
      %add3A_354 = arith.addi %add3A_352, %add3A_353 : i32
      %lt3A_355 = arith.constant 125 : i32
      %lt3A_356 = arith.cmpi slt, %add3A_354, %lt3A_355 : i32
      %convert_element_type3A_357 = arith.extui %lt3A_356 : i1 to i32
      %cond3A_358 = arith.constant 0 : i32
      %cond3A_359 = arith.cmpi ne, %convert_element_type3A_357, %cond3A_358 : i32
      scf.if %cond3A_359 {
        %add3A_414 = arith.constant 1 : i32
        %add3A_415 = arith.addi %mul3A_213, %add3A_414 : i32
        %dma_wait3A_416 = arith.constant 0 : i32
        %dma_wait3A_417 = tpu.memref_slice %arg7[%add3A_415, %dma_wait3A_416] : memref<125x80xi32, #tpu.memory_space<vmem>> -> memref<1x80xi32, #tpu.memory_space<vmem>>
        %dma_wait3A_418 = tpu.memref_squeeze %dma_wait3A_417 : memref<1x80xi32, #tpu.memory_space<vmem>> -> memref<80xi32, #tpu.memory_space<vmem>>
        %dma_wait3A_419 = arith.constant 0 : i32
        %dma_wait3A_420 = arith.constant 0 : i32
        %dma_wait3A_421 = tpu.memref_slice %arg9[%dma_wait3A_419, %dma_wait3A_420] : memref<10000x16xf32, #tpu.memory_space<vmem_shared>> -> memref<10000x16xf32, #tpu.memory_space<vmem_shared>>
        tpu.wait_indirect_dma semaphore(%arg27 : memref<!tpu.dma_semaphore, #tpu.memory_space<semaphore_mem>>) src(%arg11 : memref<80x16xf32, #tpu.memory_space<vmem>>) dst(%dma_wait3A_421 : memref<10000x16xf32, #tpu.memory_space<vmem_shared>>)
        %add3A_422 = arith.constant 1 : i32
        %add3A_423 = arith.addi %mul3A_213, %add3A_422 : i32
        %add3A_424 = arith.constant 8 : i32
        %add3A_425 = arith.addi %add3A_423, %add3A_424 : i32
        %mul3A_426 = arith.constant 80 : i32
        %mul3A_427 = arith.muli %add3A_425, %mul3A_426 : i32
        %dma_start3A_428 = tpu.memref_slice %arg5[%mul3A_427] : memref<10000xi32, #tpu.memory_space<vmem>> -> memref<80xi32, #tpu.memory_space<vmem>>
        %dma_start3A_429 = arith.constant 0 : i32
        %dma_start3A_430 = arith.constant 0 : i32
        %dma_start3A_431 = tpu.memref_slice %arg2[%dma_start3A_429, %dma_start3A_430] : memref<10000x16xf32, #tpu.memory_space<hbm>> -> memref<10000x16xf32, #tpu.memory_space<hbm>>
        tpu.enqueue_indirect_dma source(%dma_start3A_431 : memref<10000x16xf32, #tpu.memory_space<hbm>>) target(%arg11 : memref<80x16xf32, #tpu.memory_space<vmem>>) offsets(%dma_start3A_428 : memref<80xi32, #tpu.memory_space<vmem>>) semaphore(%arg19 : memref<!tpu.dma_semaphore, #tpu.memory_space<semaphore_mem>>)
      } else {
      }
      %add3A_360 = arith.constant 2 : i32
      %add3A_361 = arith.addi %mul3A_213, %add3A_360 : i32
      %add3A_362 = arith.constant 8 : i32
      %add3A_363 = arith.addi %add3A_361, %add3A_362 : i32
      %lt3A_364 = arith.constant 125 : i32
      %lt3A_365 = arith.cmpi slt, %add3A_363, %lt3A_364 : i32
      %convert_element_type3A_366 = arith.extui %lt3A_365 : i1 to i32
      %cond3A_367 = arith.constant 0 : i32
      %cond3A_368 = arith.cmpi ne, %convert_element_type3A_366, %cond3A_367 : i32
      scf.if %cond3A_368 {
        %add3A_414 = arith.constant 2 : i32
        %add3A_415 = arith.addi %mul3A_213, %add3A_414 : i32
        %dma_wait3A_416 = arith.constant 0 : i32
        %dma_wait3A_417 = tpu.memref_slice %arg7[%add3A_415, %dma_wait3A_416] : memref<125x80xi32, #tpu.memory_space<vmem>> -> memref<1x80xi32, #tpu.memory_space<vmem>>
        %dma_wait3A_418 = tpu.memref_squeeze %dma_wait3A_417 : memref<1x80xi32, #tpu.memory_space<vmem>> -> memref<80xi32, #tpu.memory_space<vmem>>
        %dma_wait3A_419 = arith.constant 0 : i32
        %dma_wait3A_420 = arith.constant 0 : i32
        %dma_wait3A_421 = tpu.memref_slice %arg9[%dma_wait3A_419, %dma_wait3A_420] : memref<10000x16xf32, #tpu.memory_space<vmem_shared>> -> memref<10000x16xf32, #tpu.memory_space<vmem_shared>>
        tpu.wait_indirect_dma semaphore(%arg28 : memref<!tpu.dma_semaphore, #tpu.memory_space<semaphore_mem>>) src(%arg12 : memref<80x16xf32, #tpu.memory_space<vmem>>) dst(%dma_wait3A_421 : memref<10000x16xf32, #tpu.memory_space<vmem_shared>>)
        %add3A_422 = arith.constant 2 : i32
        %add3A_423 = arith.addi %mul3A_213, %add3A_422 : i32
        %add3A_424 = arith.constant 8 : i32
        %add3A_425 = arith.addi %add3A_423, %add3A_424 : i32
        %mul3A_426 = arith.constant 80 : i32
        %mul3A_427 = arith.muli %add3A_425, %mul3A_426 : i32
        %dma_start3A_428 = tpu.memref_slice %arg5[%mul3A_427] : memref<10000xi32, #tpu.memory_space<vmem>> -> memref<80xi32, #tpu.memory_space<vmem>>
        %dma_start3A_429 = arith.constant 0 : i32
        %dma_start3A_430 = arith.constant 0 : i32
        %dma_start3A_431 = tpu.memref_slice %arg2[%dma_start3A_429, %dma_start3A_430] : memref<10000x16xf32, #tpu.memory_space<hbm>> -> memref<10000x16xf32, #tpu.memory_space<hbm>>
        tpu.enqueue_indirect_dma source(%dma_start3A_431 : memref<10000x16xf32, #tpu.memory_space<hbm>>) target(%arg12 : memref<80x16xf32, #tpu.memory_space<vmem>>) offsets(%dma_start3A_428 : memref<80xi32, #tpu.memory_space<vmem>>) semaphore(%arg20 : memref<!tpu.dma_semaphore, #tpu.memory_space<semaphore_mem>>)
      } else {
      }
      %add3A_369 = arith.constant 3 : i32
      %add3A_370 = arith.addi %mul3A_213, %add3A_369 : i32
      %add3A_371 = arith.constant 8 : i32
      %add3A_372 = arith.addi %add3A_370, %add3A_371 : i32
      %lt3A_373 = arith.constant 125 : i32
      %lt3A_374 = arith.cmpi slt, %add3A_372, %lt3A_373 : i32
      %convert_element_type3A_375 = arith.extui %lt3A_374 : i1 to i32
      %cond3A_376 = arith.constant 0 : i32
      %cond3A_377 = arith.cmpi ne, %convert_element_type3A_375, %cond3A_376 : i32
      scf.if %cond3A_377 {
        %add3A_414 = arith.constant 3 : i32
        %add3A_415 = arith.addi %mul3A_213, %add3A_414 : i32
        %dma_wait3A_416 = arith.constant 0 : i32
        %dma_wait3A_417 = tpu.memref_slice %arg7[%add3A_415, %dma_wait3A_416] : memref<125x80xi32, #tpu.memory_space<vmem>> -> memref<1x80xi32, #tpu.memory_space<vmem>>
        %dma_wait3A_418 = tpu.memref_squeeze %dma_wait3A_417 : memref<1x80xi32, #tpu.memory_space<vmem>> -> memref<80xi32, #tpu.memory_space<vmem>>
        %dma_wait3A_419 = arith.constant 0 : i32
        %dma_wait3A_420 = arith.constant 0 : i32
        %dma_wait3A_421 = tpu.memref_slice %arg9[%dma_wait3A_419, %dma_wait3A_420] : memref<10000x16xf32, #tpu.memory_space<vmem_shared>> -> memref<10000x16xf32, #tpu.memory_space<vmem_shared>>
        tpu.wait_indirect_dma semaphore(%arg29 : memref<!tpu.dma_semaphore, #tpu.memory_space<semaphore_mem>>) src(%arg13 : memref<80x16xf32, #tpu.memory_space<vmem>>) dst(%dma_wait3A_421 : memref<10000x16xf32, #tpu.memory_space<vmem_shared>>)
        %add3A_422 = arith.constant 3 : i32
        %add3A_423 = arith.addi %mul3A_213, %add3A_422 : i32
        %add3A_424 = arith.constant 8 : i32
        %add3A_425 = arith.addi %add3A_423, %add3A_424 : i32
        %mul3A_426 = arith.constant 80 : i32
        %mul3A_427 = arith.muli %add3A_425, %mul3A_426 : i32
        %dma_start3A_428 = tpu.memref_slice %arg5[%mul3A_427] : memref<10000xi32, #tpu.memory_space<vmem>> -> memref<80xi32, #tpu.memory_space<vmem>>
        %dma_start3A_429 = arith.constant 0 : i32
        %dma_start3A_430 = arith.constant 0 : i32
        %dma_start3A_431 = tpu.memref_slice %arg2[%dma_start3A_429, %dma_start3A_430] : memref<10000x16xf32, #tpu.memory_space<hbm>> -> memref<10000x16xf32, #tpu.memory_space<hbm>>
        tpu.enqueue_indirect_dma source(%dma_start3A_431 : memref<10000x16xf32, #tpu.memory_space<hbm>>) target(%arg13 : memref<80x16xf32, #tpu.memory_space<vmem>>) offsets(%dma_start3A_428 : memref<80xi32, #tpu.memory_space<vmem>>) semaphore(%arg21 : memref<!tpu.dma_semaphore, #tpu.memory_space<semaphore_mem>>)
      } else {
      }
      %add3A_378 = arith.constant 4 : i32
      %add3A_379 = arith.addi %mul3A_213, %add3A_378 : i32
      %add3A_380 = arith.constant 8 : i32
      %add3A_381 = arith.addi %add3A_379, %add3A_380 : i32
      %lt3A_382 = arith.constant 125 : i32
      %lt3A_383 = arith.cmpi slt, %add3A_381, %lt3A_382 : i32
      %convert_element_type3A_384 = arith.extui %lt3A_383 : i1 to i32
      %cond3A_385 = arith.constant 0 : i32
      %cond3A_386 = arith.cmpi ne, %convert_element_type3A_384, %cond3A_385 : i32
      scf.if %cond3A_386 {
        %add3A_414 = arith.constant 4 : i32
        %add3A_415 = arith.addi %mul3A_213, %add3A_414 : i32
        %dma_wait3A_416 = arith.constant 0 : i32
        %dma_wait3A_417 = tpu.memref_slice %arg7[%add3A_415, %dma_wait3A_416] : memref<125x80xi32, #tpu.memory_space<vmem>> -> memref<1x80xi32, #tpu.memory_space<vmem>>
        %dma_wait3A_418 = tpu.memref_squeeze %dma_wait3A_417 : memref<1x80xi32, #tpu.memory_space<vmem>> -> memref<80xi32, #tpu.memory_space<vmem>>
        %dma_wait3A_419 = arith.constant 0 : i32
        %dma_wait3A_420 = arith.constant 0 : i32
        %dma_wait3A_421 = tpu.memref_slice %arg9[%dma_wait3A_419, %dma_wait3A_420] : memref<10000x16xf32, #tpu.memory_space<vmem_shared>> -> memref<10000x16xf32, #tpu.memory_space<vmem_shared>>
        tpu.wait_indirect_dma semaphore(%arg30 : memref<!tpu.dma_semaphore, #tpu.memory_space<semaphore_mem>>) src(%arg14 : memref<80x16xf32, #tpu.memory_space<vmem>>) dst(%dma_wait3A_421 : memref<10000x16xf32, #tpu.memory_space<vmem_shared>>)
        %add3A_422 = arith.constant 4 : i32
        %add3A_423 = arith.addi %mul3A_213, %add3A_422 : i32
        %add3A_424 = arith.constant 8 : i32
        %add3A_425 = arith.addi %add3A_423, %add3A_424 : i32
        %mul3A_426 = arith.constant 80 : i32
        %mul3A_427 = arith.muli %add3A_425, %mul3A_426 : i32
        %dma_start3A_428 = tpu.memref_slice %arg5[%mul3A_427] : memref<10000xi32, #tpu.memory_space<vmem>> -> memref<80xi32, #tpu.memory_space<vmem>>
        %dma_start3A_429 = arith.constant 0 : i32
        %dma_start3A_430 = arith.constant 0 : i32
        %dma_start3A_431 = tpu.memref_slice %arg2[%dma_start3A_429, %dma_start3A_430] : memref<10000x16xf32, #tpu.memory_space<hbm>> -> memref<10000x16xf32, #tpu.memory_space<hbm>>
        tpu.enqueue_indirect_dma source(%dma_start3A_431 : memref<10000x16xf32, #tpu.memory_space<hbm>>) target(%arg14 : memref<80x16xf32, #tpu.memory_space<vmem>>) offsets(%dma_start3A_428 : memref<80xi32, #tpu.memory_space<vmem>>) semaphore(%arg22 : memref<!tpu.dma_semaphore, #tpu.memory_space<semaphore_mem>>)
      } else {
      }
      %add3A_387 = arith.constant 5 : i32
      %add3A_388 = arith.addi %mul3A_213, %add3A_387 : i32
      %add3A_389 = arith.constant 8 : i32
      %add3A_390 = arith.addi %add3A_388, %add3A_389 : i32
      %lt3A_391 = arith.constant 125 : i32
      %lt3A_392 = arith.cmpi slt, %add3A_390, %lt3A_391 : i32
      %convert_element_type3A_393 = arith.extui %lt3A_392 : i1 to i32
      %cond3A_394 = arith.constant 0 : i32
      %cond3A_395 = arith.cmpi ne, %convert_element_type3A_393, %cond3A_394 : i32
      scf.if %cond3A_395 {
        %add3A_414 = arith.constant 5 : i32
        %add3A_415 = arith.addi %mul3A_213, %add3A_414 : i32
        %dma_wait3A_416 = arith.constant 0 : i32
        %dma_wait3A_417 = tpu.memref_slice %arg7[%add3A_415, %dma_wait3A_416] : memref<125x80xi32, #tpu.memory_space<vmem>> -> memref<1x80xi32, #tpu.memory_space<vmem>>
        %dma_wait3A_418 = tpu.memref_squeeze %dma_wait3A_417 : memref<1x80xi32, #tpu.memory_space<vmem>> -> memref<80xi32, #tpu.memory_space<vmem>>
        %dma_wait3A_419 = arith.constant 0 : i32
        %dma_wait3A_420 = arith.constant 0 : i32
        %dma_wait3A_421 = tpu.memref_slice %arg9[%dma_wait3A_419, %dma_wait3A_420] : memref<10000x16xf32, #tpu.memory_space<vmem_shared>> -> memref<10000x16xf32, #tpu.memory_space<vmem_shared>>
        tpu.wait_indirect_dma semaphore(%arg31 : memref<!tpu.dma_semaphore, #tpu.memory_space<semaphore_mem>>) src(%arg15 : memref<80x16xf32, #tpu.memory_space<vmem>>) dst(%dma_wait3A_421 : memref<10000x16xf32, #tpu.memory_space<vmem_shared>>)
        %add3A_422 = arith.constant 5 : i32
        %add3A_423 = arith.addi %mul3A_213, %add3A_422 : i32
        %add3A_424 = arith.constant 8 : i32
        %add3A_425 = arith.addi %add3A_423, %add3A_424 : i32
        %mul3A_426 = arith.constant 80 : i32
        %mul3A_427 = arith.muli %add3A_425, %mul3A_426 : i32
        %dma_start3A_428 = tpu.memref_slice %arg5[%mul3A_427] : memref<10000xi32, #tpu.memory_space<vmem>> -> memref<80xi32, #tpu.memory_space<vmem>>
        %dma_start3A_429 = arith.constant 0 : i32
        %dma_start3A_430 = arith.constant 0 : i32
        %dma_start3A_431 = tpu.memref_slice %arg2[%dma_start3A_429, %dma_start3A_430] : memref<10000x16xf32, #tpu.memory_space<hbm>> -> memref<10000x16xf32, #tpu.memory_space<hbm>>
        tpu.enqueue_indirect_dma source(%dma_start3A_431 : memref<10000x16xf32, #tpu.memory_space<hbm>>) target(%arg15 : memref<80x16xf32, #tpu.memory_space<vmem>>) offsets(%dma_start3A_428 : memref<80xi32, #tpu.memory_space<vmem>>) semaphore(%arg23 : memref<!tpu.dma_semaphore, #tpu.memory_space<semaphore_mem>>)
      } else {
      }
      %add3A_396 = arith.constant 6 : i32
      %add3A_397 = arith.addi %mul3A_213, %add3A_396 : i32
      %add3A_398 = arith.constant 8 : i32
      %add3A_399 = arith.addi %add3A_397, %add3A_398 : i32
      %lt3A_400 = arith.constant 125 : i32
      %lt3A_401 = arith.cmpi slt, %add3A_399, %lt3A_400 : i32
      %convert_element_type3A_402 = arith.extui %lt3A_401 : i1 to i32
      %cond3A_403 = arith.constant 0 : i32
      %cond3A_404 = arith.cmpi ne, %convert_element_type3A_402, %cond3A_403 : i32
      scf.if %cond3A_404 {
        %add3A_414 = arith.constant 6 : i32
        %add3A_415 = arith.addi %mul3A_213, %add3A_414 : i32
        %dma_wait3A_416 = arith.constant 0 : i32
        %dma_wait3A_417 = tpu.memref_slice %arg7[%add3A_415, %dma_wait3A_416] : memref<125x80xi32, #tpu.memory_space<vmem>> -> memref<1x80xi32, #tpu.memory_space<vmem>>
        %dma_wait3A_418 = tpu.memref_squeeze %dma_wait3A_417 : memref<1x80xi32, #tpu.memory_space<vmem>> -> memref<80xi32, #tpu.memory_space<vmem>>
        %dma_wait3A_419 = arith.constant 0 : i32
        %dma_wait3A_420 = arith.constant 0 : i32
        %dma_wait3A_421 = tpu.memref_slice %arg9[%dma_wait3A_419, %dma_wait3A_420] : memref<10000x16xf32, #tpu.memory_space<vmem_shared>> -> memref<10000x16xf32, #tpu.memory_space<vmem_shared>>
        tpu.wait_indirect_dma semaphore(%arg32 : memref<!tpu.dma_semaphore, #tpu.memory_space<semaphore_mem>>) src(%arg16 : memref<80x16xf32, #tpu.memory_space<vmem>>) dst(%dma_wait3A_421 : memref<10000x16xf32, #tpu.memory_space<vmem_shared>>)
        %add3A_422 = arith.constant 6 : i32
        %add3A_423 = arith.addi %mul3A_213, %add3A_422 : i32
        %add3A_424 = arith.constant 8 : i32
        %add3A_425 = arith.addi %add3A_423, %add3A_424 : i32
        %mul3A_426 = arith.constant 80 : i32
        %mul3A_427 = arith.muli %add3A_425, %mul3A_426 : i32
        %dma_start3A_428 = tpu.memref_slice %arg5[%mul3A_427] : memref<10000xi32, #tpu.memory_space<vmem>> -> memref<80xi32, #tpu.memory_space<vmem>>
        %dma_start3A_429 = arith.constant 0 : i32
        %dma_start3A_430 = arith.constant 0 : i32
        %dma_start3A_431 = tpu.memref_slice %arg2[%dma_start3A_429, %dma_start3A_430] : memref<10000x16xf32, #tpu.memory_space<hbm>> -> memref<10000x16xf32, #tpu.memory_space<hbm>>
        tpu.enqueue_indirect_dma source(%dma_start3A_431 : memref<10000x16xf32, #tpu.memory_space<hbm>>) target(%arg16 : memref<80x16xf32, #tpu.memory_space<vmem>>) offsets(%dma_start3A_428 : memref<80xi32, #tpu.memory_space<vmem>>) semaphore(%arg24 : memref<!tpu.dma_semaphore, #tpu.memory_space<semaphore_mem>>)
      } else {
      }
      %add3A_405 = arith.constant 7 : i32
      %add3A_406 = arith.addi %mul3A_213, %add3A_405 : i32
      %add3A_407 = arith.constant 8 : i32
      %add3A_408 = arith.addi %add3A_406, %add3A_407 : i32
      %lt3A_409 = arith.constant 125 : i32
      %lt3A_410 = arith.cmpi slt, %add3A_408, %lt3A_409 : i32
      %convert_element_type3A_411 = arith.extui %lt3A_410 : i1 to i32
      %cond3A_412 = arith.constant 0 : i32
      %cond3A_413 = arith.cmpi ne, %convert_element_type3A_411, %cond3A_412 : i32
      scf.if %cond3A_413 {
        %add3A_414 = arith.constant 7 : i32
        %add3A_415 = arith.addi %mul3A_213, %add3A_414 : i32
        %dma_wait3A_416 = arith.constant 0 : i32
        %dma_wait3A_417 = tpu.memref_slice %arg7[%add3A_415, %dma_wait3A_416] : memref<125x80xi32, #tpu.memory_space<vmem>> -> memref<1x80xi32, #tpu.memory_space<vmem>>
        %dma_wait3A_418 = tpu.memref_squeeze %dma_wait3A_417 : memref<1x80xi32, #tpu.memory_space<vmem>> -> memref<80xi32, #tpu.memory_space<vmem>>
        %dma_wait3A_419 = arith.constant 0 : i32
        %dma_wait3A_420 = arith.constant 0 : i32
        %dma_wait3A_421 = tpu.memref_slice %arg9[%dma_wait3A_419, %dma_wait3A_420] : memref<10000x16xf32, #tpu.memory_space<vmem_shared>> -> memref<10000x16xf32, #tpu.memory_space<vmem_shared>>
        tpu.wait_indirect_dma semaphore(%arg33 : memref<!tpu.dma_semaphore, #tpu.memory_space<semaphore_mem>>) src(%arg17 : memref<80x16xf32, #tpu.memory_space<vmem>>) dst(%dma_wait3A_421 : memref<10000x16xf32, #tpu.memory_space<vmem_shared>>)
        %add3A_422 = arith.constant 7 : i32
        %add3A_423 = arith.addi %mul3A_213, %add3A_422 : i32
        %add3A_424 = arith.constant 8 : i32
        %add3A_425 = arith.addi %add3A_423, %add3A_424 : i32
        %mul3A_426 = arith.constant 80 : i32
        %mul3A_427 = arith.muli %add3A_425, %mul3A_426 : i32
        %dma_start3A_428 = tpu.memref_slice %arg5[%mul3A_427] : memref<10000xi32, #tpu.memory_space<vmem>> -> memref<80xi32, #tpu.memory_space<vmem>>
        %dma_start3A_429 = arith.constant 0 : i32
        %dma_start3A_430 = arith.constant 0 : i32
        %dma_start3A_431 = tpu.memref_slice %arg2[%dma_start3A_429, %dma_start3A_430] : memref<10000x16xf32, #tpu.memory_space<hbm>> -> memref<10000x16xf32, #tpu.memory_space<hbm>>
        tpu.enqueue_indirect_dma source(%dma_start3A_431 : memref<10000x16xf32, #tpu.memory_space<hbm>>) target(%arg17 : memref<80x16xf32, #tpu.memory_space<vmem>>) offsets(%dma_start3A_428 : memref<80xi32, #tpu.memory_space<vmem>>) semaphore(%arg25 : memref<!tpu.dma_semaphore, #tpu.memory_space<semaphore_mem>>)
      } else {
      }
    }
    %scan3A_84 = arith.constant 15 : i32
    %dma_wait3A_85 = arith.constant 9600 : i32
    %dma_wait3A_86 = tpu.memref_slice %arg5[%dma_wait3A_85] : memref<10000xi32, #tpu.memory_space<vmem>> -> memref<80xi32, #tpu.memory_space<vmem>>
    %dma_wait3A_87 = arith.constant 0 : i32
    %dma_wait3A_88 = arith.constant 0 : i32
    %dma_wait3A_89 = tpu.memref_slice %arg2[%dma_wait3A_87, %dma_wait3A_88] : memref<10000x16xf32, #tpu.memory_space<hbm>> -> memref<10000x16xf32, #tpu.memory_space<hbm>>
    tpu.wait_indirect_dma semaphore(%arg18 : memref<!tpu.dma_semaphore, #tpu.memory_space<semaphore_mem>>) src(%dma_wait3A_89 : memref<10000x16xf32, #tpu.memory_space<hbm>>) dst(%arg10 : memref<80x16xf32, #tpu.memory_space<vmem>>)
    %dma_start3A_90 = arith.constant 120 : i32
    %dma_start3A_91 = arith.constant 0 : i32
    %dma_start3A_92 = tpu.memref_slice %arg7[%dma_start3A_90, %dma_start3A_91] : memref<125x80xi32, #tpu.memory_space<vmem>> -> memref<1x80xi32, #tpu.memory_space<vmem>>
    %dma_start3A_93 = tpu.memref_squeeze %dma_start3A_92 : memref<1x80xi32, #tpu.memory_space<vmem>> -> memref<80xi32, #tpu.memory_space<vmem>>
    %dma_start3A_94 = arith.constant 0 : i32
    %dma_start3A_95 = arith.constant 0 : i32
    %dma_start3A_96 = tpu.memref_slice %arg9[%dma_start3A_94, %dma_start3A_95] : memref<10000x16xf32, #tpu.memory_space<vmem_shared>> -> memref<10000x16xf32, #tpu.memory_space<vmem_shared>>
    tpu.enqueue_indirect_dma source(%arg10 : memref<80x16xf32, #tpu.memory_space<vmem>>) target(%dma_start3A_96 : memref<10000x16xf32, #tpu.memory_space<vmem_shared>>) offsets(%dma_start3A_93 : memref<80xi32, #tpu.memory_space<vmem>>) semaphore(%arg26 : memref<!tpu.dma_semaphore, #tpu.memory_space<semaphore_mem>>) {add = true}
    %dma_wait3A_97 = arith.constant 9680 : i32
    %dma_wait3A_98 = tpu.memref_slice %arg5[%dma_wait3A_97] : memref<10000xi32, #tpu.memory_space<vmem>> -> memref<80xi32, #tpu.memory_space<vmem>>
    %dma_wait3A_99 = arith.constant 0 : i32
    %dma_wait3A_100 = arith.constant 0 : i32
    %dma_wait3A_101 = tpu.memref_slice %arg2[%dma_wait3A_99, %dma_wait3A_100] : memref<10000x16xf32, #tpu.memory_space<hbm>> -> memref<10000x16xf32, #tpu.memory_space<hbm>>
    tpu.wait_indirect_dma semaphore(%arg19 : memref<!tpu.dma_semaphore, #tpu.memory_space<semaphore_mem>>) src(%dma_wait3A_101 : memref<10000x16xf32, #tpu.memory_space<hbm>>) dst(%arg11 : memref<80x16xf32, #tpu.memory_space<vmem>>)
    %dma_start3A_102 = arith.constant 121 : i32
    %dma_start3A_103 = arith.constant 0 : i32
    %dma_start3A_104 = tpu.memref_slice %arg7[%dma_start3A_102, %dma_start3A_103] : memref<125x80xi32, #tpu.memory_space<vmem>> -> memref<1x80xi32, #tpu.memory_space<vmem>>
    %dma_start3A_105 = tpu.memref_squeeze %dma_start3A_104 : memref<1x80xi32, #tpu.memory_space<vmem>> -> memref<80xi32, #tpu.memory_space<vmem>>
    %dma_start3A_106 = arith.constant 0 : i32
    %dma_start3A_107 = arith.constant 0 : i32
    %dma_start3A_108 = tpu.memref_slice %arg9[%dma_start3A_106, %dma_start3A_107] : memref<10000x16xf32, #tpu.memory_space<vmem_shared>> -> memref<10000x16xf32, #tpu.memory_space<vmem_shared>>
    tpu.enqueue_indirect_dma source(%arg11 : memref<80x16xf32, #tpu.memory_space<vmem>>) target(%dma_start3A_108 : memref<10000x16xf32, #tpu.memory_space<vmem_shared>>) offsets(%dma_start3A_105 : memref<80xi32, #tpu.memory_space<vmem>>) semaphore(%arg27 : memref<!tpu.dma_semaphore, #tpu.memory_space<semaphore_mem>>) {add = true}
    %dma_wait3A_109 = arith.constant 9760 : i32
    %dma_wait3A_110 = tpu.memref_slice %arg5[%dma_wait3A_109] : memref<10000xi32, #tpu.memory_space<vmem>> -> memref<80xi32, #tpu.memory_space<vmem>>
    %dma_wait3A_111 = arith.constant 0 : i32
    %dma_wait3A_112 = arith.constant 0 : i32
    %dma_wait3A_113 = tpu.memref_slice %arg2[%dma_wait3A_111, %dma_wait3A_112] : memref<10000x16xf32, #tpu.memory_space<hbm>> -> memref<10000x16xf32, #tpu.memory_space<hbm>>
    tpu.wait_indirect_dma semaphore(%arg20 : memref<!tpu.dma_semaphore, #tpu.memory_space<semaphore_mem>>) src(%dma_wait3A_113 : memref<10000x16xf32, #tpu.memory_space<hbm>>) dst(%arg12 : memref<80x16xf32, #tpu.memory_space<vmem>>)
    %dma_start3A_114 = arith.constant 122 : i32
    %dma_start3A_115 = arith.constant 0 : i32
    %dma_start3A_116 = tpu.memref_slice %arg7[%dma_start3A_114, %dma_start3A_115] : memref<125x80xi32, #tpu.memory_space<vmem>> -> memref<1x80xi32, #tpu.memory_space<vmem>>
    %dma_start3A_117 = tpu.memref_squeeze %dma_start3A_116 : memref<1x80xi32, #tpu.memory_space<vmem>> -> memref<80xi32, #tpu.memory_space<vmem>>
    %dma_start3A_118 = arith.constant 0 : i32
    %dma_start3A_119 = arith.constant 0 : i32
    %dma_start3A_120 = tpu.memref_slice %arg9[%dma_start3A_118, %dma_start3A_119] : memref<10000x16xf32, #tpu.memory_space<vmem_shared>> -> memref<10000x16xf32, #tpu.memory_space<vmem_shared>>
    tpu.enqueue_indirect_dma source(%arg12 : memref<80x16xf32, #tpu.memory_space<vmem>>) target(%dma_start3A_120 : memref<10000x16xf32, #tpu.memory_space<vmem_shared>>) offsets(%dma_start3A_117 : memref<80xi32, #tpu.memory_space<vmem>>) semaphore(%arg28 : memref<!tpu.dma_semaphore, #tpu.memory_space<semaphore_mem>>) {add = true}
    %dma_wait3A_121 = arith.constant 9840 : i32
    %dma_wait3A_122 = tpu.memref_slice %arg5[%dma_wait3A_121] : memref<10000xi32, #tpu.memory_space<vmem>> -> memref<80xi32, #tpu.memory_space<vmem>>
    %dma_wait3A_123 = arith.constant 0 : i32
    %dma_wait3A_124 = arith.constant 0 : i32
    %dma_wait3A_125 = tpu.memref_slice %arg2[%dma_wait3A_123, %dma_wait3A_124] : memref<10000x16xf32, #tpu.memory_space<hbm>> -> memref<10000x16xf32, #tpu.memory_space<hbm>>
    tpu.wait_indirect_dma semaphore(%arg21 : memref<!tpu.dma_semaphore, #tpu.memory_space<semaphore_mem>>) src(%dma_wait3A_125 : memref<10000x16xf32, #tpu.memory_space<hbm>>) dst(%arg13 : memref<80x16xf32, #tpu.memory_space<vmem>>)
    %dma_start3A_126 = arith.constant 123 : i32
    %dma_start3A_127 = arith.constant 0 : i32
    %dma_start3A_128 = tpu.memref_slice %arg7[%dma_start3A_126, %dma_start3A_127] : memref<125x80xi32, #tpu.memory_space<vmem>> -> memref<1x80xi32, #tpu.memory_space<vmem>>
    %dma_start3A_129 = tpu.memref_squeeze %dma_start3A_128 : memref<1x80xi32, #tpu.memory_space<vmem>> -> memref<80xi32, #tpu.memory_space<vmem>>
    %dma_start3A_130 = arith.constant 0 : i32
    %dma_start3A_131 = arith.constant 0 : i32
    %dma_start3A_132 = tpu.memref_slice %arg9[%dma_start3A_130, %dma_start3A_131] : memref<10000x16xf32, #tpu.memory_space<vmem_shared>> -> memref<10000x16xf32, #tpu.memory_space<vmem_shared>>
    tpu.enqueue_indirect_dma source(%arg13 : memref<80x16xf32, #tpu.memory_space<vmem>>) target(%dma_start3A_132 : memref<10000x16xf32, #tpu.memory_space<vmem_shared>>) offsets(%dma_start3A_129 : memref<80xi32, #tpu.memory_space<vmem>>) semaphore(%arg29 : memref<!tpu.dma_semaphore, #tpu.memory_space<semaphore_mem>>) {add = true}
    %dma_wait3A_133 = arith.constant 9920 : i32
    %dma_wait3A_134 = tpu.memref_slice %arg5[%dma_wait3A_133] : memref<10000xi32, #tpu.memory_space<vmem>> -> memref<80xi32, #tpu.memory_space<vmem>>
    %dma_wait3A_135 = arith.constant 0 : i32
    %dma_wait3A_136 = arith.constant 0 : i32
    %dma_wait3A_137 = tpu.memref_slice %arg2[%dma_wait3A_135, %dma_wait3A_136] : memref<10000x16xf32, #tpu.memory_space<hbm>> -> memref<10000x16xf32, #tpu.memory_space<hbm>>
    tpu.wait_indirect_dma semaphore(%arg22 : memref<!tpu.dma_semaphore, #tpu.memory_space<semaphore_mem>>) src(%dma_wait3A_137 : memref<10000x16xf32, #tpu.memory_space<hbm>>) dst(%arg14 : memref<80x16xf32, #tpu.memory_space<vmem>>)
    %dma_start3A_138 = arith.constant 124 : i32
    %dma_start3A_139 = arith.constant 0 : i32
    %dma_start3A_140 = tpu.memref_slice %arg7[%dma_start3A_138, %dma_start3A_139] : memref<125x80xi32, #tpu.memory_space<vmem>> -> memref<1x80xi32, #tpu.memory_space<vmem>>
    %dma_start3A_141 = tpu.memref_squeeze %dma_start3A_140 : memref<1x80xi32, #tpu.memory_space<vmem>> -> memref<80xi32, #tpu.memory_space<vmem>>
    %dma_start3A_142 = arith.constant 0 : i32
    %dma_start3A_143 = arith.constant 0 : i32
    %dma_start3A_144 = tpu.memref_slice %arg9[%dma_start3A_142, %dma_start3A_143] : memref<10000x16xf32, #tpu.memory_space<vmem_shared>> -> memref<10000x16xf32, #tpu.memory_space<vmem_shared>>
    tpu.enqueue_indirect_dma source(%arg14 : memref<80x16xf32, #tpu.memory_space<vmem>>) target(%dma_start3A_144 : memref<10000x16xf32, #tpu.memory_space<vmem_shared>>) offsets(%dma_start3A_141 : memref<80xi32, #tpu.memory_space<vmem>>) semaphore(%arg30 : memref<!tpu.dma_semaphore, #tpu.memory_space<semaphore_mem>>) {add = true}
    %dma_wait3A_145 = arith.constant 0 : i32
    %dma_wait3A_146 = arith.constant 0 : i32
    %dma_wait3A_147 = tpu.memref_slice %arg7[%dma_wait3A_145, %dma_wait3A_146] : memref<125x80xi32, #tpu.memory_space<vmem>> -> memref<1x80xi32, #tpu.memory_space<vmem>>
    %dma_wait3A_148 = tpu.memref_squeeze %dma_wait3A_147 : memref<1x80xi32, #tpu.memory_space<vmem>> -> memref<80xi32, #tpu.memory_space<vmem>>
    %dma_wait3A_149 = arith.constant 0 : i32
    %dma_wait3A_150 = arith.constant 0 : i32
    %dma_wait3A_151 = tpu.memref_slice %arg9[%dma_wait3A_149, %dma_wait3A_150] : memref<10000x16xf32, #tpu.memory_space<vmem_shared>> -> memref<10000x16xf32, #tpu.memory_space<vmem_shared>>
    tpu.wait_indirect_dma semaphore(%arg26 : memref<!tpu.dma_semaphore, #tpu.memory_space<semaphore_mem>>) src(%arg10 : memref<80x16xf32, #tpu.memory_space<vmem>>) dst(%dma_wait3A_151 : memref<10000x16xf32, #tpu.memory_space<vmem_shared>>)
    %dma_wait3A_152 = arith.constant 0 : i32
    %dma_wait3A_153 = arith.constant 0 : i32
    %dma_wait3A_154 = tpu.memref_slice %arg7[%dma_wait3A_152, %dma_wait3A_153] : memref<125x80xi32, #tpu.memory_space<vmem>> -> memref<1x80xi32, #tpu.memory_space<vmem>>
    %dma_wait3A_155 = tpu.memref_squeeze %dma_wait3A_154 : memref<1x80xi32, #tpu.memory_space<vmem>> -> memref<80xi32, #tpu.memory_space<vmem>>
    %dma_wait3A_156 = arith.constant 0 : i32
    %dma_wait3A_157 = arith.constant 0 : i32
    %dma_wait3A_158 = tpu.memref_slice %arg9[%dma_wait3A_156, %dma_wait3A_157] : memref<10000x16xf32, #tpu.memory_space<vmem_shared>> -> memref<10000x16xf32, #tpu.memory_space<vmem_shared>>
    tpu.wait_indirect_dma semaphore(%arg27 : memref<!tpu.dma_semaphore, #tpu.memory_space<semaphore_mem>>) src(%arg11 : memref<80x16xf32, #tpu.memory_space<vmem>>) dst(%dma_wait3A_158 : memref<10000x16xf32, #tpu.memory_space<vmem_shared>>)
    %dma_wait3A_159 = arith.constant 0 : i32
    %dma_wait3A_160 = arith.constant 0 : i32
    %dma_wait3A_161 = tpu.memref_slice %arg7[%dma_wait3A_159, %dma_wait3A_160] : memref<125x80xi32, #tpu.memory_space<vmem>> -> memref<1x80xi32, #tpu.memory_space<vmem>>
    %dma_wait3A_162 = tpu.memref_squeeze %dma_wait3A_161 : memref<1x80xi32, #tpu.memory_space<vmem>> -> memref<80xi32, #tpu.memory_space<vmem>>
    %dma_wait3A_163 = arith.constant 0 : i32
    %dma_wait3A_164 = arith.constant 0 : i32
    %dma_wait3A_165 = tpu.memref_slice %arg9[%dma_wait3A_163, %dma_wait3A_164] : memref<10000x16xf32, #tpu.memory_space<vmem_shared>> -> memref<10000x16xf32, #tpu.memory_space<vmem_shared>>
    tpu.wait_indirect_dma semaphore(%arg28 : memref<!tpu.dma_semaphore, #tpu.memory_space<semaphore_mem>>) src(%arg12 : memref<80x16xf32, #tpu.memory_space<vmem>>) dst(%dma_wait3A_165 : memref<10000x16xf32, #tpu.memory_space<vmem_shared>>)
    %dma_wait3A_166 = arith.constant 0 : i32
    %dma_wait3A_167 = arith.constant 0 : i32
    %dma_wait3A_168 = tpu.memref_slice %arg7[%dma_wait3A_166, %dma_wait3A_167] : memref<125x80xi32, #tpu.memory_space<vmem>> -> memref<1x80xi32, #tpu.memory_space<vmem>>
    %dma_wait3A_169 = tpu.memref_squeeze %dma_wait3A_168 : memref<1x80xi32, #tpu.memory_space<vmem>> -> memref<80xi32, #tpu.memory_space<vmem>>
    %dma_wait3A_170 = arith.constant 0 : i32
    %dma_wait3A_171 = arith.constant 0 : i32
    %dma_wait3A_172 = tpu.memref_slice %arg9[%dma_wait3A_170, %dma_wait3A_171] : memref<10000x16xf32, #tpu.memory_space<vmem_shared>> -> memref<10000x16xf32, #tpu.memory_space<vmem_shared>>
    tpu.wait_indirect_dma semaphore(%arg29 : memref<!tpu.dma_semaphore, #tpu.memory_space<semaphore_mem>>) src(%arg13 : memref<80x16xf32, #tpu.memory_space<vmem>>) dst(%dma_wait3A_172 : memref<10000x16xf32, #tpu.memory_space<vmem_shared>>)
    %dma_wait3A_173 = arith.constant 0 : i32
    %dma_wait3A_174 = arith.constant 0 : i32
    %dma_wait3A_175 = tpu.memref_slice %arg7[%dma_wait3A_173, %dma_wait3A_174] : memref<125x80xi32, #tpu.memory_space<vmem>> -> memref<1x80xi32, #tpu.memory_space<vmem>>
    %dma_wait3A_176 = tpu.memref_squeeze %dma_wait3A_175 : memref<1x80xi32, #tpu.memory_space<vmem>> -> memref<80xi32, #tpu.memory_space<vmem>>
    %dma_wait3A_177 = arith.constant 0 : i32
    %dma_wait3A_178 = arith.constant 0 : i32
    %dma_wait3A_179 = tpu.memref_slice %arg9[%dma_wait3A_177, %dma_wait3A_178] : memref<10000x16xf32, #tpu.memory_space<vmem_shared>> -> memref<10000x16xf32, #tpu.memory_space<vmem_shared>>
    tpu.wait_indirect_dma semaphore(%arg30 : memref<!tpu.dma_semaphore, #tpu.memory_space<semaphore_mem>>) src(%arg14 : memref<80x16xf32, #tpu.memory_space<vmem>>) dst(%dma_wait3A_179 : memref<10000x16xf32, #tpu.memory_space<vmem_shared>>)
    %dma_wait3A_180 = arith.constant 0 : i32
    %dma_wait3A_181 = arith.constant 0 : i32
    %dma_wait3A_182 = tpu.memref_slice %arg7[%dma_wait3A_180, %dma_wait3A_181] : memref<125x80xi32, #tpu.memory_space<vmem>> -> memref<1x80xi32, #tpu.memory_space<vmem>>
    %dma_wait3A_183 = tpu.memref_squeeze %dma_wait3A_182 : memref<1x80xi32, #tpu.memory_space<vmem>> -> memref<80xi32, #tpu.memory_space<vmem>>
    %dma_wait3A_184 = arith.constant 0 : i32
    %dma_wait3A_185 = arith.constant 0 : i32
    %dma_wait3A_186 = tpu.memref_slice %arg9[%dma_wait3A_184, %dma_wait3A_185] : memref<10000x16xf32, #tpu.memory_space<vmem_shared>> -> memref<10000x16xf32, #tpu.memory_space<vmem_shared>>
    tpu.wait_indirect_dma semaphore(%arg31 : memref<!tpu.dma_semaphore, #tpu.memory_space<semaphore_mem>>) src(%arg15 : memref<80x16xf32, #tpu.memory_space<vmem>>) dst(%dma_wait3A_186 : memref<10000x16xf32, #tpu.memory_space<vmem_shared>>)
    %dma_wait3A_187 = arith.constant 0 : i32
    %dma_wait3A_188 = arith.constant 0 : i32
    %dma_wait3A_189 = tpu.memref_slice %arg7[%dma_wait3A_187, %dma_wait3A_188] : memref<125x80xi32, #tpu.memory_space<vmem>> -> memref<1x80xi32, #tpu.memory_space<vmem>>
    %dma_wait3A_190 = tpu.memref_squeeze %dma_wait3A_189 : memref<1x80xi32, #tpu.memory_space<vmem>> -> memref<80xi32, #tpu.memory_space<vmem>>
    %dma_wait3A_191 = arith.constant 0 : i32
    %dma_wait3A_192 = arith.constant 0 : i32
    %dma_wait3A_193 = tpu.memref_slice %arg9[%dma_wait3A_191, %dma_wait3A_192] : memref<10000x16xf32, #tpu.memory_space<vmem_shared>> -> memref<10000x16xf32, #tpu.memory_space<vmem_shared>>
    tpu.wait_indirect_dma semaphore(%arg32 : memref<!tpu.dma_semaphore, #tpu.memory_space<semaphore_mem>>) src(%arg16 : memref<80x16xf32, #tpu.memory_space<vmem>>) dst(%dma_wait3A_193 : memref<10000x16xf32, #tpu.memory_space<vmem_shared>>)
    %dma_wait3A_194 = arith.constant 0 : i32
    %dma_wait3A_195 = arith.constant 0 : i32
    %dma_wait3A_196 = tpu.memref_slice %arg7[%dma_wait3A_194, %dma_wait3A_195] : memref<125x80xi32, #tpu.memory_space<vmem>> -> memref<1x80xi32, #tpu.memory_space<vmem>>
    %dma_wait3A_197 = tpu.memref_squeeze %dma_wait3A_196 : memref<1x80xi32, #tpu.memory_space<vmem>> -> memref<80xi32, #tpu.memory_space<vmem>>
    %dma_wait3A_198 = arith.constant 0 : i32
    %dma_wait3A_199 = arith.constant 0 : i32
    %dma_wait3A_200 = tpu.memref_slice %arg9[%dma_wait3A_198, %dma_wait3A_199] : memref<10000x16xf32, #tpu.memory_space<vmem_shared>> -> memref<10000x16xf32, #tpu.memory_space<vmem_shared>>
    tpu.wait_indirect_dma semaphore(%arg33 : memref<!tpu.dma_semaphore, #tpu.memory_space<semaphore_mem>>) src(%arg17 : memref<80x16xf32, #tpu.memory_space<vmem>>) dst(%dma_wait3A_200 : memref<10000x16xf32, #tpu.memory_space<vmem_shared>>)
    %barrier3A_201 = arith.constant 0 : index
    tpu.barrier barrier_id(%barrier3A_201)
    %lt3A = arith.constant 15 : i32
    %lt3A_202 = arith.cmpi slt, %arg1, %lt3A : i32
    %convert_element_type3A_203 = arith.extui %lt3A_202 : i1 to i32
    %cond3A_204 = arith.constant 0 : i32
    %cond3A_205 = arith.cmpi ne, %convert_element_type3A_203, %cond3A_204 : i32
    scf.if %cond3A_205 {
      %mul3A_211 = arith.constant 632 : i32
      %mul3A_212 = arith.muli %arg1, %mul3A_211 : i32
      %mul3A_213 = arith.constant 632 : i32
      %mul3A_214 = arith.muli %arg1, %mul3A_213 : i32
      "tpu.region"() ({
        %run_scoped3A = tpu.sem_alloc : memref<!tpu.dma_semaphore, #tpu.memory_space<semaphore_mem>>
        %dma_start3A_215 = arith.constant 0 : i32
        %dma_start3A_216 = tpu.memref_slice %arg4[%arg0, %mul3A_214, %dma_start3A_215] : memref<2x10000x16xf32, #tpu.memory_space<hbm>> -> memref<1x632x16xf32, #tpu.memory_space<hbm>>
        %dma_start3A_217 = tpu.memref_squeeze %dma_start3A_216 : memref<1x632x16xf32, #tpu.memory_space<hbm>> -> memref<632x16xf32, #tpu.memory_space<hbm>>
        %dma_start3A_218 = arith.constant 0 : i32
        %dma_start3A_219 = tpu.memref_slice %arg9[%mul3A_212, %dma_start3A_218] : memref<10000x16xf32, #tpu.memory_space<vmem_shared>> -> memref<632x16xf32, #tpu.memory_space<vmem_shared>>
        tpu.enqueue_dma source(%dma_start3A_219 : memref<632x16xf32, #tpu.memory_space<vmem_shared>>) target(%dma_start3A_217 : memref<632x16xf32, #tpu.memory_space<hbm>>) target_semaphore(%run_scoped3A : memref<!tpu.dma_semaphore, #tpu.memory_space<semaphore_mem>>)
        %dma_wait3A_220 = arith.constant 0 : i32
        %dma_wait3A_221 = tpu.memref_slice %arg4[%arg0, %mul3A_214, %dma_wait3A_220] : memref<2x10000x16xf32, #tpu.memory_space<hbm>> -> memref<1x632x16xf32, #tpu.memory_space<hbm>>
        %dma_wait3A_222 = tpu.memref_squeeze %dma_wait3A_221 : memref<1x632x16xf32, #tpu.memory_space<hbm>> -> memref<632x16xf32, #tpu.memory_space<hbm>>
        %dma_wait3A_223 = arith.constant 0 : i32
        %dma_wait3A_224 = tpu.memref_slice %arg9[%mul3A_212, %dma_wait3A_223] : memref<10000x16xf32, #tpu.memory_space<vmem_shared>> -> memref<632x16xf32, #tpu.memory_space<vmem_shared>>
        tpu.wait_dma2 semaphore(%run_scoped3A : memref<!tpu.dma_semaphore, #tpu.memory_space<semaphore_mem>>) src(%dma_wait3A_224 : memref<632x16xf32, #tpu.memory_space<vmem_shared>>) dst(%dma_wait3A_222 : memref<632x16xf32, #tpu.memory_space<hbm>>)
        tpu.yield
      }) : () -> ()
    } else {
    }
    %eq3A_206 = arith.constant 15 : i32
    %eq3A_207 = arith.cmpi eq, %arg1, %eq3A_206 : i32
    %convert_element_type3A_208 = arith.extui %eq3A_207 : i1 to i32
    %cond3A_209 = arith.constant 0 : i32
    %cond3A_210 = arith.cmpi ne, %convert_element_type3A_208, %cond3A_209 : i32
    scf.if %cond3A_210 {
      "tpu.region"() ({
        %run_scoped3A = tpu.sem_alloc : memref<!tpu.dma_semaphore, #tpu.memory_space<semaphore_mem>>
        %dma_start3A_211 = arith.constant 9480 : i32
        %dma_start3A_212 = arith.constant 0 : i32
        %dma_start3A_213 = tpu.memref_slice %arg4[%arg0, %dma_start3A_211, %dma_start3A_212] : memref<2x10000x16xf32, #tpu.memory_space<hbm>> -> memref<1x520x16xf32, #tpu.memory_space<hbm>>
        %dma_start3A_214 = tpu.memref_squeeze %dma_start3A_213 : memref<1x520x16xf32, #tpu.memory_space<hbm>> -> memref<520x16xf32, #tpu.memory_space<hbm>>
        %dma_start3A_215 = arith.constant 9480 : i32
        %dma_start3A_216 = arith.constant 0 : i32
        %dma_start3A_217 = tpu.memref_slice %arg9[%dma_start3A_215, %dma_start3A_216] : memref<10000x16xf32, #tpu.memory_space<vmem_shared>> -> memref<520x16xf32, #tpu.memory_space<vmem_shared>>
        tpu.enqueue_dma source(%dma_start3A_217 : memref<520x16xf32, #tpu.memory_space<vmem_shared>>) target(%dma_start3A_214 : memref<520x16xf32, #tpu.memory_space<hbm>>) target_semaphore(%run_scoped3A : memref<!tpu.dma_semaphore, #tpu.memory_space<semaphore_mem>>)
        %dma_wait3A_218 = arith.constant 9480 : i32
        %dma_wait3A_219 = arith.constant 0 : i32
        %dma_wait3A_220 = tpu.memref_slice %arg4[%arg0, %dma_wait3A_218, %dma_wait3A_219] : memref<2x10000x16xf32, #tpu.memory_space<hbm>> -> memref<1x520x16xf32, #tpu.memory_space<hbm>>
        %dma_wait3A_221 = tpu.memref_squeeze %dma_wait3A_220 : memref<1x520x16xf32, #tpu.memory_space<hbm>> -> memref<520x16xf32, #tpu.memory_space<hbm>>
        %dma_wait3A_222 = arith.constant 9480 : i32
        %dma_wait3A_223 = arith.constant 0 : i32
        %dma_wait3A_224 = tpu.memref_slice %arg9[%dma_wait3A_222, %dma_wait3A_223] : memref<10000x16xf32, #tpu.memory_space<vmem_shared>> -> memref<520x16xf32, #tpu.memory_space<vmem_shared>>
        tpu.wait_dma2 semaphore(%run_scoped3A : memref<!tpu.dma_semaphore, #tpu.memory_space<semaphore_mem>>) src(%dma_wait3A_224 : memref<520x16xf32, #tpu.memory_space<vmem_shared>>) dst(%dma_wait3A_221 : memref<520x16xf32, #tpu.memory_space<hbm>>)
        tpu.yield
      }) : () -> ()
    } else {
    }
    return
  }
}

#map = affine_map<(d0, d1) -> (0, 0)>
#map1 = affine_map<(d0, d1) -> (0, 0, 0)>
module attributes {stable_mosaic.version = 14 : i64} {
  func.func @k_fn(%arg0: i32, %arg1: i32, %arg2: memref<10000x16xf32, #tpu.memory_space<hbm>>, %arg3: memref<2x320000xi32, #tpu.memory_space<hbm>>, %arg4: memref<2x10000x16xf32, #tpu.memory_space<hbm>>, %arg5: memref<10000xi32, #tpu.memory_space<vmem>>, %arg6: memref<10000xi32, #tpu.memory_space<vmem>>, %arg7: memref<125x80xi32, #tpu.memory_space<vmem>>, %arg8: memref<632x16xf32, #tpu.memory_space<vmem>>, %arg9: memref<10000x16xf32, #tpu.memory_space<vmem_shared>>, %arg10: memref<80x16xf32, #tpu.memory_space<vmem>>, %arg11: memref<80x16xf32, #tpu.memory_space<vmem>>, %arg12: memref<80x16xf32, #tpu.memory_space<vmem>>, %arg13: memref<80x16xf32, #tpu.memory_space<vmem>>, %arg14: memref<80x16xf32, #tpu.memory_space<vmem>>, %arg15: memref<80x16xf32, #tpu.memory_space<vmem>>, %arg16: memref<80x16xf32, #tpu.memory_space<vmem>>, %arg17: memref<80x16xf32, #tpu.memory_space<vmem>>, %arg18: memref<!tpu.dma_semaphore, #tpu.memory_space<semaphore_mem>>, %arg19: memref<!tpu.dma_semaphore, #tpu.memory_space<semaphore_mem>>, %arg20: memref<!tpu.dma_semaphore, #tpu.memory_space<semaphore_mem>>, %arg21: memref<!tpu.dma_semaphore, #tpu.memory_space<semaphore_mem>>, %arg22: memref<!tpu.dma_semaphore, #tpu.memory_space<semaphore_mem>>, %arg23: memref<!tpu.dma_semaphore, #tpu.memory_space<semaphore_mem>>, %arg24: memref<!tpu.dma_semaphore, #tpu.memory_space<semaphore_mem>>, %arg25: memref<!tpu.dma_semaphore, #tpu.memory_space<semaphore_mem>>, %arg26: memref<!tpu.dma_semaphore, #tpu.memory_space<semaphore_mem>>, %arg27: memref<!tpu.dma_semaphore, #tpu.memory_space<semaphore_mem>>, %arg28: memref<!tpu.dma_semaphore, #tpu.memory_space<semaphore_mem>>, %arg29: memref<!tpu.dma_semaphore, #tpu.memory_space<semaphore_mem>>, %arg30: memref<!tpu.dma_semaphore, #tpu.memory_space<semaphore_mem>>, %arg31: memref<!tpu.dma_semaphore, #tpu.memory_space<semaphore_mem>>, %arg32: memref<!tpu.dma_semaphore, #tpu.memory_space<semaphore_mem>>, %arg33: memref<!tpu.dma_semaphore, #tpu.memory_space<semaphore_mem>>) attributes {dimension_semantics = [#tpu.dimension_semantics<core_parallel>, #tpu.dimension_semantics<subcore_parallel>], iteration_bounds = array<i64: 2, 16>, scalar_prefetch = 0 : i64, scratch_operands = 29 : i64, tpu.core_type = #tpu.core_type<sc_vector_subcore>, window_params = [{transform_indices = #map}, {transform_indices = #map}, {transform_indices = #map1}]} {
    %mul3A = arith.constant 16 : i32
    %mul3A_0 = arith.muli %arg0, %mul3A : i32
    %add3A = arith.addi %mul3A_0, %arg1 : i32
    %mul3A_1 = arith.constant 10000 : i32
    %mul3A_2 = arith.muli %add3A, %mul3A_1 : i32
    %dma_start3A = arith.constant 0 : i32
    %dma_start3A_3 = tpu.memref_slice %arg3[%dma_start3A, %mul3A_2] : memref<2x320000xi32, #tpu.memory_space<hbm>> -> memref<1x10000xi32, #tpu.memory_space<hbm>>
    %dma_start3A_4 = tpu.memref_squeeze %dma_start3A_3 : memref<1x10000xi32, #tpu.memory_space<hbm>> -> memref<10000xi32, #tpu.memory_space<hbm>>
    %dma_start3A_5 = tpu.memref_slice %arg3[%dma_start3A, %mul3A_2] : memref<2x320000xi32, #tpu.memory_space<hbm>> -> memref<1x10000xi32, #tpu.memory_space<hbm>>
    %dma_start3A_6 = tpu.memref_squeeze %dma_start3A_5 : memref<1x10000xi32, #tpu.memory_space<hbm>> -> memref<10000xi32, #tpu.memory_space<hbm>>
    tpu.enqueue_dma source(%dma_start3A_6 : memref<10000xi32, #tpu.memory_space<hbm>>) target(%arg5 : memref<10000xi32, #tpu.memory_space<vmem>>) target_semaphore(%arg18 : memref<!tpu.dma_semaphore, #tpu.memory_space<semaphore_mem>>)
    %mul3A_7 = arith.constant 10000 : i32
    %mul3A_8 = arith.muli %add3A, %mul3A_7 : i32
    %dma_start3A_9 = arith.constant 1 : i32
    %dma_start3A_10 = tpu.memref_slice %arg3[%dma_start3A_9, %mul3A_8] : memref<2x320000xi32, #tpu.memory_space<hbm>> -> memref<1x10000xi32, #tpu.memory_space<hbm>>
    %dma_start3A_11 = tpu.memref_squeeze %dma_start3A_10 : memref<1x10000xi32, #tpu.memory_space<hbm>> -> memref<10000xi32, #tpu.memory_space<hbm>>
    %dma_start3A_12 = tpu.memref_slice %arg3[%dma_start3A_9, %mul3A_8] : memref<2x320000xi32, #tpu.memory_space<hbm>> -> memref<1x10000xi32, #tpu.memory_space<hbm>>
    %dma_start3A_13 = tpu.memref_squeeze %dma_start3A_12 : memref<1x10000xi32, #tpu.memory_space<hbm>> -> memref<10000xi32, #tpu.memory_space<hbm>>
    tpu.enqueue_dma source(%dma_start3A_13 : memref<10000xi32, #tpu.memory_space<hbm>>) target(%arg6 : memref<10000xi32, #tpu.memory_space<vmem>>) target_semaphore(%arg19 : memref<!tpu.dma_semaphore, #tpu.memory_space<semaphore_mem>>)
    %eq3A = arith.constant 0 : i32
    %eq3A_14 = arith.cmpi eq, %arg0, %eq3A : i32
    %convert_element_type3A = arith.extui %eq3A_14 : i1 to i32
    %cond3A = arith.constant 0 : i32
    %cond3A_15 = arith.cmpi ne, %convert_element_type3A, %cond3A : i32
    scf.if %cond3A_15 {
      %lt3A_211 = arith.constant 15 : i32
      %lt3A_212 = arith.cmpi slt, %arg1, %lt3A_211 : i32
      %convert_element_type3A_213 = arith.extui %lt3A_212 : i1 to i32
      %cond3A_214 = arith.constant 0 : i32
      %cond3A_215 = arith.cmpi ne, %convert_element_type3A_213, %cond3A_214 : i32
      scf.if %cond3A_215 {
        %mul3A_221 = arith.constant 632 : i32
        %mul3A_222 = arith.muli %arg1, %mul3A_221 : i32
        %mul3A_223 = arith.constant 632 : i32
        %mul3A_224 = arith.muli %arg1, %mul3A_223 : i32
        "tpu.region"() ({
          %run_scoped3A = tpu.sem_alloc : memref<!tpu.dma_semaphore, #tpu.memory_space<semaphore_mem>>
          %dma_start3A_225 = arith.constant 0 : i32
          %dma_start3A_226 = tpu.memref_slice %arg9[%mul3A_224, %dma_start3A_225] : memref<10000x16xf32, #tpu.memory_space<vmem_shared>> -> memref<632x16xf32, #tpu.memory_space<vmem_shared>>
          %dma_start3A_227 = arith.constant 0 : i32
          %dma_start3A_228 = tpu.memref_slice %arg2[%mul3A_222, %dma_start3A_227] : memref<10000x16xf32, #tpu.memory_space<hbm>> -> memref<632x16xf32, #tpu.memory_space<hbm>>
          tpu.enqueue_dma source(%dma_start3A_228 : memref<632x16xf32, #tpu.memory_space<hbm>>) target(%dma_start3A_226 : memref<632x16xf32, #tpu.memory_space<vmem_shared>>) target_semaphore(%run_scoped3A : memref<!tpu.dma_semaphore, #tpu.memory_space<semaphore_mem>>)
          %dma_wait3A_229 = arith.constant 0 : i32
          %dma_wait3A_230 = tpu.memref_slice %arg9[%mul3A_224, %dma_wait3A_229] : memref<10000x16xf32, #tpu.memory_space<vmem_shared>> -> memref<632x16xf32, #tpu.memory_space<vmem_shared>>
          %dma_wait3A_231 = arith.constant 0 : i32
          %dma_wait3A_232 = tpu.memref_slice %arg2[%mul3A_222, %dma_wait3A_231] : memref<10000x16xf32, #tpu.memory_space<hbm>> -> memref<632x16xf32, #tpu.memory_space<hbm>>
          tpu.wait_dma2 semaphore(%run_scoped3A : memref<!tpu.dma_semaphore, #tpu.memory_space<semaphore_mem>>) src(%dma_wait3A_232 : memref<632x16xf32, #tpu.memory_space<hbm>>) dst(%dma_wait3A_230 : memref<632x16xf32, #tpu.memory_space<vmem_shared>>)
          tpu.yield
        }) : () -> ()
      } else {
      }
      %eq3A_216 = arith.constant 15 : i32
      %eq3A_217 = arith.cmpi eq, %arg1, %eq3A_216 : i32
      %convert_element_type3A_218 = arith.extui %eq3A_217 : i1 to i32
      %cond3A_219 = arith.constant 0 : i32
      %cond3A_220 = arith.cmpi ne, %convert_element_type3A_218, %cond3A_219 : i32
      scf.if %cond3A_220 {
        "tpu.region"() ({
          %run_scoped3A = tpu.sem_alloc : memref<!tpu.dma_semaphore, #tpu.memory_space<semaphore_mem>>
          %dma_start3A_221 = arith.constant 9480 : i32
          %dma_start3A_222 = arith.constant 0 : i32
          %dma_start3A_223 = tpu.memref_slice %arg9[%dma_start3A_221, %dma_start3A_222] : memref<10000x16xf32, #tpu.memory_space<vmem_shared>> -> memref<520x16xf32, #tpu.memory_space<vmem_shared>>
          %dma_start3A_224 = arith.constant 9480 : i32
          %dma_start3A_225 = arith.constant 0 : i32
          %dma_start3A_226 = tpu.memref_slice %arg2[%dma_start3A_224, %dma_start3A_225] : memref<10000x16xf32, #tpu.memory_space<hbm>> -> memref<520x16xf32, #tpu.memory_space<hbm>>
          tpu.enqueue_dma source(%dma_start3A_226 : memref<520x16xf32, #tpu.memory_space<hbm>>) target(%dma_start3A_223 : memref<520x16xf32, #tpu.memory_space<vmem_shared>>) target_semaphore(%run_scoped3A : memref<!tpu.dma_semaphore, #tpu.memory_space<semaphore_mem>>)
          %dma_wait3A_227 = arith.constant 9480 : i32
          %dma_wait3A_228 = arith.constant 0 : i32
          %dma_wait3A_229 = tpu.memref_slice %arg9[%dma_wait3A_227, %dma_wait3A_228] : memref<10000x16xf32, #tpu.memory_space<vmem_shared>> -> memref<520x16xf32, #tpu.memory_space<vmem_shared>>
          %dma_wait3A_230 = arith.constant 9480 : i32
          %dma_wait3A_231 = arith.constant 0 : i32
          %dma_wait3A_232 = tpu.memref_slice %arg2[%dma_wait3A_230, %dma_wait3A_231] : memref<10000x16xf32, #tpu.memory_space<hbm>> -> memref<520x16xf32, #tpu.memory_space<hbm>>
          tpu.wait_dma2 semaphore(%run_scoped3A : memref<!tpu.dma_semaphore, #tpu.memory_space<semaphore_mem>>) src(%dma_wait3A_232 : memref<520x16xf32, #tpu.memory_space<hbm>>) dst(%dma_wait3A_229 : memref<520x16xf32, #tpu.memory_space<vmem_shared>>)
          tpu.yield
        }) : () -> ()
      } else {
      }
    } else {
    }
    %eq3A_16 = arith.constant 1 : i32
    %eq3A_17 = arith.cmpi eq, %arg0, %eq3A_16 : i32
    %convert_element_type3A_18 = arith.extui %eq3A_17 : i1 to i32
    %cond3A_19 = arith.constant 0 : i32
    %cond3A_20 = arith.cmpi ne, %convert_element_type3A_18, %cond3A_19 : i32
    scf.if %cond3A_20 {
      %scan3A_211 = arith.constant 0 : i32
      %scan3A_212 = arith.constant 0 : i32
      %scan3A_213 = arith.constant 79 : i32
      %scan3A_214 = arith.addi %scan3A_212, %scan3A_213 : i32
      %scan3A_215 = arith.constant 1 : i32
      scf.for %scan3A_227 = %scan3A_212 to %scan3A_214 step %scan3A_215  : i32 {
        %broadcast_in_dim3A = arith.constant 0.000000e+00 : f32
        %broadcast_in_dim3A_228 = vector.broadcast %broadcast_in_dim3A : f32 to vector<16xf32>
        %mul3A_229 = arith.constant 8 : i32
        %mul3A_230 = arith.muli %mul3A_229, %scan3A_227 : i32
        %add3A_231 = arith.constant 0 : i32
        %add3A_232 = arith.addi %mul3A_230, %add3A_231 : i32
        %swap3A = arith.index_cast %add3A_232 : i32 to index
        %swap3A_233 = arith.constant 0 : index
        %swap3A_234 = tpu.vector_load %arg8[%swap3A, %swap3A_233] {strides = array<i32>} : memref<632x16xf32, #tpu.memory_space<vmem>>, vector<1x16xf32>,
        %swap3A_235 = vector.shape_cast %swap3A_234 : vector<1x16xf32> to vector<16xf32>
        %swap3A_236 = vector.shape_cast %broadcast_in_dim3A_228 : vector<16xf32> to vector<1x16xf32>
        tpu.vector_store %arg8[%swap3A, %swap3A_233], %swap3A_236 {strides = array<i32>} : memref<632x16xf32, #tpu.memory_space<vmem>>, vector<1x16xf32>,
        %broadcast_in_dim3A_237 = arith.constant 0.000000e+00 : f32
        %broadcast_in_dim3A_238 = vector.broadcast %broadcast_in_dim3A_237 : f32 to vector<16xf32>
        %mul3A_239 = arith.constant 8 : i32
        %mul3A_240 = arith.muli %mul3A_239, %scan3A_227 : i32
        %add3A_241 = arith.constant 1 : i32
        %add3A_242 = arith.addi %mul3A_240, %add3A_241 : i32
        %swap3A_243 = arith.index_cast %add3A_242 : i32 to index
        %swap3A_244 = arith.constant 0 : index
        %swap3A_245 = tpu.vector_load %arg8[%swap3A_243, %swap3A_244] {strides = array<i32>} : memref<632x16xf32, #tpu.memory_space<vmem>>, vector<1x16xf32>,
        %swap3A_246 = vector.shape_cast %swap3A_245 : vector<1x16xf32> to vector<16xf32>
        %swap3A_247 = vector.shape_cast %broadcast_in_dim3A_238 : vector<16xf32> to vector<1x16xf32>
        tpu.vector_store %arg8[%swap3A_243, %swap3A_244], %swap3A_247 {strides = array<i32>} : memref<632x16xf32, #tpu.memory_space<vmem>>, vector<1x16xf32>,
        %broadcast_in_dim3A_248 = arith.constant 0.000000e+00 : f32
        %broadcast_in_dim3A_249 = vector.broadcast %broadcast_in_dim3A_248 : f32 to vector<16xf32>
        %mul3A_250 = arith.constant 8 : i32
        %mul3A_251 = arith.muli %mul3A_250, %scan3A_227 : i32
        %add3A_252 = arith.constant 2 : i32
        %add3A_253 = arith.addi %mul3A_251, %add3A_252 : i32
        %swap3A_254 = arith.index_cast %add3A_253 : i32 to index
        %swap3A_255 = arith.constant 0 : index
        %swap3A_256 = tpu.vector_load %arg8[%swap3A_254, %swap3A_255] {strides = array<i32>} : memref<632x16xf32, #tpu.memory_space<vmem>>, vector<1x16xf32>,
        %swap3A_257 = vector.shape_cast %swap3A_256 : vector<1x16xf32> to vector<16xf32>
        %swap3A_258 = vector.shape_cast %broadcast_in_dim3A_249 : vector<16xf32> to vector<1x16xf32>
        tpu.vector_store %arg8[%swap3A_254, %swap3A_255], %swap3A_258 {strides = array<i32>} : memref<632x16xf32, #tpu.memory_space<vmem>>, vector<1x16xf32>,
        %broadcast_in_dim3A_259 = arith.constant 0.000000e+00 : f32
        %broadcast_in_dim3A_260 = vector.broadcast %broadcast_in_dim3A_259 : f32 to vector<16xf32>
        %mul3A_261 = arith.constant 8 : i32
        %mul3A_262 = arith.muli %mul3A_261, %scan3A_227 : i32
        %add3A_263 = arith.constant 3 : i32
        %add3A_264 = arith.addi %mul3A_262, %add3A_263 : i32
        %swap3A_265 = arith.index_cast %add3A_264 : i32 to index
        %swap3A_266 = arith.constant 0 : index
        %swap3A_267 = tpu.vector_load %arg8[%swap3A_265, %swap3A_266] {strides = array<i32>} : memref<632x16xf32, #tpu.memory_space<vmem>>, vector<1x16xf32>,
        %swap3A_268 = vector.shape_cast %swap3A_267 : vector<1x16xf32> to vector<16xf32>
        %swap3A_269 = vector.shape_cast %broadcast_in_dim3A_260 : vector<16xf32> to vector<1x16xf32>
        tpu.vector_store %arg8[%swap3A_265, %swap3A_266], %swap3A_269 {strides = array<i32>} : memref<632x16xf32, #tpu.memory_space<vmem>>, vector<1x16xf32>,
        %broadcast_in_dim3A_270 = arith.constant 0.000000e+00 : f32
        %broadcast_in_dim3A_271 = vector.broadcast %broadcast_in_dim3A_270 : f32 to vector<16xf32>
        %mul3A_272 = arith.constant 8 : i32
        %mul3A_273 = arith.muli %mul3A_272, %scan3A_227 : i32
        %add3A_274 = arith.constant 4 : i32
        %add3A_275 = arith.addi %mul3A_273, %add3A_274 : i32
        %swap3A_276 = arith.index_cast %add3A_275 : i32 to index
        %swap3A_277 = arith.constant 0 : index
        %swap3A_278 = tpu.vector_load %arg8[%swap3A_276, %swap3A_277] {strides = array<i32>} : memref<632x16xf32, #tpu.memory_space<vmem>>, vector<1x16xf32>,
        %swap3A_279 = vector.shape_cast %swap3A_278 : vector<1x16xf32> to vector<16xf32>
        %swap3A_280 = vector.shape_cast %broadcast_in_dim3A_271 : vector<16xf32> to vector<1x16xf32>
        tpu.vector_store %arg8[%swap3A_276, %swap3A_277], %swap3A_280 {strides = array<i32>} : memref<632x16xf32, #tpu.memory_space<vmem>>, vector<1x16xf32>,
        %broadcast_in_dim3A_281 = arith.constant 0.000000e+00 : f32
        %broadcast_in_dim3A_282 = vector.broadcast %broadcast_in_dim3A_281 : f32 to vector<16xf32>
        %mul3A_283 = arith.constant 8 : i32
        %mul3A_284 = arith.muli %mul3A_283, %scan3A_227 : i32
        %add3A_285 = arith.constant 5 : i32
        %add3A_286 = arith.addi %mul3A_284, %add3A_285 : i32
        %swap3A_287 = arith.index_cast %add3A_286 : i32 to index
        %swap3A_288 = arith.constant 0 : index
        %swap3A_289 = tpu.vector_load %arg8[%swap3A_287, %swap3A_288] {strides = array<i32>} : memref<632x16xf32, #tpu.memory_space<vmem>>, vector<1x16xf32>,
        %swap3A_290 = vector.shape_cast %swap3A_289 : vector<1x16xf32> to vector<16xf32>
        %swap3A_291 = vector.shape_cast %broadcast_in_dim3A_282 : vector<16xf32> to vector<1x16xf32>
        tpu.vector_store %arg8[%swap3A_287, %swap3A_288], %swap3A_291 {strides = array<i32>} : memref<632x16xf32, #tpu.memory_space<vmem>>, vector<1x16xf32>,
        %broadcast_in_dim3A_292 = arith.constant 0.000000e+00 : f32
        %broadcast_in_dim3A_293 = vector.broadcast %broadcast_in_dim3A_292 : f32 to vector<16xf32>
        %mul3A_294 = arith.constant 8 : i32
        %mul3A_295 = arith.muli %mul3A_294, %scan3A_227 : i32
        %add3A_296 = arith.constant 6 : i32
        %add3A_297 = arith.addi %mul3A_295, %add3A_296 : i32
        %swap3A_298 = arith.index_cast %add3A_297 : i32 to index
        %swap3A_299 = arith.constant 0 : index
        %swap3A_300 = tpu.vector_load %arg8[%swap3A_298, %swap3A_299] {strides = array<i32>} : memref<632x16xf32, #tpu.memory_space<vmem>>, vector<1x16xf32>,
        %swap3A_301 = vector.shape_cast %swap3A_300 : vector<1x16xf32> to vector<16xf32>
        %swap3A_302 = vector.shape_cast %broadcast_in_dim3A_293 : vector<16xf32> to vector<1x16xf32>
        tpu.vector_store %arg8[%swap3A_298, %swap3A_299], %swap3A_302 {strides = array<i32>} : memref<632x16xf32, #tpu.memory_space<vmem>>, vector<1x16xf32>,
        %broadcast_in_dim3A_303 = arith.constant 0.000000e+00 : f32
        %broadcast_in_dim3A_304 = vector.broadcast %broadcast_in_dim3A_303 : f32 to vector<16xf32>
        %mul3A_305 = arith.constant 8 : i32
        %mul3A_306 = arith.muli %mul3A_305, %scan3A_227 : i32
        %add3A_307 = arith.constant 7 : i32
        %add3A_308 = arith.addi %mul3A_306, %add3A_307 : i32
        %swap3A_309 = arith.index_cast %add3A_308 : i32 to index
        %swap3A_310 = arith.constant 0 : index
        %swap3A_311 = tpu.vector_load %arg8[%swap3A_309, %swap3A_310] {strides = array<i32>} : memref<632x16xf32, #tpu.memory_space<vmem>>, vector<1x16xf32>,
        %swap3A_312 = vector.shape_cast %swap3A_311 : vector<1x16xf32> to vector<16xf32>
        %swap3A_313 = vector.shape_cast %broadcast_in_dim3A_304 : vector<16xf32> to vector<1x16xf32>
        tpu.vector_store %arg8[%swap3A_309, %swap3A_310], %swap3A_313 {strides = array<i32>} : memref<632x16xf32, #tpu.memory_space<vmem>>, vector<1x16xf32>,
      }
      %scan3A_216 = arith.constant 79 : i32
      %lt3A_217 = arith.constant 15 : i32
      %lt3A_218 = arith.cmpi slt, %arg1, %lt3A_217 : i32
      %convert_element_type3A_219 = arith.extui %lt3A_218 : i1 to i32
      %cond3A_220 = arith.constant 0 : i32
      %cond3A_221 = arith.cmpi ne, %convert_element_type3A_219, %cond3A_220 : i32
      scf.if %cond3A_221 {
        %mul3A_227 = arith.constant 632 : i32
        %mul3A_228 = arith.muli %arg1, %mul3A_227 : i32
        "tpu.region"() ({
          %run_scoped3A = tpu.sem_alloc : memref<!tpu.dma_semaphore, #tpu.memory_space<semaphore_mem>>
          %dma_start3A_229 = arith.constant 0 : i32
          %dma_start3A_230 = arith.constant 0 : i32
          %dma_start3A_231 = tpu.memref_slice %arg8[%dma_start3A_229, %dma_start3A_230] : memref<632x16xf32, #tpu.memory_space<vmem>> -> memref<632x16xf32, #tpu.memory_space<vmem>>
          %dma_start3A_232 = arith.constant 0 : i32
          %dma_start3A_233 = tpu.memref_slice %arg9[%mul3A_228, %dma_start3A_232] : memref<10000x16xf32, #tpu.memory_space<vmem_shared>> -> memref<632x16xf32, #tpu.memory_space<vmem_shared>>
          %dma_start3A_234 = arith.constant 0 : i32
          %dma_start3A_235 = tpu.memref_slice %arg9[%mul3A_228, %dma_start3A_234] : memref<10000x16xf32, #tpu.memory_space<vmem_shared>> -> memref<632x16xf32, #tpu.memory_space<vmem_shared>>
          %dma_start3A_236 = arith.constant 0 : i32
          %dma_start3A_237 = arith.constant 0 : i32
          %dma_start3A_238 = tpu.memref_slice %arg8[%dma_start3A_236, %dma_start3A_237] : memref<632x16xf32, #tpu.memory_space<vmem>> -> memref<632x16xf32, #tpu.memory_space<vmem>>
          tpu.enqueue_dma source(%dma_start3A_238 : memref<632x16xf32, #tpu.memory_space<vmem>>) target(%dma_start3A_235 : memref<632x16xf32, #tpu.memory_space<vmem_shared>>) target_semaphore(%run_scoped3A : memref<!tpu.dma_semaphore, #tpu.memory_space<semaphore_mem>>)
          %dma_wait3A_239 = arith.constant 0 : i32
          %dma_wait3A_240 = arith.constant 0 : i32
          %dma_wait3A_241 = tpu.memref_slice %arg8[%dma_wait3A_239, %dma_wait3A_240] : memref<632x16xf32, #tpu.memory_space<vmem>> -> memref<632x16xf32, #tpu.memory_space<vmem>>
          %dma_wait3A_242 = arith.constant 0 : i32
          %dma_wait3A_243 = tpu.memref_slice %arg9[%mul3A_228, %dma_wait3A_242] : memref<10000x16xf32, #tpu.memory_space<vmem_shared>> -> memref<632x16xf32, #tpu.memory_space<vmem_shared>>
          %dma_wait3A_244 = arith.constant 0 : i32
          %dma_wait3A_245 = tpu.memref_slice %arg9[%mul3A_228, %dma_wait3A_244] : memref<10000x16xf32, #tpu.memory_space<vmem_shared>> -> memref<632x16xf32, #tpu.memory_space<vmem_shared>>
          %dma_wait3A_246 = arith.constant 0 : i32
          %dma_wait3A_247 = arith.constant 0 : i32
          %dma_wait3A_248 = tpu.memref_slice %arg8[%dma_wait3A_246, %dma_wait3A_247] : memref<632x16xf32, #tpu.memory_space<vmem>> -> memref<632x16xf32, #tpu.memory_space<vmem>>
          tpu.wait_dma2 semaphore(%run_scoped3A : memref<!tpu.dma_semaphore, #tpu.memory_space<semaphore_mem>>) src(%dma_wait3A_248 : memref<632x16xf32, #tpu.memory_space<vmem>>) dst(%dma_wait3A_245 : memref<632x16xf32, #tpu.memory_space<vmem_shared>>)
          tpu.yield
        }) : () -> ()
      } else {
      }
      %eq3A_222 = arith.constant 15 : i32
      %eq3A_223 = arith.cmpi eq, %arg1, %eq3A_222 : i32
      %convert_element_type3A_224 = arith.extui %eq3A_223 : i1 to i32
      %cond3A_225 = arith.constant 0 : i32
      %cond3A_226 = arith.cmpi ne, %convert_element_type3A_224, %cond3A_225 : i32
      scf.if %cond3A_226 {
        "tpu.region"() ({
          %run_scoped3A = tpu.sem_alloc : memref<!tpu.dma_semaphore, #tpu.memory_space<semaphore_mem>>
          %dma_start3A_227 = arith.constant 0 : i32
          %dma_start3A_228 = arith.constant 0 : i32
          %dma_start3A_229 = tpu.memref_slice %arg8[%dma_start3A_227, %dma_start3A_228] : memref<632x16xf32, #tpu.memory_space<vmem>> -> memref<520x16xf32, #tpu.memory_space<vmem>>
          %dma_start3A_230 = arith.constant 9480 : i32
          %dma_start3A_231 = arith.constant 0 : i32
          %dma_start3A_232 = tpu.memref_slice %arg9[%dma_start3A_230, %dma_start3A_231] : memref<10000x16xf32, #tpu.memory_space<vmem_shared>> -> memref<520x16xf32, #tpu.memory_space<vmem_shared>>
          %dma_start3A_233 = arith.constant 9480 : i32
          %dma_start3A_234 = arith.constant 0 : i32
          %dma_start3A_235 = tpu.memref_slice %arg9[%dma_start3A_233, %dma_start3A_234] : memref<10000x16xf32, #tpu.memory_space<vmem_shared>> -> memref<520x16xf32, #tpu.memory_space<vmem_shared>>
          %dma_start3A_236 = arith.constant 0 : i32
          %dma_start3A_237 = arith.constant 0 : i32
          %dma_start3A_238 = tpu.memref_slice %arg8[%dma_start3A_236, %dma_start3A_237] : memref<632x16xf32, #tpu.memory_space<vmem>> -> memref<520x16xf32, #tpu.memory_space<vmem>>
          tpu.enqueue_dma source(%dma_start3A_238 : memref<520x16xf32, #tpu.memory_space<vmem>>) target(%dma_start3A_235 : memref<520x16xf32, #tpu.memory_space<vmem_shared>>) target_semaphore(%run_scoped3A : memref<!tpu.dma_semaphore, #tpu.memory_space<semaphore_mem>>)
          %dma_wait3A_239 = arith.constant 0 : i32
          %dma_wait3A_240 = arith.constant 0 : i32
          %dma_wait3A_241 = tpu.memref_slice %arg8[%dma_wait3A_239, %dma_wait3A_240] : memref<632x16xf32, #tpu.memory_space<vmem>> -> memref<520x16xf32, #tpu.memory_space<vmem>>
          %dma_wait3A_242 = arith.constant 9480 : i32
          %dma_wait3A_243 = arith.constant 0 : i32
          %dma_wait3A_244 = tpu.memref_slice %arg9[%dma_wait3A_242, %dma_wait3A_243] : memref<10000x16xf32, #tpu.memory_space<vmem_shared>> -> memref<520x16xf32, #tpu.memory_space<vmem_shared>>
          %dma_wait3A_245 = arith.constant 9480 : i32
          %dma_wait3A_246 = arith.constant 0 : i32
          %dma_wait3A_247 = tpu.memref_slice %arg9[%dma_wait3A_245, %dma_wait3A_246] : memref<10000x16xf32, #tpu.memory_space<vmem_shared>> -> memref<520x16xf32, #tpu.memory_space<vmem_shared>>
          %dma_wait3A_248 = arith.constant 0 : i32
          %dma_wait3A_249 = arith.constant 0 : i32
          %dma_wait3A_250 = tpu.memref_slice %arg8[%dma_wait3A_248, %dma_wait3A_249] : memref<632x16xf32, #tpu.memory_space<vmem>> -> memref<520x16xf32, #tpu.memory_space<vmem>>
          tpu.wait_dma2 semaphore(%run_scoped3A : memref<!tpu.dma_semaphore, #tpu.memory_space<semaphore_mem>>) src(%dma_wait3A_250 : memref<520x16xf32, #tpu.memory_space<vmem>>) dst(%dma_wait3A_247 : memref<520x16xf32, #tpu.memory_space<vmem_shared>>)
          tpu.yield
        }) : () -> ()
      } else {
      }
    } else {
    }
    %mul3A_21 = arith.constant 10000 : i32
    %mul3A_22 = arith.muli %add3A, %mul3A_21 : i32
    %dma_wait3A = arith.constant 0 : i32
    %dma_wait3A_23 = tpu.memref_slice %arg3[%dma_wait3A, %mul3A_22] : memref<2x320000xi32, #tpu.memory_space<hbm>> -> memref<1x10000xi32, #tpu.memory_space<hbm>>
    %dma_wait3A_24 = tpu.memref_squeeze %dma_wait3A_23 : memref<1x10000xi32, #tpu.memory_space<hbm>> -> memref<10000xi32, #tpu.memory_space<hbm>>
    %dma_wait3A_25 = tpu.memref_slice %arg3[%dma_wait3A, %mul3A_22] : memref<2x320000xi32, #tpu.memory_space<hbm>> -> memref<1x10000xi32, #tpu.memory_space<hbm>>
    %dma_wait3A_26 = tpu.memref_squeeze %dma_wait3A_25 : memref<1x10000xi32, #tpu.memory_space<hbm>> -> memref<10000xi32, #tpu.memory_space<hbm>>
    tpu.wait_dma2 semaphore(%arg18 : memref<!tpu.dma_semaphore, #tpu.memory_space<semaphore_mem>>) src(%dma_wait3A_26 : memref<10000xi32, #tpu.memory_space<hbm>>) dst(%arg5 : memref<10000xi32, #tpu.memory_space<vmem>>)
    %mul3A_27 = arith.constant 10000 : i32
    %mul3A_28 = arith.muli %add3A, %mul3A_27 : i32
    %dma_wait3A_29 = arith.constant 1 : i32
    %dma_wait3A_30 = tpu.memref_slice %arg3[%dma_wait3A_29, %mul3A_28] : memref<2x320000xi32, #tpu.memory_space<hbm>> -> memref<1x10000xi32, #tpu.memory_space<hbm>>
    %dma_wait3A_31 = tpu.memref_squeeze %dma_wait3A_30 : memref<1x10000xi32, #tpu.memory_space<hbm>> -> memref<10000xi32, #tpu.memory_space<hbm>>
    %dma_wait3A_32 = tpu.memref_slice %arg3[%dma_wait3A_29, %mul3A_28] : memref<2x320000xi32, #tpu.memory_space<hbm>> -> memref<1x10000xi32, #tpu.memory_space<hbm>>
    %dma_wait3A_33 = tpu.memref_squeeze %dma_wait3A_32 : memref<1x10000xi32, #tpu.memory_space<hbm>> -> memref<10000xi32, #tpu.memory_space<hbm>>
    tpu.wait_dma2 semaphore(%arg19 : memref<!tpu.dma_semaphore, #tpu.memory_space<semaphore_mem>>) src(%dma_wait3A_33 : memref<10000xi32, #tpu.memory_space<hbm>>) dst(%arg6 : memref<10000xi32, #tpu.memory_space<vmem>>)
    %scan3A = arith.constant 0 : i32
    %scan3A_34 = arith.constant 0 : i32
    %scan3A_35 = arith.constant 125 : i32
    %scan3A_36 = arith.addi %scan3A_34, %scan3A_35 : i32
    %scan3A_37 = arith.constant 1 : i32
    scf.for %scan3A_211 = %scan3A_34 to %scan3A_36 step %scan3A_37  : i32 {
      %mul3A_212 = arith.constant 80 : i32
      %mul3A_213 = arith.muli %scan3A_211, %mul3A_212 : i32
      %add3A_214 = arith.constant 0 : i32
      %add3A_215 = arith.addi %mul3A_213, %add3A_214 : i32
      %get3A = arith.index_cast %add3A_215 : i32 to index
      %get3A_216 = tpu.vector_load %arg6[%get3A] {strides = array<i32>} : memref<10000xi32, #tpu.memory_space<vmem>>, vector<16xi32>,
      %get3A_217 = vector.shape_cast %get3A_216 : vector<16xi32> to vector<16xi32>
      %swap3A = arith.index_cast %scan3A_211 : i32 to index
      %swap3A_218 = arith.constant 0 : index
      %swap3A_219 = tpu.vector_load %arg7[%swap3A, %swap3A_218] {strides = array<i32>} : memref<125x80xi32, #tpu.memory_space<vmem>>, vector<1x16xi32>,
      %swap3A_220 = vector.shape_cast %swap3A_219 : vector<1x16xi32> to vector<16xi32>
      %swap3A_221 = vector.shape_cast %get3A_217 : vector<16xi32> to vector<1x16xi32>
      tpu.vector_store %arg7[%swap3A, %swap3A_218], %swap3A_221 {strides = array<i32>} : memref<125x80xi32, #tpu.memory_space<vmem>>, vector<1x16xi32>,
      %mul3A_222 = arith.constant 80 : i32
      %mul3A_223 = arith.muli %scan3A_211, %mul3A_222 : i32
      %add3A_224 = arith.constant 16 : i32
      %add3A_225 = arith.addi %mul3A_223, %add3A_224 : i32
      %get3A_226 = arith.index_cast %add3A_225 : i32 to index
      %get3A_227 = tpu.vector_load %arg6[%get3A_226] {strides = array<i32>} : memref<10000xi32, #tpu.memory_space<vmem>>, vector<16xi32>,
      %get3A_228 = vector.shape_cast %get3A_227 : vector<16xi32> to vector<16xi32>
      %swap3A_229 = arith.index_cast %scan3A_211 : i32 to index
      %swap3A_230 = arith.constant 16 : index
      %swap3A_231 = tpu.vector_load %arg7[%swap3A_229, %swap3A_230] {strides = array<i32>} : memref<125x80xi32, #tpu.memory_space<vmem>>, vector<1x16xi32>,
      %swap3A_232 = vector.shape_cast %swap3A_231 : vector<1x16xi32> to vector<16xi32>
      %swap3A_233 = vector.shape_cast %get3A_228 : vector<16xi32> to vector<1x16xi32>
      tpu.vector_store %arg7[%swap3A_229, %swap3A_230], %swap3A_233 {strides = array<i32>} : memref<125x80xi32, #tpu.memory_space<vmem>>, vector<1x16xi32>,
      %mul3A_234 = arith.constant 80 : i32
      %mul3A_235 = arith.muli %scan3A_211, %mul3A_234 : i32
      %add3A_236 = arith.constant 32 : i32
      %add3A_237 = arith.addi %mul3A_235, %add3A_236 : i32
      %get3A_238 = arith.index_cast %add3A_237 : i32 to index
      %get3A_239 = tpu.vector_load %arg6[%get3A_238] {strides = array<i32>} : memref<10000xi32, #tpu.memory_space<vmem>>, vector<16xi32>,
      %get3A_240 = vector.shape_cast %get3A_239 : vector<16xi32> to vector<16xi32>
      %swap3A_241 = arith.index_cast %scan3A_211 : i32 to index
      %swap3A_242 = arith.constant 32 : index
      %swap3A_243 = tpu.vector_load %arg7[%swap3A_241, %swap3A_242] {strides = array<i32>} : memref<125x80xi32, #tpu.memory_space<vmem>>, vector<1x16xi32>,
      %swap3A_244 = vector.shape_cast %swap3A_243 : vector<1x16xi32> to vector<16xi32>
      %swap3A_245 = vector.shape_cast %get3A_240 : vector<16xi32> to vector<1x16xi32>
      tpu.vector_store %arg7[%swap3A_241, %swap3A_242], %swap3A_245 {strides = array<i32>} : memref<125x80xi32, #tpu.memory_space<vmem>>, vector<1x16xi32>,
      %mul3A_246 = arith.constant 80 : i32
      %mul3A_247 = arith.muli %scan3A_211, %mul3A_246 : i32
      %add3A_248 = arith.constant 48 : i32
      %add3A_249 = arith.addi %mul3A_247, %add3A_248 : i32
      %get3A_250 = arith.index_cast %add3A_249 : i32 to index
      %get3A_251 = tpu.vector_load %arg6[%get3A_250] {strides = array<i32>} : memref<10000xi32, #tpu.memory_space<vmem>>, vector<16xi32>,
      %get3A_252 = vector.shape_cast %get3A_251 : vector<16xi32> to vector<16xi32>
      %swap3A_253 = arith.index_cast %scan3A_211 : i32 to index
      %swap3A_254 = arith.constant 48 : index
      %swap3A_255 = tpu.vector_load %arg7[%swap3A_253, %swap3A_254] {strides = array<i32>} : memref<125x80xi32, #tpu.memory_space<vmem>>, vector<1x16xi32>,
      %swap3A_256 = vector.shape_cast %swap3A_255 : vector<1x16xi32> to vector<16xi32>
      %swap3A_257 = vector.shape_cast %get3A_252 : vector<16xi32> to vector<1x16xi32>
      tpu.vector_store %arg7[%swap3A_253, %swap3A_254], %swap3A_257 {strides = array<i32>} : memref<125x80xi32, #tpu.memory_space<vmem>>, vector<1x16xi32>,
      %mul3A_258 = arith.constant 80 : i32
      %mul3A_259 = arith.muli %scan3A_211, %mul3A_258 : i32
      %add3A_260 = arith.constant 64 : i32
      %add3A_261 = arith.addi %mul3A_259, %add3A_260 : i32
      %get3A_262 = arith.index_cast %add3A_261 : i32 to index
      %get3A_263 = tpu.vector_load %arg6[%get3A_262] {strides = array<i32>} : memref<10000xi32, #tpu.memory_space<vmem>>, vector<16xi32>,
      %get3A_264 = vector.shape_cast %get3A_263 : vector<16xi32> to vector<16xi32>
      %swap3A_265 = arith.index_cast %scan3A_211 : i32 to index
      %swap3A_266 = arith.constant 64 : index
      %swap3A_267 = tpu.vector_load %arg7[%swap3A_265, %swap3A_266] {strides = array<i32>} : memref<125x80xi32, #tpu.memory_space<vmem>>, vector<1x16xi32>,
      %swap3A_268 = vector.shape_cast %swap3A_267 : vector<1x16xi32> to vector<16xi32>
      %swap3A_269 = vector.shape_cast %get3A_264 : vector<16xi32> to vector<1x16xi32>
      tpu.vector_store %arg7[%swap3A_265, %swap3A_266], %swap3A_269 {strides = array<i32>} : memref<125x80xi32, #tpu.memory_space<vmem>>, vector<1x16xi32>,
    }
    %scan3A_38 = arith.constant 125 : i32
    %barrier3A = arith.constant 0 : index
    tpu.barrier barrier_id(%barrier3A)
    %dma_start3A_39 = arith.constant 0 : i32
    %dma_start3A_40 = tpu.memref_slice %arg5[%dma_start3A_39] : memref<10000xi32, #tpu.memory_space<vmem>> -> memref<80xi32, #tpu.memory_space<vmem>>
    %dma_start3A_41 = arith.constant 0 : i32
    %dma_start3A_42 = arith.constant 0 : i32
    %dma_start3A_43 = tpu.memref_slice %arg2[%dma_start3A_41, %dma_start3A_42] : memref<10000x16xf32, #tpu.memory_space<hbm>> -> memref<10000x16xf32, #tpu.memory_space<hbm>>
    tpu.enqueue_indirect_dma source(%dma_start3A_43 : memref<10000x16xf32, #tpu.memory_space<hbm>>) target(%arg10 : memref<80x16xf32, #tpu.memory_space<vmem>>) offsets(%dma_start3A_40 : memref<80xi32, #tpu.memory_space<vmem>>) semaphore(%arg18 : memref<!tpu.dma_semaphore, #tpu.memory_space<semaphore_mem>>)
    %dma_start3A_44 = arith.constant 80 : i32
    %dma_start3A_45 = tpu.memref_slice %arg5[%dma_start3A_44] : memref<10000xi32, #tpu.memory_space<vmem>> -> memref<80xi32, #tpu.memory_space<vmem>>
    %dma_start3A_46 = arith.constant 0 : i32
    %dma_start3A_47 = arith.constant 0 : i32
    %dma_start3A_48 = tpu.memref_slice %arg2[%dma_start3A_46, %dma_start3A_47] : memref<10000x16xf32, #tpu.memory_space<hbm>> -> memref<10000x16xf32, #tpu.memory_space<hbm>>
    tpu.enqueue_indirect_dma source(%dma_start3A_48 : memref<10000x16xf32, #tpu.memory_space<hbm>>) target(%arg11 : memref<80x16xf32, #tpu.memory_space<vmem>>) offsets(%dma_start3A_45 : memref<80xi32, #tpu.memory_space<vmem>>) semaphore(%arg19 : memref<!tpu.dma_semaphore, #tpu.memory_space<semaphore_mem>>)
    %dma_start3A_49 = arith.constant 160 : i32
    %dma_start3A_50 = tpu.memref_slice %arg5[%dma_start3A_49] : memref<10000xi32, #tpu.memory_space<vmem>> -> memref<80xi32, #tpu.memory_space<vmem>>
    %dma_start3A_51 = arith.constant 0 : i32
    %dma_start3A_52 = arith.constant 0 : i32
    %dma_start3A_53 = tpu.memref_slice %arg2[%dma_start3A_51, %dma_start3A_52] : memref<10000x16xf32, #tpu.memory_space<hbm>> -> memref<10000x16xf32, #tpu.memory_space<hbm>>
    tpu.enqueue_indirect_dma source(%dma_start3A_53 : memref<10000x16xf32, #tpu.memory_space<hbm>>) target(%arg12 : memref<80x16xf32, #tpu.memory_space<vmem>>) offsets(%dma_start3A_50 : memref<80xi32, #tpu.memory_space<vmem>>) semaphore(%arg20 : memref<!tpu.dma_semaphore, #tpu.memory_space<semaphore_mem>>)
    %dma_start3A_54 = arith.constant 240 : i32
    %dma_start3A_55 = tpu.memref_slice %arg5[%dma_start3A_54] : memref<10000xi32, #tpu.memory_space<vmem>> -> memref<80xi32, #tpu.memory_space<vmem>>
    %dma_start3A_56 = arith.constant 0 : i32
    %dma_start3A_57 = arith.constant 0 : i32
    %dma_start3A_58 = tpu.memref_slice %arg2[%dma_start3A_56, %dma_start3A_57] : memref<10000x16xf32, #tpu.memory_space<hbm>> -> memref<10000x16xf32, #tpu.memory_space<hbm>>
    tpu.enqueue_indirect_dma source(%dma_start3A_58 : memref<10000x16xf32, #tpu.memory_space<hbm>>) target(%arg13 : memref<80x16xf32, #tpu.memory_space<vmem>>) offsets(%dma_start3A_55 : memref<80xi32, #tpu.memory_space<vmem>>) semaphore(%arg21 : memref<!tpu.dma_semaphore, #tpu.memory_space<semaphore_mem>>)
    %dma_start3A_59 = arith.constant 320 : i32
    %dma_start3A_60 = tpu.memref_slice %arg5[%dma_start3A_59] : memref<10000xi32, #tpu.memory_space<vmem>> -> memref<80xi32, #tpu.memory_space<vmem>>
    %dma_start3A_61 = arith.constant 0 : i32
    %dma_start3A_62 = arith.constant 0 : i32
    %dma_start3A_63 = tpu.memref_slice %arg2[%dma_start3A_61, %dma_start3A_62] : memref<10000x16xf32, #tpu.memory_space<hbm>> -> memref<10000x16xf32, #tpu.memory_space<hbm>>
    tpu.enqueue_indirect_dma source(%dma_start3A_63 : memref<10000x16xf32, #tpu.memory_space<hbm>>) target(%arg14 : memref<80x16xf32, #tpu.memory_space<vmem>>) offsets(%dma_start3A_60 : memref<80xi32, #tpu.memory_space<vmem>>) semaphore(%arg22 : memref<!tpu.dma_semaphore, #tpu.memory_space<semaphore_mem>>)
    %dma_start3A_64 = arith.constant 400 : i32
    %dma_start3A_65 = tpu.memref_slice %arg5[%dma_start3A_64] : memref<10000xi32, #tpu.memory_space<vmem>> -> memref<80xi32, #tpu.memory_space<vmem>>
    %dma_start3A_66 = arith.constant 0 : i32
    %dma_start3A_67 = arith.constant 0 : i32
    %dma_start3A_68 = tpu.memref_slice %arg2[%dma_start3A_66, %dma_start3A_67] : memref<10000x16xf32, #tpu.memory_space<hbm>> -> memref<10000x16xf32, #tpu.memory_space<hbm>>
    tpu.enqueue_indirect_dma source(%dma_start3A_68 : memref<10000x16xf32, #tpu.memory_space<hbm>>) target(%arg15 : memref<80x16xf32, #tpu.memory_space<vmem>>) offsets(%dma_start3A_65 : memref<80xi32, #tpu.memory_space<vmem>>) semaphore(%arg23 : memref<!tpu.dma_semaphore, #tpu.memory_space<semaphore_mem>>)
    %dma_start3A_69 = arith.constant 480 : i32
    %dma_start3A_70 = tpu.memref_slice %arg5[%dma_start3A_69] : memref<10000xi32, #tpu.memory_space<vmem>> -> memref<80xi32, #tpu.memory_space<vmem>>
    %dma_start3A_71 = arith.constant 0 : i32
    %dma_start3A_72 = arith.constant 0 : i32
    %dma_start3A_73 = tpu.memref_slice %arg2[%dma_start3A_71, %dma_start3A_72] : memref<10000x16xf32, #tpu.memory_space<hbm>> -> memref<10000x16xf32, #tpu.memory_space<hbm>>
    tpu.enqueue_indirect_dma source(%dma_start3A_73 : memref<10000x16xf32, #tpu.memory_space<hbm>>) target(%arg16 : memref<80x16xf32, #tpu.memory_space<vmem>>) offsets(%dma_start3A_70 : memref<80xi32, #tpu.memory_space<vmem>>) semaphore(%arg24 : memref<!tpu.dma_semaphore, #tpu.memory_space<semaphore_mem>>)
    %dma_start3A_74 = arith.constant 560 : i32
    %dma_start3A_75 = tpu.memref_slice %arg5[%dma_start3A_74] : memref<10000xi32, #tpu.memory_space<vmem>> -> memref<80xi32, #tpu.memory_space<vmem>>
    %dma_start3A_76 = arith.constant 0 : i32
    %dma_start3A_77 = arith.constant 0 : i32
    %dma_start3A_78 = tpu.memref_slice %arg2[%dma_start3A_76, %dma_start3A_77] : memref<10000x16xf32, #tpu.memory_space<hbm>> -> memref<10000x16xf32, #tpu.memory_space<hbm>>
    tpu.enqueue_indirect_dma source(%dma_start3A_78 : memref<10000x16xf32, #tpu.memory_space<hbm>>) target(%arg17 : memref<80x16xf32, #tpu.memory_space<vmem>>) offsets(%dma_start3A_75 : memref<80xi32, #tpu.memory_space<vmem>>) semaphore(%arg25 : memref<!tpu.dma_semaphore, #tpu.memory_space<semaphore_mem>>)
    %scan3A_79 = arith.constant 0 : i32
    %scan3A_80 = arith.constant 0 : i32
    %scan3A_81 = arith.constant 15 : i32
    %scan3A_82 = arith.addi %scan3A_80, %scan3A_81 : i32
    %scan3A_83 = arith.constant 1 : i32
    scf.for %scan3A_211 = %scan3A_80 to %scan3A_82 step %scan3A_83  : i32 {
      %mul3A_212 = arith.constant 8 : i32
      %mul3A_213 = arith.muli %mul3A_212, %scan3A_211 : i32
      %add3A_214 = arith.constant 0 : i32
      %add3A_215 = arith.addi %mul3A_213, %add3A_214 : i32
      %mul3A_216 = arith.constant 80 : i32
      %mul3A_217 = arith.muli %add3A_215, %mul3A_216 : i32
      %dma_wait3A_218 = tpu.memref_slice %arg5[%mul3A_217] : memref<10000xi32, #tpu.memory_space<vmem>> -> memref<80xi32, #tpu.memory_space<vmem>>
      %dma_wait3A_219 = arith.constant 0 : i32
      %dma_wait3A_220 = arith.constant 0 : i32
      %dma_wait3A_221 = tpu.memref_slice %arg2[%dma_wait3A_219, %dma_wait3A_220] : memref<10000x16xf32, #tpu.memory_space<hbm>> -> memref<10000x16xf32, #tpu.memory_space<hbm>>
      tpu.wait_indirect_dma semaphore(%arg18 : memref<!tpu.dma_semaphore, #tpu.memory_space<semaphore_mem>>) src(%dma_wait3A_221 : memref<10000x16xf32, #tpu.memory_space<hbm>>) dst(%arg10 : memref<80x16xf32, #tpu.memory_space<vmem>>)
      %add3A_222 = arith.constant 0 : i32
      %add3A_223 = arith.addi %mul3A_213, %add3A_222 : i32
      %dma_start3A_224 = arith.constant 0 : i32
      %dma_start3A_225 = tpu.memref_slice %arg7[%add3A_223, %dma_start3A_224] : memref<125x80xi32, #tpu.memory_space<vmem>> -> memref<1x80xi32, #tpu.memory_space<vmem>>
      %dma_start3A_226 = tpu.memref_squeeze %dma_start3A_225 : memref<1x80xi32, #tpu.memory_space<vmem>> -> memref<80xi32, #tpu.memory_space<vmem>>
      %dma_start3A_227 = arith.constant 0 : i32
      %dma_start3A_228 = arith.constant 0 : i32
      %dma_start3A_229 = tpu.memref_slice %arg9[%dma_start3A_227, %dma_start3A_228] : memref<10000x16xf32, #tpu.memory_space<vmem_shared>> -> memref<10000x16xf32, #tpu.memory_space<vmem_shared>>
      tpu.enqueue_indirect_dma source(%arg10 : memref<80x16xf32, #tpu.memory_space<vmem>>) target(%dma_start3A_229 : memref<10000x16xf32, #tpu.memory_space<vmem_shared>>) offsets(%dma_start3A_226 : memref<80xi32, #tpu.memory_space<vmem>>) semaphore(%arg26 : memref<!tpu.dma_semaphore, #tpu.memory_space<semaphore_mem>>) {add = true}
      %add3A_230 = arith.constant 1 : i32
      %add3A_231 = arith.addi %mul3A_213, %add3A_230 : i32
      %mul3A_232 = arith.constant 80 : i32
      %mul3A_233 = arith.muli %add3A_231, %mul3A_232 : i32
      %dma_wait3A_234 = tpu.memref_slice %arg5[%mul3A_233] : memref<10000xi32, #tpu.memory_space<vmem>> -> memref<80xi32, #tpu.memory_space<vmem>>
      %dma_wait3A_235 = arith.constant 0 : i32
      %dma_wait3A_236 = arith.constant 0 : i32
      %dma_wait3A_237 = tpu.memref_slice %arg2[%dma_wait3A_235, %dma_wait3A_236] : memref<10000x16xf32, #tpu.memory_space<hbm>> -> memref<10000x16xf32, #tpu.memory_space<hbm>>
      tpu.wait_indirect_dma semaphore(%arg19 : memref<!tpu.dma_semaphore, #tpu.memory_space<semaphore_mem>>) src(%dma_wait3A_237 : memref<10000x16xf32, #tpu.memory_space<hbm>>) dst(%arg11 : memref<80x16xf32, #tpu.memory_space<vmem>>)
      %add3A_238 = arith.constant 1 : i32
      %add3A_239 = arith.addi %mul3A_213, %add3A_238 : i32
      %dma_start3A_240 = arith.constant 0 : i32
      %dma_start3A_241 = tpu.memref_slice %arg7[%add3A_239, %dma_start3A_240] : memref<125x80xi32, #tpu.memory_space<vmem>> -> memref<1x80xi32, #tpu.memory_space<vmem>>
      %dma_start3A_242 = tpu.memref_squeeze %dma_start3A_241 : memref<1x80xi32, #tpu.memory_space<vmem>> -> memref<80xi32, #tpu.memory_space<vmem>>
      %dma_start3A_243 = arith.constant 0 : i32
      %dma_start3A_244 = arith.constant 0 : i32
      %dma_start3A_245 = tpu.memref_slice %arg9[%dma_start3A_243, %dma_start3A_244] : memref<10000x16xf32, #tpu.memory_space<vmem_shared>> -> memref<10000x16xf32, #tpu.memory_space<vmem_shared>>
      tpu.enqueue_indirect_dma source(%arg11 : memref<80x16xf32, #tpu.memory_space<vmem>>) target(%dma_start3A_245 : memref<10000x16xf32, #tpu.memory_space<vmem_shared>>) offsets(%dma_start3A_242 : memref<80xi32, #tpu.memory_space<vmem>>) semaphore(%arg27 : memref<!tpu.dma_semaphore, #tpu.memory_space<semaphore_mem>>) {add = true}
      %add3A_246 = arith.constant 2 : i32
      %add3A_247 = arith.addi %mul3A_213, %add3A_246 : i32
      %mul3A_248 = arith.constant 80 : i32
      %mul3A_249 = arith.muli %add3A_247, %mul3A_248 : i32
      %dma_wait3A_250 = tpu.memref_slice %arg5[%mul3A_249] : memref<10000xi32, #tpu.memory_space<vmem>> -> memref<80xi32, #tpu.memory_space<vmem>>
      %dma_wait3A_251 = arith.constant 0 : i32
      %dma_wait3A_252 = arith.constant 0 : i32
      %dma_wait3A_253 = tpu.memref_slice %arg2[%dma_wait3A_251, %dma_wait3A_252] : memref<10000x16xf32, #tpu.memory_space<hbm>> -> memref<10000x16xf32, #tpu.memory_space<hbm>>
      tpu.wait_indirect_dma semaphore(%arg20 : memref<!tpu.dma_semaphore, #tpu.memory_space<semaphore_mem>>) src(%dma_wait3A_253 : memref<10000x16xf32, #tpu.memory_space<hbm>>) dst(%arg12 : memref<80x16xf32, #tpu.memory_space<vmem>>)
      %add3A_254 = arith.constant 2 : i32
      %add3A_255 = arith.addi %mul3A_213, %add3A_254 : i32
      %dma_start3A_256 = arith.constant 0 : i32
      %dma_start3A_257 = tpu.memref_slice %arg7[%add3A_255, %dma_start3A_256] : memref<125x80xi32, #tpu.memory_space<vmem>> -> memref<1x80xi32, #tpu.memory_space<vmem>>
      %dma_start3A_258 = tpu.memref_squeeze %dma_start3A_257 : memref<1x80xi32, #tpu.memory_space<vmem>> -> memref<80xi32, #tpu.memory_space<vmem>>
      %dma_start3A_259 = arith.constant 0 : i32
      %dma_start3A_260 = arith.constant 0 : i32
      %dma_start3A_261 = tpu.memref_slice %arg9[%dma_start3A_259, %dma_start3A_260] : memref<10000x16xf32, #tpu.memory_space<vmem_shared>> -> memref<10000x16xf32, #tpu.memory_space<vmem_shared>>
      tpu.enqueue_indirect_dma source(%arg12 : memref<80x16xf32, #tpu.memory_space<vmem>>) target(%dma_start3A_261 : memref<10000x16xf32, #tpu.memory_space<vmem_shared>>) offsets(%dma_start3A_258 : memref<80xi32, #tpu.memory_space<vmem>>) semaphore(%arg28 : memref<!tpu.dma_semaphore, #tpu.memory_space<semaphore_mem>>) {add = true}
      %add3A_262 = arith.constant 3 : i32
      %add3A_263 = arith.addi %mul3A_213, %add3A_262 : i32
      %mul3A_264 = arith.constant 80 : i32
      %mul3A_265 = arith.muli %add3A_263, %mul3A_264 : i32
      %dma_wait3A_266 = tpu.memref_slice %arg5[%mul3A_265] : memref<10000xi32, #tpu.memory_space<vmem>> -> memref<80xi32, #tpu.memory_space<vmem>>
      %dma_wait3A_267 = arith.constant 0 : i32
      %dma_wait3A_268 = arith.constant 0 : i32
      %dma_wait3A_269 = tpu.memref_slice %arg2[%dma_wait3A_267, %dma_wait3A_268] : memref<10000x16xf32, #tpu.memory_space<hbm>> -> memref<10000x16xf32, #tpu.memory_space<hbm>>
      tpu.wait_indirect_dma semaphore(%arg21 : memref<!tpu.dma_semaphore, #tpu.memory_space<semaphore_mem>>) src(%dma_wait3A_269 : memref<10000x16xf32, #tpu.memory_space<hbm>>) dst(%arg13 : memref<80x16xf32, #tpu.memory_space<vmem>>)
      %add3A_270 = arith.constant 3 : i32
      %add3A_271 = arith.addi %mul3A_213, %add3A_270 : i32
      %dma_start3A_272 = arith.constant 0 : i32
      %dma_start3A_273 = tpu.memref_slice %arg7[%add3A_271, %dma_start3A_272] : memref<125x80xi32, #tpu.memory_space<vmem>> -> memref<1x80xi32, #tpu.memory_space<vmem>>
      %dma_start3A_274 = tpu.memref_squeeze %dma_start3A_273 : memref<1x80xi32, #tpu.memory_space<vmem>> -> memref<80xi32, #tpu.memory_space<vmem>>
      %dma_start3A_275 = arith.constant 0 : i32
      %dma_start3A_276 = arith.constant 0 : i32
      %dma_start3A_277 = tpu.memref_slice %arg9[%dma_start3A_275, %dma_start3A_276] : memref<10000x16xf32, #tpu.memory_space<vmem_shared>> -> memref<10000x16xf32, #tpu.memory_space<vmem_shared>>
      tpu.enqueue_indirect_dma source(%arg13 : memref<80x16xf32, #tpu.memory_space<vmem>>) target(%dma_start3A_277 : memref<10000x16xf32, #tpu.memory_space<vmem_shared>>) offsets(%dma_start3A_274 : memref<80xi32, #tpu.memory_space<vmem>>) semaphore(%arg29 : memref<!tpu.dma_semaphore, #tpu.memory_space<semaphore_mem>>) {add = true}
      %add3A_278 = arith.constant 4 : i32
      %add3A_279 = arith.addi %mul3A_213, %add3A_278 : i32
      %mul3A_280 = arith.constant 80 : i32
      %mul3A_281 = arith.muli %add3A_279, %mul3A_280 : i32
      %dma_wait3A_282 = tpu.memref_slice %arg5[%mul3A_281] : memref<10000xi32, #tpu.memory_space<vmem>> -> memref<80xi32, #tpu.memory_space<vmem>>
      %dma_wait3A_283 = arith.constant 0 : i32
      %dma_wait3A_284 = arith.constant 0 : i32
      %dma_wait3A_285 = tpu.memref_slice %arg2[%dma_wait3A_283, %dma_wait3A_284] : memref<10000x16xf32, #tpu.memory_space<hbm>> -> memref<10000x16xf32, #tpu.memory_space<hbm>>
      tpu.wait_indirect_dma semaphore(%arg22 : memref<!tpu.dma_semaphore, #tpu.memory_space<semaphore_mem>>) src(%dma_wait3A_285 : memref<10000x16xf32, #tpu.memory_space<hbm>>) dst(%arg14 : memref<80x16xf32, #tpu.memory_space<vmem>>)
      %add3A_286 = arith.constant 4 : i32
      %add3A_287 = arith.addi %mul3A_213, %add3A_286 : i32
      %dma_start3A_288 = arith.constant 0 : i32
      %dma_start3A_289 = tpu.memref_slice %arg7[%add3A_287, %dma_start3A_288] : memref<125x80xi32, #tpu.memory_space<vmem>> -> memref<1x80xi32, #tpu.memory_space<vmem>>
      %dma_start3A_290 = tpu.memref_squeeze %dma_start3A_289 : memref<1x80xi32, #tpu.memory_space<vmem>> -> memref<80xi32, #tpu.memory_space<vmem>>
      %dma_start3A_291 = arith.constant 0 : i32
      %dma_start3A_292 = arith.constant 0 : i32
      %dma_start3A_293 = tpu.memref_slice %arg9[%dma_start3A_291, %dma_start3A_292] : memref<10000x16xf32, #tpu.memory_space<vmem_shared>> -> memref<10000x16xf32, #tpu.memory_space<vmem_shared>>
      tpu.enqueue_indirect_dma source(%arg14 : memref<80x16xf32, #tpu.memory_space<vmem>>) target(%dma_start3A_293 : memref<10000x16xf32, #tpu.memory_space<vmem_shared>>) offsets(%dma_start3A_290 : memref<80xi32, #tpu.memory_space<vmem>>) semaphore(%arg30 : memref<!tpu.dma_semaphore, #tpu.memory_space<semaphore_mem>>) {add = true}
      %add3A_294 = arith.constant 5 : i32
      %add3A_295 = arith.addi %mul3A_213, %add3A_294 : i32
      %mul3A_296 = arith.constant 80 : i32
      %mul3A_297 = arith.muli %add3A_295, %mul3A_296 : i32
      %dma_wait3A_298 = tpu.memref_slice %arg5[%mul3A_297] : memref<10000xi32, #tpu.memory_space<vmem>> -> memref<80xi32, #tpu.memory_space<vmem>>
      %dma_wait3A_299 = arith.constant 0 : i32
      %dma_wait3A_300 = arith.constant 0 : i32
      %dma_wait3A_301 = tpu.memref_slice %arg2[%dma_wait3A_299, %dma_wait3A_300] : memref<10000x16xf32, #tpu.memory_space<hbm>> -> memref<10000x16xf32, #tpu.memory_space<hbm>>
      tpu.wait_indirect_dma semaphore(%arg23 : memref<!tpu.dma_semaphore, #tpu.memory_space<semaphore_mem>>) src(%dma_wait3A_301 : memref<10000x16xf32, #tpu.memory_space<hbm>>) dst(%arg15 : memref<80x16xf32, #tpu.memory_space<vmem>>)
      %add3A_302 = arith.constant 5 : i32
      %add3A_303 = arith.addi %mul3A_213, %add3A_302 : i32
      %dma_start3A_304 = arith.constant 0 : i32
      %dma_start3A_305 = tpu.memref_slice %arg7[%add3A_303, %dma_start3A_304] : memref<125x80xi32, #tpu.memory_space<vmem>> -> memref<1x80xi32, #tpu.memory_space<vmem>>
      %dma_start3A_306 = tpu.memref_squeeze %dma_start3A_305 : memref<1x80xi32, #tpu.memory_space<vmem>> -> memref<80xi32, #tpu.memory_space<vmem>>
      %dma_start3A_307 = arith.constant 0 : i32
      %dma_start3A_308 = arith.constant 0 : i32
      %dma_start3A_309 = tpu.memref_slice %arg9[%dma_start3A_307, %dma_start3A_308] : memref<10000x16xf32, #tpu.memory_space<vmem_shared>> -> memref<10000x16xf32, #tpu.memory_space<vmem_shared>>
      tpu.enqueue_indirect_dma source(%arg15 : memref<80x16xf32, #tpu.memory_space<vmem>>) target(%dma_start3A_309 : memref<10000x16xf32, #tpu.memory_space<vmem_shared>>) offsets(%dma_start3A_306 : memref<80xi32, #tpu.memory_space<vmem>>) semaphore(%arg31 : memref<!tpu.dma_semaphore, #tpu.memory_space<semaphore_mem>>) {add = true}
      %add3A_310 = arith.constant 6 : i32
      %add3A_311 = arith.addi %mul3A_213, %add3A_310 : i32
      %mul3A_312 = arith.constant 80 : i32
      %mul3A_313 = arith.muli %add3A_311, %mul3A_312 : i32
      %dma_wait3A_314 = tpu.memref_slice %arg5[%mul3A_313] : memref<10000xi32, #tpu.memory_space<vmem>> -> memref<80xi32, #tpu.memory_space<vmem>>
      %dma_wait3A_315 = arith.constant 0 : i32
      %dma_wait3A_316 = arith.constant 0 : i32
      %dma_wait3A_317 = tpu.memref_slice %arg2[%dma_wait3A_315, %dma_wait3A_316] : memref<10000x16xf32, #tpu.memory_space<hbm>> -> memref<10000x16xf32, #tpu.memory_space<hbm>>
      tpu.wait_indirect_dma semaphore(%arg24 : memref<!tpu.dma_semaphore, #tpu.memory_space<semaphore_mem>>) src(%dma_wait3A_317 : memref<10000x16xf32, #tpu.memory_space<hbm>>) dst(%arg16 : memref<80x16xf32, #tpu.memory_space<vmem>>)
      %add3A_318 = arith.constant 6 : i32
      %add3A_319 = arith.addi %mul3A_213, %add3A_318 : i32
      %dma_start3A_320 = arith.constant 0 : i32
      %dma_start3A_321 = tpu.memref_slice %arg7[%add3A_319, %dma_start3A_320] : memref<125x80xi32, #tpu.memory_space<vmem>> -> memref<1x80xi32, #tpu.memory_space<vmem>>
      %dma_start3A_322 = tpu.memref_squeeze %dma_start3A_321 : memref<1x80xi32, #tpu.memory_space<vmem>> -> memref<80xi32, #tpu.memory_space<vmem>>
      %dma_start3A_323 = arith.constant 0 : i32
      %dma_start3A_324 = arith.constant 0 : i32
      %dma_start3A_325 = tpu.memref_slice %arg9[%dma_start3A_323, %dma_start3A_324] : memref<10000x16xf32, #tpu.memory_space<vmem_shared>> -> memref<10000x16xf32, #tpu.memory_space<vmem_shared>>
      tpu.enqueue_indirect_dma source(%arg16 : memref<80x16xf32, #tpu.memory_space<vmem>>) target(%dma_start3A_325 : memref<10000x16xf32, #tpu.memory_space<vmem_shared>>) offsets(%dma_start3A_322 : memref<80xi32, #tpu.memory_space<vmem>>) semaphore(%arg32 : memref<!tpu.dma_semaphore, #tpu.memory_space<semaphore_mem>>) {add = true}
      %add3A_326 = arith.constant 7 : i32
      %add3A_327 = arith.addi %mul3A_213, %add3A_326 : i32
      %mul3A_328 = arith.constant 80 : i32
      %mul3A_329 = arith.muli %add3A_327, %mul3A_328 : i32
      %dma_wait3A_330 = tpu.memref_slice %arg5[%mul3A_329] : memref<10000xi32, #tpu.memory_space<vmem>> -> memref<80xi32, #tpu.memory_space<vmem>>
      %dma_wait3A_331 = arith.constant 0 : i32
      %dma_wait3A_332 = arith.constant 0 : i32
      %dma_wait3A_333 = tpu.memref_slice %arg2[%dma_wait3A_331, %dma_wait3A_332] : memref<10000x16xf32, #tpu.memory_space<hbm>> -> memref<10000x16xf32, #tpu.memory_space<hbm>>
      tpu.wait_indirect_dma semaphore(%arg25 : memref<!tpu.dma_semaphore, #tpu.memory_space<semaphore_mem>>) src(%dma_wait3A_333 : memref<10000x16xf32, #tpu.memory_space<hbm>>) dst(%arg17 : memref<80x16xf32, #tpu.memory_space<vmem>>)
      %add3A_334 = arith.constant 7 : i32
      %add3A_335 = arith.addi %mul3A_213, %add3A_334 : i32
      %dma_start3A_336 = arith.constant 0 : i32
      %dma_start3A_337 = tpu.memref_slice %arg7[%add3A_335, %dma_start3A_336] : memref<125x80xi32, #tpu.memory_space<vmem>> -> memref<1x80xi32, #tpu.memory_space<vmem>>
      %dma_start3A_338 = tpu.memref_squeeze %dma_start3A_337 : memref<1x80xi32, #tpu.memory_space<vmem>> -> memref<80xi32, #tpu.memory_space<vmem>>
      %dma_start3A_339 = arith.constant 0 : i32
      %dma_start3A_340 = arith.constant 0 : i32
      %dma_start3A_341 = tpu.memref_slice %arg9[%dma_start3A_339, %dma_start3A_340] : memref<10000x16xf32, #tpu.memory_space<vmem_shared>> -> memref<10000x16xf32, #tpu.memory_space<vmem_shared>>
      tpu.enqueue_indirect_dma source(%arg17 : memref<80x16xf32, #tpu.memory_space<vmem>>) target(%dma_start3A_341 : memref<10000x16xf32, #tpu.memory_space<vmem_shared>>) offsets(%dma_start3A_338 : memref<80xi32, #tpu.memory_space<vmem>>) semaphore(%arg33 : memref<!tpu.dma_semaphore, #tpu.memory_space<semaphore_mem>>) {add = true}
      %add3A_342 = arith.constant 0 : i32
      %add3A_343 = arith.addi %mul3A_213, %add3A_342 : i32
      %add3A_344 = arith.constant 8 : i32
      %add3A_345 = arith.addi %add3A_343, %add3A_344 : i32
      %lt3A_346 = arith.constant 125 : i32
      %lt3A_347 = arith.cmpi slt, %add3A_345, %lt3A_346 : i32
      %convert_element_type3A_348 = arith.extui %lt3A_347 : i1 to i32
      %cond3A_349 = arith.constant 0 : i32
      %cond3A_350 = arith.cmpi ne, %convert_element_type3A_348, %cond3A_349 : i32
      scf.if %cond3A_350 {
        %add3A_414 = arith.constant 0 : i32
        %add3A_415 = arith.addi %mul3A_213, %add3A_414 : i32
        %dma_wait3A_416 = arith.constant 0 : i32
        %dma_wait3A_417 = tpu.memref_slice %arg7[%add3A_415, %dma_wait3A_416] : memref<125x80xi32, #tpu.memory_space<vmem>> -> memref<1x80xi32, #tpu.memory_space<vmem>>
        %dma_wait3A_418 = tpu.memref_squeeze %dma_wait3A_417 : memref<1x80xi32, #tpu.memory_space<vmem>> -> memref<80xi32, #tpu.memory_space<vmem>>
        %dma_wait3A_419 = arith.constant 0 : i32
        %dma_wait3A_420 = arith.constant 0 : i32
        %dma_wait3A_421 = tpu.memref_slice %arg9[%dma_wait3A_419, %dma_wait3A_420] : memref<10000x16xf32, #tpu.memory_space<vmem_shared>> -> memref<10000x16xf32, #tpu.memory_space<vmem_shared>>
        tpu.wait_indirect_dma semaphore(%arg26 : memref<!tpu.dma_semaphore, #tpu.memory_space<semaphore_mem>>) src(%arg10 : memref<80x16xf32, #tpu.memory_space<vmem>>) dst(%dma_wait3A_421 : memref<10000x16xf32, #tpu.memory_space<vmem_shared>>)
        %add3A_422 = arith.constant 0 : i32
        %add3A_423 = arith.addi %mul3A_213, %add3A_422 : i32
        %add3A_424 = arith.constant 8 : i32
        %add3A_425 = arith.addi %add3A_423, %add3A_424 : i32
        %mul3A_426 = arith.constant 80 : i32
        %mul3A_427 = arith.muli %add3A_425, %mul3A_426 : i32
        %dma_start3A_428 = tpu.memref_slice %arg5[%mul3A_427] : memref<10000xi32, #tpu.memory_space<vmem>> -> memref<80xi32, #tpu.memory_space<vmem>>
        %dma_start3A_429 = arith.constant 0 : i32
        %dma_start3A_430 = arith.constant 0 : i32
        %dma_start3A_431 = tpu.memref_slice %arg2[%dma_start3A_429, %dma_start3A_430] : memref<10000x16xf32, #tpu.memory_space<hbm>> -> memref<10000x16xf32, #tpu.memory_space<hbm>>
        tpu.enqueue_indirect_dma source(%dma_start3A_431 : memref<10000x16xf32, #tpu.memory_space<hbm>>) target(%arg10 : memref<80x16xf32, #tpu.memory_space<vmem>>) offsets(%dma_start3A_428 : memref<80xi32, #tpu.memory_space<vmem>>) semaphore(%arg18 : memref<!tpu.dma_semaphore, #tpu.memory_space<semaphore_mem>>)
      } else {
      }
      %add3A_351 = arith.constant 1 : i32
      %add3A_352 = arith.addi %mul3A_213, %add3A_351 : i32
      %add3A_353 = arith.constant 8 : i32
      %add3A_354 = arith.addi %add3A_352, %add3A_353 : i32
      %lt3A_355 = arith.constant 125 : i32
      %lt3A_356 = arith.cmpi slt, %add3A_354, %lt3A_355 : i32
      %convert_element_type3A_357 = arith.extui %lt3A_356 : i1 to i32
      %cond3A_358 = arith.constant 0 : i32
      %cond3A_359 = arith.cmpi ne, %convert_element_type3A_357, %cond3A_358 : i32
      scf.if %cond3A_359 {
        %add3A_414 = arith.constant 1 : i32
        %add3A_415 = arith.addi %mul3A_213, %add3A_414 : i32
        %dma_wait3A_416 = arith.constant 0 : i32
        %dma_wait3A_417 = tpu.memref_slice %arg7[%add3A_415, %dma_wait3A_416] : memref<125x80xi32, #tpu.memory_space<vmem>> -> memref<1x80xi32, #tpu.memory_space<vmem>>
        %dma_wait3A_418 = tpu.memref_squeeze %dma_wait3A_417 : memref<1x80xi32, #tpu.memory_space<vmem>> -> memref<80xi32, #tpu.memory_space<vmem>>
        %dma_wait3A_419 = arith.constant 0 : i32
        %dma_wait3A_420 = arith.constant 0 : i32
        %dma_wait3A_421 = tpu.memref_slice %arg9[%dma_wait3A_419, %dma_wait3A_420] : memref<10000x16xf32, #tpu.memory_space<vmem_shared>> -> memref<10000x16xf32, #tpu.memory_space<vmem_shared>>
        tpu.wait_indirect_dma semaphore(%arg27 : memref<!tpu.dma_semaphore, #tpu.memory_space<semaphore_mem>>) src(%arg11 : memref<80x16xf32, #tpu.memory_space<vmem>>) dst(%dma_wait3A_421 : memref<10000x16xf32, #tpu.memory_space<vmem_shared>>)
        %add3A_422 = arith.constant 1 : i32
        %add3A_423 = arith.addi %mul3A_213, %add3A_422 : i32
        %add3A_424 = arith.constant 8 : i32
        %add3A_425 = arith.addi %add3A_423, %add3A_424 : i32
        %mul3A_426 = arith.constant 80 : i32
        %mul3A_427 = arith.muli %add3A_425, %mul3A_426 : i32
        %dma_start3A_428 = tpu.memref_slice %arg5[%mul3A_427] : memref<10000xi32, #tpu.memory_space<vmem>> -> memref<80xi32, #tpu.memory_space<vmem>>
        %dma_start3A_429 = arith.constant 0 : i32
        %dma_start3A_430 = arith.constant 0 : i32
        %dma_start3A_431 = tpu.memref_slice %arg2[%dma_start3A_429, %dma_start3A_430] : memref<10000x16xf32, #tpu.memory_space<hbm>> -> memref<10000x16xf32, #tpu.memory_space<hbm>>
        tpu.enqueue_indirect_dma source(%dma_start3A_431 : memref<10000x16xf32, #tpu.memory_space<hbm>>) target(%arg11 : memref<80x16xf32, #tpu.memory_space<vmem>>) offsets(%dma_start3A_428 : memref<80xi32, #tpu.memory_space<vmem>>) semaphore(%arg19 : memref<!tpu.dma_semaphore, #tpu.memory_space<semaphore_mem>>)
      } else {
      }
      %add3A_360 = arith.constant 2 : i32
      %add3A_361 = arith.addi %mul3A_213, %add3A_360 : i32
      %add3A_362 = arith.constant 8 : i32
      %add3A_363 = arith.addi %add3A_361, %add3A_362 : i32
      %lt3A_364 = arith.constant 125 : i32
      %lt3A_365 = arith.cmpi slt, %add3A_363, %lt3A_364 : i32
      %convert_element_type3A_366 = arith.extui %lt3A_365 : i1 to i32
      %cond3A_367 = arith.constant 0 : i32
      %cond3A_368 = arith.cmpi ne, %convert_element_type3A_366, %cond3A_367 : i32
      scf.if %cond3A_368 {
        %add3A_414 = arith.constant 2 : i32
        %add3A_415 = arith.addi %mul3A_213, %add3A_414 : i32
        %dma_wait3A_416 = arith.constant 0 : i32
        %dma_wait3A_417 = tpu.memref_slice %arg7[%add3A_415, %dma_wait3A_416] : memref<125x80xi32, #tpu.memory_space<vmem>> -> memref<1x80xi32, #tpu.memory_space<vmem>>
        %dma_wait3A_418 = tpu.memref_squeeze %dma_wait3A_417 : memref<1x80xi32, #tpu.memory_space<vmem>> -> memref<80xi32, #tpu.memory_space<vmem>>
        %dma_wait3A_419 = arith.constant 0 : i32
        %dma_wait3A_420 = arith.constant 0 : i32
        %dma_wait3A_421 = tpu.memref_slice %arg9[%dma_wait3A_419, %dma_wait3A_420] : memref<10000x16xf32, #tpu.memory_space<vmem_shared>> -> memref<10000x16xf32, #tpu.memory_space<vmem_shared>>
        tpu.wait_indirect_dma semaphore(%arg28 : memref<!tpu.dma_semaphore, #tpu.memory_space<semaphore_mem>>) src(%arg12 : memref<80x16xf32, #tpu.memory_space<vmem>>) dst(%dma_wait3A_421 : memref<10000x16xf32, #tpu.memory_space<vmem_shared>>)
        %add3A_422 = arith.constant 2 : i32
        %add3A_423 = arith.addi %mul3A_213, %add3A_422 : i32
        %add3A_424 = arith.constant 8 : i32
        %add3A_425 = arith.addi %add3A_423, %add3A_424 : i32
        %mul3A_426 = arith.constant 80 : i32
        %mul3A_427 = arith.muli %add3A_425, %mul3A_426 : i32
        %dma_start3A_428 = tpu.memref_slice %arg5[%mul3A_427] : memref<10000xi32, #tpu.memory_space<vmem>> -> memref<80xi32, #tpu.memory_space<vmem>>
        %dma_start3A_429 = arith.constant 0 : i32
        %dma_start3A_430 = arith.constant 0 : i32
        %dma_start3A_431 = tpu.memref_slice %arg2[%dma_start3A_429, %dma_start3A_430] : memref<10000x16xf32, #tpu.memory_space<hbm>> -> memref<10000x16xf32, #tpu.memory_space<hbm>>
        tpu.enqueue_indirect_dma source(%dma_start3A_431 : memref<10000x16xf32, #tpu.memory_space<hbm>>) target(%arg12 : memref<80x16xf32, #tpu.memory_space<vmem>>) offsets(%dma_start3A_428 : memref<80xi32, #tpu.memory_space<vmem>>) semaphore(%arg20 : memref<!tpu.dma_semaphore, #tpu.memory_space<semaphore_mem>>)
      } else {
      }
      %add3A_369 = arith.constant 3 : i32
      %add3A_370 = arith.addi %mul3A_213, %add3A_369 : i32
      %add3A_371 = arith.constant 8 : i32
      %add3A_372 = arith.addi %add3A_370, %add3A_371 : i32
      %lt3A_373 = arith.constant 125 : i32
      %lt3A_374 = arith.cmpi slt, %add3A_372, %lt3A_373 : i32
      %convert_element_type3A_375 = arith.extui %lt3A_374 : i1 to i32
      %cond3A_376 = arith.constant 0 : i32
      %cond3A_377 = arith.cmpi ne, %convert_element_type3A_375, %cond3A_376 : i32
      scf.if %cond3A_377 {
        %add3A_414 = arith.constant 3 : i32
        %add3A_415 = arith.addi %mul3A_213, %add3A_414 : i32
        %dma_wait3A_416 = arith.constant 0 : i32
        %dma_wait3A_417 = tpu.memref_slice %arg7[%add3A_415, %dma_wait3A_416] : memref<125x80xi32, #tpu.memory_space<vmem>> -> memref<1x80xi32, #tpu.memory_space<vmem>>
        %dma_wait3A_418 = tpu.memref_squeeze %dma_wait3A_417 : memref<1x80xi32, #tpu.memory_space<vmem>> -> memref<80xi32, #tpu.memory_space<vmem>>
        %dma_wait3A_419 = arith.constant 0 : i32
        %dma_wait3A_420 = arith.constant 0 : i32
        %dma_wait3A_421 = tpu.memref_slice %arg9[%dma_wait3A_419, %dma_wait3A_420] : memref<10000x16xf32, #tpu.memory_space<vmem_shared>> -> memref<10000x16xf32, #tpu.memory_space<vmem_shared>>
        tpu.wait_indirect_dma semaphore(%arg29 : memref<!tpu.dma_semaphore, #tpu.memory_space<semaphore_mem>>) src(%arg13 : memref<80x16xf32, #tpu.memory_space<vmem>>) dst(%dma_wait3A_421 : memref<10000x16xf32, #tpu.memory_space<vmem_shared>>)
        %add3A_422 = arith.constant 3 : i32
        %add3A_423 = arith.addi %mul3A_213, %add3A_422 : i32
        %add3A_424 = arith.constant 8 : i32
        %add3A_425 = arith.addi %add3A_423, %add3A_424 : i32
        %mul3A_426 = arith.constant 80 : i32
        %mul3A_427 = arith.muli %add3A_425, %mul3A_426 : i32
        %dma_start3A_428 = tpu.memref_slice %arg5[%mul3A_427] : memref<10000xi32, #tpu.memory_space<vmem>> -> memref<80xi32, #tpu.memory_space<vmem>>
        %dma_start3A_429 = arith.constant 0 : i32
        %dma_start3A_430 = arith.constant 0 : i32
        %dma_start3A_431 = tpu.memref_slice %arg2[%dma_start3A_429, %dma_start3A_430] : memref<10000x16xf32, #tpu.memory_space<hbm>> -> memref<10000x16xf32, #tpu.memory_space<hbm>>
        tpu.enqueue_indirect_dma source(%dma_start3A_431 : memref<10000x16xf32, #tpu.memory_space<hbm>>) target(%arg13 : memref<80x16xf32, #tpu.memory_space<vmem>>) offsets(%dma_start3A_428 : memref<80xi32, #tpu.memory_space<vmem>>) semaphore(%arg21 : memref<!tpu.dma_semaphore, #tpu.memory_space<semaphore_mem>>)
      } else {
      }
      %add3A_378 = arith.constant 4 : i32
      %add3A_379 = arith.addi %mul3A_213, %add3A_378 : i32
      %add3A_380 = arith.constant 8 : i32
      %add3A_381 = arith.addi %add3A_379, %add3A_380 : i32
      %lt3A_382 = arith.constant 125 : i32
      %lt3A_383 = arith.cmpi slt, %add3A_381, %lt3A_382 : i32
      %convert_element_type3A_384 = arith.extui %lt3A_383 : i1 to i32
      %cond3A_385 = arith.constant 0 : i32
      %cond3A_386 = arith.cmpi ne, %convert_element_type3A_384, %cond3A_385 : i32
      scf.if %cond3A_386 {
        %add3A_414 = arith.constant 4 : i32
        %add3A_415 = arith.addi %mul3A_213, %add3A_414 : i32
        %dma_wait3A_416 = arith.constant 0 : i32
        %dma_wait3A_417 = tpu.memref_slice %arg7[%add3A_415, %dma_wait3A_416] : memref<125x80xi32, #tpu.memory_space<vmem>> -> memref<1x80xi32, #tpu.memory_space<vmem>>
        %dma_wait3A_418 = tpu.memref_squeeze %dma_wait3A_417 : memref<1x80xi32, #tpu.memory_space<vmem>> -> memref<80xi32, #tpu.memory_space<vmem>>
        %dma_wait3A_419 = arith.constant 0 : i32
        %dma_wait3A_420 = arith.constant 0 : i32
        %dma_wait3A_421 = tpu.memref_slice %arg9[%dma_wait3A_419, %dma_wait3A_420] : memref<10000x16xf32, #tpu.memory_space<vmem_shared>> -> memref<10000x16xf32, #tpu.memory_space<vmem_shared>>
        tpu.wait_indirect_dma semaphore(%arg30 : memref<!tpu.dma_semaphore, #tpu.memory_space<semaphore_mem>>) src(%arg14 : memref<80x16xf32, #tpu.memory_space<vmem>>) dst(%dma_wait3A_421 : memref<10000x16xf32, #tpu.memory_space<vmem_shared>>)
        %add3A_422 = arith.constant 4 : i32
        %add3A_423 = arith.addi %mul3A_213, %add3A_422 : i32
        %add3A_424 = arith.constant 8 : i32
        %add3A_425 = arith.addi %add3A_423, %add3A_424 : i32
        %mul3A_426 = arith.constant 80 : i32
        %mul3A_427 = arith.muli %add3A_425, %mul3A_426 : i32
        %dma_start3A_428 = tpu.memref_slice %arg5[%mul3A_427] : memref<10000xi32, #tpu.memory_space<vmem>> -> memref<80xi32, #tpu.memory_space<vmem>>
        %dma_start3A_429 = arith.constant 0 : i32
        %dma_start3A_430 = arith.constant 0 : i32
        %dma_start3A_431 = tpu.memref_slice %arg2[%dma_start3A_429, %dma_start3A_430] : memref<10000x16xf32, #tpu.memory_space<hbm>> -> memref<10000x16xf32, #tpu.memory_space<hbm>>
        tpu.enqueue_indirect_dma source(%dma_start3A_431 : memref<10000x16xf32, #tpu.memory_space<hbm>>) target(%arg14 : memref<80x16xf32, #tpu.memory_space<vmem>>) offsets(%dma_start3A_428 : memref<80xi32, #tpu.memory_space<vmem>>) semaphore(%arg22 : memref<!tpu.dma_semaphore, #tpu.memory_space<semaphore_mem>>)
      } else {
      }
      %add3A_387 = arith.constant 5 : i32
      %add3A_388 = arith.addi %mul3A_213, %add3A_387 : i32
      %add3A_389 = arith.constant 8 : i32
      %add3A_390 = arith.addi %add3A_388, %add3A_389 : i32
      %lt3A_391 = arith.constant 125 : i32
      %lt3A_392 = arith.cmpi slt, %add3A_390, %lt3A_391 : i32
      %convert_element_type3A_393 = arith.extui %lt3A_392 : i1 to i32
      %cond3A_394 = arith.constant 0 : i32
      %cond3A_395 = arith.cmpi ne, %convert_element_type3A_393, %cond3A_394 : i32
      scf.if %cond3A_395 {
        %add3A_414 = arith.constant 5 : i32
        %add3A_415 = arith.addi %mul3A_213, %add3A_414 : i32
        %dma_wait3A_416 = arith.constant 0 : i32
        %dma_wait3A_417 = tpu.memref_slice %arg7[%add3A_415, %dma_wait3A_416] : memref<125x80xi32, #tpu.memory_space<vmem>> -> memref<1x80xi32, #tpu.memory_space<vmem>>
        %dma_wait3A_418 = tpu.memref_squeeze %dma_wait3A_417 : memref<1x80xi32, #tpu.memory_space<vmem>> -> memref<80xi32, #tpu.memory_space<vmem>>
        %dma_wait3A_419 = arith.constant 0 : i32
        %dma_wait3A_420 = arith.constant 0 : i32
        %dma_wait3A_421 = tpu.memref_slice %arg9[%dma_wait3A_419, %dma_wait3A_420] : memref<10000x16xf32, #tpu.memory_space<vmem_shared>> -> memref<10000x16xf32, #tpu.memory_space<vmem_shared>>
        tpu.wait_indirect_dma semaphore(%arg31 : memref<!tpu.dma_semaphore, #tpu.memory_space<semaphore_mem>>) src(%arg15 : memref<80x16xf32, #tpu.memory_space<vmem>>) dst(%dma_wait3A_421 : memref<10000x16xf32, #tpu.memory_space<vmem_shared>>)
        %add3A_422 = arith.constant 5 : i32
        %add3A_423 = arith.addi %mul3A_213, %add3A_422 : i32
        %add3A_424 = arith.constant 8 : i32
        %add3A_425 = arith.addi %add3A_423, %add3A_424 : i32
        %mul3A_426 = arith.constant 80 : i32
        %mul3A_427 = arith.muli %add3A_425, %mul3A_426 : i32
        %dma_start3A_428 = tpu.memref_slice %arg5[%mul3A_427] : memref<10000xi32, #tpu.memory_space<vmem>> -> memref<80xi32, #tpu.memory_space<vmem>>
        %dma_start3A_429 = arith.constant 0 : i32
        %dma_start3A_430 = arith.constant 0 : i32
        %dma_start3A_431 = tpu.memref_slice %arg2[%dma_start3A_429, %dma_start3A_430] : memref<10000x16xf32, #tpu.memory_space<hbm>> -> memref<10000x16xf32, #tpu.memory_space<hbm>>
        tpu.enqueue_indirect_dma source(%dma_start3A_431 : memref<10000x16xf32, #tpu.memory_space<hbm>>) target(%arg15 : memref<80x16xf32, #tpu.memory_space<vmem>>) offsets(%dma_start3A_428 : memref<80xi32, #tpu.memory_space<vmem>>) semaphore(%arg23 : memref<!tpu.dma_semaphore, #tpu.memory_space<semaphore_mem>>)
      } else {
      }
      %add3A_396 = arith.constant 6 : i32
      %add3A_397 = arith.addi %mul3A_213, %add3A_396 : i32
      %add3A_398 = arith.constant 8 : i32
      %add3A_399 = arith.addi %add3A_397, %add3A_398 : i32
      %lt3A_400 = arith.constant 125 : i32
      %lt3A_401 = arith.cmpi slt, %add3A_399, %lt3A_400 : i32
      %convert_element_type3A_402 = arith.extui %lt3A_401 : i1 to i32
      %cond3A_403 = arith.constant 0 : i32
      %cond3A_404 = arith.cmpi ne, %convert_element_type3A_402, %cond3A_403 : i32
      scf.if %cond3A_404 {
        %add3A_414 = arith.constant 6 : i32
        %add3A_415 = arith.addi %mul3A_213, %add3A_414 : i32
        %dma_wait3A_416 = arith.constant 0 : i32
        %dma_wait3A_417 = tpu.memref_slice %arg7[%add3A_415, %dma_wait3A_416] : memref<125x80xi32, #tpu.memory_space<vmem>> -> memref<1x80xi32, #tpu.memory_space<vmem>>
        %dma_wait3A_418 = tpu.memref_squeeze %dma_wait3A_417 : memref<1x80xi32, #tpu.memory_space<vmem>> -> memref<80xi32, #tpu.memory_space<vmem>>
        %dma_wait3A_419 = arith.constant 0 : i32
        %dma_wait3A_420 = arith.constant 0 : i32
        %dma_wait3A_421 = tpu.memref_slice %arg9[%dma_wait3A_419, %dma_wait3A_420] : memref<10000x16xf32, #tpu.memory_space<vmem_shared>> -> memref<10000x16xf32, #tpu.memory_space<vmem_shared>>
        tpu.wait_indirect_dma semaphore(%arg32 : memref<!tpu.dma_semaphore, #tpu.memory_space<semaphore_mem>>) src(%arg16 : memref<80x16xf32, #tpu.memory_space<vmem>>) dst(%dma_wait3A_421 : memref<10000x16xf32, #tpu.memory_space<vmem_shared>>)
        %add3A_422 = arith.constant 6 : i32
        %add3A_423 = arith.addi %mul3A_213, %add3A_422 : i32
        %add3A_424 = arith.constant 8 : i32
        %add3A_425 = arith.addi %add3A_423, %add3A_424 : i32
        %mul3A_426 = arith.constant 80 : i32
        %mul3A_427 = arith.muli %add3A_425, %mul3A_426 : i32
        %dma_start3A_428 = tpu.memref_slice %arg5[%mul3A_427] : memref<10000xi32, #tpu.memory_space<vmem>> -> memref<80xi32, #tpu.memory_space<vmem>>
        %dma_start3A_429 = arith.constant 0 : i32
        %dma_start3A_430 = arith.constant 0 : i32
        %dma_start3A_431 = tpu.memref_slice %arg2[%dma_start3A_429, %dma_start3A_430] : memref<10000x16xf32, #tpu.memory_space<hbm>> -> memref<10000x16xf32, #tpu.memory_space<hbm>>
        tpu.enqueue_indirect_dma source(%dma_start3A_431 : memref<10000x16xf32, #tpu.memory_space<hbm>>) target(%arg16 : memref<80x16xf32, #tpu.memory_space<vmem>>) offsets(%dma_start3A_428 : memref<80xi32, #tpu.memory_space<vmem>>) semaphore(%arg24 : memref<!tpu.dma_semaphore, #tpu.memory_space<semaphore_mem>>)
      } else {
      }
      %add3A_405 = arith.constant 7 : i32
      %add3A_406 = arith.addi %mul3A_213, %add3A_405 : i32
      %add3A_407 = arith.constant 8 : i32
      %add3A_408 = arith.addi %add3A_406, %add3A_407 : i32
      %lt3A_409 = arith.constant 125 : i32
      %lt3A_410 = arith.cmpi slt, %add3A_408, %lt3A_409 : i32
      %convert_element_type3A_411 = arith.extui %lt3A_410 : i1 to i32
      %cond3A_412 = arith.constant 0 : i32
      %cond3A_413 = arith.cmpi ne, %convert_element_type3A_411, %cond3A_412 : i32
      scf.if %cond3A_413 {
        %add3A_414 = arith.constant 7 : i32
        %add3A_415 = arith.addi %mul3A_213, %add3A_414 : i32
        %dma_wait3A_416 = arith.constant 0 : i32
        %dma_wait3A_417 = tpu.memref_slice %arg7[%add3A_415, %dma_wait3A_416] : memref<125x80xi32, #tpu.memory_space<vmem>> -> memref<1x80xi32, #tpu.memory_space<vmem>>
        %dma_wait3A_418 = tpu.memref_squeeze %dma_wait3A_417 : memref<1x80xi32, #tpu.memory_space<vmem>> -> memref<80xi32, #tpu.memory_space<vmem>>
        %dma_wait3A_419 = arith.constant 0 : i32
        %dma_wait3A_420 = arith.constant 0 : i32
        %dma_wait3A_421 = tpu.memref_slice %arg9[%dma_wait3A_419, %dma_wait3A_420] : memref<10000x16xf32, #tpu.memory_space<vmem_shared>> -> memref<10000x16xf32, #tpu.memory_space<vmem_shared>>
        tpu.wait_indirect_dma semaphore(%arg33 : memref<!tpu.dma_semaphore, #tpu.memory_space<semaphore_mem>>) src(%arg17 : memref<80x16xf32, #tpu.memory_space<vmem>>) dst(%dma_wait3A_421 : memref<10000x16xf32, #tpu.memory_space<vmem_shared>>)
        %add3A_422 = arith.constant 7 : i32
        %add3A_423 = arith.addi %mul3A_213, %add3A_422 : i32
        %add3A_424 = arith.constant 8 : i32
        %add3A_425 = arith.addi %add3A_423, %add3A_424 : i32
        %mul3A_426 = arith.constant 80 : i32
        %mul3A_427 = arith.muli %add3A_425, %mul3A_426 : i32
        %dma_start3A_428 = tpu.memref_slice %arg5[%mul3A_427] : memref<10000xi32, #tpu.memory_space<vmem>> -> memref<80xi32, #tpu.memory_space<vmem>>
        %dma_start3A_429 = arith.constant 0 : i32
        %dma_start3A_430 = arith.constant 0 : i32
        %dma_start3A_431 = tpu.memref_slice %arg2[%dma_start3A_429, %dma_start3A_430] : memref<10000x16xf32, #tpu.memory_space<hbm>> -> memref<10000x16xf32, #tpu.memory_space<hbm>>
        tpu.enqueue_indirect_dma source(%dma_start3A_431 : memref<10000x16xf32, #tpu.memory_space<hbm>>) target(%arg17 : memref<80x16xf32, #tpu.memory_space<vmem>>) offsets(%dma_start3A_428 : memref<80xi32, #tpu.memory_space<vmem>>) semaphore(%arg25 : memref<!tpu.dma_semaphore, #tpu.memory_space<semaphore_mem>>)
      } else {
      }
    }
    %scan3A_84 = arith.constant 15 : i32
    %dma_wait3A_85 = arith.constant 9600 : i32
    %dma_wait3A_86 = tpu.memref_slice %arg5[%dma_wait3A_85] : memref<10000xi32, #tpu.memory_space<vmem>> -> memref<80xi32, #tpu.memory_space<vmem>>
    %dma_wait3A_87 = arith.constant 0 : i32
    %dma_wait3A_88 = arith.constant 0 : i32
    %dma_wait3A_89 = tpu.memref_slice %arg2[%dma_wait3A_87, %dma_wait3A_88] : memref<10000x16xf32, #tpu.memory_space<hbm>> -> memref<10000x16xf32, #tpu.memory_space<hbm>>
    tpu.wait_indirect_dma semaphore(%arg18 : memref<!tpu.dma_semaphore, #tpu.memory_space<semaphore_mem>>) src(%dma_wait3A_89 : memref<10000x16xf32, #tpu.memory_space<hbm>>) dst(%arg10 : memref<80x16xf32, #tpu.memory_space<vmem>>)
    %dma_start3A_90 = arith.constant 120 : i32
    %dma_start3A_91 = arith.constant 0 : i32
    %dma_start3A_92 = tpu.memref_slice %arg7[%dma_start3A_90, %dma_start3A_91] : memref<125x80xi32, #tpu.memory_space<vmem>> -> memref<1x80xi32, #tpu.memory_space<vmem>>
    %dma_start3A_93 = tpu.memref_squeeze %dma_start3A_92 : memref<1x80xi32, #tpu.memory_space<vmem>> -> memref<80xi32, #tpu.memory_space<vmem>>
    %dma_start3A_94 = arith.constant 0 : i32
    %dma_start3A_95 = arith.constant 0 : i32
    %dma_start3A_96 = tpu.memref_slice %arg9[%dma_start3A_94, %dma_start3A_95] : memref<10000x16xf32, #tpu.memory_space<vmem_shared>> -> memref<10000x16xf32, #tpu.memory_space<vmem_shared>>
    tpu.enqueue_indirect_dma source(%arg10 : memref<80x16xf32, #tpu.memory_space<vmem>>) target(%dma_start3A_96 : memref<10000x16xf32, #tpu.memory_space<vmem_shared>>) offsets(%dma_start3A_93 : memref<80xi32, #tpu.memory_space<vmem>>) semaphore(%arg26 : memref<!tpu.dma_semaphore, #tpu.memory_space<semaphore_mem>>) {add = true}
    %dma_wait3A_97 = arith.constant 9680 : i32
    %dma_wait3A_98 = tpu.memref_slice %arg5[%dma_wait3A_97] : memref<10000xi32, #tpu.memory_space<vmem>> -> memref<80xi32, #tpu.memory_space<vmem>>
    %dma_wait3A_99 = arith.constant 0 : i32
    %dma_wait3A_100 = arith.constant 0 : i32
    %dma_wait3A_101 = tpu.memref_slice %arg2[%dma_wait3A_99, %dma_wait3A_100] : memref<10000x16xf32, #tpu.memory_space<hbm>> -> memref<10000x16xf32, #tpu.memory_space<hbm>>
    tpu.wait_indirect_dma semaphore(%arg19 : memref<!tpu.dma_semaphore, #tpu.memory_space<semaphore_mem>>) src(%dma_wait3A_101 : memref<10000x16xf32, #tpu.memory_space<hbm>>) dst(%arg11 : memref<80x16xf32, #tpu.memory_space<vmem>>)
    %dma_start3A_102 = arith.constant 121 : i32
    %dma_start3A_103 = arith.constant 0 : i32
    %dma_start3A_104 = tpu.memref_slice %arg7[%dma_start3A_102, %dma_start3A_103] : memref<125x80xi32, #tpu.memory_space<vmem>> -> memref<1x80xi32, #tpu.memory_space<vmem>>
    %dma_start3A_105 = tpu.memref_squeeze %dma_start3A_104 : memref<1x80xi32, #tpu.memory_space<vmem>> -> memref<80xi32, #tpu.memory_space<vmem>>
    %dma_start3A_106 = arith.constant 0 : i32
    %dma_start3A_107 = arith.constant 0 : i32
    %dma_start3A_108 = tpu.memref_slice %arg9[%dma_start3A_106, %dma_start3A_107] : memref<10000x16xf32, #tpu.memory_space<vmem_shared>> -> memref<10000x16xf32, #tpu.memory_space<vmem_shared>>
    tpu.enqueue_indirect_dma source(%arg11 : memref<80x16xf32, #tpu.memory_space<vmem>>) target(%dma_start3A_108 : memref<10000x16xf32, #tpu.memory_space<vmem_shared>>) offsets(%dma_start3A_105 : memref<80xi32, #tpu.memory_space<vmem>>) semaphore(%arg27 : memref<!tpu.dma_semaphore, #tpu.memory_space<semaphore_mem>>) {add = true}
    %dma_wait3A_109 = arith.constant 9760 : i32
    %dma_wait3A_110 = tpu.memref_slice %arg5[%dma_wait3A_109] : memref<10000xi32, #tpu.memory_space<vmem>> -> memref<80xi32, #tpu.memory_space<vmem>>
    %dma_wait3A_111 = arith.constant 0 : i32
    %dma_wait3A_112 = arith.constant 0 : i32
    %dma_wait3A_113 = tpu.memref_slice %arg2[%dma_wait3A_111, %dma_wait3A_112] : memref<10000x16xf32, #tpu.memory_space<hbm>> -> memref<10000x16xf32, #tpu.memory_space<hbm>>
    tpu.wait_indirect_dma semaphore(%arg20 : memref<!tpu.dma_semaphore, #tpu.memory_space<semaphore_mem>>) src(%dma_wait3A_113 : memref<10000x16xf32, #tpu.memory_space<hbm>>) dst(%arg12 : memref<80x16xf32, #tpu.memory_space<vmem>>)
    %dma_start3A_114 = arith.constant 122 : i32
    %dma_start3A_115 = arith.constant 0 : i32
    %dma_start3A_116 = tpu.memref_slice %arg7[%dma_start3A_114, %dma_start3A_115] : memref<125x80xi32, #tpu.memory_space<vmem>> -> memref<1x80xi32, #tpu.memory_space<vmem>>
    %dma_start3A_117 = tpu.memref_squeeze %dma_start3A_116 : memref<1x80xi32, #tpu.memory_space<vmem>> -> memref<80xi32, #tpu.memory_space<vmem>>
    %dma_start3A_118 = arith.constant 0 : i32
    %dma_start3A_119 = arith.constant 0 : i32
    %dma_start3A_120 = tpu.memref_slice %arg9[%dma_start3A_118, %dma_start3A_119] : memref<10000x16xf32, #tpu.memory_space<vmem_shared>> -> memref<10000x16xf32, #tpu.memory_space<vmem_shared>>
    tpu.enqueue_indirect_dma source(%arg12 : memref<80x16xf32, #tpu.memory_space<vmem>>) target(%dma_start3A_120 : memref<10000x16xf32, #tpu.memory_space<vmem_shared>>) offsets(%dma_start3A_117 : memref<80xi32, #tpu.memory_space<vmem>>) semaphore(%arg28 : memref<!tpu.dma_semaphore, #tpu.memory_space<semaphore_mem>>) {add = true}
    %dma_wait3A_121 = arith.constant 9840 : i32
    %dma_wait3A_122 = tpu.memref_slice %arg5[%dma_wait3A_121] : memref<10000xi32, #tpu.memory_space<vmem>> -> memref<80xi32, #tpu.memory_space<vmem>>
    %dma_wait3A_123 = arith.constant 0 : i32
    %dma_wait3A_124 = arith.constant 0 : i32
    %dma_wait3A_125 = tpu.memref_slice %arg2[%dma_wait3A_123, %dma_wait3A_124] : memref<10000x16xf32, #tpu.memory_space<hbm>> -> memref<10000x16xf32, #tpu.memory_space<hbm>>
    tpu.wait_indirect_dma semaphore(%arg21 : memref<!tpu.dma_semaphore, #tpu.memory_space<semaphore_mem>>) src(%dma_wait3A_125 : memref<10000x16xf32, #tpu.memory_space<hbm>>) dst(%arg13 : memref<80x16xf32, #tpu.memory_space<vmem>>)
    %dma_start3A_126 = arith.constant 123 : i32
    %dma_start3A_127 = arith.constant 0 : i32
    %dma_start3A_128 = tpu.memref_slice %arg7[%dma_start3A_126, %dma_start3A_127] : memref<125x80xi32, #tpu.memory_space<vmem>> -> memref<1x80xi32, #tpu.memory_space<vmem>>
    %dma_start3A_129 = tpu.memref_squeeze %dma_start3A_128 : memref<1x80xi32, #tpu.memory_space<vmem>> -> memref<80xi32, #tpu.memory_space<vmem>>
    %dma_start3A_130 = arith.constant 0 : i32
    %dma_start3A_131 = arith.constant 0 : i32
    %dma_start3A_132 = tpu.memref_slice %arg9[%dma_start3A_130, %dma_start3A_131] : memref<10000x16xf32, #tpu.memory_space<vmem_shared>> -> memref<10000x16xf32, #tpu.memory_space<vmem_shared>>
    tpu.enqueue_indirect_dma source(%arg13 : memref<80x16xf32, #tpu.memory_space<vmem>>) target(%dma_start3A_132 : memref<10000x16xf32, #tpu.memory_space<vmem_shared>>) offsets(%dma_start3A_129 : memref<80xi32, #tpu.memory_space<vmem>>) semaphore(%arg29 : memref<!tpu.dma_semaphore, #tpu.memory_space<semaphore_mem>>) {add = true}
    %dma_wait3A_133 = arith.constant 9920 : i32
    %dma_wait3A_134 = tpu.memref_slice %arg5[%dma_wait3A_133] : memref<10000xi32, #tpu.memory_space<vmem>> -> memref<80xi32, #tpu.memory_space<vmem>>
    %dma_wait3A_135 = arith.constant 0 : i32
    %dma_wait3A_136 = arith.constant 0 : i32
    %dma_wait3A_137 = tpu.memref_slice %arg2[%dma_wait3A_135, %dma_wait3A_136] : memref<10000x16xf32, #tpu.memory_space<hbm>> -> memref<10000x16xf32, #tpu.memory_space<hbm>>
    tpu.wait_indirect_dma semaphore(%arg22 : memref<!tpu.dma_semaphore, #tpu.memory_space<semaphore_mem>>) src(%dma_wait3A_137 : memref<10000x16xf32, #tpu.memory_space<hbm>>) dst(%arg14 : memref<80x16xf32, #tpu.memory_space<vmem>>)
    %dma_start3A_138 = arith.constant 124 : i32
    %dma_start3A_139 = arith.constant 0 : i32
    %dma_start3A_140 = tpu.memref_slice %arg7[%dma_start3A_138, %dma_start3A_139] : memref<125x80xi32, #tpu.memory_space<vmem>> -> memref<1x80xi32, #tpu.memory_space<vmem>>
    %dma_start3A_141 = tpu.memref_squeeze %dma_start3A_140 : memref<1x80xi32, #tpu.memory_space<vmem>> -> memref<80xi32, #tpu.memory_space<vmem>>
    %dma_start3A_142 = arith.constant 0 : i32
    %dma_start3A_143 = arith.constant 0 : i32
    %dma_start3A_144 = tpu.memref_slice %arg9[%dma_start3A_142, %dma_start3A_143] : memref<10000x16xf32, #tpu.memory_space<vmem_shared>> -> memref<10000x16xf32, #tpu.memory_space<vmem_shared>>
    tpu.enqueue_indirect_dma source(%arg14 : memref<80x16xf32, #tpu.memory_space<vmem>>) target(%dma_start3A_144 : memref<10000x16xf32, #tpu.memory_space<vmem_shared>>) offsets(%dma_start3A_141 : memref<80xi32, #tpu.memory_space<vmem>>) semaphore(%arg30 : memref<!tpu.dma_semaphore, #tpu.memory_space<semaphore_mem>>) {add = true}
    %dma_wait3A_145 = arith.constant 0 : i32
    %dma_wait3A_146 = arith.constant 0 : i32
    %dma_wait3A_147 = tpu.memref_slice %arg7[%dma_wait3A_145, %dma_wait3A_146] : memref<125x80xi32, #tpu.memory_space<vmem>> -> memref<1x80xi32, #tpu.memory_space<vmem>>
    %dma_wait3A_148 = tpu.memref_squeeze %dma_wait3A_147 : memref<1x80xi32, #tpu.memory_space<vmem>> -> memref<80xi32, #tpu.memory_space<vmem>>
    %dma_wait3A_149 = arith.constant 0 : i32
    %dma_wait3A_150 = arith.constant 0 : i32
    %dma_wait3A_151 = tpu.memref_slice %arg9[%dma_wait3A_149, %dma_wait3A_150] : memref<10000x16xf32, #tpu.memory_space<vmem_shared>> -> memref<10000x16xf32, #tpu.memory_space<vmem_shared>>
    tpu.wait_indirect_dma semaphore(%arg26 : memref<!tpu.dma_semaphore, #tpu.memory_space<semaphore_mem>>) src(%arg10 : memref<80x16xf32, #tpu.memory_space<vmem>>) dst(%dma_wait3A_151 : memref<10000x16xf32, #tpu.memory_space<vmem_shared>>)
    %dma_wait3A_152 = arith.constant 0 : i32
    %dma_wait3A_153 = arith.constant 0 : i32
    %dma_wait3A_154 = tpu.memref_slice %arg7[%dma_wait3A_152, %dma_wait3A_153] : memref<125x80xi32, #tpu.memory_space<vmem>> -> memref<1x80xi32, #tpu.memory_space<vmem>>
    %dma_wait3A_155 = tpu.memref_squeeze %dma_wait3A_154 : memref<1x80xi32, #tpu.memory_space<vmem>> -> memref<80xi32, #tpu.memory_space<vmem>>
    %dma_wait3A_156 = arith.constant 0 : i32
    %dma_wait3A_157 = arith.constant 0 : i32
    %dma_wait3A_158 = tpu.memref_slice %arg9[%dma_wait3A_156, %dma_wait3A_157] : memref<10000x16xf32, #tpu.memory_space<vmem_shared>> -> memref<10000x16xf32, #tpu.memory_space<vmem_shared>>
    tpu.wait_indirect_dma semaphore(%arg27 : memref<!tpu.dma_semaphore, #tpu.memory_space<semaphore_mem>>) src(%arg11 : memref<80x16xf32, #tpu.memory_space<vmem>>) dst(%dma_wait3A_158 : memref<10000x16xf32, #tpu.memory_space<vmem_shared>>)
    %dma_wait3A_159 = arith.constant 0 : i32
    %dma_wait3A_160 = arith.constant 0 : i32
    %dma_wait3A_161 = tpu.memref_slice %arg7[%dma_wait3A_159, %dma_wait3A_160] : memref<125x80xi32, #tpu.memory_space<vmem>> -> memref<1x80xi32, #tpu.memory_space<vmem>>
    %dma_wait3A_162 = tpu.memref_squeeze %dma_wait3A_161 : memref<1x80xi32, #tpu.memory_space<vmem>> -> memref<80xi32, #tpu.memory_space<vmem>>
    %dma_wait3A_163 = arith.constant 0 : i32
    %dma_wait3A_164 = arith.constant 0 : i32
    %dma_wait3A_165 = tpu.memref_slice %arg9[%dma_wait3A_163, %dma_wait3A_164] : memref<10000x16xf32, #tpu.memory_space<vmem_shared>> -> memref<10000x16xf32, #tpu.memory_space<vmem_shared>>
    tpu.wait_indirect_dma semaphore(%arg28 : memref<!tpu.dma_semaphore, #tpu.memory_space<semaphore_mem>>) src(%arg12 : memref<80x16xf32, #tpu.memory_space<vmem>>) dst(%dma_wait3A_165 : memref<10000x16xf32, #tpu.memory_space<vmem_shared>>)
    %dma_wait3A_166 = arith.constant 0 : i32
    %dma_wait3A_167 = arith.constant 0 : i32
    %dma_wait3A_168 = tpu.memref_slice %arg7[%dma_wait3A_166, %dma_wait3A_167] : memref<125x80xi32, #tpu.memory_space<vmem>> -> memref<1x80xi32, #tpu.memory_space<vmem>>
    %dma_wait3A_169 = tpu.memref_squeeze %dma_wait3A_168 : memref<1x80xi32, #tpu.memory_space<vmem>> -> memref<80xi32, #tpu.memory_space<vmem>>
    %dma_wait3A_170 = arith.constant 0 : i32
    %dma_wait3A_171 = arith.constant 0 : i32
    %dma_wait3A_172 = tpu.memref_slice %arg9[%dma_wait3A_170, %dma_wait3A_171] : memref<10000x16xf32, #tpu.memory_space<vmem_shared>> -> memref<10000x16xf32, #tpu.memory_space<vmem_shared>>
    tpu.wait_indirect_dma semaphore(%arg29 : memref<!tpu.dma_semaphore, #tpu.memory_space<semaphore_mem>>) src(%arg13 : memref<80x16xf32, #tpu.memory_space<vmem>>) dst(%dma_wait3A_172 : memref<10000x16xf32, #tpu.memory_space<vmem_shared>>)
    %dma_wait3A_173 = arith.constant 0 : i32
    %dma_wait3A_174 = arith.constant 0 : i32
    %dma_wait3A_175 = tpu.memref_slice %arg7[%dma_wait3A_173, %dma_wait3A_174] : memref<125x80xi32, #tpu.memory_space<vmem>> -> memref<1x80xi32, #tpu.memory_space<vmem>>
    %dma_wait3A_176 = tpu.memref_squeeze %dma_wait3A_175 : memref<1x80xi32, #tpu.memory_space<vmem>> -> memref<80xi32, #tpu.memory_space<vmem>>
    %dma_wait3A_177 = arith.constant 0 : i32
    %dma_wait3A_178 = arith.constant 0 : i32
    %dma_wait3A_179 = tpu.memref_slice %arg9[%dma_wait3A_177, %dma_wait3A_178] : memref<10000x16xf32, #tpu.memory_space<vmem_shared>> -> memref<10000x16xf32, #tpu.memory_space<vmem_shared>>
    tpu.wait_indirect_dma semaphore(%arg30 : memref<!tpu.dma_semaphore, #tpu.memory_space<semaphore_mem>>) src(%arg14 : memref<80x16xf32, #tpu.memory_space<vmem>>) dst(%dma_wait3A_179 : memref<10000x16xf32, #tpu.memory_space<vmem_shared>>)
    %dma_wait3A_180 = arith.constant 0 : i32
    %dma_wait3A_181 = arith.constant 0 : i32
    %dma_wait3A_182 = tpu.memref_slice %arg7[%dma_wait3A_180, %dma_wait3A_181] : memref<125x80xi32, #tpu.memory_space<vmem>> -> memref<1x80xi32, #tpu.memory_space<vmem>>
    %dma_wait3A_183 = tpu.memref_squeeze %dma_wait3A_182 : memref<1x80xi32, #tpu.memory_space<vmem>> -> memref<80xi32, #tpu.memory_space<vmem>>
    %dma_wait3A_184 = arith.constant 0 : i32
    %dma_wait3A_185 = arith.constant 0 : i32
    %dma_wait3A_186 = tpu.memref_slice %arg9[%dma_wait3A_184, %dma_wait3A_185] : memref<10000x16xf32, #tpu.memory_space<vmem_shared>> -> memref<10000x16xf32, #tpu.memory_space<vmem_shared>>
    tpu.wait_indirect_dma semaphore(%arg31 : memref<!tpu.dma_semaphore, #tpu.memory_space<semaphore_mem>>) src(%arg15 : memref<80x16xf32, #tpu.memory_space<vmem>>) dst(%dma_wait3A_186 : memref<10000x16xf32, #tpu.memory_space<vmem_shared>>)
    %dma_wait3A_187 = arith.constant 0 : i32
    %dma_wait3A_188 = arith.constant 0 : i32
    %dma_wait3A_189 = tpu.memref_slice %arg7[%dma_wait3A_187, %dma_wait3A_188] : memref<125x80xi32, #tpu.memory_space<vmem>> -> memref<1x80xi32, #tpu.memory_space<vmem>>
    %dma_wait3A_190 = tpu.memref_squeeze %dma_wait3A_189 : memref<1x80xi32, #tpu.memory_space<vmem>> -> memref<80xi32, #tpu.memory_space<vmem>>
    %dma_wait3A_191 = arith.constant 0 : i32
    %dma_wait3A_192 = arith.constant 0 : i32
    %dma_wait3A_193 = tpu.memref_slice %arg9[%dma_wait3A_191, %dma_wait3A_192] : memref<10000x16xf32, #tpu.memory_space<vmem_shared>> -> memref<10000x16xf32, #tpu.memory_space<vmem_shared>>
    tpu.wait_indirect_dma semaphore(%arg32 : memref<!tpu.dma_semaphore, #tpu.memory_space<semaphore_mem>>) src(%arg16 : memref<80x16xf32, #tpu.memory_space<vmem>>) dst(%dma_wait3A_193 : memref<10000x16xf32, #tpu.memory_space<vmem_shared>>)
    %dma_wait3A_194 = arith.constant 0 : i32
    %dma_wait3A_195 = arith.constant 0 : i32
    %dma_wait3A_196 = tpu.memref_slice %arg7[%dma_wait3A_194, %dma_wait3A_195] : memref<125x80xi32, #tpu.memory_space<vmem>> -> memref<1x80xi32, #tpu.memory_space<vmem>>
    %dma_wait3A_197 = tpu.memref_squeeze %dma_wait3A_196 : memref<1x80xi32, #tpu.memory_space<vmem>> -> memref<80xi32, #tpu.memory_space<vmem>>
    %dma_wait3A_198 = arith.constant 0 : i32
    %dma_wait3A_199 = arith.constant 0 : i32
    %dma_wait3A_200 = tpu.memref_slice %arg9[%dma_wait3A_198, %dma_wait3A_199] : memref<10000x16xf32, #tpu.memory_space<vmem_shared>> -> memref<10000x16xf32, #tpu.memory_space<vmem_shared>>
    tpu.wait_indirect_dma semaphore(%arg33 : memref<!tpu.dma_semaphore, #tpu.memory_space<semaphore_mem>>) src(%arg17 : memref<80x16xf32, #tpu.memory_space<vmem>>) dst(%dma_wait3A_200 : memref<10000x16xf32, #tpu.memory_space<vmem_shared>>)
    %barrier3A_201 = arith.constant 0 : index
    tpu.barrier barrier_id(%barrier3A_201)
    %lt3A = arith.constant 15 : i32
    %lt3A_202 = arith.cmpi slt, %arg1, %lt3A : i32
    %convert_element_type3A_203 = arith.extui %lt3A_202 : i1 to i32
    %cond3A_204 = arith.constant 0 : i32
    %cond3A_205 = arith.cmpi ne, %convert_element_type3A_203, %cond3A_204 : i32
    scf.if %cond3A_205 {
      %mul3A_211 = arith.constant 632 : i32
      %mul3A_212 = arith.muli %arg1, %mul3A_211 : i32
      %mul3A_213 = arith.constant 632 : i32
      %mul3A_214 = arith.muli %arg1, %mul3A_213 : i32
      "tpu.region"() ({
        %run_scoped3A = tpu.sem_alloc : memref<!tpu.dma_semaphore, #tpu.memory_space<semaphore_mem>>
        %dma_start3A_215 = arith.constant 0 : i32
        %dma_start3A_216 = tpu.memref_slice %arg4[%arg0, %mul3A_214, %dma_start3A_215] : memref<2x10000x16xf32, #tpu.memory_space<hbm>> -> memref<1x632x16xf32, #tpu.memory_space<hbm>>
        %dma_start3A_217 = tpu.memref_squeeze %dma_start3A_216 : memref<1x632x16xf32, #tpu.memory_space<hbm>> -> memref<632x16xf32, #tpu.memory_space<hbm>>
        %dma_start3A_218 = arith.constant 0 : i32
        %dma_start3A_219 = tpu.memref_slice %arg9[%mul3A_212, %dma_start3A_218] : memref<10000x16xf32, #tpu.memory_space<vmem_shared>> -> memref<632x16xf32, #tpu.memory_space<vmem_shared>>
        tpu.enqueue_dma source(%dma_start3A_219 : memref<632x16xf32, #tpu.memory_space<vmem_shared>>) target(%dma_start3A_217 : memref<632x16xf32, #tpu.memory_space<hbm>>) target_semaphore(%run_scoped3A : memref<!tpu.dma_semaphore, #tpu.memory_space<semaphore_mem>>)
        %dma_wait3A_220 = arith.constant 0 : i32
        %dma_wait3A_221 = tpu.memref_slice %arg4[%arg0, %mul3A_214, %dma_wait3A_220] : memref<2x10000x16xf32, #tpu.memory_space<hbm>> -> memref<1x632x16xf32, #tpu.memory_space<hbm>>
        %dma_wait3A_222 = tpu.memref_squeeze %dma_wait3A_221 : memref<1x632x16xf32, #tpu.memory_space<hbm>> -> memref<632x16xf32, #tpu.memory_space<hbm>>
        %dma_wait3A_223 = arith.constant 0 : i32
        %dma_wait3A_224 = tpu.memref_slice %arg9[%mul3A_212, %dma_wait3A_223] : memref<10000x16xf32, #tpu.memory_space<vmem_shared>> -> memref<632x16xf32, #tpu.memory_space<vmem_shared>>
        tpu.wait_dma2 semaphore(%run_scoped3A : memref<!tpu.dma_semaphore, #tpu.memory_space<semaphore_mem>>) src(%dma_wait3A_224 : memref<632x16xf32, #tpu.memory_space<vmem_shared>>) dst(%dma_wait3A_222 : memref<632x16xf32, #tpu.memory_space<hbm>>)
        tpu.yield
      }) : () -> ()
    } else {
    }
    %eq3A_206 = arith.constant 15 : i32
    %eq3A_207 = arith.cmpi eq, %arg1, %eq3A_206 : i32
    %convert_element_type3A_208 = arith.extui %eq3A_207 : i1 to i32
    %cond3A_209 = arith.constant 0 : i32
    %cond3A_210 = arith.cmpi ne, %convert_element_type3A_208, %cond3A_209 : i32
    scf.if %cond3A_210 {
      "tpu.region"() ({
        %run_scoped3A = tpu.sem_alloc : memref<!tpu.dma_semaphore, #tpu.memory_space<semaphore_mem>>
        %dma_start3A_211 = arith.constant 9480 : i32
        %dma_start3A_212 = arith.constant 0 : i32
        %dma_start3A_213 = tpu.memref_slice %arg4[%arg0, %dma_start3A_211, %dma_start3A_212] : memref<2x10000x16xf32, #tpu.memory_space<hbm>> -> memref<1x520x16xf32, #tpu.memory_space<hbm>>
        %dma_start3A_214 = tpu.memref_squeeze %dma_start3A_213 : memref<1x520x16xf32, #tpu.memory_space<hbm>> -> memref<520x16xf32, #tpu.memory_space<hbm>>
        %dma_start3A_215 = arith.constant 9480 : i32
        %dma_start3A_216 = arith.constant 0 : i32
        %dma_start3A_217 = tpu.memref_slice %arg9[%dma_start3A_215, %dma_start3A_216] : memref<10000x16xf32, #tpu.memory_space<vmem_shared>> -> memref<520x16xf32, #tpu.memory_space<vmem_shared>>
        tpu.enqueue_dma source(%dma_start3A_217 : memref<520x16xf32, #tpu.memory_space<vmem_shared>>) target(%dma_start3A_214 : memref<520x16xf32, #tpu.memory_space<hbm>>) target_semaphore(%run_scoped3A : memref<!tpu.dma_semaphore, #tpu.memory_space<semaphore_mem>>)
        %dma_wait3A_218 = arith.constant 9480 : i32
        %dma_wait3A_219 = arith.constant 0 : i32
        %dma_wait3A_220 = tpu.memref_slice %arg4[%arg0, %dma_wait3A_218, %dma_wait3A_219] : memref<2x10000x16xf32, #tpu.memory_space<hbm>> -> memref<1x520x16xf32, #tpu.memory_space<hbm>>
        %dma_wait3A_221 = tpu.memref_squeeze %dma_wait3A_220 : memref<1x520x16xf32, #tpu.memory_space<hbm>> -> memref<520x16xf32, #tpu.memory_space<hbm>>
        %dma_wait3A_222 = arith.constant 9480 : i32
        %dma_wait3A_223 = arith.constant 0 : i32
        %dma_wait3A_224 = tpu.memref_slice %arg9[%dma_wait3A_222, %dma_wait3A_223] : memref<10000x16xf32, #tpu.memory_space<vmem_shared>> -> memref<520x16xf32, #tpu.memory_space<vmem_shared>>
        tpu.wait_dma2 semaphore(%run_scoped3A : memref<!tpu.dma_semaphore, #tpu.memory_space<semaphore_mem>>) src(%dma_wait3A_224 : memref<520x16xf32, #tpu.memory_space<vmem_shared>>) dst(%dma_wait3A_221 : memref<520x16xf32, #tpu.memory_space<hbm>>)
        tpu.yield
      }) : () -> ()
    } else {
    }
    return
  }
}

module attributes {stable_mosaic.version = 14 : i64} {
  func.func @_proj_body(%arg0: i32, %arg1: memref<10000x128xf32, #tpu.memory_space<vmem>>, %arg2: memref<128x16xf32, #tpu.memory_space<vmem>>, %arg3: memref<1250x128xf32, #tpu.memory_space<vmem>>) attributes {dimension_semantics = [#tpu.dimension_semantics<arbitrary>], iteration_bounds = array<i64: 1>, scalar_prefetch = 0 : i64, scratch_operands = 0 : i64, tpu.core_type = #tpu.core_type<tc>, window_params = [{transform_indices = @transform_0, window_bounds = array<i64: 10000, 128>}, {pipeline_mode = #tpu.pipeline_mode<synchronous>, transform_indices = @transform_1, window_bounds = array<i64: 128, 16>}, {transform_indices = @transform_2, window_bounds = array<i64: 1250, 128>}]} {
    %get3A = arith.constant 0 : index
    %get3A_0 = arith.constant 0 : index
    %get3A_1 = vector.load %arg1[%get3A, %get3A_0] : memref<10000x128xf32, #tpu.memory_space<vmem>>, vector<10000x128xf32>
    %reshape3A = vector.shape_cast %get3A_1 : vector<10000x128xf32> to vector<1250x8x128xf32>
    %get3A_2 = arith.constant 0 : index
    %get3A_3 = arith.constant 0 : index
    %get3A_4 = vector.load %arg2[%get3A_2, %get3A_3] : memref<128x16xf32, #tpu.memory_space<vmem>>, vector<128x16xf32>
    %dot_general3A = arith.constant dense<0.000000e+00> : vector<1250x8x16xf32>
    %dot_general3A_5 = tpu.matmul %reshape3A, %get3A_4, %dot_general3A {dimension_numbers = #tpu.dot_dimension_numbers<[2], [0], [0, 1], [1], [0, 0, 0, 1, 1, 1], [], []>, transpose_lhs_hint = false} : vector<1250x8x128xf32>, vector<128x16xf32>, vector<1250x8x16xf32> -> vector<1250x8x16xf32>
    %reshape3A_6 = vector.shape_cast %dot_general3A_5 : vector<1250x8x16xf32> to vector<1250x128xf32>
    %swap3A = arith.constant 0 : index
    %swap3A_7 = arith.constant 0 : index
    %swap3A_8 = vector.load %arg3[%swap3A, %swap3A_7] : memref<1250x128xf32, #tpu.memory_space<vmem>>, vector<1250x128xf32>
    tpu.vector_store %arg3[%swap3A, %swap3A_7], %reshape3A_6 {strides = array<i32>} : memref<1250x128xf32, #tpu.memory_space<vmem>>, vector<1250x128xf32>,
    return
  }
  func.func @transform_0(%arg0: i32) -> (i32, i32) {
    %c0_i32 = arith.constant 0 : i32
    %c0_i32_0 = arith.constant 0 : i32
    return %arg0, %c0_i32 : i32, i32
  }
  func.func @transform_1(%arg0: i32) -> (i32, i32) {
    %c0_i32 = arith.constant 0 : i32
    %c0_i32_0 = arith.constant 0 : i32
    %c0_i32_1 = arith.constant 0 : i32
    return %c0_i32, %c0_i32_0 : i32, i32
  }
  func.func @transform_2(%arg0: i32) -> (i32, i32) {
    %c0_i32 = arith.constant 0 : i32
    %c0_i32_0 = arith.constant 0 : i32
    return %arg0, %c0_i32 : i32, i32
  }
}

module attributes {stable_mosaic.version = 14 : i64} {
  func.func @_mid_body(%arg0: i32, %arg1: memref<2x1250x128xf32, #tpu.memory_space<vmem>>, %arg2: memref<1x16xf32, #tpu.memory_space<vmem>>, %arg3: memref<16x16xf32, #tpu.memory_space<vmem>>, %arg4: memref<1x16xf32, #tpu.memory_space<vmem>>, %arg5: memref<16x8xf32, #tpu.memory_space<vmem>>, %arg6: memref<1250x128xf32, #tpu.memory_space<vmem>>) attributes {dimension_semantics = [#tpu.dimension_semantics<arbitrary>], iteration_bounds = array<i64: 1>, scalar_prefetch = 0 : i64, scratch_operands = 0 : i64, tpu.core_type = #tpu.core_type<tc>, window_params = [{pipeline_mode = #tpu.pipeline_mode<synchronous>, transform_indices = @transform_0, window_bounds = array<i64: 2, 1250, 128>}, {pipeline_mode = #tpu.pipeline_mode<synchronous>, transform_indices = @transform_1, window_bounds = array<i64: 1, 16>}, {pipeline_mode = #tpu.pipeline_mode<synchronous>, transform_indices = @transform_2, window_bounds = array<i64: 16, 16>}, {pipeline_mode = #tpu.pipeline_mode<synchronous>, transform_indices = @transform_3, window_bounds = array<i64: 1, 16>}, {pipeline_mode = #tpu.pipeline_mode<synchronous>, transform_indices = @transform_4, window_bounds = array<i64: 16, 8>}, {transform_indices = @transform_5, window_bounds = array<i64: 1250, 128>}]} {
    %get3A = arith.constant 0 : index
    %get3A_0 = arith.constant 0 : index
    %get3A_1 = arith.constant 0 : index
    %get3A_2 = vector.load %arg1[%get3A, %get3A_0, %get3A_1] : memref<2x1250x128xf32, #tpu.memory_space<vmem>>, vector<1x1250x128xf32>
    %get3A_3 = vector.shape_cast %get3A_2 : vector<1x1250x128xf32> to vector<1250x128xf32>
    %get3A_4 = arith.constant 1 : index
    %get3A_5 = arith.constant 0 : index
    %get3A_6 = arith.constant 0 : index
    %get3A_7 = vector.load %arg1[%get3A_4, %get3A_5, %get3A_6] : memref<2x1250x128xf32, #tpu.memory_space<vmem>>, vector<1x1250x128xf32>
    %get3A_8 = vector.shape_cast %get3A_7 : vector<1x1250x128xf32> to vector<1250x128xf32>
    %add3A = arith.addf %get3A_3, %get3A_8 : vector<1250x128xf32>
    %get3A_9 = arith.constant 0 : index
    %get3A_10 = arith.constant 0 : index
    %get3A_11 = vector.load %arg2[%get3A_9, %get3A_10] : memref<1x16xf32, #tpu.memory_space<vmem>>, vector<1x16xf32>
    %concatenate3A = tpu.concatenate %get3A_11, %get3A_11, %get3A_11, %get3A_11, %get3A_11, %get3A_11, %get3A_11, %get3A_11 in 1 : vector<1x16xf32>, vector<1x16xf32>, vector<1x16xf32>, vector<1x16xf32>, vector<1x16xf32>, vector<1x16xf32>, vector<1x16xf32>, vector<1x16xf32> -> vector<1x128xf32>
    %add3A_12 = vector.broadcast %concatenate3A : vector<1x128xf32> to vector<1250x128xf32>
    %add3A_13 = arith.addf %add3A, %add3A_12 : vector<1250x128xf32>
    %max3A = arith.constant 0.000000e+00 : f32
    %max3A_14 = vector.broadcast %max3A : f32 to vector<1250x128xf32>
    %max3A_15 = arith.maximumf %add3A_13, %max3A_14 : vector<1250x128xf32>
    %get3A_16 = arith.constant 0 : index
    %get3A_17 = arith.constant 0 : index
    %get3A_18 = vector.load %arg3[%get3A_16, %get3A_17] : memref<16x16xf32, #tpu.memory_space<vmem>>, vector<16x16xf32>
    %concatenate3A_19 = tpu.concatenate %get3A_18, %get3A_18, %get3A_18, %get3A_18, %get3A_18, %get3A_18, %get3A_18, %get3A_18 in 1 : vector<16x16xf32>, vector<16x16xf32>, vector<16x16xf32>, vector<16x16xf32>, vector<16x16xf32>, vector<16x16xf32>, vector<16x16xf32>, vector<16x16xf32> -> vector<16x128xf32>
    %concatenate3A_20 = tpu.concatenate %concatenate3A_19, %concatenate3A_19, %concatenate3A_19, %concatenate3A_19, %concatenate3A_19, %concatenate3A_19, %concatenate3A_19, %concatenate3A_19 in 0 : vector<16x128xf32>, vector<16x128xf32>, vector<16x128xf32>, vector<16x128xf32>, vector<16x128xf32>, vector<16x128xf32>, vector<16x128xf32>, vector<16x128xf32> -> vector<128x128xf32>
    %iota3A = tpu.iota {dimensions = array<i32: 0>} : vector<128x128xi32>
    %jit3A = arith.constant 16 : i32
    %div3A = vector.broadcast %jit3A : i32 to vector<128x128xi32>
    %div3A_21 = arith.divsi %iota3A, %div3A : vector<128x128xi32>
    %sign3A = arith.constant 0 : i32
    %sign3A_22 = vector.broadcast %sign3A : i32 to vector<128x128xi32>
    %sign3A_23 = arith.cmpi sgt, %iota3A, %sign3A_22 : vector<128x128xi32>
    %sign3A_24 = arith.extui %sign3A_23 : vector<128x128xi1> to vector<128x128xi32>
    %sign3A_25 = arith.constant 0 : i32
    %sign3A_26 = vector.broadcast %sign3A_25 : i32 to vector<128x128xi32>
    %sign3A_27 = arith.cmpi slt, %iota3A, %sign3A_26 : vector<128x128xi32>
    %sign3A_28 = arith.extui %sign3A_27 : vector<128x128xi1> to vector<128x128xi32>
    %sign3A_29 = arith.subi %sign3A_24, %sign3A_28 : vector<128x128xi32>
    %sign3A_30 = arith.constant 0 : i32
    %sign3A_31 = arith.cmpi sgt, %jit3A, %sign3A_30 : i32
    %sign3A_32 = arith.extui %sign3A_31 : i1 to i32
    %sign3A_33 = arith.constant 0 : i32
    %sign3A_34 = arith.cmpi slt, %jit3A, %sign3A_33 : i32
    %sign3A_35 = arith.extui %sign3A_34 : i1 to i32
    %sign3A_36 = arith.subi %sign3A_32, %sign3A_35 : i32
    %ne3A = vector.broadcast %sign3A_36 : i32 to vector<128x128xi32>
    %ne3A_37 = arith.cmpi ne, %sign3A_29, %ne3A : vector<128x128xi32>
    %rem3A = vector.broadcast %jit3A : i32 to vector<128x128xi32>
    %rem3A_38 = arith.remsi %iota3A, %rem3A : vector<128x128xi32>
    %ne3A_39 = arith.constant 0 : i32
    %ne3A_40 = vector.broadcast %ne3A_39 : i32 to vector<128x128xi32>
    %ne3A_41 = arith.cmpi ne, %rem3A_38, %ne3A_40 : vector<128x128xi32>
    %and3A = arith.andi %ne3A_37, %ne3A_41 : vector<128x128xi1>
    %sub3A = arith.constant 1 : i32
    %sub3A_42 = vector.broadcast %sub3A : i32 to vector<128x128xi32>
    %sub3A_43 = arith.subi %div3A_21, %sub3A_42 : vector<128x128xi32>
    %select_n3A = arith.select %and3A, %sub3A_43, %div3A_21 : vector<128x128xi1>, vector<128x128xi32>
    %iota3A_44 = tpu.iota {dimensions = array<i32: 1>} : vector<128x128xi32>
    %jit3A_45 = arith.constant 16 : i32
    %div3A_46 = vector.broadcast %jit3A_45 : i32 to vector<128x128xi32>
    %div3A_47 = arith.divsi %iota3A_44, %div3A_46 : vector<128x128xi32>
    %sign3A_48 = arith.constant 0 : i32
    %sign3A_49 = vector.broadcast %sign3A_48 : i32 to vector<128x128xi32>
    %sign3A_50 = arith.cmpi sgt, %iota3A_44, %sign3A_49 : vector<128x128xi32>
    %sign3A_51 = arith.extui %sign3A_50 : vector<128x128xi1> to vector<128x128xi32>
    %sign3A_52 = arith.constant 0 : i32
    %sign3A_53 = vector.broadcast %sign3A_52 : i32 to vector<128x128xi32>
    %sign3A_54 = arith.cmpi slt, %iota3A_44, %sign3A_53 : vector<128x128xi32>
    %sign3A_55 = arith.extui %sign3A_54 : vector<128x128xi1> to vector<128x128xi32>
    %sign3A_56 = arith.subi %sign3A_51, %sign3A_55 : vector<128x128xi32>
    %sign3A_57 = arith.constant 0 : i32
    %sign3A_58 = arith.cmpi sgt, %jit3A_45, %sign3A_57 : i32
    %sign3A_59 = arith.extui %sign3A_58 : i1 to i32
    %sign3A_60 = arith.constant 0 : i32
    %sign3A_61 = arith.cmpi slt, %jit3A_45, %sign3A_60 : i32
    %sign3A_62 = arith.extui %sign3A_61 : i1 to i32
    %sign3A_63 = arith.subi %sign3A_59, %sign3A_62 : i32
    %ne3A_64 = vector.broadcast %sign3A_63 : i32 to vector<128x128xi32>
    %ne3A_65 = arith.cmpi ne, %sign3A_56, %ne3A_64 : vector<128x128xi32>
    %rem3A_66 = vector.broadcast %jit3A_45 : i32 to vector<128x128xi32>
    %rem3A_67 = arith.remsi %iota3A_44, %rem3A_66 : vector<128x128xi32>
    %ne3A_68 = arith.constant 0 : i32
    %ne3A_69 = vector.broadcast %ne3A_68 : i32 to vector<128x128xi32>
    %ne3A_70 = arith.cmpi ne, %rem3A_67, %ne3A_69 : vector<128x128xi32>
    %and3A_71 = arith.andi %ne3A_65, %ne3A_70 : vector<128x128xi1>
    %sub3A_72 = arith.constant 1 : i32
    %sub3A_73 = vector.broadcast %sub3A_72 : i32 to vector<128x128xi32>
    %sub3A_74 = arith.subi %div3A_47, %sub3A_73 : vector<128x128xi32>
    %select_n3A_75 = arith.select %and3A_71, %sub3A_74, %div3A_47 : vector<128x128xi1>, vector<128x128xi32>
    %eq3A = arith.cmpi eq, %select_n3A, %select_n3A_75 : vector<128x128xi32>
    %jit3A_76 = arith.constant 0.000000e+00 : f32
    %broadcast_in_dim3A = vector.broadcast %jit3A_76 : f32 to vector<128x128xf32>
    %select_n3A_77 = arith.select %eq3A, %concatenate3A_20, %broadcast_in_dim3A : vector<128x128xi1>, vector<128x128xf32>
    %dot_general3A = arith.constant dense<0.000000e+00> : vector<1250x128xf32>
    %dot_general3A_78 = tpu.matmul %max3A_15, %select_n3A_77, %dot_general3A {dimension_numbers = #tpu.dot_dimension_numbers<[1], [0], [0], [1], [0, 0, 1, 1], [], []>, transpose_lhs_hint = false} : vector<1250x128xf32>, vector<128x128xf32>, vector<1250x128xf32> -> vector<1250x128xf32>
    %get3A_79 = arith.constant 0 : index
    %get3A_80 = arith.constant 0 : index
    %get3A_81 = vector.load %arg4[%get3A_79, %get3A_80] : memref<1x16xf32, #tpu.memory_space<vmem>>, vector<1x16xf32>
    %concatenate3A_82 = tpu.concatenate %get3A_81, %get3A_81, %get3A_81, %get3A_81, %get3A_81, %get3A_81, %get3A_81, %get3A_81 in 1 : vector<1x16xf32>, vector<1x16xf32>, vector<1x16xf32>, vector<1x16xf32>, vector<1x16xf32>, vector<1x16xf32>, vector<1x16xf32>, vector<1x16xf32> -> vector<1x128xf32>
    %add3A_83 = vector.broadcast %concatenate3A_82 : vector<1x128xf32> to vector<1250x128xf32>
    %add3A_84 = arith.addf %dot_general3A_78, %add3A_83 : vector<1250x128xf32>
    %max3A_85 = arith.constant 0.000000e+00 : f32
    %max3A_86 = vector.broadcast %max3A_85 : f32 to vector<1250x128xf32>
    %max3A_87 = arith.maximumf %add3A_84, %max3A_86 : vector<1250x128xf32>
    %get3A_88 = arith.constant 0 : index
    %get3A_89 = arith.constant 0 : index
    %get3A_90 = vector.load %arg5[%get3A_88, %get3A_89] : memref<16x8xf32, #tpu.memory_space<vmem>>, vector<16x8xf32>
    %broadcast_in_dim3A_91 = arith.constant 0.000000e+00 : f32
    %broadcast_in_dim3A_92 = vector.broadcast %broadcast_in_dim3A_91 : f32 to vector<16x8xf32>
    %concatenate3A_93 = tpu.concatenate %get3A_90, %broadcast_in_dim3A_92 in 1 : vector<16x8xf32>, vector<16x8xf32> -> vector<16x16xf32>
    %concatenate3A_94 = tpu.concatenate %concatenate3A_93, %concatenate3A_93, %concatenate3A_93, %concatenate3A_93, %concatenate3A_93, %concatenate3A_93, %concatenate3A_93, %concatenate3A_93 in 1 : vector<16x16xf32>, vector<16x16xf32>, vector<16x16xf32>, vector<16x16xf32>, vector<16x16xf32>, vector<16x16xf32>, vector<16x16xf32>, vector<16x16xf32> -> vector<16x128xf32>
    %concatenate3A_95 = tpu.concatenate %concatenate3A_94, %concatenate3A_94, %concatenate3A_94, %concatenate3A_94, %concatenate3A_94, %concatenate3A_94, %concatenate3A_94, %concatenate3A_94 in 0 : vector<16x128xf32>, vector<16x128xf32>, vector<16x128xf32>, vector<16x128xf32>, vector<16x128xf32>, vector<16x128xf32>, vector<16x128xf32>, vector<16x128xf32> -> vector<128x128xf32>
    %iota3A_96 = tpu.iota {dimensions = array<i32: 0>} : vector<128x128xi32>
    %jit3A_97 = arith.constant 16 : i32
    %div3A_98 = vector.broadcast %jit3A_97 : i32 to vector<128x128xi32>
    %div3A_99 = arith.divsi %iota3A_96, %div3A_98 : vector<128x128xi32>
    %sign3A_100 = arith.constant 0 : i32
    %sign3A_101 = vector.broadcast %sign3A_100 : i32 to vector<128x128xi32>
    %sign3A_102 = arith.cmpi sgt, %iota3A_96, %sign3A_101 : vector<128x128xi32>
    %sign3A_103 = arith.extui %sign3A_102 : vector<128x128xi1> to vector<128x128xi32>
    %sign3A_104 = arith.constant 0 : i32
    %sign3A_105 = vector.broadcast %sign3A_104 : i32 to vector<128x128xi32>
    %sign3A_106 = arith.cmpi slt, %iota3A_96, %sign3A_105 : vector<128x128xi32>
    %sign3A_107 = arith.extui %sign3A_106 : vector<128x128xi1> to vector<128x128xi32>
    %sign3A_108 = arith.subi %sign3A_103, %sign3A_107 : vector<128x128xi32>
    %sign3A_109 = arith.constant 0 : i32
    %sign3A_110 = arith.cmpi sgt, %jit3A_97, %sign3A_109 : i32
    %sign3A_111 = arith.extui %sign3A_110 : i1 to i32
    %sign3A_112 = arith.constant 0 : i32
    %sign3A_113 = arith.cmpi slt, %jit3A_97, %sign3A_112 : i32
    %sign3A_114 = arith.extui %sign3A_113 : i1 to i32
    %sign3A_115 = arith.subi %sign3A_111, %sign3A_114 : i32
    %ne3A_116 = vector.broadcast %sign3A_115 : i32 to vector<128x128xi32>
    %ne3A_117 = arith.cmpi ne, %sign3A_108, %ne3A_116 : vector<128x128xi32>
    %rem3A_118 = vector.broadcast %jit3A_97 : i32 to vector<128x128xi32>
    %rem3A_119 = arith.remsi %iota3A_96, %rem3A_118 : vector<128x128xi32>
    %ne3A_120 = arith.constant 0 : i32
    %ne3A_121 = vector.broadcast %ne3A_120 : i32 to vector<128x128xi32>
    %ne3A_122 = arith.cmpi ne, %rem3A_119, %ne3A_121 : vector<128x128xi32>
    %and3A_123 = arith.andi %ne3A_117, %ne3A_122 : vector<128x128xi1>
    %sub3A_124 = arith.constant 1 : i32
    %sub3A_125 = vector.broadcast %sub3A_124 : i32 to vector<128x128xi32>
    %sub3A_126 = arith.subi %div3A_99, %sub3A_125 : vector<128x128xi32>
    %select_n3A_127 = arith.select %and3A_123, %sub3A_126, %div3A_99 : vector<128x128xi1>, vector<128x128xi32>
    %iota3A_128 = tpu.iota {dimensions = array<i32: 1>} : vector<128x128xi32>
    %jit3A_129 = arith.constant 16 : i32
    %div3A_130 = vector.broadcast %jit3A_129 : i32 to vector<128x128xi32>
    %div3A_131 = arith.divsi %iota3A_128, %div3A_130 : vector<128x128xi32>
    %sign3A_132 = arith.constant 0 : i32
    %sign3A_133 = vector.broadcast %sign3A_132 : i32 to vector<128x128xi32>
    %sign3A_134 = arith.cmpi sgt, %iota3A_128, %sign3A_133 : vector<128x128xi32>
    %sign3A_135 = arith.extui %sign3A_134 : vector<128x128xi1> to vector<128x128xi32>
    %sign3A_136 = arith.constant 0 : i32
    %sign3A_137 = vector.broadcast %sign3A_136 : i32 to vector<128x128xi32>
    %sign3A_138 = arith.cmpi slt, %iota3A_128, %sign3A_137 : vector<128x128xi32>
    %sign3A_139 = arith.extui %sign3A_138 : vector<128x128xi1> to vector<128x128xi32>
    %sign3A_140 = arith.subi %sign3A_135, %sign3A_139 : vector<128x128xi32>
    %sign3A_141 = arith.constant 0 : i32
    %sign3A_142 = arith.cmpi sgt, %jit3A_129, %sign3A_141 : i32
    %sign3A_143 = arith.extui %sign3A_142 : i1 to i32
    %sign3A_144 = arith.constant 0 : i32
    %sign3A_145 = arith.cmpi slt, %jit3A_129, %sign3A_144 : i32
    %sign3A_146 = arith.extui %sign3A_145 : i1 to i32
    %sign3A_147 = arith.subi %sign3A_143, %sign3A_146 : i32
    %ne3A_148 = vector.broadcast %sign3A_147 : i32 to vector<128x128xi32>
    %ne3A_149 = arith.cmpi ne, %sign3A_140, %ne3A_148 : vector<128x128xi32>
    %rem3A_150 = vector.broadcast %jit3A_129 : i32 to vector<128x128xi32>
    %rem3A_151 = arith.remsi %iota3A_128, %rem3A_150 : vector<128x128xi32>
    %ne3A_152 = arith.constant 0 : i32
    %ne3A_153 = vector.broadcast %ne3A_152 : i32 to vector<128x128xi32>
    %ne3A_154 = arith.cmpi ne, %rem3A_151, %ne3A_153 : vector<128x128xi32>
    %and3A_155 = arith.andi %ne3A_149, %ne3A_154 : vector<128x128xi1>
    %sub3A_156 = arith.constant 1 : i32
    %sub3A_157 = vector.broadcast %sub3A_156 : i32 to vector<128x128xi32>
    %sub3A_158 = arith.subi %div3A_131, %sub3A_157 : vector<128x128xi32>
    %select_n3A_159 = arith.select %and3A_155, %sub3A_158, %div3A_131 : vector<128x128xi1>, vector<128x128xi32>
    %eq3A_160 = arith.cmpi eq, %select_n3A_127, %select_n3A_159 : vector<128x128xi32>
    %jit3A_161 = arith.constant 0.000000e+00 : f32
    %broadcast_in_dim3A_162 = vector.broadcast %jit3A_161 : f32 to vector<128x128xf32>
    %select_n3A_163 = arith.select %eq3A_160, %concatenate3A_95, %broadcast_in_dim3A_162 : vector<128x128xi1>, vector<128x128xf32>
    %dot_general3A_164 = arith.constant dense<0.000000e+00> : vector<1250x128xf32>
    %dot_general3A_165 = tpu.matmul %max3A_87, %select_n3A_163, %dot_general3A_164 {dimension_numbers = #tpu.dot_dimension_numbers<[1], [0], [0], [1], [0, 0, 1, 1], [], []>, transpose_lhs_hint = false} : vector<1250x128xf32>, vector<128x128xf32>, vector<1250x128xf32> -> vector<1250x128xf32>
    %swap3A = arith.constant 0 : index
    %swap3A_166 = arith.constant 0 : index
    %swap3A_167 = vector.load %arg6[%swap3A, %swap3A_166] : memref<1250x128xf32, #tpu.memory_space<vmem>>, vector<1250x128xf32>
    tpu.vector_store %arg6[%swap3A, %swap3A_166], %dot_general3A_165 {strides = array<i32>} : memref<1250x128xf32, #tpu.memory_space<vmem>>, vector<1250x128xf32>,
    return
  }
  func.func @transform_0(%arg0: i32) -> (i32, i32, i32) {
    %c0_i32 = arith.constant 0 : i32
    %c0_i32_0 = arith.constant 0 : i32
    %c0_i32_1 = arith.constant 0 : i32
    %c0_i32_2 = arith.constant 0 : i32
    return %c0_i32, %c0_i32_0, %c0_i32_1 : i32, i32, i32
  }
  func.func @transform_1(%arg0: i32) -> (i32, i32) {
    %c0_i32 = arith.constant 0 : i32
    %c0_i32_0 = arith.constant 0 : i32
    %c0_i32_1 = arith.constant 0 : i32
    return %c0_i32, %c0_i32_0 : i32, i32
  }
  func.func @transform_2(%arg0: i32) -> (i32, i32) {
    %c0_i32 = arith.constant 0 : i32
    %c0_i32_0 = arith.constant 0 : i32
    %c0_i32_1 = arith.constant 0 : i32
    return %c0_i32, %c0_i32_0 : i32, i32
  }
  func.func @transform_3(%arg0: i32) -> (i32, i32) {
    %c0_i32 = arith.constant 0 : i32
    %c0_i32_0 = arith.constant 0 : i32
    %c0_i32_1 = arith.constant 0 : i32
    return %c0_i32, %c0_i32_0 : i32, i32
  }
  func.func @transform_4(%arg0: i32) -> (i32, i32) {
    %c0_i32 = arith.constant 0 : i32
    %c0_i32_0 = arith.constant 0 : i32
    %c0_i32_1 = arith.constant 0 : i32
    return %c0_i32, %c0_i32_0 : i32, i32
  }
  func.func @transform_5(%arg0: i32) -> (i32, i32) {
    %c0_i32 = arith.constant 0 : i32
    %c0_i32_0 = arith.constant 0 : i32
    return %arg0, %c0_i32 : i32, i32
  }
}

module attributes {stable_mosaic.version = 14 : i64} {
  func.func @_tail_body(%arg0: i32, %arg1: memref<2x1250x128xf32, #tpu.memory_space<vmem>>, %arg2: memref<1250x8xi32, #tpu.memory_space<vmem>>, %arg3: memref<1x8xf32, #tpu.memory_space<vmem>>, %arg4: memref<8x8xf32, #tpu.memory_space<vmem>>, %arg5: memref<1x8xf32, #tpu.memory_space<vmem>>, %arg6: memref<8x6xf32, #tpu.memory_space<vmem>>, %arg7: memref<1x6xf32, #tpu.memory_space<vmem>>, %arg8: memref<64x6xf32, #tpu.memory_space<vmem>>) attributes {dimension_semantics = [#tpu.dimension_semantics<arbitrary>], iteration_bounds = array<i64: 1>, scalar_prefetch = 0 : i64, scratch_operands = 0 : i64, tpu.core_type = #tpu.core_type<tc>, window_params = [{pipeline_mode = #tpu.pipeline_mode<synchronous>, transform_indices = @transform_0, window_bounds = array<i64: 2, 1250, 128>}, {pipeline_mode = #tpu.pipeline_mode<synchronous>, transform_indices = @transform_1, window_bounds = array<i64: 1250, 8>}, {pipeline_mode = #tpu.pipeline_mode<synchronous>, transform_indices = @transform_2, window_bounds = array<i64: 1, 8>}, {pipeline_mode = #tpu.pipeline_mode<synchronous>, transform_indices = @transform_3, window_bounds = array<i64: 8, 8>}, {pipeline_mode = #tpu.pipeline_mode<synchronous>, transform_indices = @transform_4, window_bounds = array<i64: 1, 8>}, {pipeline_mode = #tpu.pipeline_mode<synchronous>, transform_indices = @transform_5, window_bounds = array<i64: 8, 6>}, {pipeline_mode = #tpu.pipeline_mode<synchronous>, transform_indices = @transform_6, window_bounds = array<i64: 1, 6>}, {pipeline_mode = #tpu.pipeline_mode<synchronous>, transform_indices = @transform_7, window_bounds = array<i64: 64, 6>}]} {
    %broadcast_in_dim3A = arith.constant 0.000000e+00 : f32
    %broadcast_in_dim3A_0 = vector.broadcast %broadcast_in_dim3A : f32 to vector<1x8xf32>
    %get3A = arith.constant 0 : index
    %get3A_1 = arith.constant 0 : index
    %get3A_2 = vector.load %arg3[%get3A, %get3A_1] : memref<1x8xf32, #tpu.memory_space<vmem>>, vector<1x8xf32>
    %concatenate3A = tpu.concatenate %get3A_2, %broadcast_in_dim3A_0 in 1 : vector<1x8xf32>, vector<1x8xf32> -> vector<1x16xf32>
    %get3A_3 = arith.constant 0 : index
    %get3A_4 = arith.constant 0 : index
    %get3A_5 = vector.load %arg5[%get3A_3, %get3A_4] : memref<1x8xf32, #tpu.memory_space<vmem>>, vector<1x8xf32>
    %concatenate3A_6 = tpu.concatenate %get3A_5, %broadcast_in_dim3A_0 in 1 : vector<1x8xf32>, vector<1x8xf32> -> vector<1x16xf32>
    %get3A_7 = arith.constant 0 : index
    %get3A_8 = arith.constant 0 : index
    %get3A_9 = vector.load %arg4[%get3A_7, %get3A_8] : memref<8x8xf32, #tpu.memory_space<vmem>>, vector<8x8xf32>
    %broadcast_in_dim3A_10 = arith.constant 0.000000e+00 : f32
    %broadcast_in_dim3A_11 = vector.broadcast %broadcast_in_dim3A_10 : f32 to vector<8x8xf32>
    %concatenate3A_12 = tpu.concatenate %get3A_9, %broadcast_in_dim3A_11 in 1 : vector<8x8xf32>, vector<8x8xf32> -> vector<8x16xf32>
    %broadcast_in_dim3A_13 = arith.constant 0.000000e+00 : f32
    %broadcast_in_dim3A_14 = vector.broadcast %broadcast_in_dim3A_13 : f32 to vector<8x16xf32>
    %concatenate3A_15 = tpu.concatenate %concatenate3A_12, %broadcast_in_dim3A_14 in 0 : vector<8x16xf32>, vector<8x16xf32> -> vector<16x16xf32>
    %get3A_16 = arith.constant 0 : index
    %get3A_17 = arith.constant 0 : index
    %get3A_18 = arith.constant 0 : index
    %get3A_19 = vector.load %arg1[%get3A_16, %get3A_17, %get3A_18] : memref<2x1250x128xf32, #tpu.memory_space<vmem>>, vector<1x1250x128xf32>
    %get3A_20 = vector.shape_cast %get3A_19 : vector<1x1250x128xf32> to vector<1250x128xf32>
    %get3A_21 = arith.constant 1 : index
    %get3A_22 = arith.constant 0 : index
    %get3A_23 = arith.constant 0 : index
    %get3A_24 = vector.load %arg1[%get3A_21, %get3A_22, %get3A_23] : memref<2x1250x128xf32, #tpu.memory_space<vmem>>, vector<1x1250x128xf32>
    %get3A_25 = vector.shape_cast %get3A_24 : vector<1x1250x128xf32> to vector<1250x128xf32>
    %add3A = arith.addf %get3A_20, %get3A_25 : vector<1250x128xf32>
    %concatenate3A_26 = tpu.concatenate %concatenate3A, %concatenate3A, %concatenate3A, %concatenate3A, %concatenate3A, %concatenate3A, %concatenate3A, %concatenate3A in 1 : vector<1x16xf32>, vector<1x16xf32>, vector<1x16xf32>, vector<1x16xf32>, vector<1x16xf32>, vector<1x16xf32>, vector<1x16xf32>, vector<1x16xf32> -> vector<1x128xf32>
    %add3A_27 = vector.broadcast %concatenate3A_26 : vector<1x128xf32> to vector<1250x128xf32>
    %add3A_28 = arith.addf %add3A, %add3A_27 : vector<1250x128xf32>
    %max3A = arith.constant 0.000000e+00 : f32
    %max3A_29 = vector.broadcast %max3A : f32 to vector<1250x128xf32>
    %max3A_30 = arith.maximumf %add3A_28, %max3A_29 : vector<1250x128xf32>
    %concatenate3A_31 = tpu.concatenate %concatenate3A_15, %concatenate3A_15, %concatenate3A_15, %concatenate3A_15, %concatenate3A_15, %concatenate3A_15, %concatenate3A_15, %concatenate3A_15 in 1 : vector<16x16xf32>, vector<16x16xf32>, vector<16x16xf32>, vector<16x16xf32>, vector<16x16xf32>, vector<16x16xf32>, vector<16x16xf32>, vector<16x16xf32> -> vector<16x128xf32>
    %concatenate3A_32 = tpu.concatenate %concatenate3A_31, %concatenate3A_31, %concatenate3A_31, %concatenate3A_31, %concatenate3A_31, %concatenate3A_31, %concatenate3A_31, %concatenate3A_31 in 0 : vector<16x128xf32>, vector<16x128xf32>, vector<16x128xf32>, vector<16x128xf32>, vector<16x128xf32>, vector<16x128xf32>, vector<16x128xf32>, vector<16x128xf32> -> vector<128x128xf32>
    %iota3A = tpu.iota {dimensions = array<i32: 0>} : vector<128x128xi32>
    %jit3A = arith.constant 16 : i32
    %div3A = vector.broadcast %jit3A : i32 to vector<128x128xi32>
    %div3A_33 = arith.divsi %iota3A, %div3A : vector<128x128xi32>
    %sign3A = arith.constant 0 : i32
    %sign3A_34 = vector.broadcast %sign3A : i32 to vector<128x128xi32>
    %sign3A_35 = arith.cmpi sgt, %iota3A, %sign3A_34 : vector<128x128xi32>
    %sign3A_36 = arith.extui %sign3A_35 : vector<128x128xi1> to vector<128x128xi32>
    %sign3A_37 = arith.constant 0 : i32
    %sign3A_38 = vector.broadcast %sign3A_37 : i32 to vector<128x128xi32>
    %sign3A_39 = arith.cmpi slt, %iota3A, %sign3A_38 : vector<128x128xi32>
    %sign3A_40 = arith.extui %sign3A_39 : vector<128x128xi1> to vector<128x128xi32>
    %sign3A_41 = arith.subi %sign3A_36, %sign3A_40 : vector<128x128xi32>
    %sign3A_42 = arith.constant 0 : i32
    %sign3A_43 = arith.cmpi sgt, %jit3A, %sign3A_42 : i32
    %sign3A_44 = arith.extui %sign3A_43 : i1 to i32
    %sign3A_45 = arith.constant 0 : i32
    %sign3A_46 = arith.cmpi slt, %jit3A, %sign3A_45 : i32
    %sign3A_47 = arith.extui %sign3A_46 : i1 to i32
    %sign3A_48 = arith.subi %sign3A_44, %sign3A_47 : i32
    %ne3A = vector.broadcast %sign3A_48 : i32 to vector<128x128xi32>
    %ne3A_49 = arith.cmpi ne, %sign3A_41, %ne3A : vector<128x128xi32>
    %rem3A = vector.broadcast %jit3A : i32 to vector<128x128xi32>
    %rem3A_50 = arith.remsi %iota3A, %rem3A : vector<128x128xi32>
    %ne3A_51 = arith.constant 0 : i32
    %ne3A_52 = vector.broadcast %ne3A_51 : i32 to vector<128x128xi32>
    %ne3A_53 = arith.cmpi ne, %rem3A_50, %ne3A_52 : vector<128x128xi32>
    %and3A = arith.andi %ne3A_49, %ne3A_53 : vector<128x128xi1>
    %sub3A = arith.constant 1 : i32
    %sub3A_54 = vector.broadcast %sub3A : i32 to vector<128x128xi32>
    %sub3A_55 = arith.subi %div3A_33, %sub3A_54 : vector<128x128xi32>
    %select_n3A = arith.select %and3A, %sub3A_55, %div3A_33 : vector<128x128xi1>, vector<128x128xi32>
    %iota3A_56 = tpu.iota {dimensions = array<i32: 1>} : vector<128x128xi32>
    %jit3A_57 = arith.constant 16 : i32
    %div3A_58 = vector.broadcast %jit3A_57 : i32 to vector<128x128xi32>
    %div3A_59 = arith.divsi %iota3A_56, %div3A_58 : vector<128x128xi32>
    %sign3A_60 = arith.constant 0 : i32
    %sign3A_61 = vector.broadcast %sign3A_60 : i32 to vector<128x128xi32>
    %sign3A_62 = arith.cmpi sgt, %iota3A_56, %sign3A_61 : vector<128x128xi32>
    %sign3A_63 = arith.extui %sign3A_62 : vector<128x128xi1> to vector<128x128xi32>
    %sign3A_64 = arith.constant 0 : i32
    %sign3A_65 = vector.broadcast %sign3A_64 : i32 to vector<128x128xi32>
    %sign3A_66 = arith.cmpi slt, %iota3A_56, %sign3A_65 : vector<128x128xi32>
    %sign3A_67 = arith.extui %sign3A_66 : vector<128x128xi1> to vector<128x128xi32>
    %sign3A_68 = arith.subi %sign3A_63, %sign3A_67 : vector<128x128xi32>
    %sign3A_69 = arith.constant 0 : i32
    %sign3A_70 = arith.cmpi sgt, %jit3A_57, %sign3A_69 : i32
    %sign3A_71 = arith.extui %sign3A_70 : i1 to i32
    %sign3A_72 = arith.constant 0 : i32
    %sign3A_73 = arith.cmpi slt, %jit3A_57, %sign3A_72 : i32
    %sign3A_74 = arith.extui %sign3A_73 : i1 to i32
    %sign3A_75 = arith.subi %sign3A_71, %sign3A_74 : i32
    %ne3A_76 = vector.broadcast %sign3A_75 : i32 to vector<128x128xi32>
    %ne3A_77 = arith.cmpi ne, %sign3A_68, %ne3A_76 : vector<128x128xi32>
    %rem3A_78 = vector.broadcast %jit3A_57 : i32 to vector<128x128xi32>
    %rem3A_79 = arith.remsi %iota3A_56, %rem3A_78 : vector<128x128xi32>
    %ne3A_80 = arith.constant 0 : i32
    %ne3A_81 = vector.broadcast %ne3A_80 : i32 to vector<128x128xi32>
    %ne3A_82 = arith.cmpi ne, %rem3A_79, %ne3A_81 : vector<128x128xi32>
    %and3A_83 = arith.andi %ne3A_77, %ne3A_82 : vector<128x128xi1>
    %sub3A_84 = arith.constant 1 : i32
    %sub3A_85 = vector.broadcast %sub3A_84 : i32 to vector<128x128xi32>
    %sub3A_86 = arith.subi %div3A_59, %sub3A_85 : vector<128x128xi32>
    %select_n3A_87 = arith.select %and3A_83, %sub3A_86, %div3A_59 : vector<128x128xi1>, vector<128x128xi32>
    %eq3A = arith.cmpi eq, %select_n3A, %select_n3A_87 : vector<128x128xi32>
    %jit3A_88 = arith.constant 0.000000e+00 : f32
    %broadcast_in_dim3A_89 = vector.broadcast %jit3A_88 : f32 to vector<128x128xf32>
    %select_n3A_90 = arith.select %eq3A, %concatenate3A_32, %broadcast_in_dim3A_89 : vector<128x128xi1>, vector<128x128xf32>
    %dot_general3A = arith.constant dense<0.000000e+00> : vector<1250x128xf32>
    %dot_general3A_91 = tpu.matmul %max3A_30, %select_n3A_90, %dot_general3A {dimension_numbers = #tpu.dot_dimension_numbers<[1], [0], [0], [1], [0, 0, 1, 1], [], []>, transpose_lhs_hint = false} : vector<1250x128xf32>, vector<128x128xf32>, vector<1250x128xf32> -> vector<1250x128xf32>
    %concatenate3A_92 = tpu.concatenate %concatenate3A_6, %concatenate3A_6, %concatenate3A_6, %concatenate3A_6, %concatenate3A_6, %concatenate3A_6, %concatenate3A_6, %concatenate3A_6 in 1 : vector<1x16xf32>, vector<1x16xf32>, vector<1x16xf32>, vector<1x16xf32>, vector<1x16xf32>, vector<1x16xf32>, vector<1x16xf32>, vector<1x16xf32> -> vector<1x128xf32>
    %add3A_93 = vector.broadcast %concatenate3A_92 : vector<1x128xf32> to vector<1250x128xf32>
    %add3A_94 = arith.addf %dot_general3A_91, %add3A_93 : vector<1250x128xf32>
    %max3A_95 = arith.constant 0.000000e+00 : f32
    %max3A_96 = vector.broadcast %max3A_95 : f32 to vector<1250x128xf32>
    %max3A_97 = arith.maximumf %add3A_94, %max3A_96 : vector<1250x128xf32>
    %iota3A_98 = tpu.iota {dimensions = array<i32: 1>} : vector<1x64xi32>
    %get3A_99 = arith.constant 0 : index
    %get3A_100 = arith.constant 0 : index
    %get3A_101 = vector.load %arg2[%get3A_99, %get3A_100] : memref<1250x8xi32, #tpu.memory_space<vmem>>, vector<1250x1xi32>
    %eq3A_102 = vector.broadcast %get3A_101 : vector<1250x1xi32> to vector<1250x64xi32>
    %eq3A_103 = vector.broadcast %iota3A_98 : vector<1x64xi32> to vector<1250x64xi32>
    %eq3A_104 = arith.cmpi eq, %eq3A_102, %eq3A_103 : vector<1250x64xi32>
    %convert_element_type3A = arith.extui %eq3A_104 : vector<1250x64xi1> to vector<1250x64xi32>
    %convert_element_type3A_105 = arith.sitofp %convert_element_type3A : vector<1250x64xi32> to vector<1250x64xf32>
    %get3A_106 = arith.constant 0 : index
    %get3A_107 = arith.constant 1 : index
    %get3A_108 = vector.load %arg2[%get3A_106, %get3A_107] : memref<1250x8xi32, #tpu.memory_space<vmem>>, vector<1250x1xi32>
    %eq3A_109 = vector.broadcast %get3A_108 : vector<1250x1xi32> to vector<1250x64xi32>
    %eq3A_110 = vector.broadcast %iota3A_98 : vector<1x64xi32> to vector<1250x64xi32>
    %eq3A_111 = arith.cmpi eq, %eq3A_109, %eq3A_110 : vector<1250x64xi32>
    %convert_element_type3A_112 = arith.extui %eq3A_111 : vector<1250x64xi1> to vector<1250x64xi32>
    %convert_element_type3A_113 = arith.sitofp %convert_element_type3A_112 : vector<1250x64xi32> to vector<1250x64xf32>
    %get3A_114 = arith.constant 0 : index
    %get3A_115 = arith.constant 2 : index
    %get3A_116 = vector.load %arg2[%get3A_114, %get3A_115] : memref<1250x8xi32, #tpu.memory_space<vmem>>, vector<1250x1xi32>
    %eq3A_117 = vector.broadcast %get3A_116 : vector<1250x1xi32> to vector<1250x64xi32>
    %eq3A_118 = vector.broadcast %iota3A_98 : vector<1x64xi32> to vector<1250x64xi32>
    %eq3A_119 = arith.cmpi eq, %eq3A_117, %eq3A_118 : vector<1250x64xi32>
    %convert_element_type3A_120 = arith.extui %eq3A_119 : vector<1250x64xi1> to vector<1250x64xi32>
    %convert_element_type3A_121 = arith.sitofp %convert_element_type3A_120 : vector<1250x64xi32> to vector<1250x64xf32>
    %get3A_122 = arith.constant 0 : index
    %get3A_123 = arith.constant 3 : index
    %get3A_124 = vector.load %arg2[%get3A_122, %get3A_123] : memref<1250x8xi32, #tpu.memory_space<vmem>>, vector<1250x1xi32>
    %eq3A_125 = vector.broadcast %get3A_124 : vector<1250x1xi32> to vector<1250x64xi32>
    %eq3A_126 = vector.broadcast %iota3A_98 : vector<1x64xi32> to vector<1250x64xi32>
    %eq3A_127 = arith.cmpi eq, %eq3A_125, %eq3A_126 : vector<1250x64xi32>
    %convert_element_type3A_128 = arith.extui %eq3A_127 : vector<1250x64xi1> to vector<1250x64xi32>
    %convert_element_type3A_129 = arith.sitofp %convert_element_type3A_128 : vector<1250x64xi32> to vector<1250x64xf32>
    %get3A_130 = arith.constant 0 : index
    %get3A_131 = arith.constant 4 : index
    %get3A_132 = vector.load %arg2[%get3A_130, %get3A_131] : memref<1250x8xi32, #tpu.memory_space<vmem>>, vector<1250x1xi32>
    %eq3A_133 = vector.broadcast %get3A_132 : vector<1250x1xi32> to vector<1250x64xi32>
    %eq3A_134 = vector.broadcast %iota3A_98 : vector<1x64xi32> to vector<1250x64xi32>
    %eq3A_135 = arith.cmpi eq, %eq3A_133, %eq3A_134 : vector<1250x64xi32>
    %convert_element_type3A_136 = arith.extui %eq3A_135 : vector<1250x64xi1> to vector<1250x64xi32>
    %convert_element_type3A_137 = arith.sitofp %convert_element_type3A_136 : vector<1250x64xi32> to vector<1250x64xf32>
    %get3A_138 = arith.constant 0 : index
    %get3A_139 = arith.constant 5 : index
    %get3A_140 = vector.load %arg2[%get3A_138, %get3A_139] : memref<1250x8xi32, #tpu.memory_space<vmem>>, vector<1250x1xi32>
    %eq3A_141 = vector.broadcast %get3A_140 : vector<1250x1xi32> to vector<1250x64xi32>
    %eq3A_142 = vector.broadcast %iota3A_98 : vector<1x64xi32> to vector<1250x64xi32>
    %eq3A_143 = arith.cmpi eq, %eq3A_141, %eq3A_142 : vector<1250x64xi32>
    %convert_element_type3A_144 = arith.extui %eq3A_143 : vector<1250x64xi1> to vector<1250x64xi32>
    %convert_element_type3A_145 = arith.sitofp %convert_element_type3A_144 : vector<1250x64xi32> to vector<1250x64xf32>
    %get3A_146 = arith.constant 0 : index
    %get3A_147 = arith.constant 6 : index
    %get3A_148 = vector.load %arg2[%get3A_146, %get3A_147] : memref<1250x8xi32, #tpu.memory_space<vmem>>, vector<1250x1xi32>
    %eq3A_149 = vector.broadcast %get3A_148 : vector<1250x1xi32> to vector<1250x64xi32>
    %eq3A_150 = vector.broadcast %iota3A_98 : vector<1x64xi32> to vector<1250x64xi32>
    %eq3A_151 = arith.cmpi eq, %eq3A_149, %eq3A_150 : vector<1250x64xi32>
    %convert_element_type3A_152 = arith.extui %eq3A_151 : vector<1250x64xi1> to vector<1250x64xi32>
    %convert_element_type3A_153 = arith.sitofp %convert_element_type3A_152 : vector<1250x64xi32> to vector<1250x64xf32>
    %get3A_154 = arith.constant 0 : index
    %get3A_155 = arith.constant 7 : index
    %get3A_156 = vector.load %arg2[%get3A_154, %get3A_155] : memref<1250x8xi32, #tpu.memory_space<vmem>>, vector<1250x1xi32>
    %eq3A_157 = vector.broadcast %get3A_156 : vector<1250x1xi32> to vector<1250x64xi32>
    %eq3A_158 = vector.broadcast %iota3A_98 : vector<1x64xi32> to vector<1250x64xi32>
    %eq3A_159 = arith.cmpi eq, %eq3A_157, %eq3A_158 : vector<1250x64xi32>
    %convert_element_type3A_160 = arith.extui %eq3A_159 : vector<1250x64xi1> to vector<1250x64xi32>
    %convert_element_type3A_161 = arith.sitofp %convert_element_type3A_160 : vector<1250x64xi32> to vector<1250x64xf32>
    %concatenate3A_162 = tpu.concatenate %convert_element_type3A_105, %convert_element_type3A_113, %convert_element_type3A_121, %convert_element_type3A_129, %convert_element_type3A_137, %convert_element_type3A_145, %convert_element_type3A_153, %convert_element_type3A_161 in 0 : vector<1250x64xf32>, vector<1250x64xf32>, vector<1250x64xf32>, vector<1250x64xf32>, vector<1250x64xf32>, vector<1250x64xf32>, vector<1250x64xf32>, vector<1250x64xf32> -> vector<10000x64xf32>
    %slice3A = vector.extract_strided_slice %max3A_97 {offsets = [0, 0], sizes = [1250, 16], strides = [1, 1]} : vector<1250x128xf32> to vector<1250x16xf32>
    %slice3A_163 = vector.extract_strided_slice %max3A_97 {offsets = [0, 16], sizes = [1250, 16], strides = [1, 1]} : vector<1250x128xf32> to vector<1250x16xf32>
    %slice3A_164 = vector.extract_strided_slice %max3A_97 {offsets = [0, 32], sizes = [1250, 16], strides = [1, 1]} : vector<1250x128xf32> to vector<1250x16xf32>
    %slice3A_165 = vector.extract_strided_slice %max3A_97 {offsets = [0, 48], sizes = [1250, 16], strides = [1, 1]} : vector<1250x128xf32> to vector<1250x16xf32>
    %slice3A_166 = vector.extract_strided_slice %max3A_97 {offsets = [0, 64], sizes = [1250, 16], strides = [1, 1]} : vector<1250x128xf32> to vector<1250x16xf32>
    %slice3A_167 = vector.extract_strided_slice %max3A_97 {offsets = [0, 80], sizes = [1250, 16], strides = [1, 1]} : vector<1250x128xf32> to vector<1250x16xf32>
    %slice3A_168 = vector.extract_strided_slice %max3A_97 {offsets = [0, 96], sizes = [1250, 16], strides = [1, 1]} : vector<1250x128xf32> to vector<1250x16xf32>
    %slice3A_169 = vector.extract_strided_slice %max3A_97 {offsets = [0, 112], sizes = [1250, 16], strides = [1, 1]} : vector<1250x128xf32> to vector<1250x16xf32>
    %concatenate3A_170 = tpu.concatenate %slice3A, %slice3A_163, %slice3A_164, %slice3A_165, %slice3A_166, %slice3A_167, %slice3A_168, %slice3A_169 in 0 : vector<1250x16xf32>, vector<1250x16xf32>, vector<1250x16xf32>, vector<1250x16xf32>, vector<1250x16xf32>, vector<1250x16xf32>, vector<1250x16xf32>, vector<1250x16xf32> -> vector<10000x16xf32>
    %dot_general3A_171 = arith.constant dense<0.000000e+00> : vector<64x16xf32>
    %dot_general3A_172 = tpu.matmul %concatenate3A_162, %concatenate3A_170, %dot_general3A_171 {dimension_numbers = #tpu.dot_dimension_numbers<[0], [0], [1], [1], [0, 1, 1, 1], [], []>, transpose_lhs_hint = false} : vector<10000x64xf32>, vector<10000x16xf32>, vector<64x16xf32> -> vector<64x16xf32>
    %broadcast_in_dim3A_173 = arith.constant 1.000000e+00 : f32
    %broadcast_in_dim3A_174 = vector.broadcast %broadcast_in_dim3A_173 : f32 to vector<10000x1xf32>
    %dot_general3A_175 = arith.constant dense<0.000000e+00> : vector<64x1xf32>
    %dot_general3A_176 = tpu.matmul %concatenate3A_162, %broadcast_in_dim3A_174, %dot_general3A_175 {dimension_numbers = #tpu.dot_dimension_numbers<[0], [0], [1], [1], [0, 1, 1, 1], [], []>, transpose_lhs_hint = false} : vector<10000x64xf32>, vector<10000x1xf32>, vector<64x1xf32> -> vector<64x1xf32>
    %max3A_177 = arith.constant 1.000000e+00 : f32
    %max3A_178 = vector.broadcast %max3A_177 : f32 to vector<64x1xf32>
    %max3A_179 = arith.maximumf %dot_general3A_176, %max3A_178 : vector<64x1xf32>
    %div3A_180 = vector.broadcast %max3A_179 : vector<64x1xf32> to vector<64x16xf32>
    %div3A_181 = arith.divf %dot_general3A_172, %div3A_180 : vector<64x16xf32>
    %get3A_182 = arith.constant 0 : index
    %get3A_183 = arith.constant 0 : index
    %get3A_184 = vector.load %arg6[%get3A_182, %get3A_183] : memref<8x6xf32, #tpu.memory_space<vmem>>, vector<8x6xf32>
    %broadcast_in_dim3A_185 = arith.constant 0.000000e+00 : f32
    %broadcast_in_dim3A_186 = vector.broadcast %broadcast_in_dim3A_185 : f32 to vector<8x6xf32>
    %concatenate3A_187 = tpu.concatenate %get3A_184, %broadcast_in_dim3A_186 in 0 : vector<8x6xf32>, vector<8x6xf32> -> vector<16x6xf32>
    %dot_general3A_188 = arith.constant dense<0.000000e+00> : vector<64x6xf32>
    %dot_general3A_189 = tpu.matmul %div3A_181, %concatenate3A_187, %dot_general3A_188 {dimension_numbers = #tpu.dot_dimension_numbers<[1], [0], [0], [1], [0, 0, 1, 1], [], []>, transpose_lhs_hint = false} : vector<64x16xf32>, vector<16x6xf32>, vector<64x6xf32> -> vector<64x6xf32>
    %get3A_190 = arith.constant 0 : index
    %get3A_191 = arith.constant 0 : index
    %get3A_192 = vector.load %arg7[%get3A_190, %get3A_191] : memref<1x6xf32, #tpu.memory_space<vmem>>, vector<1x6xf32>
    %add3A_193 = vector.broadcast %get3A_192 : vector<1x6xf32> to vector<64x6xf32>
    %add3A_194 = arith.addf %dot_general3A_189, %add3A_193 : vector<64x6xf32>
    %reduce_max3A = arith.constant dense<0xFF800000> : vector<64xf32>
    %reduce_max3A_195 = vector.multi_reduction <maximumf>, %add3A_194, %reduce_max3A [1] : vector<64x6xf32> to vector<64xf32>
    %broadcast_in_dim3A_196 = vector.shape_cast %reduce_max3A_195 : vector<64xf32> to vector<64x1xf32>
    %sub3A_197 = vector.broadcast %broadcast_in_dim3A_196 : vector<64x1xf32> to vector<64x6xf32>
    %sub3A_198 = arith.subf %add3A_194, %sub3A_197 : vector<64x6xf32>
    %exp3A = math.exp %sub3A_198 : vector<64x6xf32>
    %reduce_sum3A = arith.constant dense<0.000000e+00> : vector<64xf32>
    %reduce_sum3A_199 = vector.multi_reduction <add>, %exp3A, %reduce_sum3A [1] : vector<64x6xf32> to vector<64xf32>
    %broadcast_in_dim3A_200 = vector.shape_cast %reduce_sum3A_199 : vector<64xf32> to vector<64x1xf32>
    %log3A = math.log %broadcast_in_dim3A_200 : vector<64x1xf32>
    %add3A_201 = arith.addf %log3A, %broadcast_in_dim3A_196 : vector<64x1xf32>
    %sub3A_202 = vector.broadcast %add3A_201 : vector<64x1xf32> to vector<64x6xf32>
    %sub3A_203 = arith.subf %add3A_194, %sub3A_202 : vector<64x6xf32>
    %swap3A = arith.constant 0 : index
    %swap3A_204 = arith.constant 0 : index
    %swap3A_205 = vector.load %arg8[%swap3A, %swap3A_204] : memref<64x6xf32, #tpu.memory_space<vmem>>, vector<64x6xf32>
    tpu.vector_store %arg8[%swap3A, %swap3A_204], %sub3A_203 {strides = array<i32>} : memref<64x6xf32, #tpu.memory_space<vmem>>, vector<64x6xf32>,
    return
  }
  func.func @transform_0(%arg0: i32) -> (i32, i32, i32) {
    %c0_i32 = arith.constant 0 : i32
    %c0_i32_0 = arith.constant 0 : i32
    %c0_i32_1 = arith.constant 0 : i32
    %c0_i32_2 = arith.constant 0 : i32
    return %c0_i32, %c0_i32_0, %c0_i32_1 : i32, i32, i32
  }
  func.func @transform_1(%arg0: i32) -> (i32, i32) {
    %c0_i32 = arith.constant 0 : i32
    %c0_i32_0 = arith.constant 0 : i32
    %c0_i32_1 = arith.constant 0 : i32
    return %c0_i32, %c0_i32_0 : i32, i32
  }
  func.func @transform_2(%arg0: i32) -> (i32, i32) {
    %c0_i32 = arith.constant 0 : i32
    %c0_i32_0 = arith.constant 0 : i32
    %c0_i32_1 = arith.constant 0 : i32
    return %c0_i32, %c0_i32_0 : i32, i32
  }
  func.func @transform_3(%arg0: i32) -> (i32, i32) {
    %c0_i32 = arith.constant 0 : i32
    %c0_i32_0 = arith.constant 0 : i32
    %c0_i32_1 = arith.constant 0 : i32
    return %c0_i32, %c0_i32_0 : i32, i32
  }
  func.func @transform_4(%arg0: i32) -> (i32, i32) {
    %c0_i32 = arith.constant 0 : i32
    %c0_i32_0 = arith.constant 0 : i32
    %c0_i32_1 = arith.constant 0 : i32
    return %c0_i32, %c0_i32_0 : i32, i32
  }
  func.func @transform_5(%arg0: i32) -> (i32, i32) {
    %c0_i32 = arith.constant 0 : i32
    %c0_i32_0 = arith.constant 0 : i32
    %c0_i32_1 = arith.constant 0 : i32
    return %c0_i32, %c0_i32_0 : i32, i32
  }
  func.func @transform_6(%arg0: i32) -> (i32, i32) {
    %c0_i32 = arith.constant 0 : i32
    %c0_i32_0 = arith.constant 0 : i32
    %c0_i32_1 = arith.constant 0 : i32
    return %c0_i32, %c0_i32_0 : i32, i32
  }
  func.func @transform_7(%arg0: i32) -> (i32, i32) {
    %c0_i32 = arith.constant 0 : i32
    %c0_i32_0 = arith.constant 0 : i32
    %c0_i32_1 = arith.constant 0 : i32
    return %c0_i32, %c0_i32_0 : i32, i32
  }
}

</mosaic_0001>

<sc_bundles>
// kernel: kernel.10.cloned.1.call-start
scs
__scs_entry_jumppad:
0x0: {  	(pc) =	sbr.rel $0x88, $3  }
0x1: {  	(tag) =	ssettag $0x0;
	lr =	simm.s32 $0x1  }
0x2: {  	[smem:$0x3F94] =	sst lr;
	_ =	strace $0xD0000000  }
0x3: {  	_ = 	snop  }
0x4: {  	_ = 	snop  }
0x5: {  	_ = 	snop  }
0x6: {  	_ = 	snop  }
0x7: {  	_ = 	snop  }
__scs_overlays_trampoline_lowered:
0x8: {  	[smem:$0x3FA3] =	sst s0  }
0x9: {  	[smem:$0x3FA4] =	sst s1  }
0xa: {  	[smem:$0x3FA5] =	sst s2  }
0xb: {  	[smem:$0x3FA6] =	sst s3  }
0xc: {  	[smem:$0x3FA7] =	sst s4  }
0xd: {  	[smem:$0x3FA8] =	sst s5  }
0xe: {  	[smem:$0x3FA9] =	sst s6  }
0xf: {  	[smem:$0x3FAA] =	sst s7  }
0x10: {  	[smem:$0x3FAB] =	sst s8  }
0x11: {  	[smem:$0x3FAC] =	sst s9;
	s0 =	simm.s32 @!p0 $0x0  }
0x12: {  	s1 =	sld [smem:$0x3F92];
	s0 =	simm.s32 @p0 $0x1  }
0x13: {  	[smem:$0x3FAD] =	sst s0;
	s0 =	simm.s32 @!p1 $0x0  }
0x14: {  	s2 =	sld [smem:$0x3F91];
	s0 =	simm.s32 @p1 $0x1  }
0x15: {  	[smem:$0x3FAE] =	sst s0;
	s0 =	simm.s32 @!p2 $0x0  }
0x16: {  	s3 =	sld [smem:$0x3FDB];
	s0 =	simm.s32 @p2 $0x1  }
0x17: {  	s4 =	simm.s32 $0x1BF5;
	[smem:$0x3FB0] =	sst s0  }
0x18: {  	s0 =	sld [smem:$0x3F93];
	_ =	swait.ge [sflag:s4], $0x0  }
0x19: {  	s7 =	sld [smem:$0x3F94]  }
0x1a: {  	s8 =	sadd.s32 $0xFFFFE003, lr  }
0x1b: {  	s9 =	sadd.s32 $0xFFFFFEF7, lr;
	s5 =	simm.s32 $0xFFFFFFFF;
	p2 =	slt.u32 s8, $0xFFFFF086  }
0x1c: {  	p1 =	slt.u32 s9, $0xF7A;
	s5 =	simm.s32 @!p2 $0x0  }
0x1d: {  	s5 =	simm.s32 @p1 $0x1;
	p0 =	seq.s32 s7, s2  }
0x1e: {  	s7 =	smul.u32 @!p0 $0xF7A, s2;
	p2 =	seq.s32 @!p0 s5, $0x0  }
0x1f: {  	s9 =	smul.u32 $0xF7A, s1;
	s8 =	simm.s32 @!p0 $0x1BF5;
	p2 =	por !p2, p0  }
0x20: {  	[sflag:s8] =	ssyncset.s32 @!p0 $0xFFFFF086;
	s6 =	sadd.s32 @!p0 s3, s7;
	s7 =	simm.s32 @!p0 $0x108  }
0x21: {  	s3 =	sadd.s32 s3, s9;
	s6 =	sadd.s32 @!p0 $0x88, s6;
	s7 =	simm.s32 @p2 $0x1082  }
0x22: {  	[simem:s7], [sflag:s8] =	dma.local @!p0 [hbm:s6], $0xF7A  }
0x23: {  	s9 =	sor.u32 $0xD0000000, s2;
	s6 =	simm.s32 $0x108;
	_ =	swait.ge @!p0 [sflag:s8], $0x0  }
0x24: {  	s3 =	sadd.s32 $0x88, s3;
	s6 =	simm.s32 @!p1 $0x1082;
	[sflag:s4] =	ssyncset.s32 $0xFFFFF086  }
0x25: {  	[simem:s6], [sflag:s4] =	dma.local [hbm:s3], $0xF7A  }
0x26: {  	[smem:$0x3F94] =	sst s1;
	(tag) =	ssettag s2;
	_ =	strace s9  }
0x27: {  	s1 =	sld [smem:$0x3FA4]  }
0x28: {  	s2 =	sld [smem:$0x3FA5]  }
0x29: {  	s4 =	sld [smem:$0x3FA7]  }
0x2a: {  	p0 =	seq.s32 s5, $0x0;
	s5 =	sld [smem:$0x3FA8]  }
0x2b: {  	s6 =	sld [smem:$0x3FA9]  }
0x2c: {  	s7 =	sld [smem:$0x3FAA]  }
0x2d: {  	s3 =	simm.s32 $0x108;
	s8 =	sld [smem:$0x3FAB]  }
0x2e: {  	s3 =	simm.s32 @!p0 $0x1082;
	s9 =	sld [smem:$0x3FAC]  }
0x2f: {  	lr =	sadd.s32 s0, s3;
	s0 =	sld [smem:$0x3FA3]  }
0x30: {  	s3 =	sld [smem:$0x3FA6]  }
0x31: {  	[smem:$0x3FAF] =	sst s10  }
0x32: {  	s10 =	sld [smem:$0x3FAD];
	_ =	sdelay $0x3  }
0x33: {  	p0 =	seq.s32 s10, $0x1;
	s10 =	sld [smem:$0x3FAF];
	_ =	sdelay $0x3  }
0x34: {  	[smem:$0x3FAF] =	sst s10  }
0x35: {  	s10 =	sld [smem:$0x3FAE];
	_ =	sdelay $0x3  }
0x36: {  	p1 =	seq.s32 s10, $0x1;
	s10 =	sld [smem:$0x3FAF];
	_ =	sdelay $0x3  }
0x37: {  	[smem:$0x3FAF] =	sst s10  }
0x38: {  	s10 =	sld [smem:$0x3FB0]  }
0x39: {  	_ = 	snop;
	(pc) =	sbr.ind lr, $3  }
0x3a: {  	_ = 	snop  }
0x3b: {  	_ = 	snop  }
0x3c: {  	p2 =	seq.s32 s10, $0x1;
	s10 =	sld [smem:$0x3FAF]  }
0x3d: {  	_ =	shalt  }
0x3e: {  	_ =	shalt  }
0x3f: {  	_ =	shalt  }
0x40: {  	_ =	shalt  }
0x41: {  	_ =	shalt  }
0x42: {  	_ =	shalt  }
0x43: {  	_ =	shalt  }
0x44: {  	_ =	shalt  }
0x45: {  	_ =	shalt  }
0x46: {  	_ =	shalt  }
0x47: {  	_ =	shalt  }
0x48: {  	_ =	shalt  }
0x49: {  	_ =	shalt  }
0x4a: {  	_ =	shalt  }
0x4b: {  	_ =	shalt  }
0x4c: {  	_ =	shalt  }
0x4d: {  	_ =	shalt  }
0x4e: {  	_ =	shalt  }
0x4f: {  	_ =	shalt  }
0x50: {  	_ =	shalt  }
0x51: {  	_ =	shalt  }
0x52: {  	_ =	shalt  }
0x53: {  	_ =	shalt  }
0x54: {  	_ =	shalt  }
0x55: {  	_ =	shalt  }
0x56: {  	_ =	shalt  }
0x57: {  	_ =	shalt  }
0x58: {  	_ =	shalt  }
0x59: {  	_ =	shalt  }
0x5a: {  	_ =	shalt  }
0x5b: {  	_ =	shalt  }
0x5c: {  	_ =	shalt  }
0x5d: {  	_ =	shalt  }
0x5e: {  	_ =	shalt  }
0x5f: {  	_ =	shalt  }
0x60: {  	_ =	shalt  }
0x61: {  	_ =	shalt  }
0x62: {  	_ =	shalt  }
0x63: {  	_ =	shalt  }
0x64: {  	_ =	shalt  }
0x65: {  	_ =	shalt  }
0x66: {  	_ =	shalt  }
0x67: {  	_ =	shalt  }
0x68: {  	_ =	shalt  }
0x69: {  	_ =	shalt  }
0x6a: {  	_ =	shalt  }
0x6b: {  	_ =	shalt  }
0x6c: {  	_ =	shalt  }
0x6d: {  	_ =	shalt  }
0x6e: {  	_ =	shalt  }
0x6f: {  	_ =	shalt  }
0x70: {  	_ =	shalt  }
0x71: {  	_ =	shalt  }
0x72: {  	_ =	shalt  }
0x73: {  	_ =	shalt  }
0x74: {  	_ =	shalt  }
0x75: {  	_ =	shalt  }
0x76: {  	_ =	shalt  }
0x77: {  	_ =	shalt  }
0x78: {  	_ =	shalt  }
0x79: {  	_ =	shalt  }
0x7a: {  	_ =	shalt  }
0x7b: {  	_ =	shalt  }
0x7c: {  	_ =	shalt  }
0x7d: {  	_ =	shalt  }
0x7e: {  	_ =	shalt  }
0x7f: {  	_ =	shalt  }
0x80: {  	_ =	shalt  }
0x81: {  	_ =	shalt  }
0x82: {  	_ =	shalt  }
0x83: {  	_ =	shalt  }
0x84: {  	_ =	shalt  }
0x85: {  	_ =	shalt  }
0x86: {  	_ =	shalt  }
0x87: {  	_ =	shalt  }
.Lfunc_end0:
.L_simem_size_0:
called_computation.1_lowered:
.L_overlay_start_0:
0x88: {  	s2 =	sld [smem:$0x3FD9]  }
0x89: {  	s3 =	sld [smem:$0x3FFE];
	_ =	sdelay $0x1  }
0x8a: {  	s1 =	srdreg.scid  }
0x8b: {  	s0 =	sand.u32 $0x1, s1  }
0x8c: {  	s16 =	sshll.u32 s0, $0xA;
	s2 =	sadd.s32 s3, s2  }
0x8d: {  	s2 =	sadd.s32 s2, s16  }
0x8e: {  	[smem:$0x3FBB] =	sst s2  }
0x8f: {  	_ = 	snop  }
0x90: {  	(tm) =	ssettm $0x1  }
0x91: {  	s17 =	sld [smem:$0x3FFB];
	_ =	sdelay $0x3  }
0x92: {  	_ =	strace s17  }
0x93: {  	s2 =	sld [smem:$0x3FFC];
	_ =	sdelay $0x3  }
0x94: {  	_ =	strace s2  }
0x95: {  	s2 =	sld [smem:$0x3FFD];
	_ =	sdelay $0x3  }
0x96: {  	_ =	strace s2  }
0x97: {  	_ =	strace $0x8FFFFFFF  }
0x98: {  	s18 =	sld [smem:$0x3FDB];
	_ =	sdelay $0x1  }
0x99: {  	s19 =	simm.s32 $_scs_section_size  }
0x9a: {  	s4 =	simm.s32 $_size__tile_overlayer_lowered;
	s5 =	simm.s32 $_tile_overlayer_lowered  }
0x9b: {  	s22 =	simm.s32 $0x1BFF;
	s21 =	sshll.u32 s5, $0x1;
	s2 =	sadd.s32 s19, s18  }
0x9c: {  	s6 =	simm.s32 $0x0;
	s20 =	sshll.u32 s4, $0x1;
	s4 =	sadd.s32 s21, s2  }
0x9d: {  	[timem:s6], [sflag:s22] =	dma.local [hbm:s4], s20  }
0x9e: {  	_ =	swait.ge [sflag:s22], s20  }
0x9f: {  	s3 =	ssub.s32 $0x0, s20;
	[sflag:s22] =	ssyncset.done $0x0  }
0xa0: {  	[sflag:s22] =	ssyncadd.s32 s3;
	_ =	sdelay $0x1  }
0xa1: {  	s23 =	simm.s32 $0x1B8B  }
0xa2: {  	_ =	swait.ge [sflag:s23], $0x1  }
0xa3: {  	[sflag:s23] =	ssyncset.done $0x0  }
0xa4: {  	s25 =	simm.s32 $0x1B8E;
	s24 =	sld [smem:$0x3FFE];
	[sflag:s23] =	ssyncadd.s32 $0xFFFFFFFF  }
0xa5: {  	s26 =	simm.s32 $execute0_lowered;
	[smem:$0x3FD2] =	sst s25  }
0xa6: {  	s4 =	sshll.u32 s26, $0x1;
	_ =	strace $0x80000049;
	[dreg:$0x1] =	wrdreg $0xFFFFFFFF  }
0xa7: {  	s28 =	simm.s32 $_size_execute0_lowered;
	s2 =	sadd.s32 s2, s4;
	[dreg:$0x0] =	wrdreg $0x0  }
0xa8: {  	s4 =	sshll.u32 s28, $0x1;
	[dreg:$0x2] =	wrdreg s2  }
0xa9: {  	[dreg:$0x3] =	wrdreg s4  }
0xaa: {  	[dreg:$0x4] =	wrdreg $0xC0  }
0xab: {  	_ =	task [dreg:s6], $0x5FFFF  }
0xac: {  	[dreg:$0x1] =	wrdreg $0xFFFFFFFF  }
0xad: {  	[dreg:$0x0] =	wrdreg $0x60  }
0xae: {  	[dreg:$0x2] =	wrdreg s24  }
0xaf: {  	[dreg:$0x3] =	wrdreg $0x9CB00  }
0xb0: {  	[dreg:$0x4] =	wrdreg $0x9  }
0xb1: {  	_ =	task.clear_ibuf [dreg:s6], $0x5FFFF;
	_ =	strace $0x90000049  }
0xb2: {  	s29 =	simm.s32 $0x9;
	_ =	strace $0x8000004B  }
0xb3: {  	_ =	swait.ge [sflag:s29], $0x1  }
0xb4: {  	[sflag:s29] =	ssyncadd.s32 $0xFFFFFFFF  }
0xb5: {  	_ =	strace $0x9000004B  }
0xb6: {  	_ =	sfence  }
0xb7: {  	s30 =	sld [smem:$0x0];
	_ =	sdelay $0x2  }
0xb8: {  	s31 =	sshll.u32 s1, $0xD;
	s1 =	sshrl.u32 s1, $0x2  }
0xb9: {  	s3 =	sand.u32 $0x4000, s31;
	s1 =	sadd.s32 s1, s30  }
0xba: {  	s0 =	sor.u32 s3, s0;
	s1 =	sshll.u32 s1, $0x11  }
0xbb: {  	s0 =	sor.u32 s1, s0  }
0xbc: {  	s0 =	sadd.s32 $0x8F2B, s0  }
0xbd: {  	[sflag:s0] =	ssyncadd.remote.s32 $0x1  }
0xbe: {  	_ =	sfence.sel $0xFFFF  }
0xbf: {  	[dreg:$0x0] =	wrdreg $0xFFFFFFFF;
	(pc) =	sbr.abs _section_cstart, $3  }
0xc0: {  	[dreg:$0x1] =	wrdreg $0xFFFFFFFF  }
0xc1: {  	_ =	task.clear_ibuf [dreg:s6], $0x2FFFF;
	_ =	strace $0x9FFFFFFF  }
0xc2: {  	(tm) =	ssettm $0x7FFFFFFF  }
0xc3: {  	_ =	shalt  }
tec
execute0_lowered:
.L_overlay_start_1:
0x0: {  	(tag) =	ssettag $0x1  }
0x1: {  	s0 =	srdreg.scid  }
0x2: {  	s1 =	rddreg [dreg:$0x0];
	s9 =	stileid.u32  }
0x3: {  	s2 =	rddreg [dreg:$0x1];
	s14 =	simm.s32 $0x0;
	s16 =	simm.s32 $0x1  }
0x4: {  	s17 =	simm.s32 $0x2;
	s18 =	simm.s32 $0x50;
	s19 =	simm.s32 $0xC3C0  }
0x5: {  	s29 =	simm.s32 $0xDCC0;
	s31 =	simm.s32 $0xE1C0;
	s15 =	simm.s32 $0xE6C0  }
0x6: {  	s10 =	simm.s32 $0x4;
	s11 =	simm.s32 $0x8;
	s28 =	simm.s32 $0x9  }
0x7: {  	s30 =	simm.s32 $0xA;
	s12 =	simm.s32 $0x10;
	s13 =	simm.s32 $0x0  }
0x8: {  	s0 =	sand.u32 $0x1, s0;
	[smem:$0x7FF] =	sst s14;
	s8 =	smul.u32 $0x2780, s9  }
0x9: {  	s4 =	sadd.s32 $0x15C00, s1;
	s6 =	sadd.s32 $0x1AC00, s1;
	s23 =	smul.u32 $0x9E00, s9  }
0xa: {  	s24 =	sadd.s32 $0x25080, s2;
	p1 =	seq.s32 s9, $0xF;
	s3 =	sshll.u32 s0, $0x4  }
0xb: {  	_ =	strace $0x8000004A;
	s5 =	ssub.s32 $0x2, s0;
	p0 =	seq.s32 s0, $0x1  }
0xc: {  	s0 =	smul.u32 $0x27100, s0;
	[dreg:$0x7] =	wrdreg s24;
	s24 =	simm.s32 $0xD2C0  }
0xd: {  	s3 =	sor.u32 s9, s3;
	s7 =	sshrl.u32 s5, $0x1;
	s21 =	sshrl.u32 s8, $0x3  }
0xe: {  	s22 =	sadd.s32 s8, s2;
	s3 =	smul.u32 $0x2710, s3;
	s5 =	ssub.s32 s5, s7  }
0xf: {  	[dreg:$0x5] =	wrdreg s22;
	s25 =	sadd.s32 s8, s0;
	s0 =	sshrl.u32 s0, $0x3  }
0x10: {  	s22 =	simm.s32 $0xCDC0;
	s8 =	simm.s32 $0x3;
	s7 =	simm.s32 $0xF  }
0x11: {  	s0 =	sadd.s32 s6, s0;
	s26 =	smax.u32 s5, $0x1;
	s5 =	simm.s32 $0xD  }
0x12: {  	s3 =	sshrl.u32 s3, $0x3;
	s0 =	sadd.s32 $0x4A10, s0;
	[dreg:$0xc] =	wrdreg s26  }
0x13: {  	s3 =	sadd.s32 s3, s1;
	s1 =	sadd.s32 $0x1A610, s1;
	[dreg:$0xb] =	wrdreg s0  }
0x14: {  	s26 =	simm.s32 $0xD7C0;
	s20 =	sadd.s32 $0x2200, s3;
	[dreg:$0x8] =	wrdreg s1  }
0x15: {  	s0 =	simm.s32 $0xC;
	s3 =	sadd.s32 $0xBE40, s3;
	[dreg:$0x3] =	wrdreg s20  }
0x16: {  	s1 =	sshrl.u32 s25, $0x3;
	s25 =	simm.s32 $0x7;
	[dreg:$0x4] =	wrdreg s3  }
0x17: {  	s3 =	sadd.s32 s4, s21;
	s1 =	sadd.s32 s6, s1;
	s20 =	simm.s32 $0xC8C0  }
0x18: {  	s21 =	simm.s32 $0x5;
	[dreg:$0x6] =	wrdreg s3;
	s3 =	sshrl.u32 s23, $0x2  }
0x19: {  	s6 =	simm.s32 $0xE;
	[dreg:$0xa] =	wrdreg s1;
	s3 =	sadd.s32 s3, s2  }
0x1a: {  	v0 =	vimm.f32 $0.0e+00;
	s23 =	simm.s32 $0x6;
	s1 =	simm.s32 $0xB;
	[dreg:$0x9] =	wrdreg s3  }
.LBB2_1:
0x1b: {  	[dreg:$0xe] =	wrdreg s13  }
0x1c: {  	s3 =	rddreg [dreg:$0x3]  }
0x1d: {  	[tilespmem:s14], [sflag:$0x1] =	stream.linear.gather [hbm4b:s3+s14], $0x2710, $0x38;
	[tilespmem:$0xEBC0] =	vst v63  }
0x1e: {  	s13 =	rddreg [dreg:$0x4];
	s9 =	simm.s32 $0x2710;
	s3 =	stileid.u32  }
0x1f: {  	[tilespmem:s9], [sflag:$0x2] =	stream.linear.gather [hbm4b:s13+s14], $0x2710, $0x38;
	[tilespmem:$0xEBC0] =	vst v63  }
.Ltmp0:
0x20: {  	s3 =	sshll.u32 @!p1 s3, $0x6;
	s9 =	rddreg [dreg:$0x7];
	(pc) =	sbr.rel @!p0 .LBB2_2-.Ltmp0, $4  }
0x21: {  	s14 =	sor.u32 @!p1 $0x1C11, s3;
	s13 =	sshrl.u32 @p1 s9, $0x3;
	s9 =	rddreg [dreg:$0x5]  }
0x22: {  	[dreg:$0xf] =	wrdreg s14  }
0x23: {  	s9 =	sshrl.u32 @!p1 s9, $0x3;
	[dreg:$0x10] =	wrdreg s13  }
0x24: {  	[dreg:$0xd] =	wrdreg s9  }
0x25: {  	s3 =	simm.s32 $0x0;
	s9 =	simm.s32 $0x0  }
0x26: {  	s3 =	sshra.s32 s3, $0x2;
	s14 =	sadd.s32 $0x200, s9  }
.LBB2_4:
0x27: {  	p2 =	sne.s32 s14, $0x9C00;
	[tilespmem:s3+$0x75A0] =	vst v0  }
0x28: {  	[tilespmem:s3+$0x7530] =	vst v0  }
0x29: {  	[tilespmem:s3+$0x7540] =	vst v0  }
.Ltmp1:
0x2a: {  	[tilespmem:s3+$0x7550] =	vst v0;
	(pc) =	sbr.rel @p2 .LBB2_4-.Ltmp1, $4  }
0x2b: {  	[tilespmem:s3+$0x7560] =	vst v0  }
0x2c: {  	[tilespmem:s3+$0x7570] =	vst v0  }
0x2d: {  	[tilespmem:s3+$0x7580] =	vst v0  }
0x2e: {  	[tilespmem:s3+$0x7590] =	vst v0;
	s3 =	sshra.s32 s14, $0x2;
	s14 =	sadd.s32 $0x200, s14  }
0x2f: {  	[tilespmem:s3+$0x75A0] =	vst v0  }
0x30: {  	[tilespmem:s3+$0x7530] =	vst v0  }
0x31: {  	[tilespmem:s3+$0x7540] =	vst v0  }
0x32: {  	[tilespmem:s3+$0x7550] =	vst v0  }
0x33: {  	[tilespmem:s3+$0x7560] =	vst v0  }
0x34: {  	[tilespmem:s3+$0x7570] =	vst v0  }
0x35: {  	[tilespmem:s3+$0x7580] =	vst v0  }
0x36: {  	[tilespmem:s3+$0x7590] =	vst v0;
	s3 =	simm.s32 @p1 $0x7530;
	s9 =	rddreg [dreg:$0x7]  }
0x37: {  	[spmem:s9] =	stream.linear.scatter @p1 [tilespmem:s3], [sflag:$0x11], $0x2080, $0x38;
	[tilespmem:$0xEBC0] =	vst v63  }
0x38: {  	s3 =	simm.s32 @p1 $0x11  }
0x39: {  	_ =	swait.ge @p1 [sflag:s3], $0x2080  }
0x3a: {  	[sflag:s3] =	ssyncset.done @p1 $0x0  }
0x3b: {  	s9 =	rddreg [dreg:$0x9];
	[sflag:s3] =	ssyncadd.s32 @p1 $0xFFFFDF80;
	s3 =	simm.s32 @!p1 $0x7530  }
0x3c: {  	[spmem:s9] =	stream.linear.scatter @!p1 [tilespmem:s3], [sflag:$0x11], $0x2780, $0x38;
	[tilespmem:$0xEBC0] =	vst v63  }
.Ltmp2:
0x3d: {  	_ = 	snop;
	(pc) =	sbr.rel .LBB2_6-.Ltmp2, $4  }
0x3e: {  	s3 =	simm.s32 @!p1 $0x11  }
0x3f: {  	_ =	swait.ge @!p1 [sflag:s3], $0x2780  }
0x40: {  	[sflag:s3] =	ssyncset.done @!p1 $0x0  }
0x41: {  	s13 =	rddreg [dreg:$0xe];
	[sflag:s3] =	ssyncadd.s32 @!p1 $0xFFFFD880  }
.LBB2_2:
0x42: {  	s3 =	simm.s32 @p1 $0x1FD1;
	s9 =	rddreg [dreg:$0x8]  }
0x43: {  	[spmem:s13], [sflag:s3] =	dma.local @p1 [hbm:s9], $0x410  }
0x44: {  	s3 =	simm.s32 @p1 $0x11  }
0x45: {  	_ =	swait.ge @p1 [sflag:s3], $0x410  }
0x46: {  	[sflag:s3] =	ssyncset.done @p1 $0x0;
	s9 =	rddreg [dreg:$0xd]  }
0x47: {  	[sflag:s3] =	ssyncadd.s32 @p1 $0xFFFFFBF0;
	s3 =	rddreg [dreg:$0x6]  }
0x48: {  	[spmem:s9], [sflag:s14] =	dma.local @!p1 [hbm:s3], $0x4F0  }
0x49: {  	s3 =	simm.s32 @!p1 $0x11  }
0x4a: {  	_ =	swait.ge @!p1 [sflag:s3], $0x4F0  }
0x4b: {  	[sflag:s3] =	ssyncset.done @!p1 $0x0  }
0x4c: {  	s13 =	rddreg [dreg:$0xe];
	[sflag:s3] =	ssyncadd.s32 @!p1 $0xFFFFFB10  }
.LBB2_6:
0x4d: {  	_ =	swait.ge [sflag:s16], $0x2710  }
0x4e: {  	[sflag:s16] =	ssyncset.done $0x0  }
0x4f: {  	[sflag:s16] =	ssyncadd.s32 $0xFFFFD8F0  }
0x50: {  	_ =	swait.ge [sflag:s17], $0x2710  }
0x51: {  	[sflag:s17] =	ssyncset.done $0x0  }
0x52: {  	s3 =	simm.s32 $0x0;
	[sflag:s17] =	ssyncadd.s32 $0xFFFFD8F0  }
0x53: {  	v1 =	vld [tilespmem:s3+$0x2750]  }
0x54: {  	v2 =	vld [tilespmem:s3+$0x2710]  }
0x55: {  	v3 =	vld [tilespmem:s3+$0x2720]  }
0x56: {  	v4 =	vld [tilespmem:s3+$0x2730]  }
0x57: {  	s14 =	simm.s32 $0x140;
	v5 =	vld [tilespmem:s3+$0x2740]  }
.LBB2_7:
0x58: {  	s9 =	sshra.s32 s14, $0x2;
	p2 =	sne.s32 s14, $0x9B00;
	s14 =	sadd.s32 $0x140, s14;
	[tilespmem:s3+$0x4E60] =	vst v1  }
.Ltmp3:
0x59: {  	v1 =	vld [tilespmem:s9+$0x2750];
	[tilespmem:s3+$0x4E20] =	vst v2;
	(pc) =	sbr.rel @p2 .LBB2_7-.Ltmp3, $4  }
0x5a: {  	v2 =	vld [tilespmem:s9+$0x2710];
	[tilespmem:s3+$0x4E30] =	vst v3  }
0x5b: {  	v3 =	vld [tilespmem:s9+$0x2720];
	[tilespmem:s3+$0x4E40] =	vst v4  }
0x5c: {  	v4 =	vld [tilespmem:s9+$0x2730];
	[tilespmem:s3+$0x4E50] =	vst v5;
	s3 =	smov.u32 s9  }
0x5d: {  	v5 =	vld [tilespmem:s3+$0x2740]  }
0x5e: {  	[tilespmem:s3+$0x4E60] =	vst v1  }
0x5f: {  	[tilespmem:s3+$0x4E20] =	vst v2  }
0x60: {  	[tilespmem:s3+$0x4E30] =	vst v3  }
0x61: {  	[tilespmem:s3+$0x4E40] =	vst v4  }
0x62: {  	[tilespmem:s3+$0x4E50] =	vst v5  }
0x63: {  	s9 =	simm.s32 $0x0;
	[bflag:$0x0] =	sbarrier.arrive $0xFFFF  }
0x64: {  	[tilespmem:s19], [sflag:$0x1] =	stream.indirect.gather [hbm4b:s4+s18], $0x10, s9, s18, $0xb8;
	[tilespmem:$0xEBC0] =	vst v63  }
0x65: {  	_ = 	snop  }
0x66: {  	[tilespmem:s20], [sflag:$0x2] =	stream.indirect.gather [hbm4b:s4+s18], $0x10, s18, s18, $0xb8;
	[tilespmem:$0xEBC0] =	vst v63  }
0x67: {  	s14 =	simm.s32 $0xA0  }
0x68: {  	[tilespmem:s22], [sflag:$0x3] =	stream.indirect.gather [hbm4b:s4+s18], $0x10, s14, s18, $0xb8;
	[tilespmem:$0xEBC0] =	vst v63  }
0x69: {  	s9 =	simm.s32 $0xF0  }
0x6a: {  	[tilespmem:s24], [sflag:$0x4] =	stream.indirect.gather [hbm4b:s4+s18], $0x10, s9, s18, $0xb8;
	[tilespmem:$0xEBC0] =	vst v63  }
0x6b: {  	s14 =	simm.s32 $0x140  }
0x6c: {  	[tilespmem:s26], [sflag:$0x5] =	stream.indirect.gather [hbm4b:s4+s18], $0x10, s14, s18, $0xb8;
	[tilespmem:$0xEBC0] =	vst v63  }
0x6d: {  	s9 =	simm.s32 $0x190  }
0x6e: {  	[tilespmem:s29], [sflag:$0x6] =	stream.indirect.gather [hbm4b:s4+s18], $0x10, s9, s18, $0xb8;
	[tilespmem:$0xEBC0] =	vst v63  }
0x6f: {  	s14 =	simm.s32 $0x1E0  }
0x70: {  	[tilespmem:s31], [sflag:$0x7] =	stream.indirect.gather [hbm4b:s4+s18], $0x10, s14, s18, $0xb8;
	[tilespmem:$0xEBC0] =	vst v63  }
0x71: {  	s9 =	simm.s32 $0x230  }
0x72: {  	[tilespmem:s15], [sflag:$0x8] =	stream.indirect.gather [hbm4b:s4+s18], $0x10, s9, s18, $0xb8;
	[tilespmem:$0xEBC0] =	vst v63  }
0x73: {  	_ =	swait.ge [sflag:s16], $0x500  }
0x74: {  	[sflag:s16] =	ssyncset.done $0x0  }
0x75: {  	s14 =	simm.s32 $0x4E20;
	[sflag:s16] =	ssyncadd.s32 $0xFFFFFB00  }
0x76: {  	[spmem:s2] =	stream.indirect.scatter.add.f32 [tilespmem:s19], [sflag:$0x9], $0x10, s14, s18, $0xb8;
	[tilespmem:$0xEBC0] =	vst v63  }
0x77: {  	_ =	swait.ge [sflag:s17], $0x500  }
0x78: {  	[sflag:s17] =	ssyncset.done $0x0  }
0x79: {  	s9 =	simm.s32 $0x4E70;
	[sflag:s17] =	ssyncadd.s32 $0xFFFFFB00  }
0x7a: {  	[spmem:s2] =	stream.indirect.scatter.add.f32 [tilespmem:s20], [sflag:$0xA], $0x10, s9, s18, $0xb8;
	[tilespmem:$0xEBC0] =	vst v63  }
0x7b: {  	_ =	swait.ge [sflag:s8], $0x500  }
0x7c: {  	[sflag:s8] =	ssyncset.done $0x0  }
0x7d: {  	s14 =	simm.s32 $0x4EC0;
	[sflag:s8] =	ssyncadd.s32 $0xFFFFFB00  }
0x7e: {  	[spmem:s2] =	stream.indirect.scatter.add.f32 [tilespmem:s22], [sflag:$0xB], $0x10, s14, s18, $0xb8;
	[tilespmem:$0xEBC0] =	vst v63  }
0x7f: {  	_ =	swait.ge [sflag:s10], $0x500  }
0x80: {  	[sflag:s10] =	ssyncset.done $0x0  }
0x81: {  	s9 =	simm.s32 $0x4F10;
	[sflag:s10] =	ssyncadd.s32 $0xFFFFFB00  }
0x82: {  	[spmem:s2] =	stream.indirect.scatter.add.f32 [tilespmem:s24], [sflag:$0xC], $0x10, s9, s18, $0xb8;
	[tilespmem:$0xEBC0] =	vst v63  }
0x83: {  	_ =	swait.ge [sflag:s21], $0x500  }
0x84: {  	[sflag:s21] =	ssyncset.done $0x0  }
0x85: {  	s14 =	simm.s32 $0x4F60;
	[sflag:s21] =	ssyncadd.s32 $0xFFFFFB00  }
0x86: {  	[spmem:s2] =	stream.indirect.scatter.add.f32 [tilespmem:s26], [sflag:$0xD], $0x10, s14, s18, $0xb8;
	[tilespmem:$0xEBC0] =	vst v63  }
0x87: {  	_ =	swait.ge [sflag:s23], $0x500  }
0x88: {  	[sflag:s23] =	ssyncset.done $0x0  }
0x89: {  	s9 =	simm.s32 $0x4FB0;
	[sflag:s23] =	ssyncadd.s32 $0xFFFFFB00  }
0x8a: {  	[spmem:s2] =	stream.indirect.scatter.add.f32 [tilespmem:s29], [sflag:$0xE], $0x10, s9, s18, $0xb8;
	[tilespmem:$0xEBC0] =	vst v63  }
0x8b: {  	_ =	swait.ge [sflag:s25], $0x500  }
0x8c: {  	[sflag:s25] =	ssyncset.done $0x0  }
0x8d: {  	s14 =	simm.s32 $0x5000;
	[sflag:s25] =	ssyncadd.s32 $0xFFFFFB00  }
0x8e: {  	[spmem:s2] =	stream.indirect.scatter.add.f32 [tilespmem:s31], [sflag:$0xF], $0x10, s14, s18, $0xb8;
	[tilespmem:$0xEBC0] =	vst v63  }
0x8f: {  	_ =	swait.ge [sflag:s11], $0x500  }
0x90: {  	[sflag:s11] =	ssyncset.done $0x0  }
0x91: {  	s9 =	simm.s32 $0x5050;
	[sflag:s11] =	ssyncadd.s32 $0xFFFFFB00  }
0x92: {  	[spmem:s2] =	stream.indirect.scatter.add.f32 [tilespmem:s15], [sflag:$0x10], $0x10, s9, s18, $0xb8;
	[tilespmem:$0xEBC0] =	vst v63  }
0x93: {  	_ =	swait.ge [sflag:s28], $0x500  }
0x94: {  	[sflag:s28] =	ssyncset.done $0x0  }
0x95: {  	s14 =	simm.s32 $0x280;
	[sflag:s28] =	ssyncadd.s32 $0xFFFFFB00  }
0x96: {  	[tilespmem:s19], [sflag:$0x1] =	stream.indirect.gather [hbm4b:s4+s18], $0x10, s14, s18, $0xb8;
	[tilespmem:$0xEBC0] =	vst v63  }
0x97: {  	_ =	swait.ge [sflag:s30], $0x500  }
0x98: {  	[sflag:s30] =	ssyncset.done $0x0  }
0x99: {  	s9 =	simm.s32 $0x2D0;
	[sflag:s30] =	ssyncadd.s32 $0xFFFFFB00  }
0x9a: {  	[tilespmem:s20], [sflag:$0x2] =	stream.indirect.gather [hbm4b:s4+s18], $0x10, s9, s18, $0xb8;
	[tilespmem:$0xEBC0] =	vst v63  }
0x9b: {  	_ =	swait.ge [sflag:s1], $0x500  }
0x9c: {  	[sflag:s1] =	ssyncset.done $0x0  }
0x9d: {  	s14 =	simm.s32 $0x320;
	[sflag:s1] =	ssyncadd.s32 $0xFFFFFB00  }
0x9e: {  	[tilespmem:s22], [sflag:$0x3] =	stream.indirect.gather [hbm4b:s4+s18], $0x10, s14, s18, $0xb8;
	[tilespmem:$0xEBC0] =	vst v63  }
0x9f: {  	_ =	swait.ge [sflag:s0], $0x500  }
0xa0: {  	[sflag:s0] =	ssyncset.done $0x0  }
0xa1: {  	s9 =	simm.s32 $0x370;
	[sflag:s0] =	ssyncadd.s32 $0xFFFFFB00  }
0xa2: {  	[tilespmem:s24], [sflag:$0x4] =	stream.indirect.gather [hbm4b:s4+s18], $0x10, s9, s18, $0xb8;
	[tilespmem:$0xEBC0] =	vst v63  }
0xa3: {  	_ =	swait.ge [sflag:s5], $0x500  }
0xa4: {  	[sflag:s5] =	ssyncset.done $0x0  }
0xa5: {  	s14 =	simm.s32 $0x3C0;
	[sflag:s5] =	ssyncadd.s32 $0xFFFFFB00  }
0xa6: {  	[tilespmem:s26], [sflag:$0x5] =	stream.indirect.gather [hbm4b:s4+s18], $0x10, s14, s18, $0xb8;
	[tilespmem:$0xEBC0] =	vst v63  }
0xa7: {  	_ =	swait.ge [sflag:s6], $0x500  }
0xa8: {  	[sflag:s6] =	ssyncset.done $0x0  }
0xa9: {  	s9 =	simm.s32 $0x410;
	[sflag:s6] =	ssyncadd.s32 $0xFFFFFB00  }
0xaa: {  	[tilespmem:s29], [sflag:$0x6] =	stream.indirect.gather [hbm4b:s4+s18], $0x10, s9, s18, $0xb8;
	[tilespmem:$0xEBC0] =	vst v63  }
0xab: {  	_ =	swait.ge [sflag:s7], $0x500  }
0xac: {  	[sflag:s7] =	ssyncset.done $0x0  }
0xad: {  	s14 =	simm.s32 $0x460;
	[sflag:s7] =	ssyncadd.s32 $0xFFFFFB00  }
0xae: {  	[tilespmem:s31], [sflag:$0x7] =	stream.indirect.gather [hbm4b:s4+s18], $0x10, s14, s18, $0xb8;
	[tilespmem:$0xEBC0] =	vst v63  }
0xaf: {  	_ =	swait.ge [sflag:s12], $0x500  }
0xb0: {  	[sflag:s12] =	ssyncset.done $0x0  }
0xb1: {  	s3 =	simm.s32 $0x4B0;
	s14 =	simm.s32 $0xA00;
	[sflag:s12] =	ssyncadd.s32 $0xFFFFFB00  }
.LBB2_9:
0xb2: {  	[tilespmem:s15], [sflag:$0x8] =	stream.indirect.gather [hbm4b:s4+s18], $0x10, s3, s18, $0xb8;
	[tilespmem:$0xEBC0] =	vst v63  }
0xb3: {  	s3 =	smov.u32 s14  }
0xb4: {  	p2 =	sne.s32 s14, $0x8200;
	s14 =	sadd.s32 $0xA00, s14;
	_ =	swait.ge [sflag:s16], $0x500  }
0xb5: {  	s3 =	sshra.s32 s3, $0x2;
	[sflag:s16] =	ssyncset.done $0x0  }
0xb6: {  	s9 =	sadd.s32 $0x4E20, s3;
	[sflag:s16] =	ssyncadd.s32 $0xFFFFFB00  }
0xb7: {  	[spmem:s2] =	stream.indirect.scatter.add.f32 [tilespmem:s19], [sflag:$0x9], $0x10, s9, s18, $0xb8;
	[tilespmem:$0xEBC0] =	vst v63  }
0xb8: {  	_ =	swait.ge [sflag:s17], $0x500  }
0xb9: {  	[sflag:s17] =	ssyncset.done $0x0  }
0xba: {  	s9 =	sadd.s32 $0x4E70, s3;
	[sflag:s17] =	ssyncadd.s32 $0xFFFFFB00  }
0xbb: {  	[spmem:s2] =	stream.indirect.scatter.add.f32 [tilespmem:s20], [sflag:$0xA], $0x10, s9, s18, $0xb8;
	[tilespmem:$0xEBC0] =	vst v63  }
0xbc: {  	_ =	swait.ge [sflag:s8], $0x500  }
0xbd: {  	[sflag:s8] =	ssyncset.done $0x0  }
0xbe: {  	s9 =	sadd.s32 $0x4EC0, s3;
	[sflag:s8] =	ssyncadd.s32 $0xFFFFFB00  }
0xbf: {  	[spmem:s2] =	stream.indirect.scatter.add.f32 [tilespmem:s22], [sflag:$0xB], $0x10, s9, s18, $0xb8;
	[tilespmem:$0xEBC0] =	vst v63  }
0xc0: {  	_ =	swait.ge [sflag:s10], $0x500  }
0xc1: {  	[sflag:s10] =	ssyncset.done $0x0  }
0xc2: {  	s9 =	sadd.s32 $0x4F10, s3;
	[sflag:s10] =	ssyncadd.s32 $0xFFFFFB00  }
0xc3: {  	[spmem:s2] =	stream.indirect.scatter.add.f32 [tilespmem:s24], [sflag:$0xC], $0x10, s9, s18, $0xb8;
	[tilespmem:$0xEBC0] =	vst v63  }
0xc4: {  	_ =	swait.ge [sflag:s21], $0x500  }
0xc5: {  	[sflag:s21] =	ssyncset.done $0x0  }
0xc6: {  	s9 =	sadd.s32 $0x4F60, s3;
	[sflag:s21] =	ssyncadd.s32 $0xFFFFFB00  }
0xc7: {  	[spmem:s2] =	stream.indirect.scatter.add.f32 [tilespmem:s26], [sflag:$0xD], $0x10, s9, s18, $0xb8;
	[tilespmem:$0xEBC0] =	vst v63  }
0xc8: {  	_ =	swait.ge [sflag:s23], $0x500  }
0xc9: {  	[sflag:s23] =	ssyncset.done $0x0  }
0xca: {  	s9 =	sadd.s32 $0x4FB0, s3;
	[sflag:s23] =	ssyncadd.s32 $0xFFFFFB00  }
0xcb: {  	[spmem:s2] =	stream.indirect.scatter.add.f32 [tilespmem:s29], [sflag:$0xE], $0x10, s9, s18, $0xb8;
	[tilespmem:$0xEBC0] =	vst v63  }
0xcc: {  	_ =	swait.ge [sflag:s25], $0x500  }
0xcd: {  	[sflag:s25] =	ssyncset.done $0x0  }
0xce: {  	s9 =	sadd.s32 $0x5000, s3;
	[sflag:s25] =	ssyncadd.s32 $0xFFFFFB00  }
0xcf: {  	[spmem:s2] =	stream.indirect.scatter.add.f32 [tilespmem:s31], [sflag:$0xF], $0x10, s9, s18, $0xb8;
	[tilespmem:$0xEBC0] =	vst v63  }
0xd0: {  	_ =	swait.ge [sflag:s11], $0x500  }
0xd1: {  	[sflag:s11] =	ssyncset.done $0x0  }
0xd2: {  	s9 =	sadd.s32 $0x5050, s3;
	[sflag:s11] =	ssyncadd.s32 $0xFFFFFB00  }
0xd3: {  	[spmem:s2] =	stream.indirect.scatter.add.f32 [tilespmem:s15], [sflag:$0x10], $0x10, s9, s18, $0xb8;
	[tilespmem:$0xEBC0] =	vst v63  }
0xd4: {  	_ =	swait.ge [sflag:s28], $0x500  }
0xd5: {  	[sflag:s28] =	ssyncset.done $0x0  }
0xd6: {  	s9 =	sadd.s32 $0x280, s3;
	[sflag:s28] =	ssyncadd.s32 $0xFFFFFB00  }
0xd7: {  	[tilespmem:s19], [sflag:$0x1] =	stream.indirect.gather [hbm4b:s4+s18], $0x10, s9, s18, $0xb8;
	[tilespmem:$0xEBC0] =	vst v63  }
0xd8: {  	_ =	swait.ge [sflag:s30], $0x500  }
0xd9: {  	[sflag:s30] =	ssyncset.done $0x0  }
0xda: {  	s9 =	sadd.s32 $0x2D0, s3;
	[sflag:s30] =	ssyncadd.s32 $0xFFFFFB00  }
0xdb: {  	[tilespmem:s20], [sflag:$0x2] =	stream.indirect.gather [hbm4b:s4+s18], $0x10, s9, s18, $0xb8;
	[tilespmem:$0xEBC0] =	vst v63  }
0xdc: {  	_ =	swait.ge [sflag:s1], $0x500  }
0xdd: {  	[sflag:s1] =	ssyncset.done $0x0  }
0xde: {  	s9 =	sadd.s32 $0x320, s3;
	[sflag:s1] =	ssyncadd.s32 $0xFFFFFB00  }
0xdf: {  	[tilespmem:s22], [sflag:$0x3] =	stream.indirect.gather [hbm4b:s4+s18], $0x10, s9, s18, $0xb8;
	[tilespmem:$0xEBC0] =	vst v63  }
0xe0: {  	_ =	swait.ge [sflag:s0], $0x500  }
0xe1: {  	[sflag:s0] =	ssyncset.done $0x0  }
0xe2: {  	s9 =	sadd.s32 $0x370, s3;
	[sflag:s0] =	ssyncadd.s32 $0xFFFFFB00  }
0xe3: {  	[tilespmem:s24], [sflag:$0x4] =	stream.indirect.gather [hbm4b:s4+s18], $0x10, s9, s18, $0xb8;
	[tilespmem:$0xEBC0] =	vst v63  }
0xe4: {  	_ =	swait.ge [sflag:s5], $0x500  }
0xe5: {  	[sflag:s5] =	ssyncset.done $0x0  }
0xe6: {  	s9 =	sadd.s32 $0x3C0, s3;
	[sflag:s5] =	ssyncadd.s32 $0xFFFFFB00  }
0xe7: {  	[tilespmem:s26], [sflag:$0x5] =	stream.indirect.gather [hbm4b:s4+s18], $0x10, s9, s18, $0xb8;
	[tilespmem:$0xEBC0] =	vst v63  }
0xe8: {  	_ =	swait.ge [sflag:s6], $0x500  }
0xe9: {  	[sflag:s6] =	ssyncset.done $0x0  }
0xea: {  	s9 =	sadd.s32 $0x410, s3;
	[sflag:s6] =	ssyncadd.s32 $0xFFFFFB00  }
0xeb: {  	[tilespmem:s29], [sflag:$0x6] =	stream.indirect.gather [hbm4b:s4+s18], $0x10, s9, s18, $0xb8;
	[tilespmem:$0xEBC0] =	vst v63  }
0xec: {  	_ =	swait.ge [sflag:s7], $0x500  }
0xed: {  	[sflag:s7] =	ssyncset.done $0x0  }
.Ltmp4:
0xee: {  	s9 =	sadd.s32 $0x460, s3;
	[sflag:s7] =	ssyncadd.s32 $0xFFFFFB00;
	(pc) =	sbr.rel @p2 .LBB2_9-.Ltmp4, $4  }
0xef: {  	[tilespmem:s31], [sflag:$0x7] =	stream.indirect.gather [hbm4b:s4+s18], $0x10, s9, s18, $0xb8;
	[tilespmem:$0xEBC0] =	vst v63  }
0xf0: {  	_ =	swait.ge [sflag:s12], $0x500  }
0xf1: {  	[sflag:s12] =	ssyncset.done $0x0  }
0xf2: {  	s3 =	sadd.s32 $0x4B0, s3;
	[sflag:s12] =	ssyncadd.s32 $0xFFFFFB00  }
0xf3: {  	[tilespmem:s15], [sflag:$0x8] =	stream.indirect.gather [hbm4b:s4+s18], $0x10, s3, s18, $0xb8;
	[tilespmem:$0xEBC0] =	vst v63  }
0xf4: {  	_ =	swait.ge [sflag:s16], $0x500  }
0xf5: {  	[sflag:s16] =	ssyncset.done $0x0  }
0xf6: {  	s14 =	simm.s32 $0x7120;
	[sflag:s16] =	ssyncadd.s32 $0xFFFFFB00  }
0xf7: {  	[spmem:s2] =	stream.indirect.scatter.add.f32 [tilespmem:s19], [sflag:$0x9], $0x10, s14, s18, $0xb8;
	[tilespmem:$0xEBC0] =	vst v63  }
0xf8: {  	_ =	swait.ge [sflag:s17], $0x500  }
0xf9: {  	[sflag:s17] =	ssyncset.done $0x0  }
0xfa: {  	s9 =	simm.s32 $0x7170;
	[sflag:s17] =	ssyncadd.s32 $0xFFFFFB00  }
0xfb: {  	[spmem:s2] =	stream.indirect.scatter.add.f32 [tilespmem:s20], [sflag:$0xA], $0x10, s9, s18, $0xb8;
	[tilespmem:$0xEBC0] =	vst v63  }
0xfc: {  	_ =	swait.ge [sflag:s8], $0x500  }
0xfd: {  	[sflag:s8] =	ssyncset.done $0x0  }
0xfe: {  	s14 =	simm.s32 $0x71C0;
	[sflag:s8] =	ssyncadd.s32 $0xFFFFFB00  }
0xff: {  	[spmem:s2] =	stream.indirect.scatter.add.f32 [tilespmem:s22], [sflag:$0xB], $0x10, s14, s18, $0xb8;
	[tilespmem:$0xEBC0] =	vst v63  }
0x100: {  	_ =	swait.ge [sflag:s10], $0x500  }
0x101: {  	[sflag:s10] =	ssyncset.done $0x0  }
0x102: {  	s9 =	simm.s32 $0x7210;
	[sflag:s10] =	ssyncadd.s32 $0xFFFFFB00  }
0x103: {  	[spmem:s2] =	stream.indirect.scatter.add.f32 [tilespmem:s24], [sflag:$0xC], $0x10, s9, s18, $0xb8;
	[tilespmem:$0xEBC0] =	vst v63  }
0x104: {  	_ =	swait.ge [sflag:s21], $0x500  }
0x105: {  	[sflag:s21] =	ssyncset.done $0x0  }
0x106: {  	s14 =	simm.s32 $0x7260;
	[sflag:s21] =	ssyncadd.s32 $0xFFFFFB00  }
0x107: {  	[spmem:s2] =	stream.indirect.scatter.add.f32 [tilespmem:s26], [sflag:$0xD], $0x10, s14, s18, $0xb8;
	[tilespmem:$0xEBC0] =	vst v63  }
0x108: {  	_ =	swait.ge [sflag:s23], $0x500  }
0x109: {  	[sflag:s23] =	ssyncset.done $0x0  }
0x10a: {  	s9 =	simm.s32 $0x72B0;
	[sflag:s23] =	ssyncadd.s32 $0xFFFFFB00  }
0x10b: {  	[spmem:s2] =	stream.indirect.scatter.add.f32 [tilespmem:s29], [sflag:$0xE], $0x10, s9, s18, $0xb8;
	[tilespmem:$0xEBC0] =	vst v63  }
0x10c: {  	_ =	swait.ge [sflag:s25], $0x500  }
0x10d: {  	[sflag:s25] =	ssyncset.done $0x0  }
0x10e: {  	s14 =	simm.s32 $0x7300;
	[sflag:s25] =	ssyncadd.s32 $0xFFFFFB00  }
0x10f: {  	[spmem:s2] =	stream.indirect.scatter.add.f32 [tilespmem:s31], [sflag:$0xF], $0x10, s14, s18, $0xb8;
	[tilespmem:$0xEBC0] =	vst v63  }
0x110: {  	_ =	swait.ge [sflag:s11], $0x500  }
0x111: {  	[sflag:s11] =	ssyncset.done $0x0  }
0x112: {  	s9 =	simm.s32 $0x7350;
	[sflag:s11] =	ssyncadd.s32 $0xFFFFFB00  }
0x113: {  	[spmem:s2] =	stream.indirect.scatter.add.f32 [tilespmem:s15], [sflag:$0x10], $0x10, s9, s18, $0xb8;
	[tilespmem:$0xEBC0] =	vst v63  }
0x114: {  	_ =	swait.ge [sflag:s28], $0x500  }
0x115: {  	[sflag:s28] =	ssyncset.done $0x0  }
0x116: {  	s14 =	simm.s32 $0x2580;
	[sflag:s28] =	ssyncadd.s32 $0xFFFFFB00  }
0x117: {  	[tilespmem:s19], [sflag:$0x1] =	stream.indirect.gather [hbm4b:s4+s18], $0x10, s14, s18, $0xb8;
	[tilespmem:$0xEBC0] =	vst v63  }
0x118: {  	_ =	swait.ge [sflag:s30], $0x500  }
0x119: {  	[sflag:s30] =	ssyncset.done $0x0  }
0x11a: {  	s9 =	simm.s32 $0x25D0;
	[sflag:s30] =	ssyncadd.s32 $0xFFFFFB00  }
0x11b: {  	[tilespmem:s20], [sflag:$0x2] =	stream.indirect.gather [hbm4b:s4+s18], $0x10, s9, s18, $0xb8;
	[tilespmem:$0xEBC0] =	vst v63  }
0x11c: {  	_ =	swait.ge [sflag:s1], $0x500  }
0x11d: {  	[sflag:s1] =	ssyncset.done $0x0  }
0x11e: {  	s14 =	simm.s32 $0x2620;
	[sflag:s1] =	ssyncadd.s32 $0xFFFFFB00  }
0x11f: {  	[tilespmem:s22], [sflag:$0x3] =	stream.indirect.gather [hbm4b:s4+s18], $0x10, s14, s18, $0xb8;
	[tilespmem:$0xEBC0] =	vst v63  }
0x120: {  	_ =	swait.ge [sflag:s0], $0x500  }
0x121: {  	[sflag:s0] =	ssyncset.done $0x0  }
0x122: {  	s9 =	simm.s32 $0x2670;
	[sflag:s0] =	ssyncadd.s32 $0xFFFFFB00  }
0x123: {  	[tilespmem:s24], [sflag:$0x4] =	stream.indirect.gather [hbm4b:s4+s18], $0x10, s9, s18, $0xb8;
	[tilespmem:$0xEBC0] =	vst v63  }
0x124: {  	_ =	swait.ge [sflag:s5], $0x500  }
0x125: {  	[sflag:s5] =	ssyncset.done $0x0  }
0x126: {  	s14 =	simm.s32 $0x26C0;
	[sflag:s5] =	ssyncadd.s32 $0xFFFFFB00  }
0x127: {  	[tilespmem:s26], [sflag:$0x5] =	stream.indirect.gather [hbm4b:s4+s18], $0x10, s14, s18, $0xb8;
	[tilespmem:$0xEBC0] =	vst v63  }
0x128: {  	_ =	swait.ge [sflag:s16], $0x500  }
0x129: {  	[sflag:s16] =	ssyncset.done $0x0  }
0x12a: {  	s9 =	simm.s32 $0x73A0;
	[sflag:s16] =	ssyncadd.s32 $0xFFFFFB00  }
0x12b: {  	[spmem:s2] =	stream.indirect.scatter.add.f32 [tilespmem:s19], [sflag:$0x9], $0x10, s9, s18, $0xb8;
	[tilespmem:$0xEBC0] =	vst v63  }
0x12c: {  	_ =	swait.ge [sflag:s17], $0x500  }
0x12d: {  	[sflag:s17] =	ssyncset.done $0x0  }
0x12e: {  	s14 =	simm.s32 $0x73F0;
	[sflag:s17] =	ssyncadd.s32 $0xFFFFFB00  }
0x12f: {  	[spmem:s2] =	stream.indirect.scatter.add.f32 [tilespmem:s20], [sflag:$0xA], $0x10, s14, s18, $0xb8;
	[tilespmem:$0xEBC0] =	vst v63  }
0x130: {  	_ =	swait.ge [sflag:s8], $0x500  }
0x131: {  	[sflag:s8] =	ssyncset.done $0x0  }
0x132: {  	s9 =	simm.s32 $0x7440;
	[sflag:s8] =	ssyncadd.s32 $0xFFFFFB00  }
0x133: {  	[spmem:s2] =	stream.indirect.scatter.add.f32 [tilespmem:s22], [sflag:$0xB], $0x10, s9, s18, $0xb8;
	[tilespmem:$0xEBC0] =	vst v63  }
0x134: {  	_ =	swait.ge [sflag:s10], $0x500  }
0x135: {  	[sflag:s10] =	ssyncset.done $0x0  }
0x136: {  	s14 =	simm.s32 $0x7490;
	[sflag:s10] =	ssyncadd.s32 $0xFFFFFB00  }
0x137: {  	[spmem:s2] =	stream.indirect.scatter.add.f32 [tilespmem:s24], [sflag:$0xC], $0x10, s14, s18, $0xb8;
	[tilespmem:$0xEBC0] =	vst v63  }
0x138: {  	_ =	swait.ge [sflag:s21], $0x500  }
0x139: {  	[sflag:s21] =	ssyncset.done $0x0  }
0x13a: {  	s9 =	simm.s32 $0x74E0;
	[sflag:s21] =	ssyncadd.s32 $0xFFFFFB00  }
0x13b: {  	[spmem:s2] =	stream.indirect.scatter.add.f32 [tilespmem:s26], [sflag:$0xD], $0x10, s9, s18, $0xb8;
	[tilespmem:$0xEBC0] =	vst v63  }
0x13c: {  	_ =	swait.ge [sflag:s28], $0x500  }
0x13d: {  	[sflag:s28] =	ssyncset.done $0x0  }
0x13e: {  	[sflag:s28] =	ssyncadd.s32 $0xFFFFFB00  }
0x13f: {  	_ =	swait.ge [sflag:s30], $0x500  }
0x140: {  	[sflag:s30] =	ssyncset.done $0x0  }
0x141: {  	[sflag:s30] =	ssyncadd.s32 $0xFFFFFB00  }
0x142: {  	_ =	swait.ge [sflag:s1], $0x500  }
0x143: {  	[sflag:s1] =	ssyncset.done $0x0  }
0x144: {  	[sflag:s1] =	ssyncadd.s32 $0xFFFFFB00  }
0x145: {  	_ =	swait.ge [sflag:s0], $0x500  }
0x146: {  	[sflag:s0] =	ssyncset.done $0x0  }
0x147: {  	[sflag:s0] =	ssyncadd.s32 $0xFFFFFB00  }
0x148: {  	_ =	swait.ge [sflag:s5], $0x500  }
0x149: {  	[sflag:s5] =	ssyncset.done $0x0  }
0x14a: {  	[sflag:s5] =	ssyncadd.s32 $0xFFFFFB00  }
0x14b: {  	_ =	swait.ge [sflag:s6], $0x500  }
0x14c: {  	[sflag:s6] =	ssyncset.done $0x0  }
0x14d: {  	[sflag:s6] =	ssyncadd.s32 $0xFFFFFB00  }
0x14e: {  	_ =	swait.ge [sflag:s7], $0x500  }
0x14f: {  	[sflag:s7] =	ssyncset.done $0x0  }
0x150: {  	[sflag:s7] =	ssyncadd.s32 $0xFFFFFB00  }
0x151: {  	_ =	swait.ge [sflag:s12], $0x500  }
0x152: {  	[sflag:s12] =	ssyncset.done $0x0  }
0x153: {  	[sflag:s12] =	ssyncadd.s32 $0xFFFFFB00  }
0x154: {  	[bflag:$0x0] =	sbarrier.arrive $0xFFFF  }
0x155: {  	s9 =	rddreg [dreg:$0xb]  }
0x156: {  	s3 =	simm.s32 @p1 $0x1FD1;
	s14 =	rddreg [dreg:$0x10]  }
0x157: {  	[hbm:s9], [sflag:s3] =	dma.local @p1 [spmem:s14], $0x410  }
0x158: {  	s3 =	simm.s32 @p1 $0x11  }
0x159: {  	_ =	swait.ge @p1 [sflag:s3], $0x410  }
0x15a: {  	s9 =	rddreg [dreg:$0xd]  }
0x15b: {  	[sflag:s3] =	ssyncset.done @p1 $0x0;
	s14 =	rddreg [dreg:$0xf]  }
0x15c: {  	[sflag:s3] =	ssyncadd.s32 @p1 $0xFFFFFBF0;
	s3 =	rddreg [dreg:$0xa]  }
0x15d: {  	[hbm:s3], [sflag:s14] =	dma.local @!p1 [spmem:s9], $0x4F0  }
0x15e: {  	s3 =	simm.s32 @!p1 $0x11  }
0x15f: {  	_ =	swait.ge @!p1 [sflag:s3], $0x4F0  }
0x160: {  	s13 =	sadd.s32 $0x1, s13;
	s14 =	rddreg [dreg:$0xc]  }
0x161: {  	p2 =	sne.s32 s13, s14  }
.Ltmp5:
0x162: {  	_ = 	snop;
	(pc) =	sbr.rel @p2 .LBB2_1-.Ltmp5, $3  }
0x163: {  	_ =	sdelay $0x1  }
0x164: {  	[sflag:s3] =	ssyncset.done @!p1 $0x0  }
0x165: {  	[sflag:s3] =	ssyncadd.s32 @!p1 $0xFFFFFB10;
	s14 =	simm.s32 $0x0  }
0x166: {  	_ =	sfence.sel $0x180000  }
0x167: {  	[bflag:$0x0] =	sbarrier.arrive $0xFFFF  }
0x168: {  	_ =	strace $0x9000004A  }
0x169: {  	s0 =	stileid.u32;
	[bflag:$0x2] =	sbarrier.arrive $0xFFFF  }
0x16a: {  	p0 =	sne.s32 s0, $0x0;
	s0 =	rddreg [dreg:$0x2]  }
0x16b: {  	s0 =	sadd.s32 @!p0 $0x100000, s0  }
0x16c: {  	[sflag:s0] =	ssyncadd.tile.s32 @!p0 $0x1;
	_ =	shalt  }
.Lfunc_end2:
_tile_overlayer_lowered:
.L_overlay_start_2:
0x16d: {  	(tag) =	ssettag $0x2  }
0x16e: {  	s0 =	rddreg [dreg:$0x0];
	s2 =	stileid.u32  }
0x16f: {  	s1 =	rddreg [dreg:$0x1];
	p0 =	sne.s32 s2, $0x0  }
0x170: {  	s3 =	rddreg [dreg:$0x2];
	[bflag:$0x3] =	sbarrier.arrive $0xFFFF;
	s2 =	simm.s32 @!p0 $0x1C11  }
0x171: {  	[timem:s3], [sflag:s2] =	dma.local @!p0 [hbm:s0], s1  }
0x172: {  	s0 =	simm.s32 @!p0 $0x11  }
0x173: {  	_ =	swait.ge @!p0 [sflag:s0], s1  }
0x174: {  	s1 =	ssub.s32 @!p0 $0x0, s1;
	[sflag:s0] =	ssyncset.done @!p0 $0x0  }
0x175: {  	[sflag:s0] =	ssyncadd.s32 @!p0 s1  }
0x176: {  	[bflag:$0x3] =	sbarrier.arrive $0xFFFF  }
0x177: {  	_ =	shalt  }

// kernel: kernel.7.cloned.1.call-start
scs
__scs_entry_jumppad:
0x0: {  	(pc) =	sbr.rel $0x88, $3  }
0x1: {  	(tag) =	ssettag $0x0;
	lr =	simm.s32 $0x1  }
0x2: {  	[smem:$0x3F94] =	sst lr;
	_ =	strace $0xD0000000  }
0x3: {  	_ = 	snop  }
0x4: {  	_ = 	snop  }
0x5: {  	_ = 	snop  }
0x6: {  	_ = 	snop  }
0x7: {  	_ = 	snop  }
__scs_overlays_trampoline_lowered:
0x8: {  	[smem:$0x3FA3] =	sst s0  }
0x9: {  	[smem:$0x3FA4] =	sst s1  }
0xa: {  	[smem:$0x3FA5] =	sst s2  }
0xb: {  	[smem:$0x3FA6] =	sst s3  }
0xc: {  	[smem:$0x3FA7] =	sst s4  }
0xd: {  	[smem:$0x3FA8] =	sst s5  }
0xe: {  	[smem:$0x3FA9] =	sst s6  }
0xf: {  	[smem:$0x3FAA] =	sst s7  }
0x10: {  	[smem:$0x3FAB] =	sst s8  }
0x11: {  	[smem:$0x3FAC] =	sst s9;
	s0 =	simm.s32 @!p0 $0x0  }
0x12: {  	s1 =	sld [smem:$0x3F92];
	s0 =	simm.s32 @p0 $0x1  }
0x13: {  	[smem:$0x3FAD] =	sst s0;
	s0 =	simm.s32 @!p1 $0x0  }
0x14: {  	s2 =	sld [smem:$0x3F91];
	s0 =	simm.s32 @p1 $0x1  }
0x15: {  	[smem:$0x3FAE] =	sst s0;
	s0 =	simm.s32 @!p2 $0x0  }
0x16: {  	s3 =	sld [smem:$0x3FDB];
	s0 =	simm.s32 @p2 $0x1  }
0x17: {  	s4 =	simm.s32 $0x1BF5;
	[smem:$0x3FB0] =	sst s0  }
0x18: {  	s0 =	sld [smem:$0x3F93];
	_ =	swait.ge [sflag:s4], $0x0  }
0x19: {  	s7 =	sld [smem:$0x3F94]  }
0x1a: {  	s8 =	sadd.s32 $0xFFFFE003, lr  }
0x1b: {  	s9 =	sadd.s32 $0xFFFFFEF7, lr;
	s5 =	simm.s32 $0xFFFFFFFF;
	p2 =	slt.u32 s8, $0xFFFFF086  }
0x1c: {  	p1 =	slt.u32 s9, $0xF7A;
	s5 =	simm.s32 @!p2 $0x0  }
0x1d: {  	s5 =	simm.s32 @p1 $0x1;
	p0 =	seq.s32 s7, s2  }
0x1e: {  	s7 =	smul.u32 @!p0 $0xF7A, s2;
	p2 =	seq.s32 @!p0 s5, $0x0  }
0x1f: {  	s9 =	smul.u32 $0xF7A, s1;
	s8 =	simm.s32 @!p0 $0x1BF5;
	p2 =	por !p2, p0  }
0x20: {  	[sflag:s8] =	ssyncset.s32 @!p0 $0xFFFFF086;
	s6 =	sadd.s32 @!p0 s3, s7;
	s7 =	simm.s32 @!p0 $0x108  }
0x21: {  	s3 =	sadd.s32 s3, s9;
	s6 =	sadd.s32 @!p0 $0x88, s6;
	s7 =	simm.s32 @p2 $0x1082  }
0x22: {  	[simem:s7], [sflag:s8] =	dma.local @!p0 [hbm:s6], $0xF7A  }
0x23: {  	s9 =	sor.u32 $0xD0000000, s2;
	s6 =	simm.s32 $0x108;
	_ =	swait.ge @!p0 [sflag:s8], $0x0  }
0x24: {  	s3 =	sadd.s32 $0x88, s3;
	s6 =	simm.s32 @!p1 $0x1082;
	[sflag:s4] =	ssyncset.s32 $0xFFFFF086  }
0x25: {  	[simem:s6], [sflag:s4] =	dma.local [hbm:s3], $0xF7A  }
0x26: {  	[smem:$0x3F94] =	sst s1;
	(tag) =	ssettag s2;
	_ =	strace s9  }
0x27: {  	s1 =	sld [smem:$0x3FA4]  }
0x28: {  	s2 =	sld [smem:$0x3FA5]  }
0x29: {  	s4 =	sld [smem:$0x3FA7]  }
0x2a: {  	p0 =	seq.s32 s5, $0x0;
	s5 =	sld [smem:$0x3FA8]  }
0x2b: {  	s6 =	sld [smem:$0x3FA9]  }
0x2c: {  	s7 =	sld [smem:$0x3FAA]  }
0x2d: {  	s3 =	simm.s32 $0x108;
	s8 =	sld [smem:$0x3FAB]  }
0x2e: {  	s3 =	simm.s32 @!p0 $0x1082;
	s9 =	sld [smem:$0x3FAC]  }
0x2f: {  	lr =	sadd.s32 s0, s3;
	s0 =	sld [smem:$0x3FA3]  }
0x30: {  	s3 =	sld [smem:$0x3FA6]  }
0x31: {  	[smem:$0x3FAF] =	sst s10  }
0x32: {  	s10 =	sld [smem:$0x3FAD];
	_ =	sdelay $0x3  }
0x33: {  	p0 =	seq.s32 s10, $0x1;
	s10 =	sld [smem:$0x3FAF];
	_ =	sdelay $0x3  }
0x34: {  	[smem:$0x3FAF] =	sst s10  }
0x35: {  	s10 =	sld [smem:$0x3FAE];
	_ =	sdelay $0x3  }
0x36: {  	p1 =	seq.s32 s10, $0x1;
	s10 =	sld [smem:$0x3FAF];
	_ =	sdelay $0x3  }
0x37: {  	[smem:$0x3FAF] =	sst s10  }
0x38: {  	s10 =	sld [smem:$0x3FB0]  }
0x39: {  	_ = 	snop;
	(pc) =	sbr.ind lr, $3  }
0x3a: {  	_ = 	snop  }
0x3b: {  	_ = 	snop  }
0x3c: {  	p2 =	seq.s32 s10, $0x1;
	s10 =	sld [smem:$0x3FAF]  }
0x3d: {  	_ =	shalt  }
0x3e: {  	_ =	shalt  }
0x3f: {  	_ =	shalt  }
0x40: {  	_ =	shalt  }
0x41: {  	_ =	shalt  }
0x42: {  	_ =	shalt  }
0x43: {  	_ =	shalt  }
0x44: {  	_ =	shalt  }
0x45: {  	_ =	shalt  }
0x46: {  	_ =	shalt  }
0x47: {  	_ =	shalt  }
0x48: {  	_ =	shalt  }
0x49: {  	_ =	shalt  }
0x4a: {  	_ =	shalt  }
0x4b: {  	_ =	shalt  }
0x4c: {  	_ =	shalt  }
0x4d: {  	_ =	shalt  }
0x4e: {  	_ =	shalt  }
0x4f: {  	_ =	shalt  }
0x50: {  	_ =	shalt  }
0x51: {  	_ =	shalt  }
0x52: {  	_ =	shalt  }
0x53: {  	_ =	shalt  }
0x54: {  	_ =	shalt  }
0x55: {  	_ =	shalt  }
0x56: {  	_ =	shalt  }
0x57: {  	_ =	shalt  }
0x58: {  	_ =	shalt  }
0x59: {  	_ =	shalt  }
0x5a: {  	_ =	shalt  }
0x5b: {  	_ =	shalt  }
0x5c: {  	_ =	shalt  }
0x5d: {  	_ =	shalt  }
0x5e: {  	_ =	shalt  }
0x5f: {  	_ =	shalt  }
0x60: {  	_ =	shalt  }
0x61: {  	_ =	shalt  }
0x62: {  	_ =	shalt  }
0x63: {  	_ =	shalt  }
0x64: {  	_ =	shalt  }
0x65: {  	_ =	shalt  }
0x66: {  	_ =	shalt  }
0x67: {  	_ =	shalt  }
0x68: {  	_ =	shalt  }
0x69: {  	_ =	shalt  }
0x6a: {  	_ =	shalt  }
0x6b: {  	_ =	shalt  }
0x6c: {  	_ =	shalt  }
0x6d: {  	_ =	shalt  }
0x6e: {  	_ =	shalt  }
0x6f: {  	_ =	shalt  }
0x70: {  	_ =	shalt  }
0x71: {  	_ =	shalt  }
0x72: {  	_ =	shalt  }
0x73: {  	_ =	shalt  }
0x74: {  	_ =	shalt  }
0x75: {  	_ =	shalt  }
0x76: {  	_ =	shalt  }
0x77: {  	_ =	shalt  }
0x78: {  	_ =	shalt  }
0x79: {  	_ =	shalt  }
0x7a: {  	_ =	shalt  }
0x7b: {  	_ =	shalt  }
0x7c: {  	_ =	shalt  }
0x7d: {  	_ =	shalt  }
0x7e: {  	_ =	shalt  }
0x7f: {  	_ =	shalt  }
0x80: {  	_ =	shalt  }
0x81: {  	_ =	shalt  }
0x82: {  	_ =	shalt  }
0x83: {  	_ =	shalt  }
0x84: {  	_ =	shalt  }
0x85: {  	_ =	shalt  }
0x86: {  	_ =	shalt  }
0x87: {  	_ =	shalt  }
.Lfunc_end0:
.L_simem_size_0:
called_computation_lowered:
.L_overlay_start_0:
0x88: {  	s2 =	sld [smem:$0x3FD9]  }
0x89: {  	s3 =	sld [smem:$0x3FFE];
	_ =	sdelay $0x1  }
0x8a: {  	s1 =	srdreg.scid  }
0x8b: {  	s0 =	sand.u32 $0x1, s1  }
0x8c: {  	s16 =	sshll.u32 s0, $0xA;
	s2 =	sadd.s32 s3, s2  }
0x8d: {  	s2 =	sadd.s32 s2, s16  }
0x8e: {  	[smem:$0x3FBB] =	sst s2  }
0x8f: {  	_ = 	snop  }
0x90: {  	(tm) =	ssettm $0x1  }
0x91: {  	s17 =	sld [smem:$0x3FFB];
	_ =	sdelay $0x3  }
0x92: {  	_ =	strace s17  }
0x93: {  	s2 =	sld [smem:$0x3FFC];
	_ =	sdelay $0x3  }
0x94: {  	_ =	strace s2  }
0x95: {  	s2 =	sld [smem:$0x3FFD];
	_ =	sdelay $0x3  }
0x96: {  	_ =	strace s2  }
0x97: {  	_ =	strace $0x8FFFFFFF  }
0x98: {  	s18 =	sld [smem:$0x3FDB];
	_ =	sdelay $0x1  }
0x99: {  	s19 =	simm.s32 $_scs_section_size  }
0x9a: {  	s4 =	simm.s32 $_size__tile_overlayer_lowered;
	s5 =	simm.s32 $_tile_overlayer_lowered  }
0x9b: {  	s22 =	simm.s32 $0x1BFF;
	s21 =	sshll.u32 s5, $0x1;
	s2 =	sadd.s32 s19, s18  }
0x9c: {  	s6 =	simm.s32 $0x0;
	s20 =	sshll.u32 s4, $0x1;
	s4 =	sadd.s32 s21, s2  }
0x9d: {  	[timem:s6], [sflag:s22] =	dma.local [hbm:s4], s20  }
0x9e: {  	_ =	swait.ge [sflag:s22], s20  }
0x9f: {  	s3 =	ssub.s32 $0x0, s20;
	[sflag:s22] =	ssyncset.done $0x0  }
0xa0: {  	[sflag:s22] =	ssyncadd.s32 s3;
	_ =	sdelay $0x1  }
0xa1: {  	s23 =	simm.s32 $0x1B8B  }
0xa2: {  	_ =	swait.ge [sflag:s23], $0x1  }
0xa3: {  	[sflag:s23] =	ssyncset.done $0x0  }
0xa4: {  	s25 =	simm.s32 $0x1B8E;
	s24 =	sld [smem:$0x3FFE];
	[sflag:s23] =	ssyncadd.s32 $0xFFFFFFFF  }
0xa5: {  	s26 =	simm.s32 $execute0_lowered;
	[smem:$0x3FD2] =	sst s25  }
0xa6: {  	s4 =	sshll.u32 s26, $0x1;
	_ =	strace $0x80000046;
	[dreg:$0x1] =	wrdreg $0xFFFFFFFF  }
0xa7: {  	s28 =	simm.s32 $_size_execute0_lowered;
	s2 =	sadd.s32 s2, s4;
	[dreg:$0x0] =	wrdreg $0x0  }
0xa8: {  	s4 =	sshll.u32 s28, $0x1;
	[dreg:$0x2] =	wrdreg s2  }
0xa9: {  	[dreg:$0x3] =	wrdreg s4  }
0xaa: {  	[dreg:$0x4] =	wrdreg $0xC0  }
0xab: {  	_ =	task [dreg:s6], $0x5FFFF  }
0xac: {  	[dreg:$0x1] =	wrdreg $0xFFFFFFFF  }
0xad: {  	[dreg:$0x0] =	wrdreg $0x60  }
0xae: {  	[dreg:$0x2] =	wrdreg s24  }
0xaf: {  	[dreg:$0x3] =	wrdreg $0x9CB00  }
0xb0: {  	[dreg:$0x4] =	wrdreg $0x9  }
0xb1: {  	_ =	task.clear_ibuf [dreg:s6], $0x5FFFF;
	_ =	strace $0x90000046  }
0xb2: {  	s29 =	simm.s32 $0x9;
	_ =	strace $0x80000048  }
0xb3: {  	_ =	swait.ge [sflag:s29], $0x1  }
0xb4: {  	[sflag:s29] =	ssyncadd.s32 $0xFFFFFFFF  }
0xb5: {  	_ =	strace $0x90000048  }
0xb6: {  	_ =	sfence  }
0xb7: {  	s30 =	sld [smem:$0x0];
	_ =	sdelay $0x2  }
0xb8: {  	s31 =	sshll.u32 s1, $0xD;
	s1 =	sshrl.u32 s1, $0x2  }
0xb9: {  	s3 =	sand.u32 $0x4000, s31;
	s1 =	sadd.s32 s1, s30  }
0xba: {  	s0 =	sor.u32 s3, s0;
	s1 =	sshll.u32 s1, $0x11  }
0xbb: {  	s0 =	sor.u32 s1, s0  }
0xbc: {  	s0 =	sadd.s32 $0x8F2B, s0  }
0xbd: {  	[sflag:s0] =	ssyncadd.remote.s32 $0x1  }
0xbe: {  	_ =	sfence.sel $0xFFFF  }
0xbf: {  	[dreg:$0x0] =	wrdreg $0xFFFFFFFF;
	(pc) =	sbr.abs _section_cstart, $3  }
0xc0: {  	[dreg:$0x1] =	wrdreg $0xFFFFFFFF  }
0xc1: {  	_ =	task.clear_ibuf [dreg:s6], $0x2FFFF;
	_ =	strace $0x9FFFFFFF  }
0xc2: {  	(tm) =	ssettm $0x7FFFFFFF  }
0xc3: {  	_ =	shalt  }
tec
execute0_lowered:
.L_overlay_start_1:
0x0: {  	(tag) =	ssettag $0x1  }
0x1: {  	s0 =	srdreg.scid  }
0x2: {  	s1 =	rddreg [dreg:$0x0];
	s9 =	stileid.u32  }
0x3: {  	s2 =	rddreg [dreg:$0x1];
	s14 =	simm.s32 $0x0;
	s16 =	simm.s32 $0x1  }
0x4: {  	s17 =	simm.s32 $0x2;
	s18 =	simm.s32 $0x50;
	s19 =	simm.s32 $0xC3C0  }
0x5: {  	s29 =	simm.s32 $0xDCC0;
	s31 =	simm.s32 $0xE1C0;
	s15 =	simm.s32 $0xE6C0  }
0x6: {  	s10 =	simm.s32 $0x4;
	s11 =	simm.s32 $0x8;
	s28 =	simm.s32 $0x9  }
0x7: {  	s30 =	simm.s32 $0xA;
	s12 =	simm.s32 $0x10;
	s13 =	simm.s32 $0x0  }
0x8: {  	s0 =	sand.u32 $0x1, s0;
	[smem:$0x7FF] =	sst s14;
	s8 =	smul.u32 $0x2780, s9  }
0x9: {  	s4 =	sadd.s32 $0x15C00, s1;
	s6 =	sadd.s32 $0x1AC00, s1;
	s23 =	smul.u32 $0x9E00, s9  }
0xa: {  	s24 =	sadd.s32 $0x25080, s2;
	p1 =	seq.s32 s9, $0xF;
	s3 =	sshll.u32 s0, $0x4  }
0xb: {  	_ =	strace $0x80000047;
	s5 =	ssub.s32 $0x2, s0;
	p0 =	seq.s32 s0, $0x1  }
0xc: {  	s0 =	smul.u32 $0x27100, s0;
	[dreg:$0x7] =	wrdreg s24;
	s24 =	simm.s32 $0xD2C0  }
0xd: {  	s3 =	sor.u32 s9, s3;
	s7 =	sshrl.u32 s5, $0x1;
	s21 =	sshrl.u32 s8, $0x3  }
0xe: {  	s22 =	sadd.s32 s8, s2;
	s3 =	smul.u32 $0x2710, s3;
	s5 =	ssub.s32 s5, s7  }
0xf: {  	[dreg:$0x5] =	wrdreg s22;
	s25 =	sadd.s32 s8, s0;
	s0 =	sshrl.u32 s0, $0x3  }
0x10: {  	s22 =	simm.s32 $0xCDC0;
	s8 =	simm.s32 $0x3;
	s7 =	simm.s32 $0xF  }
0x11: {  	s0 =	sadd.s32 s6, s0;
	s26 =	smax.u32 s5, $0x1;
	s5 =	simm.s32 $0xD  }
0x12: {  	s3 =	sshrl.u32 s3, $0x3;
	s0 =	sadd.s32 $0x4A10, s0;
	[dreg:$0xc] =	wrdreg s26  }
0x13: {  	s3 =	sadd.s32 s3, s1;
	s1 =	sadd.s32 $0x1A610, s1;
	[dreg:$0xb] =	wrdreg s0  }
0x14: {  	s26 =	simm.s32 $0xD7C0;
	s20 =	sadd.s32 $0x2200, s3;
	[dreg:$0x8] =	wrdreg s1  }
0x15: {  	s0 =	simm.s32 $0xC;
	s3 =	sadd.s32 $0xBE40, s3;
	[dreg:$0x3] =	wrdreg s20  }
0x16: {  	s1 =	sshrl.u32 s25, $0x3;
	s25 =	simm.s32 $0x7;
	[dreg:$0x4] =	wrdreg s3  }
0x17: {  	s3 =	sadd.s32 s4, s21;
	s1 =	sadd.s32 s6, s1;
	s20 =	simm.s32 $0xC8C0  }
0x18: {  	s21 =	simm.s32 $0x5;
	[dreg:$0x6] =	wrdreg s3;
	s3 =	sshrl.u32 s23, $0x2  }
0x19: {  	s6 =	simm.s32 $0xE;
	[dreg:$0xa] =	wrdreg s1;
	s3 =	sadd.s32 s3, s2  }
0x1a: {  	v0 =	vimm.f32 $0.0e+00;
	s23 =	simm.s32 $0x6;
	s1 =	simm.s32 $0xB;
	[dreg:$0x9] =	wrdreg s3  }
.LBB2_1:
0x1b: {  	[dreg:$0xe] =	wrdreg s13  }
0x1c: {  	s3 =	rddreg [dreg:$0x3]  }
0x1d: {  	[tilespmem:s14], [sflag:$0x1] =	stream.linear.gather [hbm4b:s3+s14], $0x2710, $0x38;
	[tilespmem:$0xEBC0] =	vst v63  }
0x1e: {  	s13 =	rddreg [dreg:$0x4];
	s9 =	simm.s32 $0x2710;
	s3 =	stileid.u32  }
0x1f: {  	[tilespmem:s9], [sflag:$0x2] =	stream.linear.gather [hbm4b:s13+s14], $0x2710, $0x38;
	[tilespmem:$0xEBC0] =	vst v63  }
.Ltmp0:
0x20: {  	s3 =	sshll.u32 @!p1 s3, $0x6;
	s9 =	rddreg [dreg:$0x7];
	(pc) =	sbr.rel @!p0 .LBB2_2-.Ltmp0, $4  }
0x21: {  	s14 =	sor.u32 @!p1 $0x1C11, s3;
	s13 =	sshrl.u32 @p1 s9, $0x3;
	s9 =	rddreg [dreg:$0x5]  }
0x22: {  	[dreg:$0xf] =	wrdreg s14  }
0x23: {  	s9 =	sshrl.u32 @!p1 s9, $0x3;
	[dreg:$0x10] =	wrdreg s13  }
0x24: {  	[dreg:$0xd] =	wrdreg s9  }
0x25: {  	s3 =	simm.s32 $0x0;
	s9 =	simm.s32 $0x0  }
0x26: {  	s3 =	sshra.s32 s3, $0x2;
	s14 =	sadd.s32 $0x200, s9  }
.LBB2_4:
0x27: {  	p2 =	sne.s32 s14, $0x9C00;
	[tilespmem:s3+$0x75A0] =	vst v0  }
0x28: {  	[tilespmem:s3+$0x7530] =	vst v0  }
0x29: {  	[tilespmem:s3+$0x7540] =	vst v0  }
.Ltmp1:
0x2a: {  	[tilespmem:s3+$0x7550] =	vst v0;
	(pc) =	sbr.rel @p2 .LBB2_4-.Ltmp1, $4  }
0x2b: {  	[tilespmem:s3+$0x7560] =	vst v0  }
0x2c: {  	[tilespmem:s3+$0x7570] =	vst v0  }
0x2d: {  	[tilespmem:s3+$0x7580] =	vst v0  }
0x2e: {  	[tilespmem:s3+$0x7590] =	vst v0;
	s3 =	sshra.s32 s14, $0x2;
	s14 =	sadd.s32 $0x200, s14  }
0x2f: {  	[tilespmem:s3+$0x75A0] =	vst v0  }
0x30: {  	[tilespmem:s3+$0x7530] =	vst v0  }
0x31: {  	[tilespmem:s3+$0x7540] =	vst v0  }
0x32: {  	[tilespmem:s3+$0x7550] =	vst v0  }
0x33: {  	[tilespmem:s3+$0x7560] =	vst v0  }
0x34: {  	[tilespmem:s3+$0x7570] =	vst v0  }
0x35: {  	[tilespmem:s3+$0x7580] =	vst v0  }
0x36: {  	[tilespmem:s3+$0x7590] =	vst v0;
	s3 =	simm.s32 @p1 $0x7530;
	s9 =	rddreg [dreg:$0x7]  }
0x37: {  	[spmem:s9] =	stream.linear.scatter @p1 [tilespmem:s3], [sflag:$0x11], $0x2080, $0x38;
	[tilespmem:$0xEBC0] =	vst v63  }
0x38: {  	s3 =	simm.s32 @p1 $0x11  }
0x39: {  	_ =	swait.ge @p1 [sflag:s3], $0x2080  }
0x3a: {  	[sflag:s3] =	ssyncset.done @p1 $0x0  }
0x3b: {  	s9 =	rddreg [dreg:$0x9];
	[sflag:s3] =	ssyncadd.s32 @p1 $0xFFFFDF80;
	s3 =	simm.s32 @!p1 $0x7530  }
0x3c: {  	[spmem:s9] =	stream.linear.scatter @!p1 [tilespmem:s3], [sflag:$0x11], $0x2780, $0x38;
	[tilespmem:$0xEBC0] =	vst v63  }
.Ltmp2:
0x3d: {  	_ = 	snop;
	(pc) =	sbr.rel .LBB2_6-.Ltmp2, $4  }
0x3e: {  	s3 =	simm.s32 @!p1 $0x11  }
0x3f: {  	_ =	swait.ge @!p1 [sflag:s3], $0x2780  }
0x40: {  	[sflag:s3] =	ssyncset.done @!p1 $0x0  }
0x41: {  	s13 =	rddreg [dreg:$0xe];
	[sflag:s3] =	ssyncadd.s32 @!p1 $0xFFFFD880  }
.LBB2_2:
0x42: {  	s3 =	simm.s32 @p1 $0x1FD1;
	s9 =	rddreg [dreg:$0x8]  }
0x43: {  	[spmem:s13], [sflag:s3] =	dma.local @p1 [hbm:s9], $0x410  }
0x44: {  	s3 =	simm.s32 @p1 $0x11  }
0x45: {  	_ =	swait.ge @p1 [sflag:s3], $0x410  }
0x46: {  	[sflag:s3] =	ssyncset.done @p1 $0x0;
	s9 =	rddreg [dreg:$0xd]  }
0x47: {  	[sflag:s3] =	ssyncadd.s32 @p1 $0xFFFFFBF0;
	s3 =	rddreg [dreg:$0x6]  }
0x48: {  	[spmem:s9], [sflag:s14] =	dma.local @!p1 [hbm:s3], $0x4F0  }
0x49: {  	s3 =	simm.s32 @!p1 $0x11  }
0x4a: {  	_ =	swait.ge @!p1 [sflag:s3], $0x4F0  }
0x4b: {  	[sflag:s3] =	ssyncset.done @!p1 $0x0  }
0x4c: {  	s13 =	rddreg [dreg:$0xe];
	[sflag:s3] =	ssyncadd.s32 @!p1 $0xFFFFFB10  }
.LBB2_6:
0x4d: {  	_ =	swait.ge [sflag:s16], $0x2710  }
0x4e: {  	[sflag:s16] =	ssyncset.done $0x0  }
0x4f: {  	[sflag:s16] =	ssyncadd.s32 $0xFFFFD8F0  }
0x50: {  	_ =	swait.ge [sflag:s17], $0x2710  }
0x51: {  	[sflag:s17] =	ssyncset.done $0x0  }
0x52: {  	s3 =	simm.s32 $0x0;
	[sflag:s17] =	ssyncadd.s32 $0xFFFFD8F0  }
0x53: {  	v1 =	vld [tilespmem:s3+$0x2750]  }
0x54: {  	v2 =	vld [tilespmem:s3+$0x2710]  }
0x55: {  	v3 =	vld [tilespmem:s3+$0x2720]  }
0x56: {  	v4 =	vld [tilespmem:s3+$0x2730]  }
0x57: {  	s14 =	simm.s32 $0x140;
	v5 =	vld [tilespmem:s3+$0x2740]  }
.LBB2_7:
0x58: {  	s9 =	sshra.s32 s14, $0x2;
	p2 =	sne.s32 s14, $0x9B00;
	s14 =	sadd.s32 $0x140, s14;
	[tilespmem:s3+$0x4E60] =	vst v1  }
.Ltmp3:
0x59: {  	v1 =	vld [tilespmem:s9+$0x2750];
	[tilespmem:s3+$0x4E20] =	vst v2;
	(pc) =	sbr.rel @p2 .LBB2_7-.Ltmp3, $4  }
0x5a: {  	v2 =	vld [tilespmem:s9+$0x2710];
	[tilespmem:s3+$0x4E30] =	vst v3  }
0x5b: {  	v3 =	vld [tilespmem:s9+$0x2720];
	[tilespmem:s3+$0x4E40] =	vst v4  }
0x5c: {  	v4 =	vld [tilespmem:s9+$0x2730];
	[tilespmem:s3+$0x4E50] =	vst v5;
	s3 =	smov.u32 s9  }
0x5d: {  	v5 =	vld [tilespmem:s3+$0x2740]  }
0x5e: {  	[tilespmem:s3+$0x4E60] =	vst v1  }
0x5f: {  	[tilespmem:s3+$0x4E20] =	vst v2  }
0x60: {  	[tilespmem:s3+$0x4E30] =	vst v3  }
0x61: {  	[tilespmem:s3+$0x4E40] =	vst v4  }
0x62: {  	[tilespmem:s3+$0x4E50] =	vst v5  }
0x63: {  	s9 =	simm.s32 $0x0;
	[bflag:$0x0] =	sbarrier.arrive $0xFFFF  }
0x64: {  	[tilespmem:s19], [sflag:$0x1] =	stream.indirect.gather [hbm4b:s4+s18], $0x10, s9, s18, $0xb8;
	[tilespmem:$0xEBC0] =	vst v63  }
0x65: {  	_ = 	snop  }
0x66: {  	[tilespmem:s20], [sflag:$0x2] =	stream.indirect.gather [hbm4b:s4+s18], $0x10, s18, s18, $0xb8;
	[tilespmem:$0xEBC0] =	vst v63  }
0x67: {  	s14 =	simm.s32 $0xA0  }
0x68: {  	[tilespmem:s22], [sflag:$0x3] =	stream.indirect.gather [hbm4b:s4+s18], $0x10, s14, s18, $0xb8;
	[tilespmem:$0xEBC0] =	vst v63  }
0x69: {  	s9 =	simm.s32 $0xF0  }
0x6a: {  	[tilespmem:s24], [sflag:$0x4] =	stream.indirect.gather [hbm4b:s4+s18], $0x10, s9, s18, $0xb8;
	[tilespmem:$0xEBC0] =	vst v63  }
0x6b: {  	s14 =	simm.s32 $0x140  }
0x6c: {  	[tilespmem:s26], [sflag:$0x5] =	stream.indirect.gather [hbm4b:s4+s18], $0x10, s14, s18, $0xb8;
	[tilespmem:$0xEBC0] =	vst v63  }
0x6d: {  	s9 =	simm.s32 $0x190  }
0x6e: {  	[tilespmem:s29], [sflag:$0x6] =	stream.indirect.gather [hbm4b:s4+s18], $0x10, s9, s18, $0xb8;
	[tilespmem:$0xEBC0] =	vst v63  }
0x6f: {  	s14 =	simm.s32 $0x1E0  }
0x70: {  	[tilespmem:s31], [sflag:$0x7] =	stream.indirect.gather [hbm4b:s4+s18], $0x10, s14, s18, $0xb8;
	[tilespmem:$0xEBC0] =	vst v63  }
0x71: {  	s9 =	simm.s32 $0x230  }
0x72: {  	[tilespmem:s15], [sflag:$0x8] =	stream.indirect.gather [hbm4b:s4+s18], $0x10, s9, s18, $0xb8;
	[tilespmem:$0xEBC0] =	vst v63  }
0x73: {  	_ =	swait.ge [sflag:s16], $0x500  }
0x74: {  	[sflag:s16] =	ssyncset.done $0x0  }
0x75: {  	s14 =	simm.s32 $0x4E20;
	[sflag:s16] =	ssyncadd.s32 $0xFFFFFB00  }
0x76: {  	[spmem:s2] =	stream.indirect.scatter.add.f32 [tilespmem:s19], [sflag:$0x9], $0x10, s14, s18, $0xb8;
	[tilespmem:$0xEBC0] =	vst v63  }
0x77: {  	_ =	swait.ge [sflag:s17], $0x500  }
0x78: {  	[sflag:s17] =	ssyncset.done $0x0  }
0x79: {  	s9 =	simm.s32 $0x4E70;
	[sflag:s17] =	ssyncadd.s32 $0xFFFFFB00  }
0x7a: {  	[spmem:s2] =	stream.indirect.scatter.add.f32 [tilespmem:s20], [sflag:$0xA], $0x10, s9, s18, $0xb8;
	[tilespmem:$0xEBC0] =	vst v63  }
0x7b: {  	_ =	swait.ge [sflag:s8], $0x500  }
0x7c: {  	[sflag:s8] =	ssyncset.done $0x0  }
0x7d: {  	s14 =	simm.s32 $0x4EC0;
	[sflag:s8] =	ssyncadd.s32 $0xFFFFFB00  }
0x7e: {  	[spmem:s2] =	stream.indirect.scatter.add.f32 [tilespmem:s22], [sflag:$0xB], $0x10, s14, s18, $0xb8;
	[tilespmem:$0xEBC0] =	vst v63  }
0x7f: {  	_ =	swait.ge [sflag:s10], $0x500  }
0x80: {  	[sflag:s10] =	ssyncset.done $0x0  }
0x81: {  	s9 =	simm.s32 $0x4F10;
	[sflag:s10] =	ssyncadd.s32 $0xFFFFFB00  }
0x82: {  	[spmem:s2] =	stream.indirect.scatter.add.f32 [tilespmem:s24], [sflag:$0xC], $0x10, s9, s18, $0xb8;
	[tilespmem:$0xEBC0] =	vst v63  }
0x83: {  	_ =	swait.ge [sflag:s21], $0x500  }
0x84: {  	[sflag:s21] =	ssyncset.done $0x0  }
0x85: {  	s14 =	simm.s32 $0x4F60;
	[sflag:s21] =	ssyncadd.s32 $0xFFFFFB00  }
0x86: {  	[spmem:s2] =	stream.indirect.scatter.add.f32 [tilespmem:s26], [sflag:$0xD], $0x10, s14, s18, $0xb8;
	[tilespmem:$0xEBC0] =	vst v63  }
0x87: {  	_ =	swait.ge [sflag:s23], $0x500  }
0x88: {  	[sflag:s23] =	ssyncset.done $0x0  }
0x89: {  	s9 =	simm.s32 $0x4FB0;
	[sflag:s23] =	ssyncadd.s32 $0xFFFFFB00  }
0x8a: {  	[spmem:s2] =	stream.indirect.scatter.add.f32 [tilespmem:s29], [sflag:$0xE], $0x10, s9, s18, $0xb8;
	[tilespmem:$0xEBC0] =	vst v63  }
0x8b: {  	_ =	swait.ge [sflag:s25], $0x500  }
0x8c: {  	[sflag:s25] =	ssyncset.done $0x0  }
0x8d: {  	s14 =	simm.s32 $0x5000;
	[sflag:s25] =	ssyncadd.s32 $0xFFFFFB00  }
0x8e: {  	[spmem:s2] =	stream.indirect.scatter.add.f32 [tilespmem:s31], [sflag:$0xF], $0x10, s14, s18, $0xb8;
	[tilespmem:$0xEBC0] =	vst v63  }
0x8f: {  	_ =	swait.ge [sflag:s11], $0x500  }
0x90: {  	[sflag:s11] =	ssyncset.done $0x0  }
0x91: {  	s9 =	simm.s32 $0x5050;
	[sflag:s11] =	ssyncadd.s32 $0xFFFFFB00  }
0x92: {  	[spmem:s2] =	stream.indirect.scatter.add.f32 [tilespmem:s15], [sflag:$0x10], $0x10, s9, s18, $0xb8;
	[tilespmem:$0xEBC0] =	vst v63  }
0x93: {  	_ =	swait.ge [sflag:s28], $0x500  }
0x94: {  	[sflag:s28] =	ssyncset.done $0x0  }
0x95: {  	s14 =	simm.s32 $0x280;
	[sflag:s28] =	ssyncadd.s32 $0xFFFFFB00  }
0x96: {  	[tilespmem:s19], [sflag:$0x1] =	stream.indirect.gather [hbm4b:s4+s18], $0x10, s14, s18, $0xb8;
	[tilespmem:$0xEBC0] =	vst v63  }
0x97: {  	_ =	swait.ge [sflag:s30], $0x500  }
0x98: {  	[sflag:s30] =	ssyncset.done $0x0  }
0x99: {  	s9 =	simm.s32 $0x2D0;
	[sflag:s30] =	ssyncadd.s32 $0xFFFFFB00  }
0x9a: {  	[tilespmem:s20], [sflag:$0x2] =	stream.indirect.gather [hbm4b:s4+s18], $0x10, s9, s18, $0xb8;
	[tilespmem:$0xEBC0] =	vst v63  }
0x9b: {  	_ =	swait.ge [sflag:s1], $0x500  }
0x9c: {  	[sflag:s1] =	ssyncset.done $0x0  }
0x9d: {  	s14 =	simm.s32 $0x320;
	[sflag:s1] =	ssyncadd.s32 $0xFFFFFB00  }
0x9e: {  	[tilespmem:s22], [sflag:$0x3] =	stream.indirect.gather [hbm4b:s4+s18], $0x10, s14, s18, $0xb8;
	[tilespmem:$0xEBC0] =	vst v63  }
0x9f: {  	_ =	swait.ge [sflag:s0], $0x500  }
0xa0: {  	[sflag:s0] =	ssyncset.done $0x0  }
0xa1: {  	s9 =	simm.s32 $0x370;
	[sflag:s0] =	ssyncadd.s32 $0xFFFFFB00  }
0xa2: {  	[tilespmem:s24], [sflag:$0x4] =	stream.indirect.gather [hbm4b:s4+s18], $0x10, s9, s18, $0xb8;
	[tilespmem:$0xEBC0] =	vst v63  }
0xa3: {  	_ =	swait.ge [sflag:s5], $0x500  }
0xa4: {  	[sflag:s5] =	ssyncset.done $0x0  }
0xa5: {  	s14 =	simm.s32 $0x3C0;
	[sflag:s5] =	ssyncadd.s32 $0xFFFFFB00  }
0xa6: {  	[tilespmem:s26], [sflag:$0x5] =	stream.indirect.gather [hbm4b:s4+s18], $0x10, s14, s18, $0xb8;
	[tilespmem:$0xEBC0] =	vst v63  }
0xa7: {  	_ =	swait.ge [sflag:s6], $0x500  }
0xa8: {  	[sflag:s6] =	ssyncset.done $0x0  }
0xa9: {  	s9 =	simm.s32 $0x410;
	[sflag:s6] =	ssyncadd.s32 $0xFFFFFB00  }
0xaa: {  	[tilespmem:s29], [sflag:$0x6] =	stream.indirect.gather [hbm4b:s4+s18], $0x10, s9, s18, $0xb8;
	[tilespmem:$0xEBC0] =	vst v63  }
0xab: {  	_ =	swait.ge [sflag:s7], $0x500  }
0xac: {  	[sflag:s7] =	ssyncset.done $0x0  }
0xad: {  	s14 =	simm.s32 $0x460;
	[sflag:s7] =	ssyncadd.s32 $0xFFFFFB00  }
0xae: {  	[tilespmem:s31], [sflag:$0x7] =	stream.indirect.gather [hbm4b:s4+s18], $0x10, s14, s18, $0xb8;
	[tilespmem:$0xEBC0] =	vst v63  }
0xaf: {  	_ =	swait.ge [sflag:s12], $0x500  }
0xb0: {  	[sflag:s12] =	ssyncset.done $0x0  }
0xb1: {  	s3 =	simm.s32 $0x4B0;
	s14 =	simm.s32 $0xA00;
	[sflag:s12] =	ssyncadd.s32 $0xFFFFFB00  }
.LBB2_9:
0xb2: {  	[tilespmem:s15], [sflag:$0x8] =	stream.indirect.gather [hbm4b:s4+s18], $0x10, s3, s18, $0xb8;
	[tilespmem:$0xEBC0] =	vst v63  }
0xb3: {  	s3 =	smov.u32 s14  }
0xb4: {  	p2 =	sne.s32 s14, $0x8200;
	s14 =	sadd.s32 $0xA00, s14;
	_ =	swait.ge [sflag:s16], $0x500  }
0xb5: {  	s3 =	sshra.s32 s3, $0x2;
	[sflag:s16] =	ssyncset.done $0x0  }
0xb6: {  	s9 =	sadd.s32 $0x4E20, s3;
	[sflag:s16] =	ssyncadd.s32 $0xFFFFFB00  }
0xb7: {  	[spmem:s2] =	stream.indirect.scatter.add.f32 [tilespmem:s19], [sflag:$0x9], $0x10, s9, s18, $0xb8;
	[tilespmem:$0xEBC0] =	vst v63  }
0xb8: {  	_ =	swait.ge [sflag:s17], $0x500  }
0xb9: {  	[sflag:s17] =	ssyncset.done $0x0  }
0xba: {  	s9 =	sadd.s32 $0x4E70, s3;
	[sflag:s17] =	ssyncadd.s32 $0xFFFFFB00  }
0xbb: {  	[spmem:s2] =	stream.indirect.scatter.add.f32 [tilespmem:s20], [sflag:$0xA], $0x10, s9, s18, $0xb8;
	[tilespmem:$0xEBC0] =	vst v63  }
0xbc: {  	_ =	swait.ge [sflag:s8], $0x500  }
0xbd: {  	[sflag:s8] =	ssyncset.done $0x0  }
0xbe: {  	s9 =	sadd.s32 $0x4EC0, s3;
	[sflag:s8] =	ssyncadd.s32 $0xFFFFFB00  }
0xbf: {  	[spmem:s2] =	stream.indirect.scatter.add.f32 [tilespmem:s22], [sflag:$0xB], $0x10, s9, s18, $0xb8;
	[tilespmem:$0xEBC0] =	vst v63  }
0xc0: {  	_ =	swait.ge [sflag:s10], $0x500  }
0xc1: {  	[sflag:s10] =	ssyncset.done $0x0  }
0xc2: {  	s9 =	sadd.s32 $0x4F10, s3;
	[sflag:s10] =	ssyncadd.s32 $0xFFFFFB00  }
0xc3: {  	[spmem:s2] =	stream.indirect.scatter.add.f32 [tilespmem:s24], [sflag:$0xC], $0x10, s9, s18, $0xb8;
	[tilespmem:$0xEBC0] =	vst v63  }
0xc4: {  	_ =	swait.ge [sflag:s21], $0x500  }
0xc5: {  	[sflag:s21] =	ssyncset.done $0x0  }
0xc6: {  	s9 =	sadd.s32 $0x4F60, s3;
	[sflag:s21] =	ssyncadd.s32 $0xFFFFFB00  }
0xc7: {  	[spmem:s2] =	stream.indirect.scatter.add.f32 [tilespmem:s26], [sflag:$0xD], $0x10, s9, s18, $0xb8;
	[tilespmem:$0xEBC0] =	vst v63  }
0xc8: {  	_ =	swait.ge [sflag:s23], $0x500  }
0xc9: {  	[sflag:s23] =	ssyncset.done $0x0  }
0xca: {  	s9 =	sadd.s32 $0x4FB0, s3;
	[sflag:s23] =	ssyncadd.s32 $0xFFFFFB00  }
0xcb: {  	[spmem:s2] =	stream.indirect.scatter.add.f32 [tilespmem:s29], [sflag:$0xE], $0x10, s9, s18, $0xb8;
	[tilespmem:$0xEBC0] =	vst v63  }
0xcc: {  	_ =	swait.ge [sflag:s25], $0x500  }
0xcd: {  	[sflag:s25] =	ssyncset.done $0x0  }
0xce: {  	s9 =	sadd.s32 $0x5000, s3;
	[sflag:s25] =	ssyncadd.s32 $0xFFFFFB00  }
0xcf: {  	[spmem:s2] =	stream.indirect.scatter.add.f32 [tilespmem:s31], [sflag:$0xF], $0x10, s9, s18, $0xb8;
	[tilespmem:$0xEBC0] =	vst v63  }
0xd0: {  	_ =	swait.ge [sflag:s11], $0x500  }
0xd1: {  	[sflag:s11] =	ssyncset.done $0x0  }
0xd2: {  	s9 =	sadd.s32 $0x5050, s3;
	[sflag:s11] =	ssyncadd.s32 $0xFFFFFB00  }
0xd3: {  	[spmem:s2] =	stream.indirect.scatter.add.f32 [tilespmem:s15], [sflag:$0x10], $0x10, s9, s18, $0xb8;
	[tilespmem:$0xEBC0] =	vst v63  }
0xd4: {  	_ =	swait.ge [sflag:s28], $0x500  }
0xd5: {  	[sflag:s28] =	ssyncset.done $0x0  }
0xd6: {  	s9 =	sadd.s32 $0x280, s3;
	[sflag:s28] =	ssyncadd.s32 $0xFFFFFB00  }
0xd7: {  	[tilespmem:s19], [sflag:$0x1] =	stream.indirect.gather [hbm4b:s4+s18], $0x10, s9, s18, $0xb8;
	[tilespmem:$0xEBC0] =	vst v63  }
0xd8: {  	_ =	swait.ge [sflag:s30], $0x500  }
0xd9: {  	[sflag:s30] =	ssyncset.done $0x0  }
0xda: {  	s9 =	sadd.s32 $0x2D0, s3;
	[sflag:s30] =	ssyncadd.s32 $0xFFFFFB00  }
0xdb: {  	[tilespmem:s20], [sflag:$0x2] =	stream.indirect.gather [hbm4b:s4+s18], $0x10, s9, s18, $0xb8;
	[tilespmem:$0xEBC0] =	vst v63  }
0xdc: {  	_ =	swait.ge [sflag:s1], $0x500  }
0xdd: {  	[sflag:s1] =	ssyncset.done $0x0  }
0xde: {  	s9 =	sadd.s32 $0x320, s3;
	[sflag:s1] =	ssyncadd.s32 $0xFFFFFB00  }
0xdf: {  	[tilespmem:s22], [sflag:$0x3] =	stream.indirect.gather [hbm4b:s4+s18], $0x10, s9, s18, $0xb8;
	[tilespmem:$0xEBC0] =	vst v63  }
0xe0: {  	_ =	swait.ge [sflag:s0], $0x500  }
0xe1: {  	[sflag:s0] =	ssyncset.done $0x0  }
0xe2: {  	s9 =	sadd.s32 $0x370, s3;
	[sflag:s0] =	ssyncadd.s32 $0xFFFFFB00  }
0xe3: {  	[tilespmem:s24], [sflag:$0x4] =	stream.indirect.gather [hbm4b:s4+s18], $0x10, s9, s18, $0xb8;
	[tilespmem:$0xEBC0] =	vst v63  }
0xe4: {  	_ =	swait.ge [sflag:s5], $0x500  }
0xe5: {  	[sflag:s5] =	ssyncset.done $0x0  }
0xe6: {  	s9 =	sadd.s32 $0x3C0, s3;
	[sflag:s5] =	ssyncadd.s32 $0xFFFFFB00  }
0xe7: {  	[tilespmem:s26], [sflag:$0x5] =	stream.indirect.gather [hbm4b:s4+s18], $0x10, s9, s18, $0xb8;
	[tilespmem:$0xEBC0] =	vst v63  }
0xe8: {  	_ =	swait.ge [sflag:s6], $0x500  }
0xe9: {  	[sflag:s6] =	ssyncset.done $0x0  }
0xea: {  	s9 =	sadd.s32 $0x410, s3;
	[sflag:s6] =	ssyncadd.s32 $0xFFFFFB00  }
0xeb: {  	[tilespmem:s29], [sflag:$0x6] =	stream.indirect.gather [hbm4b:s4+s18], $0x10, s9, s18, $0xb8;
	[tilespmem:$0xEBC0] =	vst v63  }
0xec: {  	_ =	swait.ge [sflag:s7], $0x500  }
0xed: {  	[sflag:s7] =	ssyncset.done $0x0  }
.Ltmp4:
0xee: {  	s9 =	sadd.s32 $0x460, s3;
	[sflag:s7] =	ssyncadd.s32 $0xFFFFFB00;
	(pc) =	sbr.rel @p2 .LBB2_9-.Ltmp4, $4  }
0xef: {  	[tilespmem:s31], [sflag:$0x7] =	stream.indirect.gather [hbm4b:s4+s18], $0x10, s9, s18, $0xb8;
	[tilespmem:$0xEBC0] =	vst v63  }
0xf0: {  	_ =	swait.ge [sflag:s12], $0x500  }
0xf1: {  	[sflag:s12] =	ssyncset.done $0x0  }
0xf2: {  	s3 =	sadd.s32 $0x4B0, s3;
	[sflag:s12] =	ssyncadd.s32 $0xFFFFFB00  }
0xf3: {  	[tilespmem:s15], [sflag:$0x8] =	stream.indirect.gather [hbm4b:s4+s18], $0x10, s3, s18, $0xb8;
	[tilespmem:$0xEBC0] =	vst v63  }
0xf4: {  	_ =	swait.ge [sflag:s16], $0x500  }
0xf5: {  	[sflag:s16] =	ssyncset.done $0x0  }
0xf6: {  	s14 =	simm.s32 $0x7120;
	[sflag:s16] =	ssyncadd.s32 $0xFFFFFB00  }
0xf7: {  	[spmem:s2] =	stream.indirect.scatter.add.f32 [tilespmem:s19], [sflag:$0x9], $0x10, s14, s18, $0xb8;
	[tilespmem:$0xEBC0] =	vst v63  }
0xf8: {  	_ =	swait.ge [sflag:s17], $0x500  }
0xf9: {  	[sflag:s17] =	ssyncset.done $0x0  }
0xfa: {  	s9 =	simm.s32 $0x7170;
	[sflag:s17] =	ssyncadd.s32 $0xFFFFFB00  }
0xfb: {  	[spmem:s2] =	stream.indirect.scatter.add.f32 [tilespmem:s20], [sflag:$0xA], $0x10, s9, s18, $0xb8;
	[tilespmem:$0xEBC0] =	vst v63  }
0xfc: {  	_ =	swait.ge [sflag:s8], $0x500  }
0xfd: {  	[sflag:s8] =	ssyncset.done $0x0  }
0xfe: {  	s14 =	simm.s32 $0x71C0;
	[sflag:s8] =	ssyncadd.s32 $0xFFFFFB00  }
0xff: {  	[spmem:s2] =	stream.indirect.scatter.add.f32 [tilespmem:s22], [sflag:$0xB], $0x10, s14, s18, $0xb8;
	[tilespmem:$0xEBC0] =	vst v63  }
0x100: {  	_ =	swait.ge [sflag:s10], $0x500  }
0x101: {  	[sflag:s10] =	ssyncset.done $0x0  }
0x102: {  	s9 =	simm.s32 $0x7210;
	[sflag:s10] =	ssyncadd.s32 $0xFFFFFB00  }
0x103: {  	[spmem:s2] =	stream.indirect.scatter.add.f32 [tilespmem:s24], [sflag:$0xC], $0x10, s9, s18, $0xb8;
	[tilespmem:$0xEBC0] =	vst v63  }
0x104: {  	_ =	swait.ge [sflag:s21], $0x500  }
0x105: {  	[sflag:s21] =	ssyncset.done $0x0  }
0x106: {  	s14 =	simm.s32 $0x7260;
	[sflag:s21] =	ssyncadd.s32 $0xFFFFFB00  }
0x107: {  	[spmem:s2] =	stream.indirect.scatter.add.f32 [tilespmem:s26], [sflag:$0xD], $0x10, s14, s18, $0xb8;
	[tilespmem:$0xEBC0] =	vst v63  }
0x108: {  	_ =	swait.ge [sflag:s23], $0x500  }
0x109: {  	[sflag:s23] =	ssyncset.done $0x0  }
0x10a: {  	s9 =	simm.s32 $0x72B0;
	[sflag:s23] =	ssyncadd.s32 $0xFFFFFB00  }
0x10b: {  	[spmem:s2] =	stream.indirect.scatter.add.f32 [tilespmem:s29], [sflag:$0xE], $0x10, s9, s18, $0xb8;
	[tilespmem:$0xEBC0] =	vst v63  }
0x10c: {  	_ =	swait.ge [sflag:s25], $0x500  }
0x10d: {  	[sflag:s25] =	ssyncset.done $0x0  }
0x10e: {  	s14 =	simm.s32 $0x7300;
	[sflag:s25] =	ssyncadd.s32 $0xFFFFFB00  }
0x10f: {  	[spmem:s2] =	stream.indirect.scatter.add.f32 [tilespmem:s31], [sflag:$0xF], $0x10, s14, s18, $0xb8;
	[tilespmem:$0xEBC0] =	vst v63  }
0x110: {  	_ =	swait.ge [sflag:s11], $0x500  }
0x111: {  	[sflag:s11] =	ssyncset.done $0x0  }
0x112: {  	s9 =	simm.s32 $0x7350;
	[sflag:s11] =	ssyncadd.s32 $0xFFFFFB00  }
0x113: {  	[spmem:s2] =	stream.indirect.scatter.add.f32 [tilespmem:s15], [sflag:$0x10], $0x10, s9, s18, $0xb8;
	[tilespmem:$0xEBC0] =	vst v63  }
0x114: {  	_ =	swait.ge [sflag:s28], $0x500  }
0x115: {  	[sflag:s28] =	ssyncset.done $0x0  }
0x116: {  	s14 =	simm.s32 $0x2580;
	[sflag:s28] =	ssyncadd.s32 $0xFFFFFB00  }
0x117: {  	[tilespmem:s19], [sflag:$0x1] =	stream.indirect.gather [hbm4b:s4+s18], $0x10, s14, s18, $0xb8;
	[tilespmem:$0xEBC0] =	vst v63  }
0x118: {  	_ =	swait.ge [sflag:s30], $0x500  }
0x119: {  	[sflag:s30] =	ssyncset.done $0x0  }
0x11a: {  	s9 =	simm.s32 $0x25D0;
	[sflag:s30] =	ssyncadd.s32 $0xFFFFFB00  }
0x11b: {  	[tilespmem:s20], [sflag:$0x2] =	stream.indirect.gather [hbm4b:s4+s18], $0x10, s9, s18, $0xb8;
	[tilespmem:$0xEBC0] =	vst v63  }
0x11c: {  	_ =	swait.ge [sflag:s1], $0x500  }
0x11d: {  	[sflag:s1] =	ssyncset.done $0x0  }
0x11e: {  	s14 =	simm.s32 $0x2620;
	[sflag:s1] =	ssyncadd.s32 $0xFFFFFB00  }
0x11f: {  	[tilespmem:s22], [sflag:$0x3] =	stream.indirect.gather [hbm4b:s4+s18], $0x10, s14, s18, $0xb8;
	[tilespmem:$0xEBC0] =	vst v63  }
0x120: {  	_ =	swait.ge [sflag:s0], $0x500  }
0x121: {  	[sflag:s0] =	ssyncset.done $0x0  }
0x122: {  	s9 =	simm.s32 $0x2670;
	[sflag:s0] =	ssyncadd.s32 $0xFFFFFB00  }
0x123: {  	[tilespmem:s24], [sflag:$0x4] =	stream.indirect.gather [hbm4b:s4+s18], $0x10, s9, s18, $0xb8;
	[tilespmem:$0xEBC0] =	vst v63  }
0x124: {  	_ =	swait.ge [sflag:s5], $0x500  }
0x125: {  	[sflag:s5] =	ssyncset.done $0x0  }
0x126: {  	s14 =	simm.s32 $0x26C0;
	[sflag:s5] =	ssyncadd.s32 $0xFFFFFB00  }
0x127: {  	[tilespmem:s26], [sflag:$0x5] =	stream.indirect.gather [hbm4b:s4+s18], $0x10, s14, s18, $0xb8;
	[tilespmem:$0xEBC0] =	vst v63  }
0x128: {  	_ =	swait.ge [sflag:s16], $0x500  }
0x129: {  	[sflag:s16] =	ssyncset.done $0x0  }
0x12a: {  	s9 =	simm.s32 $0x73A0;
	[sflag:s16] =	ssyncadd.s32 $0xFFFFFB00  }
0x12b: {  	[spmem:s2] =	stream.indirect.scatter.add.f32 [tilespmem:s19], [sflag:$0x9], $0x10, s9, s18, $0xb8;
	[tilespmem:$0xEBC0] =	vst v63  }
0x12c: {  	_ =	swait.ge [sflag:s17], $0x500  }
0x12d: {  	[sflag:s17] =	ssyncset.done $0x0  }
0x12e: {  	s14 =	simm.s32 $0x73F0;
	[sflag:s17] =	ssyncadd.s32 $0xFFFFFB00  }
0x12f: {  	[spmem:s2] =	stream.indirect.scatter.add.f32 [tilespmem:s20], [sflag:$0xA], $0x10, s14, s18, $0xb8;
	[tilespmem:$0xEBC0] =	vst v63  }
0x130: {  	_ =	swait.ge [sflag:s8], $0x500  }
0x131: {  	[sflag:s8] =	ssyncset.done $0x0  }
0x132: {  	s9 =	simm.s32 $0x7440;
	[sflag:s8] =	ssyncadd.s32 $0xFFFFFB00  }
0x133: {  	[spmem:s2] =	stream.indirect.scatter.add.f32 [tilespmem:s22], [sflag:$0xB], $0x10, s9, s18, $0xb8;
	[tilespmem:$0xEBC0] =	vst v63  }
0x134: {  	_ =	swait.ge [sflag:s10], $0x500  }
0x135: {  	[sflag:s10] =	ssyncset.done $0x0  }
0x136: {  	s14 =	simm.s32 $0x7490;
	[sflag:s10] =	ssyncadd.s32 $0xFFFFFB00  }
0x137: {  	[spmem:s2] =	stream.indirect.scatter.add.f32 [tilespmem:s24], [sflag:$0xC], $0x10, s14, s18, $0xb8;
	[tilespmem:$0xEBC0] =	vst v63  }
0x138: {  	_ =	swait.ge [sflag:s21], $0x500  }
0x139: {  	[sflag:s21] =	ssyncset.done $0x0  }
0x13a: {  	s9 =	simm.s32 $0x74E0;
	[sflag:s21] =	ssyncadd.s32 $0xFFFFFB00  }
0x13b: {  	[spmem:s2] =	stream.indirect.scatter.add.f32 [tilespmem:s26], [sflag:$0xD], $0x10, s9, s18, $0xb8;
	[tilespmem:$0xEBC0] =	vst v63  }
0x13c: {  	_ =	swait.ge [sflag:s28], $0x500  }
0x13d: {  	[sflag:s28] =	ssyncset.done $0x0  }
0x13e: {  	[sflag:s28] =	ssyncadd.s32 $0xFFFFFB00  }
0x13f: {  	_ =	swait.ge [sflag:s30], $0x500  }
0x140: {  	[sflag:s30] =	ssyncset.done $0x0  }
0x141: {  	[sflag:s30] =	ssyncadd.s32 $0xFFFFFB00  }
0x142: {  	_ =	swait.ge [sflag:s1], $0x500  }
0x143: {  	[sflag:s1] =	ssyncset.done $0x0  }
0x144: {  	[sflag:s1] =	ssyncadd.s32 $0xFFFFFB00  }
0x145: {  	_ =	swait.ge [sflag:s0], $0x500  }
0x146: {  	[sflag:s0] =	ssyncset.done $0x0  }
0x147: {  	[sflag:s0] =	ssyncadd.s32 $0xFFFFFB00  }
0x148: {  	_ =	swait.ge [sflag:s5], $0x500  }
0x149: {  	[sflag:s5] =	ssyncset.done $0x0  }
0x14a: {  	[sflag:s5] =	ssyncadd.s32 $0xFFFFFB00  }
0x14b: {  	_ =	swait.ge [sflag:s6], $0x500  }
0x14c: {  	[sflag:s6] =	ssyncset.done $0x0  }
0x14d: {  	[sflag:s6] =	ssyncadd.s32 $0xFFFFFB00  }
0x14e: {  	_ =	swait.ge [sflag:s7], $0x500  }
0x14f: {  	[sflag:s7] =	ssyncset.done $0x0  }
0x150: {  	[sflag:s7] =	ssyncadd.s32 $0xFFFFFB00  }
0x151: {  	_ =	swait.ge [sflag:s12], $0x500  }
0x152: {  	[sflag:s12] =	ssyncset.done $0x0  }
0x153: {  	[sflag:s12] =	ssyncadd.s32 $0xFFFFFB00  }
0x154: {  	[bflag:$0x0] =	sbarrier.arrive $0xFFFF  }
0x155: {  	s9 =	rddreg [dreg:$0xb]  }
0x156: {  	s3 =	simm.s32 @p1 $0x1FD1;
	s14 =	rddreg [dreg:$0x10]  }
0x157: {  	[hbm:s9], [sflag:s3] =	dma.local @p1 [spmem:s14], $0x410  }
0x158: {  	s3 =	simm.s32 @p1 $0x11  }
0x159: {  	_ =	swait.ge @p1 [sflag:s3], $0x410  }
0x15a: {  	s9 =	rddreg [dreg:$0xd]  }
0x15b: {  	[sflag:s3] =	ssyncset.done @p1 $0x0;
	s14 =	rddreg [dreg:$0xf]  }
0x15c: {  	[sflag:s3] =	ssyncadd.s32 @p1 $0xFFFFFBF0;
	s3 =	rddreg [dreg:$0xa]  }
0x15d: {  	[hbm:s3], [sflag:s14] =	dma.local @!p1 [spmem:s9], $0x4F0  }
0x15e: {  	s3 =	simm.s32 @!p1 $0x11  }
0x15f: {  	_ =	swait.ge @!p1 [sflag:s3], $0x4F0  }
0x160: {  	s13 =	sadd.s32 $0x1, s13;
	s14 =	rddreg [dreg:$0xc]  }
0x161: {  	p2 =	sne.s32 s13, s14  }
.Ltmp5:
0x162: {  	_ = 	snop;
	(pc) =	sbr.rel @p2 .LBB2_1-.Ltmp5, $3  }
0x163: {  	_ =	sdelay $0x1  }
0x164: {  	[sflag:s3] =	ssyncset.done @!p1 $0x0  }
0x165: {  	[sflag:s3] =	ssyncadd.s32 @!p1 $0xFFFFFB10;
	s14 =	simm.s32 $0x0  }
0x166: {  	_ =	sfence.sel $0x180000  }
0x167: {  	[bflag:$0x0] =	sbarrier.arrive $0xFFFF  }
0x168: {  	_ =	strace $0x90000047  }
0x169: {  	s0 =	stileid.u32;
	[bflag:$0x2] =	sbarrier.arrive $0xFFFF  }
0x16a: {  	p0 =	sne.s32 s0, $0x0;
	s0 =	rddreg [dreg:$0x2]  }
0x16b: {  	s0 =	sadd.s32 @!p0 $0x100000, s0  }
0x16c: {  	[sflag:s0] =	ssyncadd.tile.s32 @!p0 $0x1;
	_ =	shalt  }
.Lfunc_end2:
_tile_overlayer_lowered:
.L_overlay_start_2:
0x16d: {  	(tag) =	ssettag $0x2  }
0x16e: {  	s0 =	rddreg [dreg:$0x0];
	s2 =	stileid.u32  }
0x16f: {  	s1 =	rddreg [dreg:$0x1];
	p0 =	sne.s32 s2, $0x0  }
0x170: {  	s3 =	rddreg [dreg:$0x2];
	[bflag:$0x3] =	sbarrier.arrive $0xFFFF;
	s2 =	simm.s32 @!p0 $0x1C11  }
0x171: {  	[timem:s3], [sflag:s2] =	dma.local @!p0 [hbm:s0], s1  }
0x172: {  	s0 =	simm.s32 @!p0 $0x11  }
0x173: {  	_ =	swait.ge @!p0 [sflag:s0], s1  }
0x174: {  	s1 =	ssub.s32 @!p0 $0x0, s1;
	[sflag:s0] =	ssyncset.done @!p0 $0x0  }
0x175: {  	[sflag:s0] =	ssyncadd.s32 @!p0 s1  }
0x176: {  	[bflag:$0x3] =	sbarrier.arrive $0xFFFF  }
0x177: {  	_ =	shalt  }

</sc_bundles>
